<compile_context>
chip_gen: v7x
topology: tpu7x:2x2x1
jax: 0.10.2.dev20260603
libtpu: 0.0.44.dev20260713+nightly
codegen_flags: <defaults>
</compile_context>

<pallas_src>
import functools

import jax
import jax.numpy as jnp
from jax import lax
from jax.experimental import pallas as pl
from jax.experimental.pallas import tpu as pltpu
from jax.experimental.pallas import tpu_sc as plsc

F32 = jnp.float32
BF16 = jnp.bfloat16

N = 10000
NP = 10240
EMB = 128
H1 = 256
H2 = 128
T = 3
NE = 80000
EG = 2 * NE

NC = 2
NS = 16
NWORK = NC * NS
RPW = EG // NWORK
RPT = NE // NS
CH = 40
NCH = RPW // CH
NODE_BLK = NP // NS

@functools.cache
def _sc_mesh():
    return plsc.VectorSubcoreMesh(core_axis_name="c", subcore_axis_name="s",
                                  num_cores=NC, num_subcores=NS)


def _mm(a, b):
    return jnp.dot(a, b, preferred_element_type=F32)



def _node_init_body(x, w1, b1, w2, b2, w3, b3, wscat, wdcat,
                    h_out, tabs_out, tabd_out):
    h = jax.nn.relu(_mm(x[...], w1[...]) + b1[...])
    h = jax.nn.relu(_mm(h, w2[...]) + b2[...])
    h = _mm(h, w3[...]) + b3[...]
    h_out[...] = h
    _write_tables(h, wscat, wdcat, tabs_out, tabd_out)


def _pack2(a, b):
    lo = jax.lax.bitcast_convert_type(a.astype(BF16), jnp.uint16).astype(jnp.uint32)
    hi = jax.lax.bitcast_convert_type(b.astype(BF16), jnp.uint16).astype(jnp.uint32)
    return lo | (hi << 16)


def _unpack2(p):
    lo = jax.lax.bitcast_convert_type(
        (p & jnp.uint32(0xFFFF)).astype(jnp.uint16), BF16).astype(F32)
    hi = jax.lax.bitcast_convert_type(
        (p >> 16).astype(jnp.uint16), BF16).astype(F32)
    return lo, hi


def _write_tables(h, wscat, wdcat, tabs_out, tabd_out):
    ts = _mm(h, wscat[...])
    td = _mm(h, wdcat[...])
    tabs_out[0] = _pack2(ts[:, 0:128], ts[:, 128:256])
    tabs_out[1] = _pack2(ts[:, 256:384], ts[:, 384:512])
    tabd_out[0] = _pack2(td[:, 0:128], td[:, 128:256])
    tabd_out[1] = _pack2(td[:, 256:384], td[:, 384:512])


def _node_init(xp, pv, wscat, wdcat):
    nb = NP // NODE_BLK
    full = lambda s: pl.BlockSpec(s, lambda i: (0,) * len(s))
    return pl.pallas_call(
        _node_init_body,
        grid=(nb,),
        in_specs=[
            pl.BlockSpec((NODE_BLK, EMB), lambda i: (i, 0)),
            full((EMB, H1)), full((1, H1)),
            full((H1, H2)), full((1, H2)),
            full((H2, EMB)), full((1, EMB)),
            full((EMB, 2 * H1)), full((EMB, 2 * H1)),
        ],
        out_specs=[
            pl.BlockSpec((NODE_BLK, EMB), lambda i: (i, 0)),
            pl.BlockSpec((2, NODE_BLK, 128), lambda i: (0, i, 0)),
            pl.BlockSpec((2, NODE_BLK, 128), lambda i: (0, i, 0)),
        ],
        out_shape=[
            jax.ShapeDtypeStruct((NP, EMB), F32),
            jax.ShapeDtypeStruct((2, NP, 128), jnp.uint32),
            jax.ShapeDtypeStruct((2, NP, 128), jnp.uint32),
        ],
    )(xp, pv['W1'], pv['b1'][None], pv['W2'], pv['b2'][None],
      pv['W3'], pv['b3'][None], wscat, wdcat)


def _edge_feat_body(l, w1, b1, w2, b2, efold, ebias, e_out):
    h = jax.nn.relu(l[...] * w1[...] + b1[...])
    h = jax.nn.relu(_mm(h, w2[...]) + b2[...])
    e_out[...] = (_mm(h, efold[0]) + ebias[0]).astype(BF16)


def _edge_feat(l_all, pe, efold_stack, ebias_stack):
    blk = 640
    nb = EG // blk
    half = nb // 2
    full = lambda s: pl.BlockSpec(s, lambda i: (0,) * len(s))
    return pl.pallas_call(
        _edge_feat_body,
        grid=(nb,),
        in_specs=[
            pl.BlockSpec((blk, 1), lambda i: (i, 0)),
            full((1, H1)), full((1, H1)),
            full((H1, H2)), full((1, H2)),
            pl.BlockSpec((1, H2, H1), lambda i: (i // half, 0, 0)),
            pl.BlockSpec((1, 1, H1), lambda i: (i // half, 0, 0)),
        ],
        out_specs=pl.BlockSpec((blk, H1), lambda i: (i, 0)),
        out_shape=jax.ShapeDtypeStruct((EG, H1), BF16),
    )(l_all, pe['W1'], pe['b1'][None], pe['W2'], pe['b2'][None],
      efold_stack, ebias_stack)


def _edge_mlp_body(ga, gb, e, w2, b2, h2_out):
    gal, gah = _unpack2(ga[...])
    gbl, gbh = _unpack2(gb[...])
    ef = e[...].astype(F32)
    h1l = jax.nn.relu(gal + gbl + ef[:, :128])
    h1r = jax.nn.relu(gah + gbh + ef[:, 128:])
    h2_out[...] = jax.nn.relu(
        _mm(h1l, w2[0, :128]) + _mm(h1r, w2[0, 128:]) + b2[0])


def _edge_mlp(ga, gb, e_all, w2_stack, b2_stack):
    blk = 640
    nb = EG // blk
    half = nb // 2
    return pl.pallas_call(
        _edge_mlp_body,
        grid=(nb,),
        in_specs=[
            pl.BlockSpec((blk, 128), lambda i: (i, 0)),
            pl.BlockSpec((blk, 128), lambda i: (i, 0)),
            pl.BlockSpec((blk, H1), lambda i: (i, 0)),
            pl.BlockSpec((1, H1, H2), lambda i: (i // half, 0, 0)),
            pl.BlockSpec((1, 1, H2), lambda i: (i // half, 0, 0)),
        ],
        out_specs=pl.BlockSpec((blk, H2), lambda i: (i, 0)),
        out_shape=jax.ShapeDtypeStruct((EG, H2), F32),
    )(ga, gb, e_all, w2_stack, b2_stack)


def _node_update_body(h, s, cnt, w1h, k1, k0, c1, c0, b1, w2, b2, w3, b3,
                      wscat, wdcat, h_out, tabs_out, tabd_out):
    hv = h[...]
    cnt1 = cnt[0][:, 0:1]
    cnt0 = cnt[1][:, 0:1]
    inv1 = 1.0 / jnp.maximum(cnt1, 1.0)
    inv0 = 1.0 / jnp.maximum(cnt0, 1.0)
    m1 = (cnt1 > 0.0).astype(F32)
    m0 = (cnt0 > 0.0).astype(F32)
    pre = (_mm(hv, w1h[...]) + _mm(s[0] * inv1, k1[...]) + m1 * c1[...]
           + _mm(s[1] * inv0, k0[...]) + m0 * c0[...] + b1[...])
    u = jax.nn.relu(pre)
    u = jax.nn.relu(_mm(u, w2[...]) + b2[...])
    hn = _mm(u, w3[...]) + b3[...] + hv
    h_out[...] = hn
    _write_tables(hn, wscat, wdcat, tabs_out, tabd_out)


def _node_update(h, s_part, cnt, wdict):
    nb = NP // NODE_BLK
    full = lambda s: pl.BlockSpec(s, lambda i: (0,) * len(s))
    return pl.pallas_call(
        _node_update_body,
        grid=(nb,),
        in_specs=[
            pl.BlockSpec((NODE_BLK, EMB), lambda i: (i, 0)),
            pl.BlockSpec((2, NODE_BLK, H2), lambda i: (0, i, 0)),
            pl.BlockSpec((2, NODE_BLK, 16), lambda i: (0, i, 0)),
            full((EMB, H1)), full((H2, H1)), full((H2, H1)),
            full((1, H1)), full((1, H1)), full((1, H1)),
            full((H1, H2)), full((1, H2)),
            full((H2, EMB)), full((1, EMB)),
            full((EMB, 2 * H1)), full((EMB, 2 * H1)),
        ],
        out_specs=[
            pl.BlockSpec((NODE_BLK, EMB), lambda i: (i, 0)),
            pl.BlockSpec((2, NODE_BLK, 128), lambda i: (0, i, 0)),
            pl.BlockSpec((2, NODE_BLK, 128), lambda i: (0, i, 0)),
        ],
        out_shape=[
            jax.ShapeDtypeStruct((NP, EMB), F32),
            jax.ShapeDtypeStruct((2, NP, 128), jnp.uint32),
            jax.ShapeDtypeStruct((2, NP, 128), jnp.uint32),
        ],
    )(h, s_part, cnt, wdict['w1h'], wdict['k1'], wdict['k0'],
      wdict['c1'], wdict['c0'], wdict['b1'], wdict['w2'], wdict['b2'],
      wdict['w3'], wdict['b3'], wdict['wscat'], wdict['wdcat'])



@functools.cache
def _sc_gather_kernel():
    return functools.partial(
        pl.kernel,
        out_type=(
            jax.ShapeDtypeStruct((EG, 128), jnp.uint32),
            jax.ShapeDtypeStruct((EG, 128), jnp.uint32),
        ),
        mesh=_sc_mesh(),
        scratch_types=[
            pltpu.VMEM((RPW,), jnp.int32),
            pltpu.VMEM((RPW,), jnp.int32),
            pltpu.VMEM((2, CH, 128), jnp.uint32),
            pltpu.VMEM((2, CH, 128), jnp.uint32),
            pltpu.SemaphoreType.DMA,
            pltpu.SemaphoreType.DMA,
            pltpu.SemaphoreType.DMA,
            pltpu.SemaphoreType.DMA,
        ],
    )(_sc_gather_body)


def _sc_gather_body(tab_s, tab_d, idx_a, idx_b, ga_out, gb_out,
                    ia_v, ib_v, buf_a, buf_b, sa0, sa1, sb0, sb1):
    wid = lax.axis_index("s") * NC + lax.axis_index("c")
    base = wid * RPW
    pltpu.sync_copy(idx_a.at[pl.ds(base, RPW)], ia_v)
    pltpu.sync_copy(idx_b.at[pl.ds(base, RPW)], ib_v)
    sems_a = (sa0, sa1)
    sems_b = (sb0, sb1)

    def start(c, b):
        off = c * CH
        pltpu.make_async_copy(
            tab_s.at[ia_v.at[pl.ds(off, CH)]], buf_a.at[b], sems_a[b]).start()
        pltpu.make_async_copy(
            tab_d.at[ib_v.at[pl.ds(off, CH)]], buf_b.at[b], sems_b[b]).start()

    def finish(c, b):
        off = c * CH
        pltpu.make_async_copy(
            tab_s.at[ia_v.at[pl.ds(off, CH)]], buf_a.at[b], sems_a[b]).wait()
        pltpu.make_async_copy(
            tab_d.at[ib_v.at[pl.ds(off, CH)]], buf_b.at[b], sems_b[b]).wait()
        pltpu.sync_copy(buf_a.at[b], ga_out.at[pl.ds(base + off, CH)])
        pltpu.sync_copy(buf_b.at[b], gb_out.at[pl.ds(base + off, CH)])

    start(0, 0)
    start(1, 1)

    def body(jj, carry):
        for b in range(2):
            c = jj * 2 + b

            @pl.when(c < NCH)
            def _():
                finish(c, b)

                @pl.when(c + 2 < NCH)
                def _():
                    start(c + 2, b)
        return carry

    lax.fori_loop(0, (NCH + 1) // 2, body, 0)


@functools.cache
def _sc_count_kernel():
    return functools.partial(
        pl.kernel,
        out_type=jax.ShapeDtypeStruct((2, NP, 16), F32),
        mesh=_sc_mesh(),
        scratch_types=[
            pltpu.VMEM((NCH, CH), jnp.int32),
            pltpu.VMEM((CH, 16), F32),
            pltpu.VMEM_SHARED((NP, 16), F32),
        ],
    )(_sc_count_body)


def _sc_count_body(dst_resh, zeros16, ones16, cnt_out, idx_v, ones_v, table):
    cid = lax.axis_index("c")
    sid = lax.axis_index("s")
    pltpu.sync_copy(zeros16, table.at[pl.ds(sid * NODE_BLK, NODE_BLK)])
    pltpu.sync_copy(dst_resh.at[cid, sid], idx_v)
    pltpu.sync_copy(ones16, ones_v)
    plsc.subcore_barrier()

    def body(j, carry):
        pltpu.sync_copy(ones_v, table.at[idx_v.at[j]], add=True)
        return carry

    lax.fori_loop(0, NCH, body, 0)
    plsc.subcore_barrier()
    pltpu.sync_copy(table.at[pl.ds(sid * NODE_BLK, NODE_BLK)],
                    cnt_out.at[cid, pl.ds(sid * NODE_BLK, NODE_BLK), :])


@functools.cache
def _sc_scatter_kernel():
    return functools.partial(
        pl.kernel,
        out_type=jax.ShapeDtypeStruct((2, NP, H2), F32),
        mesh=_sc_mesh(),
        scratch_types=[
            pltpu.VMEM((NCH, CH), jnp.int32),
            pltpu.VMEM((2, CH, H2), F32),
            pltpu.VMEM_SHARED((NP, H2), F32),
            pltpu.SemaphoreType.DMA,
            pltpu.SemaphoreType.DMA,
        ],
    )(_sc_scatter_body)


def _sc_scatter_body(h2, dst_resh, zeros128, s_out, idx_v, buf, table, s0, s1):
    cid = lax.axis_index("c")
    sid = lax.axis_index("s")
    rowbase = cid * NE + sid * RPT
    pltpu.sync_copy(zeros128, table.at[pl.ds(sid * NODE_BLK, NODE_BLK)])
    pltpu.sync_copy(dst_resh.at[cid, sid], idx_v)
    plsc.subcore_barrier()
    sems = (s0, s1)

    def start(c, b):
        pltpu.make_async_copy(
            h2.at[pl.ds(rowbase + c * CH, CH)], buf.at[b], sems[b]).start()

    def finish(c, b):
        pltpu.make_async_copy(
            h2.at[pl.ds(rowbase + c * CH, CH)], buf.at[b], sems[b]).wait()
        pltpu.sync_copy(buf.at[b], table.at[idx_v.at[c]], add=True)

    start(0, 0)
    start(1, 1)

    def body(jj, carry):
        for b in range(2):
            c = jj * 2 + b

            @pl.when(c < NCH)
            def _():
                finish(c, b)

                @pl.when(c + 2 < NCH)
                def _():
                    start(c + 2, b)
        return carry

    lax.fori_loop(0, (NCH + 1) // 2, body, 0)
    plsc.subcore_barrier()
    pltpu.sync_copy(table.at[pl.ds(sid * NODE_BLK, NODE_BLK)],
                    s_out.at[cid, pl.ds(sid * NODE_BLK, NODE_BLK), :])



def kernel(x_v, l_e_1, l_e_0, edge_index_1, edge_index_0, params):
    pv = params['mlp_v']
    pe = params['mlp_e']
    p1 = params['mlp_edge_1']
    p0 = params['mlp_edge_0']
    pa = params['mlp_aggr']

    xp = jnp.pad(x_v, ((0, NP - N), (0, 0)))
    src1 = edge_index_1[0].astype(jnp.int32)
    dst1 = edge_index_1[1].astype(jnp.int32)
    src0 = edge_index_0[0].astype(jnp.int32)
    dst0 = edge_index_0[1].astype(jnp.int32)
    idx_a = jnp.concatenate([src1, src0 + NP])
    idx_b = jnp.concatenate([dst1, dst0 + NP])
    dst_resh = jnp.stack([dst1, dst0]).reshape(2, NS, NCH, CH)
    l_all = jnp.concatenate([l_e_1, l_e_0], axis=0)

    w1s1, w1d1, w1c1 = p1['W1'][:EMB], p1['W1'][EMB:2 * EMB], p1['W1'][2 * EMB:]
    w1s0, w1d0, w1c0 = p0['W1'][:EMB], p0['W1'][EMB:2 * EMB], p0['W1'][2 * EMB:]
    wscat = jnp.concatenate([w1s1, w1s0], axis=1)
    wdcat = jnp.concatenate([w1d1, w1d0], axis=1)
    efold_stack = jnp.stack([pe['W3'] @ w1c1, pe['W3'] @ w1c0])
    ebias_stack = jnp.stack([(pe['b3'] @ w1c1 + p1['b1'])[None],
                             (pe['b3'] @ w1c0 + p0['b1'])[None]])
    w2_stack = jnp.stack([p1['W2'], p0['W2']])
    b2_stack = jnp.stack([p1['b2'][None], p0['b2'][None]])
    wa1 = pa['W1'][EMB:2 * EMB]
    wa0 = pa['W1'][2 * EMB:]
    upd = {
        'w1h': pa['W1'][:EMB],
        'k1': p1['W3'] @ wa1, 'k0': p0['W3'] @ wa0,
        'c1': (p1['b3'] @ wa1)[None], 'c0': (p0['b3'] @ wa0)[None],
        'b1': pa['b1'][None], 'w2': pa['W2'], 'b2': pa['b2'][None],
        'w3': pa['W3'], 'b3': pa['b3'][None],
        'wscat': wscat, 'wdcat': wdcat,
    }
    zeros16 = jnp.zeros((NODE_BLK, 16), F32)
    ones16 = jnp.ones((CH, 16), F32)
    zeros128 = jnp.zeros((NODE_BLK, H2), F32)

    h, tabs, tabd = _node_init(xp, pv, wscat, wdcat)
    e_all = _edge_feat(l_all, pe, efold_stack, ebias_stack)
    cnt = _sc_count_kernel()(dst_resh, zeros16, ones16)

    for _ in range(T):
        ga, gb = _sc_gather_kernel()(tabs.reshape(2 * NP, 128),
                                     tabd.reshape(2 * NP, 128), idx_a, idx_b)
        h2 = _edge_mlp(ga, gb, e_all, w2_stack, b2_stack)
        s_part = _sc_scatter_kernel()(h2, dst_resh, zeros128)
        h, tabs, tabd = _node_update(h, s_part, cnt, upd)

    return h[:N]

# --- scband reference (transcript-rebuilt; emitter-appended) ---
"""Pipeline reference for scband-gnn-57294863728768 (READ-ONLY COPY).

The authoritative reference and input builder live on the scoring server;
editing this copy changes nothing except your own understanding.
"""

import jax, jax.numpy as jnp
import numpy as np

EMB = 128
H1 = 256
H2 = 128
T = 3
N_NODES = 10000


def _mk_mlp(key, d_in, d_out):
    k1, k2, k3 = jax.random.split(key, 3)
    return {
        'W1': jax.random.normal(k1, (d_in, H1), dtype=jnp.float32) * 0.02,
        'b1': jnp.zeros((H1,), dtype=jnp.float32),
        'W2': jax.random.normal(k2, (H1, H2), dtype=jnp.float32) * 0.02,
        'b2': jnp.zeros((H2,), dtype=jnp.float32),
        'W3': jax.random.normal(k3, (H2, d_out), dtype=jnp.float32) * 0.02,
        'b3': jnp.zeros((d_out,), dtype=jnp.float32),
    }


def _mlp(p, x):
    h = jax.nn.relu(x @ p['W1'] + p['b1'])
    h = jax.nn.relu(h @ p['W2'] + p['b2'])
    return h @ p['W3'] + p['b3']


def _seg_mean(msgs, dst, n):
    s = jax.ops.segment_sum(msgs, dst, num_segments=n)
    cnt = jax.ops.segment_sum(jnp.ones((msgs.shape[0],), msgs.dtype), dst, num_segments=n)
    return s / jnp.maximum(cnt, 1.0)[:, None]


def setup_inputs(seed: int = 0) -> dict:
    key = jax.random.key(seed)
    ks = jax.random.split(key, 12)
    x_v = jax.random.normal(ks[0], (N_NODES, EMB), dtype=jnp.float32)
    l_e_1 = jax.random.uniform(ks[1], (80000, 1), dtype=jnp.float32)
    l_e_0 = jax.random.uniform(ks[2], (80000, 1), dtype=jnp.float32)
    edge_index_1 = jax.random.randint(ks[3], (2, 80000), 0, N_NODES, dtype=jnp.int64)
    edge_index_0 = jax.random.randint(ks[4], (2, 80000), 0, N_NODES, dtype=jnp.int64)
    # Note: nn.ModuleList([MLP(...)] * T) shares ONE module across all T hops,
    # so there is a single MLP_edge_1 and a single MLP_edge_0 set of weights.
    params = {
        'mlp_v': _mk_mlp(ks[5], EMB, EMB),
        'mlp_e': _mk_mlp(ks[6], 1, EMB),
        'mlp_edge_1': _mk_mlp(ks[7], EMB * 3, EMB),
        'mlp_edge_0': _mk_mlp(ks[8], EMB * 3, EMB),
        'mlp_aggr': _mk_mlp(ks[9], EMB * 3, EMB),
    }
    return {'x_v': x_v, 'l_e_1': l_e_1, 'l_e_0': l_e_0,
            'edge_index_1': edge_index_1, 'edge_index_0': edge_index_0,
            'params': params}


def reference(x_v, l_e_1, l_e_0, edge_index_1, edge_index_0, params):
    n = x_v.shape[0]
    h_v = _mlp(params['mlp_v'], x_v)
    h_e_1 = _mlp(params['mlp_e'], l_e_1)
    h_e_0 = _mlp(params['mlp_e'], l_e_0)
    src1, dst1 = edge_index_1[0], edge_index_1[1]
    src0, dst0 = edge_index_0[0], edge_index_0[1]
    for _ in range(T):
        in1 = jnp.concatenate([h_v[src1], h_v[dst1], h_e_1], axis=1)
        m1 = _mlp(params['mlp_edge_1'], in1)
        in0 = jnp.concatenate([h_v[src0], h_v[dst0], h_e_0], axis=1)
        m0 = _mlp(params['mlp_edge_0'], in0)
        avg_m1 = _seg_mean(m1, dst1, n)
        avg_m0 = _seg_mean(m0, dst0, n)
        upd_in = jnp.concatenate([h_v, avg_m1, avg_m0], axis=1)
        h_v = _mlp(params['mlp_aggr'], upd_in) + h_v
    return h_v

if __name__ == "__main__":
    import jax
    _d = setup_inputs()
    print(jax.jit(kernel)(*tuple(_d.values())))

</pallas_src>

<mosaic_0001>
#map = affine_map<(d0, d1) -> (0, 0)>
#map1 = affine_map<(d0, d1) -> (0, 0, 0, 0)>
#map2 = affine_map<(d0, d1) -> (0, 0, 0)>
module attributes {stable_mosaic.version = 14 : i64} {
  func.func @_sc_scatter_body(%arg0: i32, %arg1: i32, %arg2: memref<160000x128xf32, #tpu.memory_space<hbm>>, %arg3: memref<2x16x125x40xi32, #tpu.memory_space<hbm>>, %arg4: memref<640x128xf32, #tpu.memory_space<hbm>>, %arg5: memref<2x10240x128xf32, #tpu.memory_space<hbm>>, %arg6: memref<125x40xi32, #tpu.memory_space<vmem>>, %arg7: memref<2x40x128xf32, #tpu.memory_space<vmem>>, %arg8: memref<10240x128xf32, #tpu.memory_space<vmem_shared>>, %arg9: memref<!tpu.dma_semaphore, #tpu.memory_space<semaphore_mem>>, %arg10: memref<!tpu.dma_semaphore, #tpu.memory_space<semaphore_mem>>) attributes {dimension_semantics = [#tpu.dimension_semantics<core_parallel>, #tpu.dimension_semantics<subcore_parallel>], iteration_bounds = array<i64: 2, 16>, scalar_prefetch = 0 : i64, scratch_operands = 5 : i64, tpu.core_type = #tpu.core_type<sc_vector_subcore>, window_params = [{transform_indices = #map}, {transform_indices = #map1}, {transform_indices = #map}, {transform_indices = #map2}]} {
    %mul3A = arith.constant 80000 : i32
    %mul3A_0 = arith.muli %arg0, %mul3A : i32
    %mul3A_1 = arith.constant 5000 : i32
    %mul3A_2 = arith.muli %arg1, %mul3A_1 : i32
    %add3A = arith.addi %mul3A_0, %mul3A_2 : i32
    %mul3A_3 = arith.constant 640 : i32
    %mul3A_4 = arith.muli %arg1, %mul3A_3 : i32
    "tpu.region"() ({
      %run_scoped3A = tpu.sem_alloc : memref<!tpu.dma_semaphore, #tpu.memory_space<semaphore_mem>>
      %dma_start3A_44 = arith.constant 0 : i32
      %dma_start3A_45 = tpu.memref_slice %arg8[%mul3A_4, %dma_start3A_44] : memref<10240x128xf32, #tpu.memory_space<vmem_shared>> -> memref<640x128xf32, #tpu.memory_space<vmem_shared>>
      tpu.enqueue_dma source(%arg4 : memref<640x128xf32, #tpu.memory_space<hbm>>) target(%dma_start3A_45 : memref<640x128xf32, #tpu.memory_space<vmem_shared>>) target_semaphore(%run_scoped3A : memref<!tpu.dma_semaphore, #tpu.memory_space<semaphore_mem>>)
      %dma_wait3A = arith.constant 0 : i32
      %dma_wait3A_46 = tpu.memref_slice %arg8[%mul3A_4, %dma_wait3A] : memref<10240x128xf32, #tpu.memory_space<vmem_shared>> -> memref<640x128xf32, #tpu.memory_space<vmem_shared>>
      tpu.wait_dma2 semaphore(%run_scoped3A : memref<!tpu.dma_semaphore, #tpu.memory_space<semaphore_mem>>) src(%arg4 : memref<640x128xf32, #tpu.memory_space<hbm>>) dst(%dma_wait3A_46 : memref<640x128xf32, #tpu.memory_space<vmem_shared>>)
      tpu.yield
    }) : () -> ()
    "tpu.region"() ({
      %run_scoped3A = tpu.sem_alloc : memref<!tpu.dma_semaphore, #tpu.memory_space<semaphore_mem>>
      %dma_start3A_44 = arith.constant 0 : i32
      %dma_start3A_45 = arith.constant 0 : i32
      %dma_start3A_46 = tpu.memref_slice %arg3[%arg0, %arg1, %dma_start3A_44, %dma_start3A_45] : memref<2x16x125x40xi32, #tpu.memory_space<hbm>> -> memref<1x1x125x40xi32, #tpu.memory_space<hbm>>
      %dma_start3A_47 = tpu.memref_squeeze %dma_start3A_46 : memref<1x1x125x40xi32, #tpu.memory_space<hbm>> -> memref<125x40xi32, #tpu.memory_space<hbm>>
      %dma_start3A_48 = arith.constant 0 : i32
      %dma_start3A_49 = arith.constant 0 : i32
      %dma_start3A_50 = tpu.memref_slice %arg3[%arg0, %arg1, %dma_start3A_48, %dma_start3A_49] : memref<2x16x125x40xi32, #tpu.memory_space<hbm>> -> memref<1x1x125x40xi32, #tpu.memory_space<hbm>>
      %dma_start3A_51 = tpu.memref_squeeze %dma_start3A_50 : memref<1x1x125x40xi32, #tpu.memory_space<hbm>> -> memref<125x40xi32, #tpu.memory_space<hbm>>
      tpu.enqueue_dma source(%dma_start3A_51 : memref<125x40xi32, #tpu.memory_space<hbm>>) target(%arg6 : memref<125x40xi32, #tpu.memory_space<vmem>>) target_semaphore(%run_scoped3A : memref<!tpu.dma_semaphore, #tpu.memory_space<semaphore_mem>>)
      %dma_wait3A = arith.constant 0 : i32
      %dma_wait3A_52 = arith.constant 0 : i32
      %dma_wait3A_53 = tpu.memref_slice %arg3[%arg0, %arg1, %dma_wait3A, %dma_wait3A_52] : memref<2x16x125x40xi32, #tpu.memory_space<hbm>> -> memref<1x1x125x40xi32, #tpu.memory_space<hbm>>
      %dma_wait3A_54 = tpu.memref_squeeze %dma_wait3A_53 : memref<1x1x125x40xi32, #tpu.memory_space<hbm>> -> memref<125x40xi32, #tpu.memory_space<hbm>>
      %dma_wait3A_55 = arith.constant 0 : i32
      %dma_wait3A_56 = arith.constant 0 : i32
      %dma_wait3A_57 = tpu.memref_slice %arg3[%arg0, %arg1, %dma_wait3A_55, %dma_wait3A_56] : memref<2x16x125x40xi32, #tpu.memory_space<hbm>> -> memref<1x1x125x40xi32, #tpu.memory_space<hbm>>
      %dma_wait3A_58 = tpu.memref_squeeze %dma_wait3A_57 : memref<1x1x125x40xi32, #tpu.memory_space<hbm>> -> memref<125x40xi32, #tpu.memory_space<hbm>>
      tpu.wait_dma2 semaphore(%run_scoped3A : memref<!tpu.dma_semaphore, #tpu.memory_space<semaphore_mem>>) src(%dma_wait3A_58 : memref<125x40xi32, #tpu.memory_space<hbm>>) dst(%arg6 : memref<125x40xi32, #tpu.memory_space<vmem>>)
      tpu.yield
    }) : () -> ()
    %barrier3A = arith.constant 0 : index
    tpu.barrier barrier_id(%barrier3A)
    %add3A_5 = arith.constant 0 : i32
    %add3A_6 = arith.addi %add3A, %add3A_5 : i32
    %dma_start3A = arith.constant 0 : i32
    %dma_start3A_7 = arith.constant 0 : i32
    %dma_start3A_8 = arith.constant 0 : i32
    %dma_start3A_9 = tpu.memref_slice %arg7[%dma_start3A, %dma_start3A_7, %dma_start3A_8] : memref<2x40x128xf32, #tpu.memory_space<vmem>> -> memref<1x40x128xf32, #tpu.memory_space<vmem>>
    %dma_start3A_10 = tpu.memref_squeeze %dma_start3A_9 : memref<1x40x128xf32, #tpu.memory_space<vmem>> -> memref<40x128xf32, #tpu.memory_space<vmem>>
    %dma_start3A_11 = arith.constant 0 : i32
    %dma_start3A_12 = tpu.memref_slice %arg2[%add3A_6, %dma_start3A_11] : memref<160000x128xf32, #tpu.memory_space<hbm>> -> memref<40x128xf32, #tpu.memory_space<hbm>>
    %dma_start3A_13 = arith.constant 0 : i32
    %dma_start3A_14 = arith.constant 0 : i32
    %dma_start3A_15 = tpu.memref_slice %arg7[%dma_start3A, %dma_start3A_13, %dma_start3A_14] : memref<2x40x128xf32, #tpu.memory_space<vmem>> -> memref<1x40x128xf32, #tpu.memory_space<vmem>>
    %dma_start3A_16 = tpu.memref_squeeze %dma_start3A_15 : memref<1x40x128xf32, #tpu.memory_space<vmem>> -> memref<40x128xf32, #tpu.memory_space<vmem>>
    %dma_start3A_17 = arith.constant 0 : i32
    %dma_start3A_18 = tpu.memref_slice %arg2[%add3A_6, %dma_start3A_17] : memref<160000x128xf32, #tpu.memory_space<hbm>> -> memref<40x128xf32, #tpu.memory_space<hbm>>
    tpu.enqueue_dma source(%dma_start3A_18 : memref<40x128xf32, #tpu.memory_space<hbm>>) target(%dma_start3A_16 : memref<40x128xf32, #tpu.memory_space<vmem>>) target_semaphore(%arg9 : memref<!tpu.dma_semaphore, #tpu.memory_space<semaphore_mem>>)
    %add3A_19 = arith.constant 40 : i32
    %add3A_20 = arith.addi %add3A, %add3A_19 : i32
    %dma_start3A_21 = arith.constant 1 : i32
    %dma_start3A_22 = arith.constant 0 : i32
    %dma_start3A_23 = arith.constant 0 : i32
    %dma_start3A_24 = tpu.memref_slice %arg7[%dma_start3A_21, %dma_start3A_22, %dma_start3A_23] : memref<2x40x128xf32, #tpu.memory_space<vmem>> -> memref<1x40x128xf32, #tpu.memory_space<vmem>>
    %dma_start3A_25 = tpu.memref_squeeze %dma_start3A_24 : memref<1x40x128xf32, #tpu.memory_space<vmem>> -> memref<40x128xf32, #tpu.memory_space<vmem>>
    %dma_start3A_26 = arith.constant 0 : i32
    %dma_start3A_27 = tpu.memref_slice %arg2[%add3A_20, %dma_start3A_26] : memref<160000x128xf32, #tpu.memory_space<hbm>> -> memref<40x128xf32, #tpu.memory_space<hbm>>
    %dma_start3A_28 = arith.constant 0 : i32
    %dma_start3A_29 = arith.constant 0 : i32
    %dma_start3A_30 = tpu.memref_slice %arg7[%dma_start3A_21, %dma_start3A_28, %dma_start3A_29] : memref<2x40x128xf32, #tpu.memory_space<vmem>> -> memref<1x40x128xf32, #tpu.memory_space<vmem>>
    %dma_start3A_31 = tpu.memref_squeeze %dma_start3A_30 : memref<1x40x128xf32, #tpu.memory_space<vmem>> -> memref<40x128xf32, #tpu.memory_space<vmem>>
    %dma_start3A_32 = arith.constant 0 : i32
    %dma_start3A_33 = tpu.memref_slice %arg2[%add3A_20, %dma_start3A_32] : memref<160000x128xf32, #tpu.memory_space<hbm>> -> memref<40x128xf32, #tpu.memory_space<hbm>>
    tpu.enqueue_dma source(%dma_start3A_33 : memref<40x128xf32, #tpu.memory_space<hbm>>) target(%dma_start3A_31 : memref<40x128xf32, #tpu.memory_space<vmem>>) target_semaphore(%arg10 : memref<!tpu.dma_semaphore, #tpu.memory_space<semaphore_mem>>)
    %scan3A = arith.constant 0 : i32
    %scan3A_34 = arith.constant 0 : i32
    %scan3A_35 = arith.constant 63 : i32
    %scan3A_36 = arith.addi %scan3A_34, %scan3A_35 : i32
    %scan3A_37 = arith.constant 1 : i32
    scf.for %scan3A_44 = %scan3A_34 to %scan3A_36 step %scan3A_37  : i32 {
      %mul3A_45 = arith.constant 2 : i32
      %mul3A_46 = arith.muli %scan3A_44, %mul3A_45 : i32
      %add3A_47 = arith.constant 0 : i32
      %add3A_48 = arith.addi %mul3A_46, %add3A_47 : i32
      %lt3A = arith.constant 125 : i32
      %lt3A_49 = arith.cmpi slt, %add3A_48, %lt3A : i32
      %convert_element_type3A = arith.extui %lt3A_49 : i1 to i32
      %cond3A = arith.constant 0 : i32
      %cond3A_50 = arith.cmpi ne, %convert_element_type3A, %cond3A : i32
      scf.if %cond3A_50 {
        %mul3A_60 = arith.constant 40 : i32
        %mul3A_61 = arith.muli %add3A_48, %mul3A_60 : i32
        %add3A_62 = arith.addi %add3A, %mul3A_61 : i32
        %dma_wait3A = arith.constant 0 : i32
        %dma_wait3A_63 = arith.constant 0 : i32
        %dma_wait3A_64 = arith.constant 0 : i32
        %dma_wait3A_65 = tpu.memref_slice %arg7[%dma_wait3A, %dma_wait3A_63, %dma_wait3A_64] : memref<2x40x128xf32, #tpu.memory_space<vmem>> -> memref<1x40x128xf32, #tpu.memory_space<vmem>>
        %dma_wait3A_66 = tpu.memref_squeeze %dma_wait3A_65 : memref<1x40x128xf32, #tpu.memory_space<vmem>> -> memref<40x128xf32, #tpu.memory_space<vmem>>
        %dma_wait3A_67 = arith.constant 0 : i32
        %dma_wait3A_68 = tpu.memref_slice %arg2[%add3A_62, %dma_wait3A_67] : memref<160000x128xf32, #tpu.memory_space<hbm>> -> memref<40x128xf32, #tpu.memory_space<hbm>>
        %dma_wait3A_69 = arith.constant 0 : i32
        %dma_wait3A_70 = arith.constant 0 : i32
        %dma_wait3A_71 = tpu.memref_slice %arg7[%dma_wait3A, %dma_wait3A_69, %dma_wait3A_70] : memref<2x40x128xf32, #tpu.memory_space<vmem>> -> memref<1x40x128xf32, #tpu.memory_space<vmem>>
        %dma_wait3A_72 = tpu.memref_squeeze %dma_wait3A_71 : memref<1x40x128xf32, #tpu.memory_space<vmem>> -> memref<40x128xf32, #tpu.memory_space<vmem>>
        %dma_wait3A_73 = arith.constant 0 : i32
        %dma_wait3A_74 = tpu.memref_slice %arg2[%add3A_62, %dma_wait3A_73] : memref<160000x128xf32, #tpu.memory_space<hbm>> -> memref<40x128xf32, #tpu.memory_space<hbm>>
        tpu.wait_dma2 semaphore(%arg9 : memref<!tpu.dma_semaphore, #tpu.memory_space<semaphore_mem>>) src(%dma_wait3A_74 : memref<40x128xf32, #tpu.memory_space<hbm>>) dst(%dma_wait3A_72 : memref<40x128xf32, #tpu.memory_space<vmem>>)
        %run_scoped3A = arith.constant 0 : i32
        "tpu.region"() ({
          %run_scoped3A_82 = tpu.sem_alloc : memref<!tpu.dma_semaphore, #tpu.memory_space<semaphore_mem>>
          %dma_start3A_83 = arith.constant 0 : i32
          %dma_start3A_84 = arith.constant 0 : i32
          %dma_start3A_85 = tpu.memref_slice %arg7[%run_scoped3A, %dma_start3A_83, %dma_start3A_84] : memref<2x40x128xf32, #tpu.memory_space<vmem>> -> memref<1x40x128xf32, #tpu.memory_space<vmem>>
          %dma_start3A_86 = tpu.memref_squeeze %dma_start3A_85 : memref<1x40x128xf32, #tpu.memory_space<vmem>> -> memref<40x128xf32, #tpu.memory_space<vmem>>
          %dma_start3A_87 = arith.constant 0 : i32
          %dma_start3A_88 = tpu.memref_slice %arg6[%add3A_48, %dma_start3A_87] : memref<125x40xi32, #tpu.memory_space<vmem>> -> memref<1x40xi32, #tpu.memory_space<vmem>>
          %dma_start3A_89 = tpu.memref_squeeze %dma_start3A_88 : memref<1x40xi32, #tpu.memory_space<vmem>> -> memref<40xi32, #tpu.memory_space<vmem>>
          %dma_start3A_90 = arith.constant 0 : i32
          %dma_start3A_91 = arith.constant 0 : i32
          %dma_start3A_92 = tpu.memref_slice %arg8[%dma_start3A_90, %dma_start3A_91] : memref<10240x128xf32, #tpu.memory_space<vmem_shared>> -> memref<10240x128xf32, #tpu.memory_space<vmem_shared>>
          tpu.enqueue_indirect_dma source(%dma_start3A_86 : memref<40x128xf32, #tpu.memory_space<vmem>>) target(%dma_start3A_92 : memref<10240x128xf32, #tpu.memory_space<vmem_shared>>) offsets(%dma_start3A_89 : memref<40xi32, #tpu.memory_space<vmem>>) semaphore(%run_scoped3A_82 : memref<!tpu.dma_semaphore, #tpu.memory_space<semaphore_mem>>) {add = true}
          %dma_wait3A_93 = arith.constant 0 : i32
          %dma_wait3A_94 = arith.constant 0 : i32
          %dma_wait3A_95 = tpu.memref_slice %arg7[%run_scoped3A, %dma_wait3A_93, %dma_wait3A_94] : memref<2x40x128xf32, #tpu.memory_space<vmem>> -> memref<1x40x128xf32, #tpu.memory_space<vmem>>
          %dma_wait3A_96 = tpu.memref_squeeze %dma_wait3A_95 : memref<1x40x128xf32, #tpu.memory_space<vmem>> -> memref<40x128xf32, #tpu.memory_space<vmem>>
          %dma_wait3A_97 = arith.constant 0 : i32
          %dma_wait3A_98 = tpu.memref_slice %arg6[%add3A_48, %dma_wait3A_97] : memref<125x40xi32, #tpu.memory_space<vmem>> -> memref<1x40xi32, #tpu.memory_space<vmem>>
          %dma_wait3A_99 = tpu.memref_squeeze %dma_wait3A_98 : memref<1x40xi32, #tpu.memory_space<vmem>> -> memref<40xi32, #tpu.memory_space<vmem>>
          %dma_wait3A_100 = arith.constant 0 : i32
          %dma_wait3A_101 = arith.constant 0 : i32
          %dma_wait3A_102 = tpu.memref_slice %arg8[%dma_wait3A_100, %dma_wait3A_101] : memref<10240x128xf32, #tpu.memory_space<vmem_shared>> -> memref<10240x128xf32, #tpu.memory_space<vmem_shared>>
          tpu.wait_indirect_dma semaphore(%run_scoped3A_82 : memref<!tpu.dma_semaphore, #tpu.memory_space<semaphore_mem>>) src(%dma_wait3A_96 : memref<40x128xf32, #tpu.memory_space<vmem>>) dst(%dma_wait3A_102 : memref<10240x128xf32, #tpu.memory_space<vmem_shared>>)
          tpu.yield
        }) : () -> ()
        %add3A_75 = arith.constant 2 : i32
        %add3A_76 = arith.addi %add3A_48, %add3A_75 : i32
        %lt3A_77 = arith.constant 125 : i32
        %lt3A_78 = arith.cmpi slt, %add3A_76, %lt3A_77 : i32
        %convert_element_type3A_79 = arith.extui %lt3A_78 : i1 to i32
        %cond3A_80 = arith.constant 0 : i32
        %cond3A_81 = arith.cmpi ne, %convert_element_type3A_79, %cond3A_80 : i32
        scf.if %cond3A_81 {
          %add3A_82 = arith.constant 2 : i32
          %add3A_83 = arith.addi %add3A_48, %add3A_82 : i32
          %mul3A_84 = arith.constant 40 : i32
          %mul3A_85 = arith.muli %add3A_83, %mul3A_84 : i32
          %add3A_86 = arith.addi %add3A, %mul3A_85 : i32
          %dma_start3A_87 = arith.constant 0 : i32
          %dma_start3A_88 = arith.constant 0 : i32
          %dma_start3A_89 = arith.constant 0 : i32
          %dma_start3A_90 = tpu.memref_slice %arg7[%dma_start3A_87, %dma_start3A_88, %dma_start3A_89] : memref<2x40x128xf32, #tpu.memory_space<vmem>> -> memref<1x40x128xf32, #tpu.memory_space<vmem>>
          %dma_start3A_91 = tpu.memref_squeeze %dma_start3A_90 : memref<1x40x128xf32, #tpu.memory_space<vmem>> -> memref<40x128xf32, #tpu.memory_space<vmem>>
          %dma_start3A_92 = arith.constant 0 : i32
          %dma_start3A_93 = tpu.memref_slice %arg2[%add3A_86, %dma_start3A_92] : memref<160000x128xf32, #tpu.memory_space<hbm>> -> memref<40x128xf32, #tpu.memory_space<hbm>>
          %dma_start3A_94 = arith.constant 0 : i32
          %dma_start3A_95 = arith.constant 0 : i32
          %dma_start3A_96 = tpu.memref_slice %arg7[%dma_start3A_87, %dma_start3A_94, %dma_start3A_95] : memref<2x40x128xf32, #tpu.memory_space<vmem>> -> memref<1x40x128xf32, #tpu.memory_space<vmem>>
          %dma_start3A_97 = tpu.memref_squeeze %dma_start3A_96 : memref<1x40x128xf32, #tpu.memory_space<vmem>> -> memref<40x128xf32, #tpu.memory_space<vmem>>
          %dma_start3A_98 = arith.constant 0 : i32
          %dma_start3A_99 = tpu.memref_slice %arg2[%add3A_86, %dma_start3A_98] : memref<160000x128xf32, #tpu.memory_space<hbm>> -> memref<40x128xf32, #tpu.memory_space<hbm>>
          tpu.enqueue_dma source(%dma_start3A_99 : memref<40x128xf32, #tpu.memory_space<hbm>>) target(%dma_start3A_97 : memref<40x128xf32, #tpu.memory_space<vmem>>) target_semaphore(%arg9 : memref<!tpu.dma_semaphore, #tpu.memory_space<semaphore_mem>>)
        } else {
        }
      } else {
      }
      %mul3A_51 = arith.constant 2 : i32
      %mul3A_52 = arith.muli %scan3A_44, %mul3A_51 : i32
      %add3A_53 = arith.constant 1 : i32
      %add3A_54 = arith.addi %mul3A_52, %add3A_53 : i32
      %lt3A_55 = arith.constant 125 : i32
      %lt3A_56 = arith.cmpi slt, %add3A_54, %lt3A_55 : i32
      %convert_element_type3A_57 = arith.extui %lt3A_56 : i1 to i32
      %cond3A_58 = arith.constant 0 : i32
      %cond3A_59 = arith.cmpi ne, %convert_element_type3A_57, %cond3A_58 : i32
      scf.if %cond3A_59 {
        %mul3A_60 = arith.constant 40 : i32
        %mul3A_61 = arith.muli %add3A_54, %mul3A_60 : i32
        %add3A_62 = arith.addi %add3A, %mul3A_61 : i32
        %dma_wait3A = arith.constant 1 : i32
        %dma_wait3A_63 = arith.constant 0 : i32
        %dma_wait3A_64 = arith.constant 0 : i32
        %dma_wait3A_65 = tpu.memref_slice %arg7[%dma_wait3A, %dma_wait3A_63, %dma_wait3A_64] : memref<2x40x128xf32, #tpu.memory_space<vmem>> -> memref<1x40x128xf32, #tpu.memory_space<vmem>>
        %dma_wait3A_66 = tpu.memref_squeeze %dma_wait3A_65 : memref<1x40x128xf32, #tpu.memory_space<vmem>> -> memref<40x128xf32, #tpu.memory_space<vmem>>
        %dma_wait3A_67 = arith.constant 0 : i32
        %dma_wait3A_68 = tpu.memref_slice %arg2[%add3A_62, %dma_wait3A_67] : memref<160000x128xf32, #tpu.memory_space<hbm>> -> memref<40x128xf32, #tpu.memory_space<hbm>>
        %dma_wait3A_69 = arith.constant 0 : i32
        %dma_wait3A_70 = arith.constant 0 : i32
        %dma_wait3A_71 = tpu.memref_slice %arg7[%dma_wait3A, %dma_wait3A_69, %dma_wait3A_70] : memref<2x40x128xf32, #tpu.memory_space<vmem>> -> memref<1x40x128xf32, #tpu.memory_space<vmem>>
        %dma_wait3A_72 = tpu.memref_squeeze %dma_wait3A_71 : memref<1x40x128xf32, #tpu.memory_space<vmem>> -> memref<40x128xf32, #tpu.memory_space<vmem>>
        %dma_wait3A_73 = arith.constant 0 : i32
        %dma_wait3A_74 = tpu.memref_slice %arg2[%add3A_62, %dma_wait3A_73] : memref<160000x128xf32, #tpu.memory_space<hbm>> -> memref<40x128xf32, #tpu.memory_space<hbm>>
        tpu.wait_dma2 semaphore(%arg10 : memref<!tpu.dma_semaphore, #tpu.memory_space<semaphore_mem>>) src(%dma_wait3A_74 : memref<40x128xf32, #tpu.memory_space<hbm>>) dst(%dma_wait3A_72 : memref<40x128xf32, #tpu.memory_space<vmem>>)
        %run_scoped3A = arith.constant 1 : i32
        "tpu.region"() ({
          %run_scoped3A_82 = tpu.sem_alloc : memref<!tpu.dma_semaphore, #tpu.memory_space<semaphore_mem>>
          %dma_start3A_83 = arith.constant 0 : i32
          %dma_start3A_84 = arith.constant 0 : i32
          %dma_start3A_85 = tpu.memref_slice %arg7[%run_scoped3A, %dma_start3A_83, %dma_start3A_84] : memref<2x40x128xf32, #tpu.memory_space<vmem>> -> memref<1x40x128xf32, #tpu.memory_space<vmem>>
          %dma_start3A_86 = tpu.memref_squeeze %dma_start3A_85 : memref<1x40x128xf32, #tpu.memory_space<vmem>> -> memref<40x128xf32, #tpu.memory_space<vmem>>
          %dma_start3A_87 = arith.constant 0 : i32
          %dma_start3A_88 = tpu.memref_slice %arg6[%add3A_54, %dma_start3A_87] : memref<125x40xi32, #tpu.memory_space<vmem>> -> memref<1x40xi32, #tpu.memory_space<vmem>>
          %dma_start3A_89 = tpu.memref_squeeze %dma_start3A_88 : memref<1x40xi32, #tpu.memory_space<vmem>> -> memref<40xi32, #tpu.memory_space<vmem>>
          %dma_start3A_90 = arith.constant 0 : i32
          %dma_start3A_91 = arith.constant 0 : i32
          %dma_start3A_92 = tpu.memref_slice %arg8[%dma_start3A_90, %dma_start3A_91] : memref<10240x128xf32, #tpu.memory_space<vmem_shared>> -> memref<10240x128xf32, #tpu.memory_space<vmem_shared>>
          tpu.enqueue_indirect_dma source(%dma_start3A_86 : memref<40x128xf32, #tpu.memory_space<vmem>>) target(%dma_start3A_92 : memref<10240x128xf32, #tpu.memory_space<vmem_shared>>) offsets(%dma_start3A_89 : memref<40xi32, #tpu.memory_space<vmem>>) semaphore(%run_scoped3A_82 : memref<!tpu.dma_semaphore, #tpu.memory_space<semaphore_mem>>) {add = true}
          %dma_wait3A_93 = arith.constant 0 : i32
          %dma_wait3A_94 = arith.constant 0 : i32
          %dma_wait3A_95 = tpu.memref_slice %arg7[%run_scoped3A, %dma_wait3A_93, %dma_wait3A_94] : memref<2x40x128xf32, #tpu.memory_space<vmem>> -> memref<1x40x128xf32, #tpu.memory_space<vmem>>
          %dma_wait3A_96 = tpu.memref_squeeze %dma_wait3A_95 : memref<1x40x128xf32, #tpu.memory_space<vmem>> -> memref<40x128xf32, #tpu.memory_space<vmem>>
          %dma_wait3A_97 = arith.constant 0 : i32
          %dma_wait3A_98 = tpu.memref_slice %arg6[%add3A_54, %dma_wait3A_97] : memref<125x40xi32, #tpu.memory_space<vmem>> -> memref<1x40xi32, #tpu.memory_space<vmem>>
          %dma_wait3A_99 = tpu.memref_squeeze %dma_wait3A_98 : memref<1x40xi32, #tpu.memory_space<vmem>> -> memref<40xi32, #tpu.memory_space<vmem>>
          %dma_wait3A_100 = arith.constant 0 : i32
          %dma_wait3A_101 = arith.constant 0 : i32
          %dma_wait3A_102 = tpu.memref_slice %arg8[%dma_wait3A_100, %dma_wait3A_101] : memref<10240x128xf32, #tpu.memory_space<vmem_shared>> -> memref<10240x128xf32, #tpu.memory_space<vmem_shared>>
          tpu.wait_indirect_dma semaphore(%run_scoped3A_82 : memref<!tpu.dma_semaphore, #tpu.memory_space<semaphore_mem>>) src(%dma_wait3A_96 : memref<40x128xf32, #tpu.memory_space<vmem>>) dst(%dma_wait3A_102 : memref<10240x128xf32, #tpu.memory_space<vmem_shared>>)
          tpu.yield
        }) : () -> ()
        %add3A_75 = arith.constant 2 : i32
        %add3A_76 = arith.addi %add3A_54, %add3A_75 : i32
        %lt3A_77 = arith.constant 125 : i32
        %lt3A_78 = arith.cmpi slt, %add3A_76, %lt3A_77 : i32
        %convert_element_type3A_79 = arith.extui %lt3A_78 : i1 to i32
        %cond3A_80 = arith.constant 0 : i32
        %cond3A_81 = arith.cmpi ne, %convert_element_type3A_79, %cond3A_80 : i32
        scf.if %cond3A_81 {
          %add3A_82 = arith.constant 2 : i32
          %add3A_83 = arith.addi %add3A_54, %add3A_82 : i32
          %mul3A_84 = arith.constant 40 : i32
          %mul3A_85 = arith.muli %add3A_83, %mul3A_84 : i32
          %add3A_86 = arith.addi %add3A, %mul3A_85 : i32
          %dma_start3A_87 = arith.constant 1 : i32
          %dma_start3A_88 = arith.constant 0 : i32
          %dma_start3A_89 = arith.constant 0 : i32
          %dma_start3A_90 = tpu.memref_slice %arg7[%dma_start3A_87, %dma_start3A_88, %dma_start3A_89] : memref<2x40x128xf32, #tpu.memory_space<vmem>> -> memref<1x40x128xf32, #tpu.memory_space<vmem>>
          %dma_start3A_91 = tpu.memref_squeeze %dma_start3A_90 : memref<1x40x128xf32, #tpu.memory_space<vmem>> -> memref<40x128xf32, #tpu.memory_space<vmem>>
          %dma_start3A_92 = arith.constant 0 : i32
          %dma_start3A_93 = tpu.memref_slice %arg2[%add3A_86, %dma_start3A_92] : memref<160000x128xf32, #tpu.memory_space<hbm>> -> memref<40x128xf32, #tpu.memory_space<hbm>>
          %dma_start3A_94 = arith.constant 0 : i32
          %dma_start3A_95 = arith.constant 0 : i32
          %dma_start3A_96 = tpu.memref_slice %arg7[%dma_start3A_87, %dma_start3A_94, %dma_start3A_95] : memref<2x40x128xf32, #tpu.memory_space<vmem>> -> memref<1x40x128xf32, #tpu.memory_space<vmem>>
          %dma_start3A_97 = tpu.memref_squeeze %dma_start3A_96 : memref<1x40x128xf32, #tpu.memory_space<vmem>> -> memref<40x128xf32, #tpu.memory_space<vmem>>
          %dma_start3A_98 = arith.constant 0 : i32
          %dma_start3A_99 = tpu.memref_slice %arg2[%add3A_86, %dma_start3A_98] : memref<160000x128xf32, #tpu.memory_space<hbm>> -> memref<40x128xf32, #tpu.memory_space<hbm>>
          tpu.enqueue_dma source(%dma_start3A_99 : memref<40x128xf32, #tpu.memory_space<hbm>>) target(%dma_start3A_97 : memref<40x128xf32, #tpu.memory_space<vmem>>) target_semaphore(%arg10 : memref<!tpu.dma_semaphore, #tpu.memory_space<semaphore_mem>>)
        } else {
        }
      } else {
      }
    }
    %scan3A_38 = arith.constant 63 : i32
    %barrier3A_39 = arith.constant 0 : index
    tpu.barrier barrier_id(%barrier3A_39)
    %mul3A_40 = arith.constant 640 : i32
    %mul3A_41 = arith.muli %arg1, %mul3A_40 : i32
    %mul3A_42 = arith.constant 640 : i32
    %mul3A_43 = arith.muli %arg1, %mul3A_42 : i32
    "tpu.region"() ({
      %run_scoped3A = tpu.sem_alloc : memref<!tpu.dma_semaphore, #tpu.memory_space<semaphore_mem>>
      %dma_start3A_44 = arith.constant 0 : i32
      %dma_start3A_45 = tpu.memref_slice %arg5[%arg0, %mul3A_43, %dma_start3A_44] : memref<2x10240x128xf32, #tpu.memory_space<hbm>> -> memref<1x640x128xf32, #tpu.memory_space<hbm>>
      %dma_start3A_46 = tpu.memref_squeeze %dma_start3A_45 : memref<1x640x128xf32, #tpu.memory_space<hbm>> -> memref<640x128xf32, #tpu.memory_space<hbm>>
      %dma_start3A_47 = arith.constant 0 : i32
      %dma_start3A_48 = tpu.memref_slice %arg8[%mul3A_41, %dma_start3A_47] : memref<10240x128xf32, #tpu.memory_space<vmem_shared>> -> memref<640x128xf32, #tpu.memory_space<vmem_shared>>
      tpu.enqueue_dma source(%dma_start3A_48 : memref<640x128xf32, #tpu.memory_space<vmem_shared>>) target(%dma_start3A_46 : memref<640x128xf32, #tpu.memory_space<hbm>>) target_semaphore(%run_scoped3A : memref<!tpu.dma_semaphore, #tpu.memory_space<semaphore_mem>>)
      %dma_wait3A = arith.constant 0 : i32
      %dma_wait3A_49 = tpu.memref_slice %arg5[%arg0, %mul3A_43, %dma_wait3A] : memref<2x10240x128xf32, #tpu.memory_space<hbm>> -> memref<1x640x128xf32, #tpu.memory_space<hbm>>
      %dma_wait3A_50 = tpu.memref_squeeze %dma_wait3A_49 : memref<1x640x128xf32, #tpu.memory_space<hbm>> -> memref<640x128xf32, #tpu.memory_space<hbm>>
      %dma_wait3A_51 = arith.constant 0 : i32
      %dma_wait3A_52 = tpu.memref_slice %arg8[%mul3A_41, %dma_wait3A_51] : memref<10240x128xf32, #tpu.memory_space<vmem_shared>> -> memref<640x128xf32, #tpu.memory_space<vmem_shared>>
      tpu.wait_dma2 semaphore(%run_scoped3A : memref<!tpu.dma_semaphore, #tpu.memory_space<semaphore_mem>>) src(%dma_wait3A_52 : memref<640x128xf32, #tpu.memory_space<vmem_shared>>) dst(%dma_wait3A_50 : memref<640x128xf32, #tpu.memory_space<hbm>>)
      tpu.yield
    }) : () -> ()
    return
  }
}

#map = affine_map<(d0, d1) -> (0, 0)>
#map1 = affine_map<(d0, d1) -> (0)>
module attributes {stable_mosaic.version = 14 : i64} {
  func.func @_sc_gather_body(%arg0: i32, %arg1: i32, %arg2: memref<20480x128xi32, #tpu.memory_space<hbm>>, %arg3: memref<20480x128xi32, #tpu.memory_space<hbm>>, %arg4: memref<160000xi32, #tpu.memory_space<hbm>>, %arg5: memref<160000xi32, #tpu.memory_space<hbm>>, %arg6: memref<160000x128xi32, #tpu.memory_space<hbm>>, %arg7: memref<160000x128xi32, #tpu.memory_space<hbm>>, %arg8: memref<5000xi32, #tpu.memory_space<vmem>>, %arg9: memref<5000xi32, #tpu.memory_space<vmem>>, %arg10: memref<2x40x128xi32, #tpu.memory_space<vmem>>, %arg11: memref<2x40x128xi32, #tpu.memory_space<vmem>>, %arg12: memref<!tpu.dma_semaphore, #tpu.memory_space<semaphore_mem>>, %arg13: memref<!tpu.dma_semaphore, #tpu.memory_space<semaphore_mem>>, %arg14: memref<!tpu.dma_semaphore, #tpu.memory_space<semaphore_mem>>, %arg15: memref<!tpu.dma_semaphore, #tpu.memory_space<semaphore_mem>>) attributes {dimension_semantics = [#tpu.dimension_semantics<core_parallel>, #tpu.dimension_semantics<subcore_parallel>], iteration_bounds = array<i64: 2, 16>, scalar_prefetch = 0 : i64, scratch_operands = 8 : i64, tpu.core_type = #tpu.core_type<sc_vector_subcore>, window_params = [{transform_indices = #map}, {transform_indices = #map}, {transform_indices = #map1}, {transform_indices = #map1}, {transform_indices = #map}, {transform_indices = #map}]} {
    %mul3A = arith.constant 2 : i32
    %mul3A_0 = arith.muli %arg1, %mul3A : i32
    %add3A = arith.addi %mul3A_0, %arg0 : i32
    %mul3A_1 = arith.constant 5000 : i32
    %mul3A_2 = arith.muli %add3A, %mul3A_1 : i32
    "tpu.region"() ({
      %run_scoped3A = tpu.sem_alloc : memref<!tpu.dma_semaphore, #tpu.memory_space<semaphore_mem>>
      %dma_start3A_47 = tpu.memref_slice %arg4[%mul3A_2] : memref<160000xi32, #tpu.memory_space<hbm>> -> memref<5000xi32, #tpu.memory_space<hbm>>
      %dma_start3A_48 = tpu.memref_slice %arg4[%mul3A_2] : memref<160000xi32, #tpu.memory_space<hbm>> -> memref<5000xi32, #tpu.memory_space<hbm>>
      tpu.enqueue_dma source(%dma_start3A_48 : memref<5000xi32, #tpu.memory_space<hbm>>) target(%arg8 : memref<5000xi32, #tpu.memory_space<vmem>>) target_semaphore(%run_scoped3A : memref<!tpu.dma_semaphore, #tpu.memory_space<semaphore_mem>>)
      %dma_wait3A = tpu.memref_slice %arg4[%mul3A_2] : memref<160000xi32, #tpu.memory_space<hbm>> -> memref<5000xi32, #tpu.memory_space<hbm>>
      %dma_wait3A_49 = tpu.memref_slice %arg4[%mul3A_2] : memref<160000xi32, #tpu.memory_space<hbm>> -> memref<5000xi32, #tpu.memory_space<hbm>>
      tpu.wait_dma2 semaphore(%run_scoped3A : memref<!tpu.dma_semaphore, #tpu.memory_space<semaphore_mem>>) src(%dma_wait3A_49 : memref<5000xi32, #tpu.memory_space<hbm>>) dst(%arg8 : memref<5000xi32, #tpu.memory_space<vmem>>)
      tpu.yield
    }) : () -> ()
    "tpu.region"() ({
      %run_scoped3A = tpu.sem_alloc : memref<!tpu.dma_semaphore, #tpu.memory_space<semaphore_mem>>
      %dma_start3A_47 = tpu.memref_slice %arg5[%mul3A_2] : memref<160000xi32, #tpu.memory_space<hbm>> -> memref<5000xi32, #tpu.memory_space<hbm>>
      %dma_start3A_48 = tpu.memref_slice %arg5[%mul3A_2] : memref<160000xi32, #tpu.memory_space<hbm>> -> memref<5000xi32, #tpu.memory_space<hbm>>
      tpu.enqueue_dma source(%dma_start3A_48 : memref<5000xi32, #tpu.memory_space<hbm>>) target(%arg9 : memref<5000xi32, #tpu.memory_space<vmem>>) target_semaphore(%run_scoped3A : memref<!tpu.dma_semaphore, #tpu.memory_space<semaphore_mem>>)
      %dma_wait3A = tpu.memref_slice %arg5[%mul3A_2] : memref<160000xi32, #tpu.memory_space<hbm>> -> memref<5000xi32, #tpu.memory_space<hbm>>
      %dma_wait3A_49 = tpu.memref_slice %arg5[%mul3A_2] : memref<160000xi32, #tpu.memory_space<hbm>> -> memref<5000xi32, #tpu.memory_space<hbm>>
      tpu.wait_dma2 semaphore(%run_scoped3A : memref<!tpu.dma_semaphore, #tpu.memory_space<semaphore_mem>>) src(%dma_wait3A_49 : memref<5000xi32, #tpu.memory_space<hbm>>) dst(%arg9 : memref<5000xi32, #tpu.memory_space<vmem>>)
      tpu.yield
    }) : () -> ()
    %dma_start3A = arith.constant 0 : i32
    %dma_start3A_3 = arith.constant 0 : i32
    %dma_start3A_4 = arith.constant 0 : i32
    %dma_start3A_5 = tpu.memref_slice %arg10[%dma_start3A, %dma_start3A_3, %dma_start3A_4] : memref<2x40x128xi32, #tpu.memory_space<vmem>> -> memref<1x40x128xi32, #tpu.memory_space<vmem>>
    %dma_start3A_6 = tpu.memref_squeeze %dma_start3A_5 : memref<1x40x128xi32, #tpu.memory_space<vmem>> -> memref<40x128xi32, #tpu.memory_space<vmem>>
    %dma_start3A_7 = arith.constant 0 : i32
    %dma_start3A_8 = tpu.memref_slice %arg8[%dma_start3A_7] : memref<5000xi32, #tpu.memory_space<vmem>> -> memref<40xi32, #tpu.memory_space<vmem>>
    %dma_start3A_9 = arith.constant 0 : i32
    %dma_start3A_10 = arith.constant 0 : i32
    %dma_start3A_11 = tpu.memref_slice %arg2[%dma_start3A_9, %dma_start3A_10] : memref<20480x128xi32, #tpu.memory_space<hbm>> -> memref<20480x128xi32, #tpu.memory_space<hbm>>
    tpu.enqueue_indirect_dma source(%dma_start3A_11 : memref<20480x128xi32, #tpu.memory_space<hbm>>) target(%dma_start3A_6 : memref<40x128xi32, #tpu.memory_space<vmem>>) offsets(%dma_start3A_8 : memref<40xi32, #tpu.memory_space<vmem>>) semaphore(%arg12 : memref<!tpu.dma_semaphore, #tpu.memory_space<semaphore_mem>>)
    %dma_start3A_12 = arith.constant 0 : i32
    %dma_start3A_13 = arith.constant 0 : i32
    %dma_start3A_14 = arith.constant 0 : i32
    %dma_start3A_15 = tpu.memref_slice %arg11[%dma_start3A_12, %dma_start3A_13, %dma_start3A_14] : memref<2x40x128xi32, #tpu.memory_space<vmem>> -> memref<1x40x128xi32, #tpu.memory_space<vmem>>
    %dma_start3A_16 = tpu.memref_squeeze %dma_start3A_15 : memref<1x40x128xi32, #tpu.memory_space<vmem>> -> memref<40x128xi32, #tpu.memory_space<vmem>>
    %dma_start3A_17 = arith.constant 0 : i32
    %dma_start3A_18 = tpu.memref_slice %arg9[%dma_start3A_17] : memref<5000xi32, #tpu.memory_space<vmem>> -> memref<40xi32, #tpu.memory_space<vmem>>
    %dma_start3A_19 = arith.constant 0 : i32
    %dma_start3A_20 = arith.constant 0 : i32
    %dma_start3A_21 = tpu.memref_slice %arg3[%dma_start3A_19, %dma_start3A_20] : memref<20480x128xi32, #tpu.memory_space<hbm>> -> memref<20480x128xi32, #tpu.memory_space<hbm>>
    tpu.enqueue_indirect_dma source(%dma_start3A_21 : memref<20480x128xi32, #tpu.memory_space<hbm>>) target(%dma_start3A_16 : memref<40x128xi32, #tpu.memory_space<vmem>>) offsets(%dma_start3A_18 : memref<40xi32, #tpu.memory_space<vmem>>) semaphore(%arg14 : memref<!tpu.dma_semaphore, #tpu.memory_space<semaphore_mem>>)
    %dma_start3A_22 = arith.constant 1 : i32
    %dma_start3A_23 = arith.constant 0 : i32
    %dma_start3A_24 = arith.constant 0 : i32
    %dma_start3A_25 = tpu.memref_slice %arg10[%dma_start3A_22, %dma_start3A_23, %dma_start3A_24] : memref<2x40x128xi32, #tpu.memory_space<vmem>> -> memref<1x40x128xi32, #tpu.memory_space<vmem>>
    %dma_start3A_26 = tpu.memref_squeeze %dma_start3A_25 : memref<1x40x128xi32, #tpu.memory_space<vmem>> -> memref<40x128xi32, #tpu.memory_space<vmem>>
    %dma_start3A_27 = arith.constant 40 : i32
    %dma_start3A_28 = tpu.memref_slice %arg8[%dma_start3A_27] : memref<5000xi32, #tpu.memory_space<vmem>> -> memref<40xi32, #tpu.memory_space<vmem>>
    %dma_start3A_29 = arith.constant 0 : i32
    %dma_start3A_30 = arith.constant 0 : i32
    %dma_start3A_31 = tpu.memref_slice %arg2[%dma_start3A_29, %dma_start3A_30] : memref<20480x128xi32, #tpu.memory_space<hbm>> -> memref<20480x128xi32, #tpu.memory_space<hbm>>
    tpu.enqueue_indirect_dma source(%dma_start3A_31 : memref<20480x128xi32, #tpu.memory_space<hbm>>) target(%dma_start3A_26 : memref<40x128xi32, #tpu.memory_space<vmem>>) offsets(%dma_start3A_28 : memref<40xi32, #tpu.memory_space<vmem>>) semaphore(%arg13 : memref<!tpu.dma_semaphore, #tpu.memory_space<semaphore_mem>>)
    %dma_start3A_32 = arith.constant 1 : i32
    %dma_start3A_33 = arith.constant 0 : i32
    %dma_start3A_34 = arith.constant 0 : i32
    %dma_start3A_35 = tpu.memref_slice %arg11[%dma_start3A_32, %dma_start3A_33, %dma_start3A_34] : memref<2x40x128xi32, #tpu.memory_space<vmem>> -> memref<1x40x128xi32, #tpu.memory_space<vmem>>
    %dma_start3A_36 = tpu.memref_squeeze %dma_start3A_35 : memref<1x40x128xi32, #tpu.memory_space<vmem>> -> memref<40x128xi32, #tpu.memory_space<vmem>>
    %dma_start3A_37 = arith.constant 40 : i32
    %dma_start3A_38 = tpu.memref_slice %arg9[%dma_start3A_37] : memref<5000xi32, #tpu.memory_space<vmem>> -> memref<40xi32, #tpu.memory_space<vmem>>
    %dma_start3A_39 = arith.constant 0 : i32
    %dma_start3A_40 = arith.constant 0 : i32
    %dma_start3A_41 = tpu.memref_slice %arg3[%dma_start3A_39, %dma_start3A_40] : memref<20480x128xi32, #tpu.memory_space<hbm>> -> memref<20480x128xi32, #tpu.memory_space<hbm>>
    tpu.enqueue_indirect_dma source(%dma_start3A_41 : memref<20480x128xi32, #tpu.memory_space<hbm>>) target(%dma_start3A_36 : memref<40x128xi32, #tpu.memory_space<vmem>>) offsets(%dma_start3A_38 : memref<40xi32, #tpu.memory_space<vmem>>) semaphore(%arg15 : memref<!tpu.dma_semaphore, #tpu.memory_space<semaphore_mem>>)
    %scan3A = arith.constant 0 : i32
    %scan3A_42 = arith.constant 0 : i32
    %scan3A_43 = arith.constant 63 : i32
    %scan3A_44 = arith.addi %scan3A_42, %scan3A_43 : i32
    %scan3A_45 = arith.constant 1 : i32
    scf.for %scan3A_47 = %scan3A_42 to %scan3A_44 step %scan3A_45  : i32 {
      %mul3A_48 = arith.constant 2 : i32
      %mul3A_49 = arith.muli %scan3A_47, %mul3A_48 : i32
      %add3A_50 = arith.constant 0 : i32
      %add3A_51 = arith.addi %mul3A_49, %add3A_50 : i32
      %lt3A = arith.constant 125 : i32
      %lt3A_52 = arith.cmpi slt, %add3A_51, %lt3A : i32
      %convert_element_type3A = arith.extui %lt3A_52 : i1 to i32
      %cond3A = arith.constant 0 : i32
      %cond3A_53 = arith.cmpi ne, %convert_element_type3A, %cond3A : i32
      scf.if %cond3A_53 {
        %mul3A_63 = arith.constant 40 : i32
        %mul3A_64 = arith.muli %add3A_51, %mul3A_63 : i32
        %dma_wait3A = arith.constant 0 : i32
        %dma_wait3A_65 = arith.constant 0 : i32
        %dma_wait3A_66 = arith.constant 0 : i32
        %dma_wait3A_67 = tpu.memref_slice %arg10[%dma_wait3A, %dma_wait3A_65, %dma_wait3A_66] : memref<2x40x128xi32, #tpu.memory_space<vmem>> -> memref<1x40x128xi32, #tpu.memory_space<vmem>>
        %dma_wait3A_68 = tpu.memref_squeeze %dma_wait3A_67 : memref<1x40x128xi32, #tpu.memory_space<vmem>> -> memref<40x128xi32, #tpu.memory_space<vmem>>
        %dma_wait3A_69 = tpu.memref_slice %arg8[%mul3A_64] : memref<5000xi32, #tpu.memory_space<vmem>> -> memref<40xi32, #tpu.memory_space<vmem>>
        %dma_wait3A_70 = arith.constant 0 : i32
        %dma_wait3A_71 = arith.constant 0 : i32
        %dma_wait3A_72 = tpu.memref_slice %arg2[%dma_wait3A_70, %dma_wait3A_71] : memref<20480x128xi32, #tpu.memory_space<hbm>> -> memref<20480x128xi32, #tpu.memory_space<hbm>>
        tpu.wait_indirect_dma semaphore(%arg12 : memref<!tpu.dma_semaphore, #tpu.memory_space<semaphore_mem>>) src(%dma_wait3A_72 : memref<20480x128xi32, #tpu.memory_space<hbm>>) dst(%dma_wait3A_68 : memref<40x128xi32, #tpu.memory_space<vmem>>)
        %dma_wait3A_73 = arith.constant 0 : i32
        %dma_wait3A_74 = arith.constant 0 : i32
        %dma_wait3A_75 = arith.constant 0 : i32
        %dma_wait3A_76 = tpu.memref_slice %arg11[%dma_wait3A_73, %dma_wait3A_74, %dma_wait3A_75] : memref<2x40x128xi32, #tpu.memory_space<vmem>> -> memref<1x40x128xi32, #tpu.memory_space<vmem>>
        %dma_wait3A_77 = tpu.memref_squeeze %dma_wait3A_76 : memref<1x40x128xi32, #tpu.memory_space<vmem>> -> memref<40x128xi32, #tpu.memory_space<vmem>>
        %dma_wait3A_78 = tpu.memref_slice %arg9[%mul3A_64] : memref<5000xi32, #tpu.memory_space<vmem>> -> memref<40xi32, #tpu.memory_space<vmem>>
        %dma_wait3A_79 = arith.constant 0 : i32
        %dma_wait3A_80 = arith.constant 0 : i32
        %dma_wait3A_81 = tpu.memref_slice %arg3[%dma_wait3A_79, %dma_wait3A_80] : memref<20480x128xi32, #tpu.memory_space<hbm>> -> memref<20480x128xi32, #tpu.memory_space<hbm>>
        tpu.wait_indirect_dma semaphore(%arg14 : memref<!tpu.dma_semaphore, #tpu.memory_space<semaphore_mem>>) src(%dma_wait3A_81 : memref<20480x128xi32, #tpu.memory_space<hbm>>) dst(%dma_wait3A_77 : memref<40x128xi32, #tpu.memory_space<vmem>>)
        %add3A_82 = arith.addi %mul3A_2, %mul3A_64 : i32
        %run_scoped3A = arith.constant 0 : i32
        "tpu.region"() ({
          %run_scoped3A_92 = tpu.sem_alloc : memref<!tpu.dma_semaphore, #tpu.memory_space<semaphore_mem>>
          %dma_start3A_93 = arith.constant 0 : i32
          %dma_start3A_94 = arith.constant 0 : i32
          %dma_start3A_95 = tpu.memref_slice %arg10[%run_scoped3A, %dma_start3A_93, %dma_start3A_94] : memref<2x40x128xi32, #tpu.memory_space<vmem>> -> memref<1x40x128xi32, #tpu.memory_space<vmem>>
          %dma_start3A_96 = tpu.memref_squeeze %dma_start3A_95 : memref<1x40x128xi32, #tpu.memory_space<vmem>> -> memref<40x128xi32, #tpu.memory_space<vmem>>
          %dma_start3A_97 = arith.constant 0 : i32
          %dma_start3A_98 = tpu.memref_slice %arg6[%add3A_82, %dma_start3A_97] : memref<160000x128xi32, #tpu.memory_space<hbm>> -> memref<40x128xi32, #tpu.memory_space<hbm>>
          %dma_start3A_99 = arith.constant 0 : i32
          %dma_start3A_100 = tpu.memref_slice %arg6[%add3A_82, %dma_start3A_99] : memref<160000x128xi32, #tpu.memory_space<hbm>> -> memref<40x128xi32, #tpu.memory_space<hbm>>
          %dma_start3A_101 = arith.constant 0 : i32
          %dma_start3A_102 = arith.constant 0 : i32
          %dma_start3A_103 = tpu.memref_slice %arg10[%run_scoped3A, %dma_start3A_101, %dma_start3A_102] : memref<2x40x128xi32, #tpu.memory_space<vmem>> -> memref<1x40x128xi32, #tpu.memory_space<vmem>>
          %dma_start3A_104 = tpu.memref_squeeze %dma_start3A_103 : memref<1x40x128xi32, #tpu.memory_space<vmem>> -> memref<40x128xi32, #tpu.memory_space<vmem>>
          tpu.enqueue_dma source(%dma_start3A_104 : memref<40x128xi32, #tpu.memory_space<vmem>>) target(%dma_start3A_100 : memref<40x128xi32, #tpu.memory_space<hbm>>) target_semaphore(%run_scoped3A_92 : memref<!tpu.dma_semaphore, #tpu.memory_space<semaphore_mem>>)
          %dma_wait3A_105 = arith.constant 0 : i32
          %dma_wait3A_106 = arith.constant 0 : i32
          %dma_wait3A_107 = tpu.memref_slice %arg10[%run_scoped3A, %dma_wait3A_105, %dma_wait3A_106] : memref<2x40x128xi32, #tpu.memory_space<vmem>> -> memref<1x40x128xi32, #tpu.memory_space<vmem>>
          %dma_wait3A_108 = tpu.memref_squeeze %dma_wait3A_107 : memref<1x40x128xi32, #tpu.memory_space<vmem>> -> memref<40x128xi32, #tpu.memory_space<vmem>>
          %dma_wait3A_109 = arith.constant 0 : i32
          %dma_wait3A_110 = tpu.memref_slice %arg6[%add3A_82, %dma_wait3A_109] : memref<160000x128xi32, #tpu.memory_space<hbm>> -> memref<40x128xi32, #tpu.memory_space<hbm>>
          %dma_wait3A_111 = arith.constant 0 : i32
          %dma_wait3A_112 = tpu.memref_slice %arg6[%add3A_82, %dma_wait3A_111] : memref<160000x128xi32, #tpu.memory_space<hbm>> -> memref<40x128xi32, #tpu.memory_space<hbm>>
          %dma_wait3A_113 = arith.constant 0 : i32
          %dma_wait3A_114 = arith.constant 0 : i32
          %dma_wait3A_115 = tpu.memref_slice %arg10[%run_scoped3A, %dma_wait3A_113, %dma_wait3A_114] : memref<2x40x128xi32, #tpu.memory_space<vmem>> -> memref<1x40x128xi32, #tpu.memory_space<vmem>>
          %dma_wait3A_116 = tpu.memref_squeeze %dma_wait3A_115 : memref<1x40x128xi32, #tpu.memory_space<vmem>> -> memref<40x128xi32, #tpu.memory_space<vmem>>
          tpu.wait_dma2 semaphore(%run_scoped3A_92 : memref<!tpu.dma_semaphore, #tpu.memory_space<semaphore_mem>>) src(%dma_wait3A_116 : memref<40x128xi32, #tpu.memory_space<vmem>>) dst(%dma_wait3A_112 : memref<40x128xi32, #tpu.memory_space<hbm>>)
          tpu.yield
        }) : () -> ()
        %add3A_83 = arith.addi %mul3A_2, %mul3A_64 : i32
        %run_scoped3A_84 = arith.constant 0 : i32
        "tpu.region"() ({
          %run_scoped3A_92 = tpu.sem_alloc : memref<!tpu.dma_semaphore, #tpu.memory_space<semaphore_mem>>
          %dma_start3A_93 = arith.constant 0 : i32
          %dma_start3A_94 = arith.constant 0 : i32
          %dma_start3A_95 = tpu.memref_slice %arg11[%run_scoped3A_84, %dma_start3A_93, %dma_start3A_94] : memref<2x40x128xi32, #tpu.memory_space<vmem>> -> memref<1x40x128xi32, #tpu.memory_space<vmem>>
          %dma_start3A_96 = tpu.memref_squeeze %dma_start3A_95 : memref<1x40x128xi32, #tpu.memory_space<vmem>> -> memref<40x128xi32, #tpu.memory_space<vmem>>
          %dma_start3A_97 = arith.constant 0 : i32
          %dma_start3A_98 = tpu.memref_slice %arg7[%add3A_83, %dma_start3A_97] : memref<160000x128xi32, #tpu.memory_space<hbm>> -> memref<40x128xi32, #tpu.memory_space<hbm>>
          %dma_start3A_99 = arith.constant 0 : i32
          %dma_start3A_100 = tpu.memref_slice %arg7[%add3A_83, %dma_start3A_99] : memref<160000x128xi32, #tpu.memory_space<hbm>> -> memref<40x128xi32, #tpu.memory_space<hbm>>
          %dma_start3A_101 = arith.constant 0 : i32
          %dma_start3A_102 = arith.constant 0 : i32
          %dma_start3A_103 = tpu.memref_slice %arg11[%run_scoped3A_84, %dma_start3A_101, %dma_start3A_102] : memref<2x40x128xi32, #tpu.memory_space<vmem>> -> memref<1x40x128xi32, #tpu.memory_space<vmem>>
          %dma_start3A_104 = tpu.memref_squeeze %dma_start3A_103 : memref<1x40x128xi32, #tpu.memory_space<vmem>> -> memref<40x128xi32, #tpu.memory_space<vmem>>
          tpu.enqueue_dma source(%dma_start3A_104 : memref<40x128xi32, #tpu.memory_space<vmem>>) target(%dma_start3A_100 : memref<40x128xi32, #tpu.memory_space<hbm>>) target_semaphore(%run_scoped3A_92 : memref<!tpu.dma_semaphore, #tpu.memory_space<semaphore_mem>>)
          %dma_wait3A_105 = arith.constant 0 : i32
          %dma_wait3A_106 = arith.constant 0 : i32
          %dma_wait3A_107 = tpu.memref_slice %arg11[%run_scoped3A_84, %dma_wait3A_105, %dma_wait3A_106] : memref<2x40x128xi32, #tpu.memory_space<vmem>> -> memref<1x40x128xi32, #tpu.memory_space<vmem>>
          %dma_wait3A_108 = tpu.memref_squeeze %dma_wait3A_107 : memref<1x40x128xi32, #tpu.memory_space<vmem>> -> memref<40x128xi32, #tpu.memory_space<vmem>>
          %dma_wait3A_109 = arith.constant 0 : i32
          %dma_wait3A_110 = tpu.memref_slice %arg7[%add3A_83, %dma_wait3A_109] : memref<160000x128xi32, #tpu.memory_space<hbm>> -> memref<40x128xi32, #tpu.memory_space<hbm>>
          %dma_wait3A_111 = arith.constant 0 : i32
          %dma_wait3A_112 = tpu.memref_slice %arg7[%add3A_83, %dma_wait3A_111] : memref<160000x128xi32, #tpu.memory_space<hbm>> -> memref<40x128xi32, #tpu.memory_space<hbm>>
          %dma_wait3A_113 = arith.constant 0 : i32
          %dma_wait3A_114 = arith.constant 0 : i32
          %dma_wait3A_115 = tpu.memref_slice %arg11[%run_scoped3A_84, %dma_wait3A_113, %dma_wait3A_114] : memref<2x40x128xi32, #tpu.memory_space<vmem>> -> memref<1x40x128xi32, #tpu.memory_space<vmem>>
          %dma_wait3A_116 = tpu.memref_squeeze %dma_wait3A_115 : memref<1x40x128xi32, #tpu.memory_space<vmem>> -> memref<40x128xi32, #tpu.memory_space<vmem>>
          tpu.wait_dma2 semaphore(%run_scoped3A_92 : memref<!tpu.dma_semaphore, #tpu.memory_space<semaphore_mem>>) src(%dma_wait3A_116 : memref<40x128xi32, #tpu.memory_space<vmem>>) dst(%dma_wait3A_112 : memref<40x128xi32, #tpu.memory_space<hbm>>)
          tpu.yield
        }) : () -> ()
        %add3A_85 = arith.constant 2 : i32
        %add3A_86 = arith.addi %add3A_51, %add3A_85 : i32
        %lt3A_87 = arith.constant 125 : i32
        %lt3A_88 = arith.cmpi slt, %add3A_86, %lt3A_87 : i32
        %convert_element_type3A_89 = arith.extui %lt3A_88 : i1 to i32
        %cond3A_90 = arith.constant 0 : i32
        %cond3A_91 = arith.cmpi ne, %convert_element_type3A_89, %cond3A_90 : i32
        scf.if %cond3A_91 {
          %add3A_92 = arith.constant 2 : i32
          %add3A_93 = arith.addi %add3A_51, %add3A_92 : i32
          %mul3A_94 = arith.constant 40 : i32
          %mul3A_95 = arith.muli %add3A_93, %mul3A_94 : i32
          %dma_start3A_96 = arith.constant 0 : i32
          %dma_start3A_97 = arith.constant 0 : i32
          %dma_start3A_98 = arith.constant 0 : i32
          %dma_start3A_99 = tpu.memref_slice %arg10[%dma_start3A_96, %dma_start3A_97, %dma_start3A_98] : memref<2x40x128xi32, #tpu.memory_space<vmem>> -> memref<1x40x128xi32, #tpu.memory_space<vmem>>
          %dma_start3A_100 = tpu.memref_squeeze %dma_start3A_99 : memref<1x40x128xi32, #tpu.memory_space<vmem>> -> memref<40x128xi32, #tpu.memory_space<vmem>>
          %dma_start3A_101 = tpu.memref_slice %arg8[%mul3A_95] : memref<5000xi32, #tpu.memory_space<vmem>> -> memref<40xi32, #tpu.memory_space<vmem>>
          %dma_start3A_102 = arith.constant 0 : i32
          %dma_start3A_103 = arith.constant 0 : i32
          %dma_start3A_104 = tpu.memref_slice %arg2[%dma_start3A_102, %dma_start3A_103] : memref<20480x128xi32, #tpu.memory_space<hbm>> -> memref<20480x128xi32, #tpu.memory_space<hbm>>
          tpu.enqueue_indirect_dma source(%dma_start3A_104 : memref<20480x128xi32, #tpu.memory_space<hbm>>) target(%dma_start3A_100 : memref<40x128xi32, #tpu.memory_space<vmem>>) offsets(%dma_start3A_101 : memref<40xi32, #tpu.memory_space<vmem>>) semaphore(%arg12 : memref<!tpu.dma_semaphore, #tpu.memory_space<semaphore_mem>>)
          %dma_start3A_105 = arith.constant 0 : i32
          %dma_start3A_106 = arith.constant 0 : i32
          %dma_start3A_107 = arith.constant 0 : i32
          %dma_start3A_108 = tpu.memref_slice %arg11[%dma_start3A_105, %dma_start3A_106, %dma_start3A_107] : memref<2x40x128xi32, #tpu.memory_space<vmem>> -> memref<1x40x128xi32, #tpu.memory_space<vmem>>
          %dma_start3A_109 = tpu.memref_squeeze %dma_start3A_108 : memref<1x40x128xi32, #tpu.memory_space<vmem>> -> memref<40x128xi32, #tpu.memory_space<vmem>>
          %dma_start3A_110 = tpu.memref_slice %arg9[%mul3A_95] : memref<5000xi32, #tpu.memory_space<vmem>> -> memref<40xi32, #tpu.memory_space<vmem>>
          %dma_start3A_111 = arith.constant 0 : i32
          %dma_start3A_112 = arith.constant 0 : i32
          %dma_start3A_113 = tpu.memref_slice %arg3[%dma_start3A_111, %dma_start3A_112] : memref<20480x128xi32, #tpu.memory_space<hbm>> -> memref<20480x128xi32, #tpu.memory_space<hbm>>
          tpu.enqueue_indirect_dma source(%dma_start3A_113 : memref<20480x128xi32, #tpu.memory_space<hbm>>) target(%dma_start3A_109 : memref<40x128xi32, #tpu.memory_space<vmem>>) offsets(%dma_start3A_110 : memref<40xi32, #tpu.memory_space<vmem>>) semaphore(%arg14 : memref<!tpu.dma_semaphore, #tpu.memory_space<semaphore_mem>>)
        } else {
        }
      } else {
      }
      %mul3A_54 = arith.constant 2 : i32
      %mul3A_55 = arith.muli %scan3A_47, %mul3A_54 : i32
      %add3A_56 = arith.constant 1 : i32
      %add3A_57 = arith.addi %mul3A_55, %add3A_56 : i32
      %lt3A_58 = arith.constant 125 : i32
      %lt3A_59 = arith.cmpi slt, %add3A_57, %lt3A_58 : i32
      %convert_element_type3A_60 = arith.extui %lt3A_59 : i1 to i32
      %cond3A_61 = arith.constant 0 : i32
      %cond3A_62 = arith.cmpi ne, %convert_element_type3A_60, %cond3A_61 : i32
      scf.if %cond3A_62 {
        %mul3A_63 = arith.constant 40 : i32
        %mul3A_64 = arith.muli %add3A_57, %mul3A_63 : i32
        %dma_wait3A = arith.constant 1 : i32
        %dma_wait3A_65 = arith.constant 0 : i32
        %dma_wait3A_66 = arith.constant 0 : i32
        %dma_wait3A_67 = tpu.memref_slice %arg10[%dma_wait3A, %dma_wait3A_65, %dma_wait3A_66] : memref<2x40x128xi32, #tpu.memory_space<vmem>> -> memref<1x40x128xi32, #tpu.memory_space<vmem>>
        %dma_wait3A_68 = tpu.memref_squeeze %dma_wait3A_67 : memref<1x40x128xi32, #tpu.memory_space<vmem>> -> memref<40x128xi32, #tpu.memory_space<vmem>>
        %dma_wait3A_69 = tpu.memref_slice %arg8[%mul3A_64] : memref<5000xi32, #tpu.memory_space<vmem>> -> memref<40xi32, #tpu.memory_space<vmem>>
        %dma_wait3A_70 = arith.constant 0 : i32
        %dma_wait3A_71 = arith.constant 0 : i32
        %dma_wait3A_72 = tpu.memref_slice %arg2[%dma_wait3A_70, %dma_wait3A_71] : memref<20480x128xi32, #tpu.memory_space<hbm>> -> memref<20480x128xi32, #tpu.memory_space<hbm>>
        tpu.wait_indirect_dma semaphore(%arg13 : memref<!tpu.dma_semaphore, #tpu.memory_space<semaphore_mem>>) src(%dma_wait3A_72 : memref<20480x128xi32, #tpu.memory_space<hbm>>) dst(%dma_wait3A_68 : memref<40x128xi32, #tpu.memory_space<vmem>>)
        %dma_wait3A_73 = arith.constant 1 : i32
        %dma_wait3A_74 = arith.constant 0 : i32
        %dma_wait3A_75 = arith.constant 0 : i32
        %dma_wait3A_76 = tpu.memref_slice %arg11[%dma_wait3A_73, %dma_wait3A_74, %dma_wait3A_75] : memref<2x40x128xi32, #tpu.memory_space<vmem>> -> memref<1x40x128xi32, #tpu.memory_space<vmem>>
        %dma_wait3A_77 = tpu.memref_squeeze %dma_wait3A_76 : memref<1x40x128xi32, #tpu.memory_space<vmem>> -> memref<40x128xi32, #tpu.memory_space<vmem>>
        %dma_wait3A_78 = tpu.memref_slice %arg9[%mul3A_64] : memref<5000xi32, #tpu.memory_space<vmem>> -> memref<40xi32, #tpu.memory_space<vmem>>
        %dma_wait3A_79 = arith.constant 0 : i32
        %dma_wait3A_80 = arith.constant 0 : i32
        %dma_wait3A_81 = tpu.memref_slice %arg3[%dma_wait3A_79, %dma_wait3A_80] : memref<20480x128xi32, #tpu.memory_space<hbm>> -> memref<20480x128xi32, #tpu.memory_space<hbm>>
        tpu.wait_indirect_dma semaphore(%arg15 : memref<!tpu.dma_semaphore, #tpu.memory_space<semaphore_mem>>) src(%dma_wait3A_81 : memref<20480x128xi32, #tpu.memory_space<hbm>>) dst(%dma_wait3A_77 : memref<40x128xi32, #tpu.memory_space<vmem>>)
        %add3A_82 = arith.addi %mul3A_2, %mul3A_64 : i32
        %run_scoped3A = arith.constant 1 : i32
        "tpu.region"() ({
          %run_scoped3A_92 = tpu.sem_alloc : memref<!tpu.dma_semaphore, #tpu.memory_space<semaphore_mem>>
          %dma_start3A_93 = arith.constant 0 : i32
          %dma_start3A_94 = arith.constant 0 : i32
          %dma_start3A_95 = tpu.memref_slice %arg10[%run_scoped3A, %dma_start3A_93, %dma_start3A_94] : memref<2x40x128xi32, #tpu.memory_space<vmem>> -> memref<1x40x128xi32, #tpu.memory_space<vmem>>
          %dma_start3A_96 = tpu.memref_squeeze %dma_start3A_95 : memref<1x40x128xi32, #tpu.memory_space<vmem>> -> memref<40x128xi32, #tpu.memory_space<vmem>>
          %dma_start3A_97 = arith.constant 0 : i32
          %dma_start3A_98 = tpu.memref_slice %arg6[%add3A_82, %dma_start3A_97] : memref<160000x128xi32, #tpu.memory_space<hbm>> -> memref<40x128xi32, #tpu.memory_space<hbm>>
          %dma_start3A_99 = arith.constant 0 : i32
          %dma_start3A_100 = tpu.memref_slice %arg6[%add3A_82, %dma_start3A_99] : memref<160000x128xi32, #tpu.memory_space<hbm>> -> memref<40x128xi32, #tpu.memory_space<hbm>>
          %dma_start3A_101 = arith.constant 0 : i32
          %dma_start3A_102 = arith.constant 0 : i32
          %dma_start3A_103 = tpu.memref_slice %arg10[%run_scoped3A, %dma_start3A_101, %dma_start3A_102] : memref<2x40x128xi32, #tpu.memory_space<vmem>> -> memref<1x40x128xi32, #tpu.memory_space<vmem>>
          %dma_start3A_104 = tpu.memref_squeeze %dma_start3A_103 : memref<1x40x128xi32, #tpu.memory_space<vmem>> -> memref<40x128xi32, #tpu.memory_space<vmem>>
          tpu.enqueue_dma source(%dma_start3A_104 : memref<40x128xi32, #tpu.memory_space<vmem>>) target(%dma_start3A_100 : memref<40x128xi32, #tpu.memory_space<hbm>>) target_semaphore(%run_scoped3A_92 : memref<!tpu.dma_semaphore, #tpu.memory_space<semaphore_mem>>)
          %dma_wait3A_105 = arith.constant 0 : i32
          %dma_wait3A_106 = arith.constant 0 : i32
          %dma_wait3A_107 = tpu.memref_slice %arg10[%run_scoped3A, %dma_wait3A_105, %dma_wait3A_106] : memref<2x40x128xi32, #tpu.memory_space<vmem>> -> memref<1x40x128xi32, #tpu.memory_space<vmem>>
          %dma_wait3A_108 = tpu.memref_squeeze %dma_wait3A_107 : memref<1x40x128xi32, #tpu.memory_space<vmem>> -> memref<40x128xi32, #tpu.memory_space<vmem>>
          %dma_wait3A_109 = arith.constant 0 : i32
          %dma_wait3A_110 = tpu.memref_slice %arg6[%add3A_82, %dma_wait3A_109] : memref<160000x128xi32, #tpu.memory_space<hbm>> -> memref<40x128xi32, #tpu.memory_space<hbm>>
          %dma_wait3A_111 = arith.constant 0 : i32
          %dma_wait3A_112 = tpu.memref_slice %arg6[%add3A_82, %dma_wait3A_111] : memref<160000x128xi32, #tpu.memory_space<hbm>> -> memref<40x128xi32, #tpu.memory_space<hbm>>
          %dma_wait3A_113 = arith.constant 0 : i32
          %dma_wait3A_114 = arith.constant 0 : i32
          %dma_wait3A_115 = tpu.memref_slice %arg10[%run_scoped3A, %dma_wait3A_113, %dma_wait3A_114] : memref<2x40x128xi32, #tpu.memory_space<vmem>> -> memref<1x40x128xi32, #tpu.memory_space<vmem>>
          %dma_wait3A_116 = tpu.memref_squeeze %dma_wait3A_115 : memref<1x40x128xi32, #tpu.memory_space<vmem>> -> memref<40x128xi32, #tpu.memory_space<vmem>>
          tpu.wait_dma2 semaphore(%run_scoped3A_92 : memref<!tpu.dma_semaphore, #tpu.memory_space<semaphore_mem>>) src(%dma_wait3A_116 : memref<40x128xi32, #tpu.memory_space<vmem>>) dst(%dma_wait3A_112 : memref<40x128xi32, #tpu.memory_space<hbm>>)
          tpu.yield
        }) : () -> ()
        %add3A_83 = arith.addi %mul3A_2, %mul3A_64 : i32
        %run_scoped3A_84 = arith.constant 1 : i32
        "tpu.region"() ({
          %run_scoped3A_92 = tpu.sem_alloc : memref<!tpu.dma_semaphore, #tpu.memory_space<semaphore_mem>>
          %dma_start3A_93 = arith.constant 0 : i32
          %dma_start3A_94 = arith.constant 0 : i32
          %dma_start3A_95 = tpu.memref_slice %arg11[%run_scoped3A_84, %dma_start3A_93, %dma_start3A_94] : memref<2x40x128xi32, #tpu.memory_space<vmem>> -> memref<1x40x128xi32, #tpu.memory_space<vmem>>
          %dma_start3A_96 = tpu.memref_squeeze %dma_start3A_95 : memref<1x40x128xi32, #tpu.memory_space<vmem>> -> memref<40x128xi32, #tpu.memory_space<vmem>>
          %dma_start3A_97 = arith.constant 0 : i32
          %dma_start3A_98 = tpu.memref_slice %arg7[%add3A_83, %dma_start3A_97] : memref<160000x128xi32, #tpu.memory_space<hbm>> -> memref<40x128xi32, #tpu.memory_space<hbm>>
          %dma_start3A_99 = arith.constant 0 : i32
          %dma_start3A_100 = tpu.memref_slice %arg7[%add3A_83, %dma_start3A_99] : memref<160000x128xi32, #tpu.memory_space<hbm>> -> memref<40x128xi32, #tpu.memory_space<hbm>>
          %dma_start3A_101 = arith.constant 0 : i32
          %dma_start3A_102 = arith.constant 0 : i32
          %dma_start3A_103 = tpu.memref_slice %arg11[%run_scoped3A_84, %dma_start3A_101, %dma_start3A_102] : memref<2x40x128xi32, #tpu.memory_space<vmem>> -> memref<1x40x128xi32, #tpu.memory_space<vmem>>
          %dma_start3A_104 = tpu.memref_squeeze %dma_start3A_103 : memref<1x40x128xi32, #tpu.memory_space<vmem>> -> memref<40x128xi32, #tpu.memory_space<vmem>>
          tpu.enqueue_dma source(%dma_start3A_104 : memref<40x128xi32, #tpu.memory_space<vmem>>) target(%dma_start3A_100 : memref<40x128xi32, #tpu.memory_space<hbm>>) target_semaphore(%run_scoped3A_92 : memref<!tpu.dma_semaphore, #tpu.memory_space<semaphore_mem>>)
          %dma_wait3A_105 = arith.constant 0 : i32
          %dma_wait3A_106 = arith.constant 0 : i32
          %dma_wait3A_107 = tpu.memref_slice %arg11[%run_scoped3A_84, %dma_wait3A_105, %dma_wait3A_106] : memref<2x40x128xi32, #tpu.memory_space<vmem>> -> memref<1x40x128xi32, #tpu.memory_space<vmem>>
          %dma_wait3A_108 = tpu.memref_squeeze %dma_wait3A_107 : memref<1x40x128xi32, #tpu.memory_space<vmem>> -> memref<40x128xi32, #tpu.memory_space<vmem>>
          %dma_wait3A_109 = arith.constant 0 : i32
          %dma_wait3A_110 = tpu.memref_slice %arg7[%add3A_83, %dma_wait3A_109] : memref<160000x128xi32, #tpu.memory_space<hbm>> -> memref<40x128xi32, #tpu.memory_space<hbm>>
          %dma_wait3A_111 = arith.constant 0 : i32
          %dma_wait3A_112 = tpu.memref_slice %arg7[%add3A_83, %dma_wait3A_111] : memref<160000x128xi32, #tpu.memory_space<hbm>> -> memref<40x128xi32, #tpu.memory_space<hbm>>
          %dma_wait3A_113 = arith.constant 0 : i32
          %dma_wait3A_114 = arith.constant 0 : i32
          %dma_wait3A_115 = tpu.memref_slice %arg11[%run_scoped3A_84, %dma_wait3A_113, %dma_wait3A_114] : memref<2x40x128xi32, #tpu.memory_space<vmem>> -> memref<1x40x128xi32, #tpu.memory_space<vmem>>
          %dma_wait3A_116 = tpu.memref_squeeze %dma_wait3A_115 : memref<1x40x128xi32, #tpu.memory_space<vmem>> -> memref<40x128xi32, #tpu.memory_space<vmem>>
          tpu.wait_dma2 semaphore(%run_scoped3A_92 : memref<!tpu.dma_semaphore, #tpu.memory_space<semaphore_mem>>) src(%dma_wait3A_116 : memref<40x128xi32, #tpu.memory_space<vmem>>) dst(%dma_wait3A_112 : memref<40x128xi32, #tpu.memory_space<hbm>>)
          tpu.yield
        }) : () -> ()
        %add3A_85 = arith.constant 2 : i32
        %add3A_86 = arith.addi %add3A_57, %add3A_85 : i32
        %lt3A_87 = arith.constant 125 : i32
        %lt3A_88 = arith.cmpi slt, %add3A_86, %lt3A_87 : i32
        %convert_element_type3A_89 = arith.extui %lt3A_88 : i1 to i32
        %cond3A_90 = arith.constant 0 : i32
        %cond3A_91 = arith.cmpi ne, %convert_element_type3A_89, %cond3A_90 : i32
        scf.if %cond3A_91 {
          %add3A_92 = arith.constant 2 : i32
          %add3A_93 = arith.addi %add3A_57, %add3A_92 : i32
          %mul3A_94 = arith.constant 40 : i32
          %mul3A_95 = arith.muli %add3A_93, %mul3A_94 : i32
          %dma_start3A_96 = arith.constant 1 : i32
          %dma_start3A_97 = arith.constant 0 : i32
          %dma_start3A_98 = arith.constant 0 : i32
          %dma_start3A_99 = tpu.memref_slice %arg10[%dma_start3A_96, %dma_start3A_97, %dma_start3A_98] : memref<2x40x128xi32, #tpu.memory_space<vmem>> -> memref<1x40x128xi32, #tpu.memory_space<vmem>>
          %dma_start3A_100 = tpu.memref_squeeze %dma_start3A_99 : memref<1x40x128xi32, #tpu.memory_space<vmem>> -> memref<40x128xi32, #tpu.memory_space<vmem>>
          %dma_start3A_101 = tpu.memref_slice %arg8[%mul3A_95] : memref<5000xi32, #tpu.memory_space<vmem>> -> memref<40xi32, #tpu.memory_space<vmem>>
          %dma_start3A_102 = arith.constant 0 : i32
          %dma_start3A_103 = arith.constant 0 : i32
          %dma_start3A_104 = tpu.memref_slice %arg2[%dma_start3A_102, %dma_start3A_103] : memref<20480x128xi32, #tpu.memory_space<hbm>> -> memref<20480x128xi32, #tpu.memory_space<hbm>>
          tpu.enqueue_indirect_dma source(%dma_start3A_104 : memref<20480x128xi32, #tpu.memory_space<hbm>>) target(%dma_start3A_100 : memref<40x128xi32, #tpu.memory_space<vmem>>) offsets(%dma_start3A_101 : memref<40xi32, #tpu.memory_space<vmem>>) semaphore(%arg13 : memref<!tpu.dma_semaphore, #tpu.memory_space<semaphore_mem>>)
          %dma_start3A_105 = arith.constant 1 : i32
          %dma_start3A_106 = arith.constant 0 : i32
          %dma_start3A_107 = arith.constant 0 : i32
          %dma_start3A_108 = tpu.memref_slice %arg11[%dma_start3A_105, %dma_start3A_106, %dma_start3A_107] : memref<2x40x128xi32, #tpu.memory_space<vmem>> -> memref<1x40x128xi32, #tpu.memory_space<vmem>>
          %dma_start3A_109 = tpu.memref_squeeze %dma_start3A_108 : memref<1x40x128xi32, #tpu.memory_space<vmem>> -> memref<40x128xi32, #tpu.memory_space<vmem>>
          %dma_start3A_110 = tpu.memref_slice %arg9[%mul3A_95] : memref<5000xi32, #tpu.memory_space<vmem>> -> memref<40xi32, #tpu.memory_space<vmem>>
          %dma_start3A_111 = arith.constant 0 : i32
          %dma_start3A_112 = arith.constant 0 : i32
          %dma_start3A_113 = tpu.memref_slice %arg3[%dma_start3A_111, %dma_start3A_112] : memref<20480x128xi32, #tpu.memory_space<hbm>> -> memref<20480x128xi32, #tpu.memory_space<hbm>>
          tpu.enqueue_indirect_dma source(%dma_start3A_113 : memref<20480x128xi32, #tpu.memory_space<hbm>>) target(%dma_start3A_109 : memref<40x128xi32, #tpu.memory_space<vmem>>) offsets(%dma_start3A_110 : memref<40xi32, #tpu.memory_space<vmem>>) semaphore(%arg15 : memref<!tpu.dma_semaphore, #tpu.memory_space<semaphore_mem>>)
        } else {
        }
      } else {
      }
    }
    %scan3A_46 = arith.constant 63 : i32
    return
  }
}

#map = affine_map<(d0, d1) -> (0, 0, 0, 0)>
#map1 = affine_map<(d0, d1) -> (0, 0)>
#map2 = affine_map<(d0, d1) -> (0, 0, 0)>
module attributes {stable_mosaic.version = 14 : i64} {
  func.func @_sc_count_body(%arg0: i32, %arg1: i32, %arg2: memref<2x16x125x40xi32, #tpu.memory_space<hbm>>, %arg3: memref<640x16xf32, #tpu.memory_space<hbm>>, %arg4: memref<40x16xf32, #tpu.memory_space<hbm>>, %arg5: memref<2x10240x16xf32, #tpu.memory_space<hbm>>, %arg6: memref<125x40xi32, #tpu.memory_space<vmem>>, %arg7: memref<40x16xf32, #tpu.memory_space<vmem>>, %arg8: memref<10240x16xf32, #tpu.memory_space<vmem_shared>>) attributes {dimension_semantics = [#tpu.dimension_semantics<core_parallel>, #tpu.dimension_semantics<subcore_parallel>], iteration_bounds = array<i64: 2, 16>, scalar_prefetch = 0 : i64, scratch_operands = 3 : i64, tpu.core_type = #tpu.core_type<sc_vector_subcore>, window_params = [{transform_indices = #map}, {transform_indices = #map1}, {transform_indices = #map1}, {transform_indices = #map2}]} {
    %mul3A = arith.constant 640 : i32
    %mul3A_0 = arith.muli %arg1, %mul3A : i32
    "tpu.region"() ({
      %run_scoped3A = tpu.sem_alloc : memref<!tpu.dma_semaphore, #tpu.memory_space<semaphore_mem>>
      %dma_start3A = arith.constant 0 : i32
      %dma_start3A_11 = tpu.memref_slice %arg8[%mul3A_0, %dma_start3A] : memref<10240x16xf32, #tpu.memory_space<vmem_shared>> -> memref<640x16xf32, #tpu.memory_space<vmem_shared>>
      tpu.enqueue_dma source(%arg3 : memref<640x16xf32, #tpu.memory_space<hbm>>) target(%dma_start3A_11 : memref<640x16xf32, #tpu.memory_space<vmem_shared>>) target_semaphore(%run_scoped3A : memref<!tpu.dma_semaphore, #tpu.memory_space<semaphore_mem>>)
      %dma_wait3A = arith.constant 0 : i32
      %dma_wait3A_12 = tpu.memref_slice %arg8[%mul3A_0, %dma_wait3A] : memref<10240x16xf32, #tpu.memory_space<vmem_shared>> -> memref<640x16xf32, #tpu.memory_space<vmem_shared>>
      tpu.wait_dma2 semaphore(%run_scoped3A : memref<!tpu.dma_semaphore, #tpu.memory_space<semaphore_mem>>) src(%arg3 : memref<640x16xf32, #tpu.memory_space<hbm>>) dst(%dma_wait3A_12 : memref<640x16xf32, #tpu.memory_space<vmem_shared>>)
      tpu.yield
    }) : () -> ()
    "tpu.region"() ({
      %run_scoped3A = tpu.sem_alloc : memref<!tpu.dma_semaphore, #tpu.memory_space<semaphore_mem>>
      %dma_start3A = arith.constant 0 : i32
      %dma_start3A_11 = arith.constant 0 : i32
      %dma_start3A_12 = tpu.memref_slice %arg2[%arg0, %arg1, %dma_start3A, %dma_start3A_11] : memref<2x16x125x40xi32, #tpu.memory_space<hbm>> -> memref<1x1x125x40xi32, #tpu.memory_space<hbm>>
      %dma_start3A_13 = tpu.memref_squeeze %dma_start3A_12 : memref<1x1x125x40xi32, #tpu.memory_space<hbm>> -> memref<125x40xi32, #tpu.memory_space<hbm>>
      %dma_start3A_14 = arith.constant 0 : i32
      %dma_start3A_15 = arith.constant 0 : i32
      %dma_start3A_16 = tpu.memref_slice %arg2[%arg0, %arg1, %dma_start3A_14, %dma_start3A_15] : memref<2x16x125x40xi32, #tpu.memory_space<hbm>> -> memref<1x1x125x40xi32, #tpu.memory_space<hbm>>
      %dma_start3A_17 = tpu.memref_squeeze %dma_start3A_16 : memref<1x1x125x40xi32, #tpu.memory_space<hbm>> -> memref<125x40xi32, #tpu.memory_space<hbm>>
      tpu.enqueue_dma source(%dma_start3A_17 : memref<125x40xi32, #tpu.memory_space<hbm>>) target(%arg6 : memref<125x40xi32, #tpu.memory_space<vmem>>) target_semaphore(%run_scoped3A : memref<!tpu.dma_semaphore, #tpu.memory_space<semaphore_mem>>)
      %dma_wait3A = arith.constant 0 : i32
      %dma_wait3A_18 = arith.constant 0 : i32
      %dma_wait3A_19 = tpu.memref_slice %arg2[%arg0, %arg1, %dma_wait3A, %dma_wait3A_18] : memref<2x16x125x40xi32, #tpu.memory_space<hbm>> -> memref<1x1x125x40xi32, #tpu.memory_space<hbm>>
      %dma_wait3A_20 = tpu.memref_squeeze %dma_wait3A_19 : memref<1x1x125x40xi32, #tpu.memory_space<hbm>> -> memref<125x40xi32, #tpu.memory_space<hbm>>
      %dma_wait3A_21 = arith.constant 0 : i32
      %dma_wait3A_22 = arith.constant 0 : i32
      %dma_wait3A_23 = tpu.memref_slice %arg2[%arg0, %arg1, %dma_wait3A_21, %dma_wait3A_22] : memref<2x16x125x40xi32, #tpu.memory_space<hbm>> -> memref<1x1x125x40xi32, #tpu.memory_space<hbm>>
      %dma_wait3A_24 = tpu.memref_squeeze %dma_wait3A_23 : memref<1x1x125x40xi32, #tpu.memory_space<hbm>> -> memref<125x40xi32, #tpu.memory_space<hbm>>
      tpu.wait_dma2 semaphore(%run_scoped3A : memref<!tpu.dma_semaphore, #tpu.memory_space<semaphore_mem>>) src(%dma_wait3A_24 : memref<125x40xi32, #tpu.memory_space<hbm>>) dst(%arg6 : memref<125x40xi32, #tpu.memory_space<vmem>>)
      tpu.yield
    }) : () -> ()
    "tpu.region"() ({
      %run_scoped3A = tpu.sem_alloc : memref<!tpu.dma_semaphore, #tpu.memory_space<semaphore_mem>>
      tpu.enqueue_dma source(%arg4 : memref<40x16xf32, #tpu.memory_space<hbm>>) target(%arg7 : memref<40x16xf32, #tpu.memory_space<vmem>>) target_semaphore(%run_scoped3A : memref<!tpu.dma_semaphore, #tpu.memory_space<semaphore_mem>>)
      tpu.wait_dma2 semaphore(%run_scoped3A : memref<!tpu.dma_semaphore, #tpu.memory_space<semaphore_mem>>) src(%arg4 : memref<40x16xf32, #tpu.memory_space<hbm>>) dst(%arg7 : memref<40x16xf32, #tpu.memory_space<vmem>>)
      tpu.yield
    }) : () -> ()
    %barrier3A = arith.constant 0 : index
    tpu.barrier barrier_id(%barrier3A)
    %scan3A = arith.constant 0 : i32
    %scan3A_1 = arith.constant 0 : i32
    %scan3A_2 = arith.constant 125 : i32
    %scan3A_3 = arith.addi %scan3A_1, %scan3A_2 : i32
    %scan3A_4 = arith.constant 1 : i32
    scf.for %scan3A_11 = %scan3A_1 to %scan3A_3 step %scan3A_4  : i32 {
      "tpu.region"() ({
        %run_scoped3A = tpu.sem_alloc : memref<!tpu.dma_semaphore, #tpu.memory_space<semaphore_mem>>
        %dma_start3A = arith.constant 0 : i32
        %dma_start3A_12 = tpu.memref_slice %arg6[%scan3A_11, %dma_start3A] : memref<125x40xi32, #tpu.memory_space<vmem>> -> memref<1x40xi32, #tpu.memory_space<vmem>>
        %dma_start3A_13 = tpu.memref_squeeze %dma_start3A_12 : memref<1x40xi32, #tpu.memory_space<vmem>> -> memref<40xi32, #tpu.memory_space<vmem>>
        %dma_start3A_14 = arith.constant 0 : i32
        %dma_start3A_15 = arith.constant 0 : i32
        %dma_start3A_16 = tpu.memref_slice %arg8[%dma_start3A_14, %dma_start3A_15] : memref<10240x16xf32, #tpu.memory_space<vmem_shared>> -> memref<10240x16xf32, #tpu.memory_space<vmem_shared>>
        tpu.enqueue_indirect_dma source(%arg7 : memref<40x16xf32, #tpu.memory_space<vmem>>) target(%dma_start3A_16 : memref<10240x16xf32, #tpu.memory_space<vmem_shared>>) offsets(%dma_start3A_13 : memref<40xi32, #tpu.memory_space<vmem>>) semaphore(%run_scoped3A : memref<!tpu.dma_semaphore, #tpu.memory_space<semaphore_mem>>) {add = true}
        %dma_wait3A = arith.constant 0 : i32
        %dma_wait3A_17 = tpu.memref_slice %arg6[%scan3A_11, %dma_wait3A] : memref<125x40xi32, #tpu.memory_space<vmem>> -> memref<1x40xi32, #tpu.memory_space<vmem>>
        %dma_wait3A_18 = tpu.memref_squeeze %dma_wait3A_17 : memref<1x40xi32, #tpu.memory_space<vmem>> -> memref<40xi32, #tpu.memory_space<vmem>>
        %dma_wait3A_19 = arith.constant 0 : i32
        %dma_wait3A_20 = arith.constant 0 : i32
        %dma_wait3A_21 = tpu.memref_slice %arg8[%dma_wait3A_19, %dma_wait3A_20] : memref<10240x16xf32, #tpu.memory_space<vmem_shared>> -> memref<10240x16xf32, #tpu.memory_space<vmem_shared>>
        tpu.wait_indirect_dma semaphore(%run_scoped3A : memref<!tpu.dma_semaphore, #tpu.memory_space<semaphore_mem>>) src(%arg7 : memref<40x16xf32, #tpu.memory_space<vmem>>) dst(%dma_wait3A_21 : memref<10240x16xf32, #tpu.memory_space<vmem_shared>>)
        tpu.yield
      }) : () -> ()
    }
    %scan3A_5 = arith.constant 125 : i32
    %barrier3A_6 = arith.constant 0 : index
    tpu.barrier barrier_id(%barrier3A_6)
    %mul3A_7 = arith.constant 640 : i32
    %mul3A_8 = arith.muli %arg1, %mul3A_7 : i32
    %mul3A_9 = arith.constant 640 : i32
    %mul3A_10 = arith.muli %arg1, %mul3A_9 : i32
    "tpu.region"() ({
      %run_scoped3A = tpu.sem_alloc : memref<!tpu.dma_semaphore, #tpu.memory_space<semaphore_mem>>
      %dma_start3A = arith.constant 0 : i32
      %dma_start3A_11 = tpu.memref_slice %arg5[%arg0, %mul3A_10, %dma_start3A] : memref<2x10240x16xf32, #tpu.memory_space<hbm>> -> memref<1x640x16xf32, #tpu.memory_space<hbm>>
      %dma_start3A_12 = tpu.memref_squeeze %dma_start3A_11 : memref<1x640x16xf32, #tpu.memory_space<hbm>> -> memref<640x16xf32, #tpu.memory_space<hbm>>
      %dma_start3A_13 = arith.constant 0 : i32
      %dma_start3A_14 = tpu.memref_slice %arg8[%mul3A_8, %dma_start3A_13] : memref<10240x16xf32, #tpu.memory_space<vmem_shared>> -> memref<640x16xf32, #tpu.memory_space<vmem_shared>>
      tpu.enqueue_dma source(%dma_start3A_14 : memref<640x16xf32, #tpu.memory_space<vmem_shared>>) target(%dma_start3A_12 : memref<640x16xf32, #tpu.memory_space<hbm>>) target_semaphore(%run_scoped3A : memref<!tpu.dma_semaphore, #tpu.memory_space<semaphore_mem>>)
      %dma_wait3A = arith.constant 0 : i32
      %dma_wait3A_15 = tpu.memref_slice %arg5[%arg0, %mul3A_10, %dma_wait3A] : memref<2x10240x16xf32, #tpu.memory_space<hbm>> -> memref<1x640x16xf32, #tpu.memory_space<hbm>>
      %dma_wait3A_16 = tpu.memref_squeeze %dma_wait3A_15 : memref<1x640x16xf32, #tpu.memory_space<hbm>> -> memref<640x16xf32, #tpu.memory_space<hbm>>
      %dma_wait3A_17 = arith.constant 0 : i32
      %dma_wait3A_18 = tpu.memref_slice %arg8[%mul3A_8, %dma_wait3A_17] : memref<10240x16xf32, #tpu.memory_space<vmem_shared>> -> memref<640x16xf32, #tpu.memory_space<vmem_shared>>
      tpu.wait_dma2 semaphore(%run_scoped3A : memref<!tpu.dma_semaphore, #tpu.memory_space<semaphore_mem>>) src(%dma_wait3A_18 : memref<640x16xf32, #tpu.memory_space<vmem_shared>>) dst(%dma_wait3A_16 : memref<640x16xf32, #tpu.memory_space<hbm>>)
      tpu.yield
    }) : () -> ()
    return
  }
}

#map = affine_map<(d0, d1) -> (0, 0)>
#map1 = affine_map<(d0, d1) -> (0)>
module attributes {stable_mosaic.version = 14 : i64} {
  func.func @_sc_gather_body(%arg0: i32, %arg1: i32, %arg2: memref<20480x128xi32, #tpu.memory_space<hbm>>, %arg3: memref<20480x128xi32, #tpu.memory_space<hbm>>, %arg4: memref<160000xi32, #tpu.memory_space<hbm>>, %arg5: memref<160000xi32, #tpu.memory_space<hbm>>, %arg6: memref<160000x128xi32, #tpu.memory_space<hbm>>, %arg7: memref<160000x128xi32, #tpu.memory_space<hbm>>, %arg8: memref<5000xi32, #tpu.memory_space<vmem>>, %arg9: memref<5000xi32, #tpu.memory_space<vmem>>, %arg10: memref<2x40x128xi32, #tpu.memory_space<vmem>>, %arg11: memref<2x40x128xi32, #tpu.memory_space<vmem>>, %arg12: memref<!tpu.dma_semaphore, #tpu.memory_space<semaphore_mem>>, %arg13: memref<!tpu.dma_semaphore, #tpu.memory_space<semaphore_mem>>, %arg14: memref<!tpu.dma_semaphore, #tpu.memory_space<semaphore_mem>>, %arg15: memref<!tpu.dma_semaphore, #tpu.memory_space<semaphore_mem>>) attributes {dimension_semantics = [#tpu.dimension_semantics<core_parallel>, #tpu.dimension_semantics<subcore_parallel>], iteration_bounds = array<i64: 2, 16>, scalar_prefetch = 0 : i64, scratch_operands = 8 : i64, tpu.core_type = #tpu.core_type<sc_vector_subcore>, window_params = [{transform_indices = #map}, {transform_indices = #map}, {transform_indices = #map1}, {transform_indices = #map1}, {transform_indices = #map}, {transform_indices = #map}]} {
    %mul3A = arith.constant 2 : i32
    %mul3A_0 = arith.muli %arg1, %mul3A : i32
    %add3A = arith.addi %mul3A_0, %arg0 : i32
    %mul3A_1 = arith.constant 5000 : i32
    %mul3A_2 = arith.muli %add3A, %mul3A_1 : i32
    "tpu.region"() ({
      %run_scoped3A = tpu.sem_alloc : memref<!tpu.dma_semaphore, #tpu.memory_space<semaphore_mem>>
      %dma_start3A_47 = tpu.memref_slice %arg4[%mul3A_2] : memref<160000xi32, #tpu.memory_space<hbm>> -> memref<5000xi32, #tpu.memory_space<hbm>>
      %dma_start3A_48 = tpu.memref_slice %arg4[%mul3A_2] : memref<160000xi32, #tpu.memory_space<hbm>> -> memref<5000xi32, #tpu.memory_space<hbm>>
      tpu.enqueue_dma source(%dma_start3A_48 : memref<5000xi32, #tpu.memory_space<hbm>>) target(%arg8 : memref<5000xi32, #tpu.memory_space<vmem>>) target_semaphore(%run_scoped3A : memref<!tpu.dma_semaphore, #tpu.memory_space<semaphore_mem>>)
      %dma_wait3A = tpu.memref_slice %arg4[%mul3A_2] : memref<160000xi32, #tpu.memory_space<hbm>> -> memref<5000xi32, #tpu.memory_space<hbm>>
      %dma_wait3A_49 = tpu.memref_slice %arg4[%mul3A_2] : memref<160000xi32, #tpu.memory_space<hbm>> -> memref<5000xi32, #tpu.memory_space<hbm>>
      tpu.wait_dma2 semaphore(%run_scoped3A : memref<!tpu.dma_semaphore, #tpu.memory_space<semaphore_mem>>) src(%dma_wait3A_49 : memref<5000xi32, #tpu.memory_space<hbm>>) dst(%arg8 : memref<5000xi32, #tpu.memory_space<vmem>>)
      tpu.yield
    }) : () -> ()
    "tpu.region"() ({
      %run_scoped3A = tpu.sem_alloc : memref<!tpu.dma_semaphore, #tpu.memory_space<semaphore_mem>>
      %dma_start3A_47 = tpu.memref_slice %arg5[%mul3A_2] : memref<160000xi32, #tpu.memory_space<hbm>> -> memref<5000xi32, #tpu.memory_space<hbm>>
      %dma_start3A_48 = tpu.memref_slice %arg5[%mul3A_2] : memref<160000xi32, #tpu.memory_space<hbm>> -> memref<5000xi32, #tpu.memory_space<hbm>>
      tpu.enqueue_dma source(%dma_start3A_48 : memref<5000xi32, #tpu.memory_space<hbm>>) target(%arg9 : memref<5000xi32, #tpu.memory_space<vmem>>) target_semaphore(%run_scoped3A : memref<!tpu.dma_semaphore, #tpu.memory_space<semaphore_mem>>)
      %dma_wait3A = tpu.memref_slice %arg5[%mul3A_2] : memref<160000xi32, #tpu.memory_space<hbm>> -> memref<5000xi32, #tpu.memory_space<hbm>>
      %dma_wait3A_49 = tpu.memref_slice %arg5[%mul3A_2] : memref<160000xi32, #tpu.memory_space<hbm>> -> memref<5000xi32, #tpu.memory_space<hbm>>
      tpu.wait_dma2 semaphore(%run_scoped3A : memref<!tpu.dma_semaphore, #tpu.memory_space<semaphore_mem>>) src(%dma_wait3A_49 : memref<5000xi32, #tpu.memory_space<hbm>>) dst(%arg9 : memref<5000xi32, #tpu.memory_space<vmem>>)
      tpu.yield
    }) : () -> ()
    %dma_start3A = arith.constant 0 : i32
    %dma_start3A_3 = arith.constant 0 : i32
    %dma_start3A_4 = arith.constant 0 : i32
    %dma_start3A_5 = tpu.memref_slice %arg10[%dma_start3A, %dma_start3A_3, %dma_start3A_4] : memref<2x40x128xi32, #tpu.memory_space<vmem>> -> memref<1x40x128xi32, #tpu.memory_space<vmem>>
    %dma_start3A_6 = tpu.memref_squeeze %dma_start3A_5 : memref<1x40x128xi32, #tpu.memory_space<vmem>> -> memref<40x128xi32, #tpu.memory_space<vmem>>
    %dma_start3A_7 = arith.constant 0 : i32
    %dma_start3A_8 = tpu.memref_slice %arg8[%dma_start3A_7] : memref<5000xi32, #tpu.memory_space<vmem>> -> memref<40xi32, #tpu.memory_space<vmem>>
    %dma_start3A_9 = arith.constant 0 : i32
    %dma_start3A_10 = arith.constant 0 : i32
    %dma_start3A_11 = tpu.memref_slice %arg2[%dma_start3A_9, %dma_start3A_10] : memref<20480x128xi32, #tpu.memory_space<hbm>> -> memref<20480x128xi32, #tpu.memory_space<hbm>>
    tpu.enqueue_indirect_dma source(%dma_start3A_11 : memref<20480x128xi32, #tpu.memory_space<hbm>>) target(%dma_start3A_6 : memref<40x128xi32, #tpu.memory_space<vmem>>) offsets(%dma_start3A_8 : memref<40xi32, #tpu.memory_space<vmem>>) semaphore(%arg12 : memref<!tpu.dma_semaphore, #tpu.memory_space<semaphore_mem>>)
    %dma_start3A_12 = arith.constant 0 : i32
    %dma_start3A_13 = arith.constant 0 : i32
    %dma_start3A_14 = arith.constant 0 : i32
    %dma_start3A_15 = tpu.memref_slice %arg11[%dma_start3A_12, %dma_start3A_13, %dma_start3A_14] : memref<2x40x128xi32, #tpu.memory_space<vmem>> -> memref<1x40x128xi32, #tpu.memory_space<vmem>>
    %dma_start3A_16 = tpu.memref_squeeze %dma_start3A_15 : memref<1x40x128xi32, #tpu.memory_space<vmem>> -> memref<40x128xi32, #tpu.memory_space<vmem>>
    %dma_start3A_17 = arith.constant 0 : i32
    %dma_start3A_18 = tpu.memref_slice %arg9[%dma_start3A_17] : memref<5000xi32, #tpu.memory_space<vmem>> -> memref<40xi32, #tpu.memory_space<vmem>>
    %dma_start3A_19 = arith.constant 0 : i32
    %dma_start3A_20 = arith.constant 0 : i32
    %dma_start3A_21 = tpu.memref_slice %arg3[%dma_start3A_19, %dma_start3A_20] : memref<20480x128xi32, #tpu.memory_space<hbm>> -> memref<20480x128xi32, #tpu.memory_space<hbm>>
    tpu.enqueue_indirect_dma source(%dma_start3A_21 : memref<20480x128xi32, #tpu.memory_space<hbm>>) target(%dma_start3A_16 : memref<40x128xi32, #tpu.memory_space<vmem>>) offsets(%dma_start3A_18 : memref<40xi32, #tpu.memory_space<vmem>>) semaphore(%arg14 : memref<!tpu.dma_semaphore, #tpu.memory_space<semaphore_mem>>)
    %dma_start3A_22 = arith.constant 1 : i32
    %dma_start3A_23 = arith.constant 0 : i32
    %dma_start3A_24 = arith.constant 0 : i32
    %dma_start3A_25 = tpu.memref_slice %arg10[%dma_start3A_22, %dma_start3A_23, %dma_start3A_24] : memref<2x40x128xi32, #tpu.memory_space<vmem>> -> memref<1x40x128xi32, #tpu.memory_space<vmem>>
    %dma_start3A_26 = tpu.memref_squeeze %dma_start3A_25 : memref<1x40x128xi32, #tpu.memory_space<vmem>> -> memref<40x128xi32, #tpu.memory_space<vmem>>
    %dma_start3A_27 = arith.constant 40 : i32
    %dma_start3A_28 = tpu.memref_slice %arg8[%dma_start3A_27] : memref<5000xi32, #tpu.memory_space<vmem>> -> memref<40xi32, #tpu.memory_space<vmem>>
    %dma_start3A_29 = arith.constant 0 : i32
    %dma_start3A_30 = arith.constant 0 : i32
    %dma_start3A_31 = tpu.memref_slice %arg2[%dma_start3A_29, %dma_start3A_30] : memref<20480x128xi32, #tpu.memory_space<hbm>> -> memref<20480x128xi32, #tpu.memory_space<hbm>>
    tpu.enqueue_indirect_dma source(%dma_start3A_31 : memref<20480x128xi32, #tpu.memory_space<hbm>>) target(%dma_start3A_26 : memref<40x128xi32, #tpu.memory_space<vmem>>) offsets(%dma_start3A_28 : memref<40xi32, #tpu.memory_space<vmem>>) semaphore(%arg13 : memref<!tpu.dma_semaphore, #tpu.memory_space<semaphore_mem>>)
    %dma_start3A_32 = arith.constant 1 : i32
    %dma_start3A_33 = arith.constant 0 : i32
    %dma_start3A_34 = arith.constant 0 : i32
    %dma_start3A_35 = tpu.memref_slice %arg11[%dma_start3A_32, %dma_start3A_33, %dma_start3A_34] : memref<2x40x128xi32, #tpu.memory_space<vmem>> -> memref<1x40x128xi32, #tpu.memory_space<vmem>>
    %dma_start3A_36 = tpu.memref_squeeze %dma_start3A_35 : memref<1x40x128xi32, #tpu.memory_space<vmem>> -> memref<40x128xi32, #tpu.memory_space<vmem>>
    %dma_start3A_37 = arith.constant 40 : i32
    %dma_start3A_38 = tpu.memref_slice %arg9[%dma_start3A_37] : memref<5000xi32, #tpu.memory_space<vmem>> -> memref<40xi32, #tpu.memory_space<vmem>>
    %dma_start3A_39 = arith.constant 0 : i32
    %dma_start3A_40 = arith.constant 0 : i32
    %dma_start3A_41 = tpu.memref_slice %arg3[%dma_start3A_39, %dma_start3A_40] : memref<20480x128xi32, #tpu.memory_space<hbm>> -> memref<20480x128xi32, #tpu.memory_space<hbm>>
    tpu.enqueue_indirect_dma source(%dma_start3A_41 : memref<20480x128xi32, #tpu.memory_space<hbm>>) target(%dma_start3A_36 : memref<40x128xi32, #tpu.memory_space<vmem>>) offsets(%dma_start3A_38 : memref<40xi32, #tpu.memory_space<vmem>>) semaphore(%arg15 : memref<!tpu.dma_semaphore, #tpu.memory_space<semaphore_mem>>)
    %scan3A = arith.constant 0 : i32
    %scan3A_42 = arith.constant 0 : i32
    %scan3A_43 = arith.constant 63 : i32
    %scan3A_44 = arith.addi %scan3A_42, %scan3A_43 : i32
    %scan3A_45 = arith.constant 1 : i32
    scf.for %scan3A_47 = %scan3A_42 to %scan3A_44 step %scan3A_45  : i32 {
      %mul3A_48 = arith.constant 2 : i32
      %mul3A_49 = arith.muli %scan3A_47, %mul3A_48 : i32
      %add3A_50 = arith.constant 0 : i32
      %add3A_51 = arith.addi %mul3A_49, %add3A_50 : i32
      %lt3A = arith.constant 125 : i32
      %lt3A_52 = arith.cmpi slt, %add3A_51, %lt3A : i32
      %convert_element_type3A = arith.extui %lt3A_52 : i1 to i32
      %cond3A = arith.constant 0 : i32
      %cond3A_53 = arith.cmpi ne, %convert_element_type3A, %cond3A : i32
      scf.if %cond3A_53 {
        %mul3A_63 = arith.constant 40 : i32
        %mul3A_64 = arith.muli %add3A_51, %mul3A_63 : i32
        %dma_wait3A = arith.constant 0 : i32
        %dma_wait3A_65 = arith.constant 0 : i32
        %dma_wait3A_66 = arith.constant 0 : i32
        %dma_wait3A_67 = tpu.memref_slice %arg10[%dma_wait3A, %dma_wait3A_65, %dma_wait3A_66] : memref<2x40x128xi32, #tpu.memory_space<vmem>> -> memref<1x40x128xi32, #tpu.memory_space<vmem>>
        %dma_wait3A_68 = tpu.memref_squeeze %dma_wait3A_67 : memref<1x40x128xi32, #tpu.memory_space<vmem>> -> memref<40x128xi32, #tpu.memory_space<vmem>>
        %dma_wait3A_69 = tpu.memref_slice %arg8[%mul3A_64] : memref<5000xi32, #tpu.memory_space<vmem>> -> memref<40xi32, #tpu.memory_space<vmem>>
        %dma_wait3A_70 = arith.constant 0 : i32
        %dma_wait3A_71 = arith.constant 0 : i32
        %dma_wait3A_72 = tpu.memref_slice %arg2[%dma_wait3A_70, %dma_wait3A_71] : memref<20480x128xi32, #tpu.memory_space<hbm>> -> memref<20480x128xi32, #tpu.memory_space<hbm>>
        tpu.wait_indirect_dma semaphore(%arg12 : memref<!tpu.dma_semaphore, #tpu.memory_space<semaphore_mem>>) src(%dma_wait3A_72 : memref<20480x128xi32, #tpu.memory_space<hbm>>) dst(%dma_wait3A_68 : memref<40x128xi32, #tpu.memory_space<vmem>>)
        %dma_wait3A_73 = arith.constant 0 : i32
        %dma_wait3A_74 = arith.constant 0 : i32
        %dma_wait3A_75 = arith.constant 0 : i32
        %dma_wait3A_76 = tpu.memref_slice %arg11[%dma_wait3A_73, %dma_wait3A_74, %dma_wait3A_75] : memref<2x40x128xi32, #tpu.memory_space<vmem>> -> memref<1x40x128xi32, #tpu.memory_space<vmem>>
        %dma_wait3A_77 = tpu.memref_squeeze %dma_wait3A_76 : memref<1x40x128xi32, #tpu.memory_space<vmem>> -> memref<40x128xi32, #tpu.memory_space<vmem>>
        %dma_wait3A_78 = tpu.memref_slice %arg9[%mul3A_64] : memref<5000xi32, #tpu.memory_space<vmem>> -> memref<40xi32, #tpu.memory_space<vmem>>
        %dma_wait3A_79 = arith.constant 0 : i32
        %dma_wait3A_80 = arith.constant 0 : i32
        %dma_wait3A_81 = tpu.memref_slice %arg3[%dma_wait3A_79, %dma_wait3A_80] : memref<20480x128xi32, #tpu.memory_space<hbm>> -> memref<20480x128xi32, #tpu.memory_space<hbm>>
        tpu.wait_indirect_dma semaphore(%arg14 : memref<!tpu.dma_semaphore, #tpu.memory_space<semaphore_mem>>) src(%dma_wait3A_81 : memref<20480x128xi32, #tpu.memory_space<hbm>>) dst(%dma_wait3A_77 : memref<40x128xi32, #tpu.memory_space<vmem>>)
        %add3A_82 = arith.addi %mul3A_2, %mul3A_64 : i32
        %run_scoped3A = arith.constant 0 : i32
        "tpu.region"() ({
          %run_scoped3A_92 = tpu.sem_alloc : memref<!tpu.dma_semaphore, #tpu.memory_space<semaphore_mem>>
          %dma_start3A_93 = arith.constant 0 : i32
          %dma_start3A_94 = arith.constant 0 : i32
          %dma_start3A_95 = tpu.memref_slice %arg10[%run_scoped3A, %dma_start3A_93, %dma_start3A_94] : memref<2x40x128xi32, #tpu.memory_space<vmem>> -> memref<1x40x128xi32, #tpu.memory_space<vmem>>
          %dma_start3A_96 = tpu.memref_squeeze %dma_start3A_95 : memref<1x40x128xi32, #tpu.memory_space<vmem>> -> memref<40x128xi32, #tpu.memory_space<vmem>>
          %dma_start3A_97 = arith.constant 0 : i32
          %dma_start3A_98 = tpu.memref_slice %arg6[%add3A_82, %dma_start3A_97] : memref<160000x128xi32, #tpu.memory_space<hbm>> -> memref<40x128xi32, #tpu.memory_space<hbm>>
          %dma_start3A_99 = arith.constant 0 : i32
          %dma_start3A_100 = tpu.memref_slice %arg6[%add3A_82, %dma_start3A_99] : memref<160000x128xi32, #tpu.memory_space<hbm>> -> memref<40x128xi32, #tpu.memory_space<hbm>>
          %dma_start3A_101 = arith.constant 0 : i32
          %dma_start3A_102 = arith.constant 0 : i32
          %dma_start3A_103 = tpu.memref_slice %arg10[%run_scoped3A, %dma_start3A_101, %dma_start3A_102] : memref<2x40x128xi32, #tpu.memory_space<vmem>> -> memref<1x40x128xi32, #tpu.memory_space<vmem>>
          %dma_start3A_104 = tpu.memref_squeeze %dma_start3A_103 : memref<1x40x128xi32, #tpu.memory_space<vmem>> -> memref<40x128xi32, #tpu.memory_space<vmem>>
          tpu.enqueue_dma source(%dma_start3A_104 : memref<40x128xi32, #tpu.memory_space<vmem>>) target(%dma_start3A_100 : memref<40x128xi32, #tpu.memory_space<hbm>>) target_semaphore(%run_scoped3A_92 : memref<!tpu.dma_semaphore, #tpu.memory_space<semaphore_mem>>)
          %dma_wait3A_105 = arith.constant 0 : i32
          %dma_wait3A_106 = arith.constant 0 : i32
          %dma_wait3A_107 = tpu.memref_slice %arg10[%run_scoped3A, %dma_wait3A_105, %dma_wait3A_106] : memref<2x40x128xi32, #tpu.memory_space<vmem>> -> memref<1x40x128xi32, #tpu.memory_space<vmem>>
          %dma_wait3A_108 = tpu.memref_squeeze %dma_wait3A_107 : memref<1x40x128xi32, #tpu.memory_space<vmem>> -> memref<40x128xi32, #tpu.memory_space<vmem>>
          %dma_wait3A_109 = arith.constant 0 : i32
          %dma_wait3A_110 = tpu.memref_slice %arg6[%add3A_82, %dma_wait3A_109] : memref<160000x128xi32, #tpu.memory_space<hbm>> -> memref<40x128xi32, #tpu.memory_space<hbm>>
          %dma_wait3A_111 = arith.constant 0 : i32
          %dma_wait3A_112 = tpu.memref_slice %arg6[%add3A_82, %dma_wait3A_111] : memref<160000x128xi32, #tpu.memory_space<hbm>> -> memref<40x128xi32, #tpu.memory_space<hbm>>
          %dma_wait3A_113 = arith.constant 0 : i32
          %dma_wait3A_114 = arith.constant 0 : i32
          %dma_wait3A_115 = tpu.memref_slice %arg10[%run_scoped3A, %dma_wait3A_113, %dma_wait3A_114] : memref<2x40x128xi32, #tpu.memory_space<vmem>> -> memref<1x40x128xi32, #tpu.memory_space<vmem>>
          %dma_wait3A_116 = tpu.memref_squeeze %dma_wait3A_115 : memref<1x40x128xi32, #tpu.memory_space<vmem>> -> memref<40x128xi32, #tpu.memory_space<vmem>>
          tpu.wait_dma2 semaphore(%run_scoped3A_92 : memref<!tpu.dma_semaphore, #tpu.memory_space<semaphore_mem>>) src(%dma_wait3A_116 : memref<40x128xi32, #tpu.memory_space<vmem>>) dst(%dma_wait3A_112 : memref<40x128xi32, #tpu.memory_space<hbm>>)
          tpu.yield
        }) : () -> ()
        %add3A_83 = arith.addi %mul3A_2, %mul3A_64 : i32
        %run_scoped3A_84 = arith.constant 0 : i32
        "tpu.region"() ({
          %run_scoped3A_92 = tpu.sem_alloc : memref<!tpu.dma_semaphore, #tpu.memory_space<semaphore_mem>>
          %dma_start3A_93 = arith.constant 0 : i32
          %dma_start3A_94 = arith.constant 0 : i32
          %dma_start3A_95 = tpu.memref_slice %arg11[%run_scoped3A_84, %dma_start3A_93, %dma_start3A_94] : memref<2x40x128xi32, #tpu.memory_space<vmem>> -> memref<1x40x128xi32, #tpu.memory_space<vmem>>
          %dma_start3A_96 = tpu.memref_squeeze %dma_start3A_95 : memref<1x40x128xi32, #tpu.memory_space<vmem>> -> memref<40x128xi32, #tpu.memory_space<vmem>>
          %dma_start3A_97 = arith.constant 0 : i32
          %dma_start3A_98 = tpu.memref_slice %arg7[%add3A_83, %dma_start3A_97] : memref<160000x128xi32, #tpu.memory_space<hbm>> -> memref<40x128xi32, #tpu.memory_space<hbm>>
          %dma_start3A_99 = arith.constant 0 : i32
          %dma_start3A_100 = tpu.memref_slice %arg7[%add3A_83, %dma_start3A_99] : memref<160000x128xi32, #tpu.memory_space<hbm>> -> memref<40x128xi32, #tpu.memory_space<hbm>>
          %dma_start3A_101 = arith.constant 0 : i32
          %dma_start3A_102 = arith.constant 0 : i32
          %dma_start3A_103 = tpu.memref_slice %arg11[%run_scoped3A_84, %dma_start3A_101, %dma_start3A_102] : memref<2x40x128xi32, #tpu.memory_space<vmem>> -> memref<1x40x128xi32, #tpu.memory_space<vmem>>
          %dma_start3A_104 = tpu.memref_squeeze %dma_start3A_103 : memref<1x40x128xi32, #tpu.memory_space<vmem>> -> memref<40x128xi32, #tpu.memory_space<vmem>>
          tpu.enqueue_dma source(%dma_start3A_104 : memref<40x128xi32, #tpu.memory_space<vmem>>) target(%dma_start3A_100 : memref<40x128xi32, #tpu.memory_space<hbm>>) target_semaphore(%run_scoped3A_92 : memref<!tpu.dma_semaphore, #tpu.memory_space<semaphore_mem>>)
          %dma_wait3A_105 = arith.constant 0 : i32
          %dma_wait3A_106 = arith.constant 0 : i32
          %dma_wait3A_107 = tpu.memref_slice %arg11[%run_scoped3A_84, %dma_wait3A_105, %dma_wait3A_106] : memref<2x40x128xi32, #tpu.memory_space<vmem>> -> memref<1x40x128xi32, #tpu.memory_space<vmem>>
          %dma_wait3A_108 = tpu.memref_squeeze %dma_wait3A_107 : memref<1x40x128xi32, #tpu.memory_space<vmem>> -> memref<40x128xi32, #tpu.memory_space<vmem>>
          %dma_wait3A_109 = arith.constant 0 : i32
          %dma_wait3A_110 = tpu.memref_slice %arg7[%add3A_83, %dma_wait3A_109] : memref<160000x128xi32, #tpu.memory_space<hbm>> -> memref<40x128xi32, #tpu.memory_space<hbm>>
          %dma_wait3A_111 = arith.constant 0 : i32
          %dma_wait3A_112 = tpu.memref_slice %arg7[%add3A_83, %dma_wait3A_111] : memref<160000x128xi32, #tpu.memory_space<hbm>> -> memref<40x128xi32, #tpu.memory_space<hbm>>
          %dma_wait3A_113 = arith.constant 0 : i32
          %dma_wait3A_114 = arith.constant 0 : i32
          %dma_wait3A_115 = tpu.memref_slice %arg11[%run_scoped3A_84, %dma_wait3A_113, %dma_wait3A_114] : memref<2x40x128xi32, #tpu.memory_space<vmem>> -> memref<1x40x128xi32, #tpu.memory_space<vmem>>
          %dma_wait3A_116 = tpu.memref_squeeze %dma_wait3A_115 : memref<1x40x128xi32, #tpu.memory_space<vmem>> -> memref<40x128xi32, #tpu.memory_space<vmem>>
          tpu.wait_dma2 semaphore(%run_scoped3A_92 : memref<!tpu.dma_semaphore, #tpu.memory_space<semaphore_mem>>) src(%dma_wait3A_116 : memref<40x128xi32, #tpu.memory_space<vmem>>) dst(%dma_wait3A_112 : memref<40x128xi32, #tpu.memory_space<hbm>>)
          tpu.yield
        }) : () -> ()
        %add3A_85 = arith.constant 2 : i32
        %add3A_86 = arith.addi %add3A_51, %add3A_85 : i32
        %lt3A_87 = arith.constant 125 : i32
        %lt3A_88 = arith.cmpi slt, %add3A_86, %lt3A_87 : i32
        %convert_element_type3A_89 = arith.extui %lt3A_88 : i1 to i32
        %cond3A_90 = arith.constant 0 : i32
        %cond3A_91 = arith.cmpi ne, %convert_element_type3A_89, %cond3A_90 : i32
        scf.if %cond3A_91 {
          %add3A_92 = arith.constant 2 : i32
          %add3A_93 = arith.addi %add3A_51, %add3A_92 : i32
          %mul3A_94 = arith.constant 40 : i32
          %mul3A_95 = arith.muli %add3A_93, %mul3A_94 : i32
          %dma_start3A_96 = arith.constant 0 : i32
          %dma_start3A_97 = arith.constant 0 : i32
          %dma_start3A_98 = arith.constant 0 : i32
          %dma_start3A_99 = tpu.memref_slice %arg10[%dma_start3A_96, %dma_start3A_97, %dma_start3A_98] : memref<2x40x128xi32, #tpu.memory_space<vmem>> -> memref<1x40x128xi32, #tpu.memory_space<vmem>>
          %dma_start3A_100 = tpu.memref_squeeze %dma_start3A_99 : memref<1x40x128xi32, #tpu.memory_space<vmem>> -> memref<40x128xi32, #tpu.memory_space<vmem>>
          %dma_start3A_101 = tpu.memref_slice %arg8[%mul3A_95] : memref<5000xi32, #tpu.memory_space<vmem>> -> memref<40xi32, #tpu.memory_space<vmem>>
          %dma_start3A_102 = arith.constant 0 : i32
          %dma_start3A_103 = arith.constant 0 : i32
          %dma_start3A_104 = tpu.memref_slice %arg2[%dma_start3A_102, %dma_start3A_103] : memref<20480x128xi32, #tpu.memory_space<hbm>> -> memref<20480x128xi32, #tpu.memory_space<hbm>>
          tpu.enqueue_indirect_dma source(%dma_start3A_104 : memref<20480x128xi32, #tpu.memory_space<hbm>>) target(%dma_start3A_100 : memref<40x128xi32, #tpu.memory_space<vmem>>) offsets(%dma_start3A_101 : memref<40xi32, #tpu.memory_space<vmem>>) semaphore(%arg12 : memref<!tpu.dma_semaphore, #tpu.memory_space<semaphore_mem>>)
          %dma_start3A_105 = arith.constant 0 : i32
          %dma_start3A_106 = arith.constant 0 : i32
          %dma_start3A_107 = arith.constant 0 : i32
          %dma_start3A_108 = tpu.memref_slice %arg11[%dma_start3A_105, %dma_start3A_106, %dma_start3A_107] : memref<2x40x128xi32, #tpu.memory_space<vmem>> -> memref<1x40x128xi32, #tpu.memory_space<vmem>>
          %dma_start3A_109 = tpu.memref_squeeze %dma_start3A_108 : memref<1x40x128xi32, #tpu.memory_space<vmem>> -> memref<40x128xi32, #tpu.memory_space<vmem>>
          %dma_start3A_110 = tpu.memref_slice %arg9[%mul3A_95] : memref<5000xi32, #tpu.memory_space<vmem>> -> memref<40xi32, #tpu.memory_space<vmem>>
          %dma_start3A_111 = arith.constant 0 : i32
          %dma_start3A_112 = arith.constant 0 : i32
          %dma_start3A_113 = tpu.memref_slice %arg3[%dma_start3A_111, %dma_start3A_112] : memref<20480x128xi32, #tpu.memory_space<hbm>> -> memref<20480x128xi32, #tpu.memory_space<hbm>>
          tpu.enqueue_indirect_dma source(%dma_start3A_113 : memref<20480x128xi32, #tpu.memory_space<hbm>>) target(%dma_start3A_109 : memref<40x128xi32, #tpu.memory_space<vmem>>) offsets(%dma_start3A_110 : memref<40xi32, #tpu.memory_space<vmem>>) semaphore(%arg14 : memref<!tpu.dma_semaphore, #tpu.memory_space<semaphore_mem>>)
        } else {
        }
      } else {
      }
      %mul3A_54 = arith.constant 2 : i32
      %mul3A_55 = arith.muli %scan3A_47, %mul3A_54 : i32
      %add3A_56 = arith.constant 1 : i32
      %add3A_57 = arith.addi %mul3A_55, %add3A_56 : i32
      %lt3A_58 = arith.constant 125 : i32
      %lt3A_59 = arith.cmpi slt, %add3A_57, %lt3A_58 : i32
      %convert_element_type3A_60 = arith.extui %lt3A_59 : i1 to i32
      %cond3A_61 = arith.constant 0 : i32
      %cond3A_62 = arith.cmpi ne, %convert_element_type3A_60, %cond3A_61 : i32
      scf.if %cond3A_62 {
        %mul3A_63 = arith.constant 40 : i32
        %mul3A_64 = arith.muli %add3A_57, %mul3A_63 : i32
        %dma_wait3A = arith.constant 1 : i32
        %dma_wait3A_65 = arith.constant 0 : i32
        %dma_wait3A_66 = arith.constant 0 : i32
        %dma_wait3A_67 = tpu.memref_slice %arg10[%dma_wait3A, %dma_wait3A_65, %dma_wait3A_66] : memref<2x40x128xi32, #tpu.memory_space<vmem>> -> memref<1x40x128xi32, #tpu.memory_space<vmem>>
        %dma_wait3A_68 = tpu.memref_squeeze %dma_wait3A_67 : memref<1x40x128xi32, #tpu.memory_space<vmem>> -> memref<40x128xi32, #tpu.memory_space<vmem>>
        %dma_wait3A_69 = tpu.memref_slice %arg8[%mul3A_64] : memref<5000xi32, #tpu.memory_space<vmem>> -> memref<40xi32, #tpu.memory_space<vmem>>
        %dma_wait3A_70 = arith.constant 0 : i32
        %dma_wait3A_71 = arith.constant 0 : i32
        %dma_wait3A_72 = tpu.memref_slice %arg2[%dma_wait3A_70, %dma_wait3A_71] : memref<20480x128xi32, #tpu.memory_space<hbm>> -> memref<20480x128xi32, #tpu.memory_space<hbm>>
        tpu.wait_indirect_dma semaphore(%arg13 : memref<!tpu.dma_semaphore, #tpu.memory_space<semaphore_mem>>) src(%dma_wait3A_72 : memref<20480x128xi32, #tpu.memory_space<hbm>>) dst(%dma_wait3A_68 : memref<40x128xi32, #tpu.memory_space<vmem>>)
        %dma_wait3A_73 = arith.constant 1 : i32
        %dma_wait3A_74 = arith.constant 0 : i32
        %dma_wait3A_75 = arith.constant 0 : i32
        %dma_wait3A_76 = tpu.memref_slice %arg11[%dma_wait3A_73, %dma_wait3A_74, %dma_wait3A_75] : memref<2x40x128xi32, #tpu.memory_space<vmem>> -> memref<1x40x128xi32, #tpu.memory_space<vmem>>
        %dma_wait3A_77 = tpu.memref_squeeze %dma_wait3A_76 : memref<1x40x128xi32, #tpu.memory_space<vmem>> -> memref<40x128xi32, #tpu.memory_space<vmem>>
        %dma_wait3A_78 = tpu.memref_slice %arg9[%mul3A_64] : memref<5000xi32, #tpu.memory_space<vmem>> -> memref<40xi32, #tpu.memory_space<vmem>>
        %dma_wait3A_79 = arith.constant 0 : i32
        %dma_wait3A_80 = arith.constant 0 : i32
        %dma_wait3A_81 = tpu.memref_slice %arg3[%dma_wait3A_79, %dma_wait3A_80] : memref<20480x128xi32, #tpu.memory_space<hbm>> -> memref<20480x128xi32, #tpu.memory_space<hbm>>
        tpu.wait_indirect_dma semaphore(%arg15 : memref<!tpu.dma_semaphore, #tpu.memory_space<semaphore_mem>>) src(%dma_wait3A_81 : memref<20480x128xi32, #tpu.memory_space<hbm>>) dst(%dma_wait3A_77 : memref<40x128xi32, #tpu.memory_space<vmem>>)
        %add3A_82 = arith.addi %mul3A_2, %mul3A_64 : i32
        %run_scoped3A = arith.constant 1 : i32
        "tpu.region"() ({
          %run_scoped3A_92 = tpu.sem_alloc : memref<!tpu.dma_semaphore, #tpu.memory_space<semaphore_mem>>
          %dma_start3A_93 = arith.constant 0 : i32
          %dma_start3A_94 = arith.constant 0 : i32
          %dma_start3A_95 = tpu.memref_slice %arg10[%run_scoped3A, %dma_start3A_93, %dma_start3A_94] : memref<2x40x128xi32, #tpu.memory_space<vmem>> -> memref<1x40x128xi32, #tpu.memory_space<vmem>>
          %dma_start3A_96 = tpu.memref_squeeze %dma_start3A_95 : memref<1x40x128xi32, #tpu.memory_space<vmem>> -> memref<40x128xi32, #tpu.memory_space<vmem>>
          %dma_start3A_97 = arith.constant 0 : i32
          %dma_start3A_98 = tpu.memref_slice %arg6[%add3A_82, %dma_start3A_97] : memref<160000x128xi32, #tpu.memory_space<hbm>> -> memref<40x128xi32, #tpu.memory_space<hbm>>
          %dma_start3A_99 = arith.constant 0 : i32
          %dma_start3A_100 = tpu.memref_slice %arg6[%add3A_82, %dma_start3A_99] : memref<160000x128xi32, #tpu.memory_space<hbm>> -> memref<40x128xi32, #tpu.memory_space<hbm>>
          %dma_start3A_101 = arith.constant 0 : i32
          %dma_start3A_102 = arith.constant 0 : i32
          %dma_start3A_103 = tpu.memref_slice %arg10[%run_scoped3A, %dma_start3A_101, %dma_start3A_102] : memref<2x40x128xi32, #tpu.memory_space<vmem>> -> memref<1x40x128xi32, #tpu.memory_space<vmem>>
          %dma_start3A_104 = tpu.memref_squeeze %dma_start3A_103 : memref<1x40x128xi32, #tpu.memory_space<vmem>> -> memref<40x128xi32, #tpu.memory_space<vmem>>
          tpu.enqueue_dma source(%dma_start3A_104 : memref<40x128xi32, #tpu.memory_space<vmem>>) target(%dma_start3A_100 : memref<40x128xi32, #tpu.memory_space<hbm>>) target_semaphore(%run_scoped3A_92 : memref<!tpu.dma_semaphore, #tpu.memory_space<semaphore_mem>>)
          %dma_wait3A_105 = arith.constant 0 : i32
          %dma_wait3A_106 = arith.constant 0 : i32
          %dma_wait3A_107 = tpu.memref_slice %arg10[%run_scoped3A, %dma_wait3A_105, %dma_wait3A_106] : memref<2x40x128xi32, #tpu.memory_space<vmem>> -> memref<1x40x128xi32, #tpu.memory_space<vmem>>
          %dma_wait3A_108 = tpu.memref_squeeze %dma_wait3A_107 : memref<1x40x128xi32, #tpu.memory_space<vmem>> -> memref<40x128xi32, #tpu.memory_space<vmem>>
          %dma_wait3A_109 = arith.constant 0 : i32
          %dma_wait3A_110 = tpu.memref_slice %arg6[%add3A_82, %dma_wait3A_109] : memref<160000x128xi32, #tpu.memory_space<hbm>> -> memref<40x128xi32, #tpu.memory_space<hbm>>
          %dma_wait3A_111 = arith.constant 0 : i32
          %dma_wait3A_112 = tpu.memref_slice %arg6[%add3A_82, %dma_wait3A_111] : memref<160000x128xi32, #tpu.memory_space<hbm>> -> memref<40x128xi32, #tpu.memory_space<hbm>>
          %dma_wait3A_113 = arith.constant 0 : i32
          %dma_wait3A_114 = arith.constant 0 : i32
          %dma_wait3A_115 = tpu.memref_slice %arg10[%run_scoped3A, %dma_wait3A_113, %dma_wait3A_114] : memref<2x40x128xi32, #tpu.memory_space<vmem>> -> memref<1x40x128xi32, #tpu.memory_space<vmem>>
          %dma_wait3A_116 = tpu.memref_squeeze %dma_wait3A_115 : memref<1x40x128xi32, #tpu.memory_space<vmem>> -> memref<40x128xi32, #tpu.memory_space<vmem>>
          tpu.wait_dma2 semaphore(%run_scoped3A_92 : memref<!tpu.dma_semaphore, #tpu.memory_space<semaphore_mem>>) src(%dma_wait3A_116 : memref<40x128xi32, #tpu.memory_space<vmem>>) dst(%dma_wait3A_112 : memref<40x128xi32, #tpu.memory_space<hbm>>)
          tpu.yield
        }) : () -> ()
        %add3A_83 = arith.addi %mul3A_2, %mul3A_64 : i32
        %run_scoped3A_84 = arith.constant 1 : i32
        "tpu.region"() ({
          %run_scoped3A_92 = tpu.sem_alloc : memref<!tpu.dma_semaphore, #tpu.memory_space<semaphore_mem>>
          %dma_start3A_93 = arith.constant 0 : i32
          %dma_start3A_94 = arith.constant 0 : i32
          %dma_start3A_95 = tpu.memref_slice %arg11[%run_scoped3A_84, %dma_start3A_93, %dma_start3A_94] : memref<2x40x128xi32, #tpu.memory_space<vmem>> -> memref<1x40x128xi32, #tpu.memory_space<vmem>>
          %dma_start3A_96 = tpu.memref_squeeze %dma_start3A_95 : memref<1x40x128xi32, #tpu.memory_space<vmem>> -> memref<40x128xi32, #tpu.memory_space<vmem>>
          %dma_start3A_97 = arith.constant 0 : i32
          %dma_start3A_98 = tpu.memref_slice %arg7[%add3A_83, %dma_start3A_97] : memref<160000x128xi32, #tpu.memory_space<hbm>> -> memref<40x128xi32, #tpu.memory_space<hbm>>
          %dma_start3A_99 = arith.constant 0 : i32
          %dma_start3A_100 = tpu.memref_slice %arg7[%add3A_83, %dma_start3A_99] : memref<160000x128xi32, #tpu.memory_space<hbm>> -> memref<40x128xi32, #tpu.memory_space<hbm>>
          %dma_start3A_101 = arith.constant 0 : i32
          %dma_start3A_102 = arith.constant 0 : i32
          %dma_start3A_103 = tpu.memref_slice %arg11[%run_scoped3A_84, %dma_start3A_101, %dma_start3A_102] : memref<2x40x128xi32, #tpu.memory_space<vmem>> -> memref<1x40x128xi32, #tpu.memory_space<vmem>>
          %dma_start3A_104 = tpu.memref_squeeze %dma_start3A_103 : memref<1x40x128xi32, #tpu.memory_space<vmem>> -> memref<40x128xi32, #tpu.memory_space<vmem>>
          tpu.enqueue_dma source(%dma_start3A_104 : memref<40x128xi32, #tpu.memory_space<vmem>>) target(%dma_start3A_100 : memref<40x128xi32, #tpu.memory_space<hbm>>) target_semaphore(%run_scoped3A_92 : memref<!tpu.dma_semaphore, #tpu.memory_space<semaphore_mem>>)
          %dma_wait3A_105 = arith.constant 0 : i32
          %dma_wait3A_106 = arith.constant 0 : i32
          %dma_wait3A_107 = tpu.memref_slice %arg11[%run_scoped3A_84, %dma_wait3A_105, %dma_wait3A_106] : memref<2x40x128xi32, #tpu.memory_space<vmem>> -> memref<1x40x128xi32, #tpu.memory_space<vmem>>
          %dma_wait3A_108 = tpu.memref_squeeze %dma_wait3A_107 : memref<1x40x128xi32, #tpu.memory_space<vmem>> -> memref<40x128xi32, #tpu.memory_space<vmem>>
          %dma_wait3A_109 = arith.constant 0 : i32
          %dma_wait3A_110 = tpu.memref_slice %arg7[%add3A_83, %dma_wait3A_109] : memref<160000x128xi32, #tpu.memory_space<hbm>> -> memref<40x128xi32, #tpu.memory_space<hbm>>
          %dma_wait3A_111 = arith.constant 0 : i32
          %dma_wait3A_112 = tpu.memref_slice %arg7[%add3A_83, %dma_wait3A_111] : memref<160000x128xi32, #tpu.memory_space<hbm>> -> memref<40x128xi32, #tpu.memory_space<hbm>>
          %dma_wait3A_113 = arith.constant 0 : i32
          %dma_wait3A_114 = arith.constant 0 : i32
          %dma_wait3A_115 = tpu.memref_slice %arg11[%run_scoped3A_84, %dma_wait3A_113, %dma_wait3A_114] : memref<2x40x128xi32, #tpu.memory_space<vmem>> -> memref<1x40x128xi32, #tpu.memory_space<vmem>>
          %dma_wait3A_116 = tpu.memref_squeeze %dma_wait3A_115 : memref<1x40x128xi32, #tpu.memory_space<vmem>> -> memref<40x128xi32, #tpu.memory_space<vmem>>
          tpu.wait_dma2 semaphore(%run_scoped3A_92 : memref<!tpu.dma_semaphore, #tpu.memory_space<semaphore_mem>>) src(%dma_wait3A_116 : memref<40x128xi32, #tpu.memory_space<vmem>>) dst(%dma_wait3A_112 : memref<40x128xi32, #tpu.memory_space<hbm>>)
          tpu.yield
        }) : () -> ()
        %add3A_85 = arith.constant 2 : i32
        %add3A_86 = arith.addi %add3A_57, %add3A_85 : i32
        %lt3A_87 = arith.constant 125 : i32
        %lt3A_88 = arith.cmpi slt, %add3A_86, %lt3A_87 : i32
        %convert_element_type3A_89 = arith.extui %lt3A_88 : i1 to i32
        %cond3A_90 = arith.constant 0 : i32
        %cond3A_91 = arith.cmpi ne, %convert_element_type3A_89, %cond3A_90 : i32
        scf.if %cond3A_91 {
          %add3A_92 = arith.constant 2 : i32
          %add3A_93 = arith.addi %add3A_57, %add3A_92 : i32
          %mul3A_94 = arith.constant 40 : i32
          %mul3A_95 = arith.muli %add3A_93, %mul3A_94 : i32
          %dma_start3A_96 = arith.constant 1 : i32
          %dma_start3A_97 = arith.constant 0 : i32
          %dma_start3A_98 = arith.constant 0 : i32
          %dma_start3A_99 = tpu.memref_slice %arg10[%dma_start3A_96, %dma_start3A_97, %dma_start3A_98] : memref<2x40x128xi32, #tpu.memory_space<vmem>> -> memref<1x40x128xi32, #tpu.memory_space<vmem>>
          %dma_start3A_100 = tpu.memref_squeeze %dma_start3A_99 : memref<1x40x128xi32, #tpu.memory_space<vmem>> -> memref<40x128xi32, #tpu.memory_space<vmem>>
          %dma_start3A_101 = tpu.memref_slice %arg8[%mul3A_95] : memref<5000xi32, #tpu.memory_space<vmem>> -> memref<40xi32, #tpu.memory_space<vmem>>
          %dma_start3A_102 = arith.constant 0 : i32
          %dma_start3A_103 = arith.constant 0 : i32
          %dma_start3A_104 = tpu.memref_slice %arg2[%dma_start3A_102, %dma_start3A_103] : memref<20480x128xi32, #tpu.memory_space<hbm>> -> memref<20480x128xi32, #tpu.memory_space<hbm>>
          tpu.enqueue_indirect_dma source(%dma_start3A_104 : memref<20480x128xi32, #tpu.memory_space<hbm>>) target(%dma_start3A_100 : memref<40x128xi32, #tpu.memory_space<vmem>>) offsets(%dma_start3A_101 : memref<40xi32, #tpu.memory_space<vmem>>) semaphore(%arg13 : memref<!tpu.dma_semaphore, #tpu.memory_space<semaphore_mem>>)
          %dma_start3A_105 = arith.constant 1 : i32
          %dma_start3A_106 = arith.constant 0 : i32
          %dma_start3A_107 = arith.constant 0 : i32
          %dma_start3A_108 = tpu.memref_slice %arg11[%dma_start3A_105, %dma_start3A_106, %dma_start3A_107] : memref<2x40x128xi32, #tpu.memory_space<vmem>> -> memref<1x40x128xi32, #tpu.memory_space<vmem>>
          %dma_start3A_109 = tpu.memref_squeeze %dma_start3A_108 : memref<1x40x128xi32, #tpu.memory_space<vmem>> -> memref<40x128xi32, #tpu.memory_space<vmem>>
          %dma_start3A_110 = tpu.memref_slice %arg9[%mul3A_95] : memref<5000xi32, #tpu.memory_space<vmem>> -> memref<40xi32, #tpu.memory_space<vmem>>
          %dma_start3A_111 = arith.constant 0 : i32
          %dma_start3A_112 = arith.constant 0 : i32
          %dma_start3A_113 = tpu.memref_slice %arg3[%dma_start3A_111, %dma_start3A_112] : memref<20480x128xi32, #tpu.memory_space<hbm>> -> memref<20480x128xi32, #tpu.memory_space<hbm>>
          tpu.enqueue_indirect_dma source(%dma_start3A_113 : memref<20480x128xi32, #tpu.memory_space<hbm>>) target(%dma_start3A_109 : memref<40x128xi32, #tpu.memory_space<vmem>>) offsets(%dma_start3A_110 : memref<40xi32, #tpu.memory_space<vmem>>) semaphore(%arg15 : memref<!tpu.dma_semaphore, #tpu.memory_space<semaphore_mem>>)
        } else {
        }
      } else {
      }
    }
    %scan3A_46 = arith.constant 63 : i32
    return
  }
}

#map = affine_map<(d0, d1) -> (0, 0)>
#map1 = affine_map<(d0, d1) -> (0, 0, 0, 0)>
#map2 = affine_map<(d0, d1) -> (0, 0, 0)>
module attributes {stable_mosaic.version = 14 : i64} {
  func.func @_sc_scatter_body(%arg0: i32, %arg1: i32, %arg2: memref<160000x128xf32, #tpu.memory_space<hbm>>, %arg3: memref<2x16x125x40xi32, #tpu.memory_space<hbm>>, %arg4: memref<640x128xf32, #tpu.memory_space<hbm>>, %arg5: memref<2x10240x128xf32, #tpu.memory_space<hbm>>, %arg6: memref<125x40xi32, #tpu.memory_space<vmem>>, %arg7: memref<2x40x128xf32, #tpu.memory_space<vmem>>, %arg8: memref<10240x128xf32, #tpu.memory_space<vmem_shared>>, %arg9: memref<!tpu.dma_semaphore, #tpu.memory_space<semaphore_mem>>, %arg10: memref<!tpu.dma_semaphore, #tpu.memory_space<semaphore_mem>>) attributes {dimension_semantics = [#tpu.dimension_semantics<core_parallel>, #tpu.dimension_semantics<subcore_parallel>], iteration_bounds = array<i64: 2, 16>, scalar_prefetch = 0 : i64, scratch_operands = 5 : i64, tpu.core_type = #tpu.core_type<sc_vector_subcore>, window_params = [{transform_indices = #map}, {transform_indices = #map1}, {transform_indices = #map}, {transform_indices = #map2}]} {
    %mul3A = arith.constant 80000 : i32
    %mul3A_0 = arith.muli %arg0, %mul3A : i32
    %mul3A_1 = arith.constant 5000 : i32
    %mul3A_2 = arith.muli %arg1, %mul3A_1 : i32
    %add3A = arith.addi %mul3A_0, %mul3A_2 : i32
    %mul3A_3 = arith.constant 640 : i32
    %mul3A_4 = arith.muli %arg1, %mul3A_3 : i32
    "tpu.region"() ({
      %run_scoped3A = tpu.sem_alloc : memref<!tpu.dma_semaphore, #tpu.memory_space<semaphore_mem>>
      %dma_start3A_44 = arith.constant 0 : i32
      %dma_start3A_45 = tpu.memref_slice %arg8[%mul3A_4, %dma_start3A_44] : memref<10240x128xf32, #tpu.memory_space<vmem_shared>> -> memref<640x128xf32, #tpu.memory_space<vmem_shared>>
      tpu.enqueue_dma source(%arg4 : memref<640x128xf32, #tpu.memory_space<hbm>>) target(%dma_start3A_45 : memref<640x128xf32, #tpu.memory_space<vmem_shared>>) target_semaphore(%run_scoped3A : memref<!tpu.dma_semaphore, #tpu.memory_space<semaphore_mem>>)
      %dma_wait3A = arith.constant 0 : i32
      %dma_wait3A_46 = tpu.memref_slice %arg8[%mul3A_4, %dma_wait3A] : memref<10240x128xf32, #tpu.memory_space<vmem_shared>> -> memref<640x128xf32, #tpu.memory_space<vmem_shared>>
      tpu.wait_dma2 semaphore(%run_scoped3A : memref<!tpu.dma_semaphore, #tpu.memory_space<semaphore_mem>>) src(%arg4 : memref<640x128xf32, #tpu.memory_space<hbm>>) dst(%dma_wait3A_46 : memref<640x128xf32, #tpu.memory_space<vmem_shared>>)
      tpu.yield
    }) : () -> ()
    "tpu.region"() ({
      %run_scoped3A = tpu.sem_alloc : memref<!tpu.dma_semaphore, #tpu.memory_space<semaphore_mem>>
      %dma_start3A_44 = arith.constant 0 : i32
      %dma_start3A_45 = arith.constant 0 : i32
      %dma_start3A_46 = tpu.memref_slice %arg3[%arg0, %arg1, %dma_start3A_44, %dma_start3A_45] : memref<2x16x125x40xi32, #tpu.memory_space<hbm>> -> memref<1x1x125x40xi32, #tpu.memory_space<hbm>>
      %dma_start3A_47 = tpu.memref_squeeze %dma_start3A_46 : memref<1x1x125x40xi32, #tpu.memory_space<hbm>> -> memref<125x40xi32, #tpu.memory_space<hbm>>
      %dma_start3A_48 = arith.constant 0 : i32
      %dma_start3A_49 = arith.constant 0 : i32
      %dma_start3A_50 = tpu.memref_slice %arg3[%arg0, %arg1, %dma_start3A_48, %dma_start3A_49] : memref<2x16x125x40xi32, #tpu.memory_space<hbm>> -> memref<1x1x125x40xi32, #tpu.memory_space<hbm>>
      %dma_start3A_51 = tpu.memref_squeeze %dma_start3A_50 : memref<1x1x125x40xi32, #tpu.memory_space<hbm>> -> memref<125x40xi32, #tpu.memory_space<hbm>>
      tpu.enqueue_dma source(%dma_start3A_51 : memref<125x40xi32, #tpu.memory_space<hbm>>) target(%arg6 : memref<125x40xi32, #tpu.memory_space<vmem>>) target_semaphore(%run_scoped3A : memref<!tpu.dma_semaphore, #tpu.memory_space<semaphore_mem>>)
      %dma_wait3A = arith.constant 0 : i32
      %dma_wait3A_52 = arith.constant 0 : i32
      %dma_wait3A_53 = tpu.memref_slice %arg3[%arg0, %arg1, %dma_wait3A, %dma_wait3A_52] : memref<2x16x125x40xi32, #tpu.memory_space<hbm>> -> memref<1x1x125x40xi32, #tpu.memory_space<hbm>>
      %dma_wait3A_54 = tpu.memref_squeeze %dma_wait3A_53 : memref<1x1x125x40xi32, #tpu.memory_space<hbm>> -> memref<125x40xi32, #tpu.memory_space<hbm>>
      %dma_wait3A_55 = arith.constant 0 : i32
      %dma_wait3A_56 = arith.constant 0 : i32
      %dma_wait3A_57 = tpu.memref_slice %arg3[%arg0, %arg1, %dma_wait3A_55, %dma_wait3A_56] : memref<2x16x125x40xi32, #tpu.memory_space<hbm>> -> memref<1x1x125x40xi32, #tpu.memory_space<hbm>>
      %dma_wait3A_58 = tpu.memref_squeeze %dma_wait3A_57 : memref<1x1x125x40xi32, #tpu.memory_space<hbm>> -> memref<125x40xi32, #tpu.memory_space<hbm>>
      tpu.wait_dma2 semaphore(%run_scoped3A : memref<!tpu.dma_semaphore, #tpu.memory_space<semaphore_mem>>) src(%dma_wait3A_58 : memref<125x40xi32, #tpu.memory_space<hbm>>) dst(%arg6 : memref<125x40xi32, #tpu.memory_space<vmem>>)
      tpu.yield
    }) : () -> ()
    %barrier3A = arith.constant 0 : index
    tpu.barrier barrier_id(%barrier3A)
    %add3A_5 = arith.constant 0 : i32
    %add3A_6 = arith.addi %add3A, %add3A_5 : i32
    %dma_start3A = arith.constant 0 : i32
    %dma_start3A_7 = arith.constant 0 : i32
    %dma_start3A_8 = arith.constant 0 : i32
    %dma_start3A_9 = tpu.memref_slice %arg7[%dma_start3A, %dma_start3A_7, %dma_start3A_8] : memref<2x40x128xf32, #tpu.memory_space<vmem>> -> memref<1x40x128xf32, #tpu.memory_space<vmem>>
    %dma_start3A_10 = tpu.memref_squeeze %dma_start3A_9 : memref<1x40x128xf32, #tpu.memory_space<vmem>> -> memref<40x128xf32, #tpu.memory_space<vmem>>
    %dma_start3A_11 = arith.constant 0 : i32
    %dma_start3A_12 = tpu.memref_slice %arg2[%add3A_6, %dma_start3A_11] : memref<160000x128xf32, #tpu.memory_space<hbm>> -> memref<40x128xf32, #tpu.memory_space<hbm>>
    %dma_start3A_13 = arith.constant 0 : i32
    %dma_start3A_14 = arith.constant 0 : i32
    %dma_start3A_15 = tpu.memref_slice %arg7[%dma_start3A, %dma_start3A_13, %dma_start3A_14] : memref<2x40x128xf32, #tpu.memory_space<vmem>> -> memref<1x40x128xf32, #tpu.memory_space<vmem>>
    %dma_start3A_16 = tpu.memref_squeeze %dma_start3A_15 : memref<1x40x128xf32, #tpu.memory_space<vmem>> -> memref<40x128xf32, #tpu.memory_space<vmem>>
    %dma_start3A_17 = arith.constant 0 : i32
    %dma_start3A_18 = tpu.memref_slice %arg2[%add3A_6, %dma_start3A_17] : memref<160000x128xf32, #tpu.memory_space<hbm>> -> memref<40x128xf32, #tpu.memory_space<hbm>>
    tpu.enqueue_dma source(%dma_start3A_18 : memref<40x128xf32, #tpu.memory_space<hbm>>) target(%dma_start3A_16 : memref<40x128xf32, #tpu.memory_space<vmem>>) target_semaphore(%arg9 : memref<!tpu.dma_semaphore, #tpu.memory_space<semaphore_mem>>)
    %add3A_19 = arith.constant 40 : i32
    %add3A_20 = arith.addi %add3A, %add3A_19 : i32
    %dma_start3A_21 = arith.constant 1 : i32
    %dma_start3A_22 = arith.constant 0 : i32
    %dma_start3A_23 = arith.constant 0 : i32
    %dma_start3A_24 = tpu.memref_slice %arg7[%dma_start3A_21, %dma_start3A_22, %dma_start3A_23] : memref<2x40x128xf32, #tpu.memory_space<vmem>> -> memref<1x40x128xf32, #tpu.memory_space<vmem>>
    %dma_start3A_25 = tpu.memref_squeeze %dma_start3A_24 : memref<1x40x128xf32, #tpu.memory_space<vmem>> -> memref<40x128xf32, #tpu.memory_space<vmem>>
    %dma_start3A_26 = arith.constant 0 : i32
    %dma_start3A_27 = tpu.memref_slice %arg2[%add3A_20, %dma_start3A_26] : memref<160000x128xf32, #tpu.memory_space<hbm>> -> memref<40x128xf32, #tpu.memory_space<hbm>>
    %dma_start3A_28 = arith.constant 0 : i32
    %dma_start3A_29 = arith.constant 0 : i32
    %dma_start3A_30 = tpu.memref_slice %arg7[%dma_start3A_21, %dma_start3A_28, %dma_start3A_29] : memref<2x40x128xf32, #tpu.memory_space<vmem>> -> memref<1x40x128xf32, #tpu.memory_space<vmem>>
    %dma_start3A_31 = tpu.memref_squeeze %dma_start3A_30 : memref<1x40x128xf32, #tpu.memory_space<vmem>> -> memref<40x128xf32, #tpu.memory_space<vmem>>
    %dma_start3A_32 = arith.constant 0 : i32
    %dma_start3A_33 = tpu.memref_slice %arg2[%add3A_20, %dma_start3A_32] : memref<160000x128xf32, #tpu.memory_space<hbm>> -> memref<40x128xf32, #tpu.memory_space<hbm>>
    tpu.enqueue_dma source(%dma_start3A_33 : memref<40x128xf32, #tpu.memory_space<hbm>>) target(%dma_start3A_31 : memref<40x128xf32, #tpu.memory_space<vmem>>) target_semaphore(%arg10 : memref<!tpu.dma_semaphore, #tpu.memory_space<semaphore_mem>>)
    %scan3A = arith.constant 0 : i32
    %scan3A_34 = arith.constant 0 : i32
    %scan3A_35 = arith.constant 63 : i32
    %scan3A_36 = arith.addi %scan3A_34, %scan3A_35 : i32
    %scan3A_37 = arith.constant 1 : i32
    scf.for %scan3A_44 = %scan3A_34 to %scan3A_36 step %scan3A_37  : i32 {
      %mul3A_45 = arith.constant 2 : i32
      %mul3A_46 = arith.muli %scan3A_44, %mul3A_45 : i32
      %add3A_47 = arith.constant 0 : i32
      %add3A_48 = arith.addi %mul3A_46, %add3A_47 : i32
      %lt3A = arith.constant 125 : i32
      %lt3A_49 = arith.cmpi slt, %add3A_48, %lt3A : i32
      %convert_element_type3A = arith.extui %lt3A_49 : i1 to i32
      %cond3A = arith.constant 0 : i32
      %cond3A_50 = arith.cmpi ne, %convert_element_type3A, %cond3A : i32
      scf.if %cond3A_50 {
        %mul3A_60 = arith.constant 40 : i32
        %mul3A_61 = arith.muli %add3A_48, %mul3A_60 : i32
        %add3A_62 = arith.addi %add3A, %mul3A_61 : i32
        %dma_wait3A = arith.constant 0 : i32
        %dma_wait3A_63 = arith.constant 0 : i32
        %dma_wait3A_64 = arith.constant 0 : i32
        %dma_wait3A_65 = tpu.memref_slice %arg7[%dma_wait3A, %dma_wait3A_63, %dma_wait3A_64] : memref<2x40x128xf32, #tpu.memory_space<vmem>> -> memref<1x40x128xf32, #tpu.memory_space<vmem>>
        %dma_wait3A_66 = tpu.memref_squeeze %dma_wait3A_65 : memref<1x40x128xf32, #tpu.memory_space<vmem>> -> memref<40x128xf32, #tpu.memory_space<vmem>>
        %dma_wait3A_67 = arith.constant 0 : i32
        %dma_wait3A_68 = tpu.memref_slice %arg2[%add3A_62, %dma_wait3A_67] : memref<160000x128xf32, #tpu.memory_space<hbm>> -> memref<40x128xf32, #tpu.memory_space<hbm>>
        %dma_wait3A_69 = arith.constant 0 : i32
        %dma_wait3A_70 = arith.constant 0 : i32
        %dma_wait3A_71 = tpu.memref_slice %arg7[%dma_wait3A, %dma_wait3A_69, %dma_wait3A_70] : memref<2x40x128xf32, #tpu.memory_space<vmem>> -> memref<1x40x128xf32, #tpu.memory_space<vmem>>
        %dma_wait3A_72 = tpu.memref_squeeze %dma_wait3A_71 : memref<1x40x128xf32, #tpu.memory_space<vmem>> -> memref<40x128xf32, #tpu.memory_space<vmem>>
        %dma_wait3A_73 = arith.constant 0 : i32
        %dma_wait3A_74 = tpu.memref_slice %arg2[%add3A_62, %dma_wait3A_73] : memref<160000x128xf32, #tpu.memory_space<hbm>> -> memref<40x128xf32, #tpu.memory_space<hbm>>
        tpu.wait_dma2 semaphore(%arg9 : memref<!tpu.dma_semaphore, #tpu.memory_space<semaphore_mem>>) src(%dma_wait3A_74 : memref<40x128xf32, #tpu.memory_space<hbm>>) dst(%dma_wait3A_72 : memref<40x128xf32, #tpu.memory_space<vmem>>)
        %run_scoped3A = arith.constant 0 : i32
        "tpu.region"() ({
          %run_scoped3A_82 = tpu.sem_alloc : memref<!tpu.dma_semaphore, #tpu.memory_space<semaphore_mem>>
          %dma_start3A_83 = arith.constant 0 : i32
          %dma_start3A_84 = arith.constant 0 : i32
          %dma_start3A_85 = tpu.memref_slice %arg7[%run_scoped3A, %dma_start3A_83, %dma_start3A_84] : memref<2x40x128xf32, #tpu.memory_space<vmem>> -> memref<1x40x128xf32, #tpu.memory_space<vmem>>
          %dma_start3A_86 = tpu.memref_squeeze %dma_start3A_85 : memref<1x40x128xf32, #tpu.memory_space<vmem>> -> memref<40x128xf32, #tpu.memory_space<vmem>>
          %dma_start3A_87 = arith.constant 0 : i32
          %dma_start3A_88 = tpu.memref_slice %arg6[%add3A_48, %dma_start3A_87] : memref<125x40xi32, #tpu.memory_space<vmem>> -> memref<1x40xi32, #tpu.memory_space<vmem>>
          %dma_start3A_89 = tpu.memref_squeeze %dma_start3A_88 : memref<1x40xi32, #tpu.memory_space<vmem>> -> memref<40xi32, #tpu.memory_space<vmem>>
          %dma_start3A_90 = arith.constant 0 : i32
          %dma_start3A_91 = arith.constant 0 : i32
          %dma_start3A_92 = tpu.memref_slice %arg8[%dma_start3A_90, %dma_start3A_91] : memref<10240x128xf32, #tpu.memory_space<vmem_shared>> -> memref<10240x128xf32, #tpu.memory_space<vmem_shared>>
          tpu.enqueue_indirect_dma source(%dma_start3A_86 : memref<40x128xf32, #tpu.memory_space<vmem>>) target(%dma_start3A_92 : memref<10240x128xf32, #tpu.memory_space<vmem_shared>>) offsets(%dma_start3A_89 : memref<40xi32, #tpu.memory_space<vmem>>) semaphore(%run_scoped3A_82 : memref<!tpu.dma_semaphore, #tpu.memory_space<semaphore_mem>>) {add = true}
          %dma_wait3A_93 = arith.constant 0 : i32
          %dma_wait3A_94 = arith.constant 0 : i32
          %dma_wait3A_95 = tpu.memref_slice %arg7[%run_scoped3A, %dma_wait3A_93, %dma_wait3A_94] : memref<2x40x128xf32, #tpu.memory_space<vmem>> -> memref<1x40x128xf32, #tpu.memory_space<vmem>>
          %dma_wait3A_96 = tpu.memref_squeeze %dma_wait3A_95 : memref<1x40x128xf32, #tpu.memory_space<vmem>> -> memref<40x128xf32, #tpu.memory_space<vmem>>
          %dma_wait3A_97 = arith.constant 0 : i32
          %dma_wait3A_98 = tpu.memref_slice %arg6[%add3A_48, %dma_wait3A_97] : memref<125x40xi32, #tpu.memory_space<vmem>> -> memref<1x40xi32, #tpu.memory_space<vmem>>
          %dma_wait3A_99 = tpu.memref_squeeze %dma_wait3A_98 : memref<1x40xi32, #tpu.memory_space<vmem>> -> memref<40xi32, #tpu.memory_space<vmem>>
          %dma_wait3A_100 = arith.constant 0 : i32
          %dma_wait3A_101 = arith.constant 0 : i32
          %dma_wait3A_102 = tpu.memref_slice %arg8[%dma_wait3A_100, %dma_wait3A_101] : memref<10240x128xf32, #tpu.memory_space<vmem_shared>> -> memref<10240x128xf32, #tpu.memory_space<vmem_shared>>
          tpu.wait_indirect_dma semaphore(%run_scoped3A_82 : memref<!tpu.dma_semaphore, #tpu.memory_space<semaphore_mem>>) src(%dma_wait3A_96 : memref<40x128xf32, #tpu.memory_space<vmem>>) dst(%dma_wait3A_102 : memref<10240x128xf32, #tpu.memory_space<vmem_shared>>)
          tpu.yield
        }) : () -> ()
        %add3A_75 = arith.constant 2 : i32
        %add3A_76 = arith.addi %add3A_48, %add3A_75 : i32
        %lt3A_77 = arith.constant 125 : i32
        %lt3A_78 = arith.cmpi slt, %add3A_76, %lt3A_77 : i32
        %convert_element_type3A_79 = arith.extui %lt3A_78 : i1 to i32
        %cond3A_80 = arith.constant 0 : i32
        %cond3A_81 = arith.cmpi ne, %convert_element_type3A_79, %cond3A_80 : i32
        scf.if %cond3A_81 {
          %add3A_82 = arith.constant 2 : i32
          %add3A_83 = arith.addi %add3A_48, %add3A_82 : i32
          %mul3A_84 = arith.constant 40 : i32
          %mul3A_85 = arith.muli %add3A_83, %mul3A_84 : i32
          %add3A_86 = arith.addi %add3A, %mul3A_85 : i32
          %dma_start3A_87 = arith.constant 0 : i32
          %dma_start3A_88 = arith.constant 0 : i32
          %dma_start3A_89 = arith.constant 0 : i32
          %dma_start3A_90 = tpu.memref_slice %arg7[%dma_start3A_87, %dma_start3A_88, %dma_start3A_89] : memref<2x40x128xf32, #tpu.memory_space<vmem>> -> memref<1x40x128xf32, #tpu.memory_space<vmem>>
          %dma_start3A_91 = tpu.memref_squeeze %dma_start3A_90 : memref<1x40x128xf32, #tpu.memory_space<vmem>> -> memref<40x128xf32, #tpu.memory_space<vmem>>
          %dma_start3A_92 = arith.constant 0 : i32
          %dma_start3A_93 = tpu.memref_slice %arg2[%add3A_86, %dma_start3A_92] : memref<160000x128xf32, #tpu.memory_space<hbm>> -> memref<40x128xf32, #tpu.memory_space<hbm>>
          %dma_start3A_94 = arith.constant 0 : i32
          %dma_start3A_95 = arith.constant 0 : i32
          %dma_start3A_96 = tpu.memref_slice %arg7[%dma_start3A_87, %dma_start3A_94, %dma_start3A_95] : memref<2x40x128xf32, #tpu.memory_space<vmem>> -> memref<1x40x128xf32, #tpu.memory_space<vmem>>
          %dma_start3A_97 = tpu.memref_squeeze %dma_start3A_96 : memref<1x40x128xf32, #tpu.memory_space<vmem>> -> memref<40x128xf32, #tpu.memory_space<vmem>>
          %dma_start3A_98 = arith.constant 0 : i32
          %dma_start3A_99 = tpu.memref_slice %arg2[%add3A_86, %dma_start3A_98] : memref<160000x128xf32, #tpu.memory_space<hbm>> -> memref<40x128xf32, #tpu.memory_space<hbm>>
          tpu.enqueue_dma source(%dma_start3A_99 : memref<40x128xf32, #tpu.memory_space<hbm>>) target(%dma_start3A_97 : memref<40x128xf32, #tpu.memory_space<vmem>>) target_semaphore(%arg9 : memref<!tpu.dma_semaphore, #tpu.memory_space<semaphore_mem>>)
        } else {
        }
      } else {
      }
      %mul3A_51 = arith.constant 2 : i32
      %mul3A_52 = arith.muli %scan3A_44, %mul3A_51 : i32
      %add3A_53 = arith.constant 1 : i32
      %add3A_54 = arith.addi %mul3A_52, %add3A_53 : i32
      %lt3A_55 = arith.constant 125 : i32
      %lt3A_56 = arith.cmpi slt, %add3A_54, %lt3A_55 : i32
      %convert_element_type3A_57 = arith.extui %lt3A_56 : i1 to i32
      %cond3A_58 = arith.constant 0 : i32
      %cond3A_59 = arith.cmpi ne, %convert_element_type3A_57, %cond3A_58 : i32
      scf.if %cond3A_59 {
        %mul3A_60 = arith.constant 40 : i32
        %mul3A_61 = arith.muli %add3A_54, %mul3A_60 : i32
        %add3A_62 = arith.addi %add3A, %mul3A_61 : i32
        %dma_wait3A = arith.constant 1 : i32
        %dma_wait3A_63 = arith.constant 0 : i32
        %dma_wait3A_64 = arith.constant 0 : i32
        %dma_wait3A_65 = tpu.memref_slice %arg7[%dma_wait3A, %dma_wait3A_63, %dma_wait3A_64] : memref<2x40x128xf32, #tpu.memory_space<vmem>> -> memref<1x40x128xf32, #tpu.memory_space<vmem>>
        %dma_wait3A_66 = tpu.memref_squeeze %dma_wait3A_65 : memref<1x40x128xf32, #tpu.memory_space<vmem>> -> memref<40x128xf32, #tpu.memory_space<vmem>>
        %dma_wait3A_67 = arith.constant 0 : i32
        %dma_wait3A_68 = tpu.memref_slice %arg2[%add3A_62, %dma_wait3A_67] : memref<160000x128xf32, #tpu.memory_space<hbm>> -> memref<40x128xf32, #tpu.memory_space<hbm>>
        %dma_wait3A_69 = arith.constant 0 : i32
        %dma_wait3A_70 = arith.constant 0 : i32
        %dma_wait3A_71 = tpu.memref_slice %arg7[%dma_wait3A, %dma_wait3A_69, %dma_wait3A_70] : memref<2x40x128xf32, #tpu.memory_space<vmem>> -> memref<1x40x128xf32, #tpu.memory_space<vmem>>
        %dma_wait3A_72 = tpu.memref_squeeze %dma_wait3A_71 : memref<1x40x128xf32, #tpu.memory_space<vmem>> -> memref<40x128xf32, #tpu.memory_space<vmem>>
        %dma_wait3A_73 = arith.constant 0 : i32
        %dma_wait3A_74 = tpu.memref_slice %arg2[%add3A_62, %dma_wait3A_73] : memref<160000x128xf32, #tpu.memory_space<hbm>> -> memref<40x128xf32, #tpu.memory_space<hbm>>
        tpu.wait_dma2 semaphore(%arg10 : memref<!tpu.dma_semaphore, #tpu.memory_space<semaphore_mem>>) src(%dma_wait3A_74 : memref<40x128xf32, #tpu.memory_space<hbm>>) dst(%dma_wait3A_72 : memref<40x128xf32, #tpu.memory_space<vmem>>)
        %run_scoped3A = arith.constant 1 : i32
        "tpu.region"() ({
          %run_scoped3A_82 = tpu.sem_alloc : memref<!tpu.dma_semaphore, #tpu.memory_space<semaphore_mem>>
          %dma_start3A_83 = arith.constant 0 : i32
          %dma_start3A_84 = arith.constant 0 : i32
          %dma_start3A_85 = tpu.memref_slice %arg7[%run_scoped3A, %dma_start3A_83, %dma_start3A_84] : memref<2x40x128xf32, #tpu.memory_space<vmem>> -> memref<1x40x128xf32, #tpu.memory_space<vmem>>
          %dma_start3A_86 = tpu.memref_squeeze %dma_start3A_85 : memref<1x40x128xf32, #tpu.memory_space<vmem>> -> memref<40x128xf32, #tpu.memory_space<vmem>>
          %dma_start3A_87 = arith.constant 0 : i32
          %dma_start3A_88 = tpu.memref_slice %arg6[%add3A_54, %dma_start3A_87] : memref<125x40xi32, #tpu.memory_space<vmem>> -> memref<1x40xi32, #tpu.memory_space<vmem>>
          %dma_start3A_89 = tpu.memref_squeeze %dma_start3A_88 : memref<1x40xi32, #tpu.memory_space<vmem>> -> memref<40xi32, #tpu.memory_space<vmem>>
          %dma_start3A_90 = arith.constant 0 : i32
          %dma_start3A_91 = arith.constant 0 : i32
          %dma_start3A_92 = tpu.memref_slice %arg8[%dma_start3A_90, %dma_start3A_91] : memref<10240x128xf32, #tpu.memory_space<vmem_shared>> -> memref<10240x128xf32, #tpu.memory_space<vmem_shared>>
          tpu.enqueue_indirect_dma source(%dma_start3A_86 : memref<40x128xf32, #tpu.memory_space<vmem>>) target(%dma_start3A_92 : memref<10240x128xf32, #tpu.memory_space<vmem_shared>>) offsets(%dma_start3A_89 : memref<40xi32, #tpu.memory_space<vmem>>) semaphore(%run_scoped3A_82 : memref<!tpu.dma_semaphore, #tpu.memory_space<semaphore_mem>>) {add = true}
          %dma_wait3A_93 = arith.constant 0 : i32
          %dma_wait3A_94 = arith.constant 0 : i32
          %dma_wait3A_95 = tpu.memref_slice %arg7[%run_scoped3A, %dma_wait3A_93, %dma_wait3A_94] : memref<2x40x128xf32, #tpu.memory_space<vmem>> -> memref<1x40x128xf32, #tpu.memory_space<vmem>>
          %dma_wait3A_96 = tpu.memref_squeeze %dma_wait3A_95 : memref<1x40x128xf32, #tpu.memory_space<vmem>> -> memref<40x128xf32, #tpu.memory_space<vmem>>
          %dma_wait3A_97 = arith.constant 0 : i32
          %dma_wait3A_98 = tpu.memref_slice %arg6[%add3A_54, %dma_wait3A_97] : memref<125x40xi32, #tpu.memory_space<vmem>> -> memref<1x40xi32, #tpu.memory_space<vmem>>
          %dma_wait3A_99 = tpu.memref_squeeze %dma_wait3A_98 : memref<1x40xi32, #tpu.memory_space<vmem>> -> memref<40xi32, #tpu.memory_space<vmem>>
          %dma_wait3A_100 = arith.constant 0 : i32
          %dma_wait3A_101 = arith.constant 0 : i32
          %dma_wait3A_102 = tpu.memref_slice %arg8[%dma_wait3A_100, %dma_wait3A_101] : memref<10240x128xf32, #tpu.memory_space<vmem_shared>> -> memref<10240x128xf32, #tpu.memory_space<vmem_shared>>
          tpu.wait_indirect_dma semaphore(%run_scoped3A_82 : memref<!tpu.dma_semaphore, #tpu.memory_space<semaphore_mem>>) src(%dma_wait3A_96 : memref<40x128xf32, #tpu.memory_space<vmem>>) dst(%dma_wait3A_102 : memref<10240x128xf32, #tpu.memory_space<vmem_shared>>)
          tpu.yield
        }) : () -> ()
        %add3A_75 = arith.constant 2 : i32
        %add3A_76 = arith.addi %add3A_54, %add3A_75 : i32
        %lt3A_77 = arith.constant 125 : i32
        %lt3A_78 = arith.cmpi slt, %add3A_76, %lt3A_77 : i32
        %convert_element_type3A_79 = arith.extui %lt3A_78 : i1 to i32
        %cond3A_80 = arith.constant 0 : i32
        %cond3A_81 = arith.cmpi ne, %convert_element_type3A_79, %cond3A_80 : i32
        scf.if %cond3A_81 {
          %add3A_82 = arith.constant 2 : i32
          %add3A_83 = arith.addi %add3A_54, %add3A_82 : i32
          %mul3A_84 = arith.constant 40 : i32
          %mul3A_85 = arith.muli %add3A_83, %mul3A_84 : i32
          %add3A_86 = arith.addi %add3A, %mul3A_85 : i32
          %dma_start3A_87 = arith.constant 1 : i32
          %dma_start3A_88 = arith.constant 0 : i32
          %dma_start3A_89 = arith.constant 0 : i32
          %dma_start3A_90 = tpu.memref_slice %arg7[%dma_start3A_87, %dma_start3A_88, %dma_start3A_89] : memref<2x40x128xf32, #tpu.memory_space<vmem>> -> memref<1x40x128xf32, #tpu.memory_space<vmem>>
          %dma_start3A_91 = tpu.memref_squeeze %dma_start3A_90 : memref<1x40x128xf32, #tpu.memory_space<vmem>> -> memref<40x128xf32, #tpu.memory_space<vmem>>
          %dma_start3A_92 = arith.constant 0 : i32
          %dma_start3A_93 = tpu.memref_slice %arg2[%add3A_86, %dma_start3A_92] : memref<160000x128xf32, #tpu.memory_space<hbm>> -> memref<40x128xf32, #tpu.memory_space<hbm>>
          %dma_start3A_94 = arith.constant 0 : i32
          %dma_start3A_95 = arith.constant 0 : i32
          %dma_start3A_96 = tpu.memref_slice %arg7[%dma_start3A_87, %dma_start3A_94, %dma_start3A_95] : memref<2x40x128xf32, #tpu.memory_space<vmem>> -> memref<1x40x128xf32, #tpu.memory_space<vmem>>
          %dma_start3A_97 = tpu.memref_squeeze %dma_start3A_96 : memref<1x40x128xf32, #tpu.memory_space<vmem>> -> memref<40x128xf32, #tpu.memory_space<vmem>>
          %dma_start3A_98 = arith.constant 0 : i32
          %dma_start3A_99 = tpu.memref_slice %arg2[%add3A_86, %dma_start3A_98] : memref<160000x128xf32, #tpu.memory_space<hbm>> -> memref<40x128xf32, #tpu.memory_space<hbm>>
          tpu.enqueue_dma source(%dma_start3A_99 : memref<40x128xf32, #tpu.memory_space<hbm>>) target(%dma_start3A_97 : memref<40x128xf32, #tpu.memory_space<vmem>>) target_semaphore(%arg10 : memref<!tpu.dma_semaphore, #tpu.memory_space<semaphore_mem>>)
        } else {
        }
      } else {
      }
    }
    %scan3A_38 = arith.constant 63 : i32
    %barrier3A_39 = arith.constant 0 : index
    tpu.barrier barrier_id(%barrier3A_39)
    %mul3A_40 = arith.constant 640 : i32
    %mul3A_41 = arith.muli %arg1, %mul3A_40 : i32
    %mul3A_42 = arith.constant 640 : i32
    %mul3A_43 = arith.muli %arg1, %mul3A_42 : i32
    "tpu.region"() ({
      %run_scoped3A = tpu.sem_alloc : memref<!tpu.dma_semaphore, #tpu.memory_space<semaphore_mem>>
      %dma_start3A_44 = arith.constant 0 : i32
      %dma_start3A_45 = tpu.memref_slice %arg5[%arg0, %mul3A_43, %dma_start3A_44] : memref<2x10240x128xf32, #tpu.memory_space<hbm>> -> memref<1x640x128xf32, #tpu.memory_space<hbm>>
      %dma_start3A_46 = tpu.memref_squeeze %dma_start3A_45 : memref<1x640x128xf32, #tpu.memory_space<hbm>> -> memref<640x128xf32, #tpu.memory_space<hbm>>
      %dma_start3A_47 = arith.constant 0 : i32
      %dma_start3A_48 = tpu.memref_slice %arg8[%mul3A_41, %dma_start3A_47] : memref<10240x128xf32, #tpu.memory_space<vmem_shared>> -> memref<640x128xf32, #tpu.memory_space<vmem_shared>>
      tpu.enqueue_dma source(%dma_start3A_48 : memref<640x128xf32, #tpu.memory_space<vmem_shared>>) target(%dma_start3A_46 : memref<640x128xf32, #tpu.memory_space<hbm>>) target_semaphore(%run_scoped3A : memref<!tpu.dma_semaphore, #tpu.memory_space<semaphore_mem>>)
      %dma_wait3A = arith.constant 0 : i32
      %dma_wait3A_49 = tpu.memref_slice %arg5[%arg0, %mul3A_43, %dma_wait3A] : memref<2x10240x128xf32, #tpu.memory_space<hbm>> -> memref<1x640x128xf32, #tpu.memory_space<hbm>>
      %dma_wait3A_50 = tpu.memref_squeeze %dma_wait3A_49 : memref<1x640x128xf32, #tpu.memory_space<hbm>> -> memref<640x128xf32, #tpu.memory_space<hbm>>
      %dma_wait3A_51 = arith.constant 0 : i32
      %dma_wait3A_52 = tpu.memref_slice %arg8[%mul3A_41, %dma_wait3A_51] : memref<10240x128xf32, #tpu.memory_space<vmem_shared>> -> memref<640x128xf32, #tpu.memory_space<vmem_shared>>
      tpu.wait_dma2 semaphore(%run_scoped3A : memref<!tpu.dma_semaphore, #tpu.memory_space<semaphore_mem>>) src(%dma_wait3A_52 : memref<640x128xf32, #tpu.memory_space<vmem_shared>>) dst(%dma_wait3A_50 : memref<640x128xf32, #tpu.memory_space<hbm>>)
      tpu.yield
    }) : () -> ()
    return
  }
}

#map = affine_map<(d0, d1) -> (0, 0)>
#map1 = affine_map<(d0, d1) -> (0)>
module attributes {stable_mosaic.version = 14 : i64} {
  func.func @_sc_gather_body(%arg0: i32, %arg1: i32, %arg2: memref<20480x128xi32, #tpu.memory_space<hbm>>, %arg3: memref<20480x128xi32, #tpu.memory_space<hbm>>, %arg4: memref<160000xi32, #tpu.memory_space<hbm>>, %arg5: memref<160000xi32, #tpu.memory_space<hbm>>, %arg6: memref<160000x128xi32, #tpu.memory_space<hbm>>, %arg7: memref<160000x128xi32, #tpu.memory_space<hbm>>, %arg8: memref<5000xi32, #tpu.memory_space<vmem>>, %arg9: memref<5000xi32, #tpu.memory_space<vmem>>, %arg10: memref<2x40x128xi32, #tpu.memory_space<vmem>>, %arg11: memref<2x40x128xi32, #tpu.memory_space<vmem>>, %arg12: memref<!tpu.dma_semaphore, #tpu.memory_space<semaphore_mem>>, %arg13: memref<!tpu.dma_semaphore, #tpu.memory_space<semaphore_mem>>, %arg14: memref<!tpu.dma_semaphore, #tpu.memory_space<semaphore_mem>>, %arg15: memref<!tpu.dma_semaphore, #tpu.memory_space<semaphore_mem>>) attributes {dimension_semantics = [#tpu.dimension_semantics<core_parallel>, #tpu.dimension_semantics<subcore_parallel>], iteration_bounds = array<i64: 2, 16>, scalar_prefetch = 0 : i64, scratch_operands = 8 : i64, tpu.core_type = #tpu.core_type<sc_vector_subcore>, window_params = [{transform_indices = #map}, {transform_indices = #map}, {transform_indices = #map1}, {transform_indices = #map1}, {transform_indices = #map}, {transform_indices = #map}]} {
    %mul3A = arith.constant 2 : i32
    %mul3A_0 = arith.muli %arg1, %mul3A : i32
    %add3A = arith.addi %mul3A_0, %arg0 : i32
    %mul3A_1 = arith.constant 5000 : i32
    %mul3A_2 = arith.muli %add3A, %mul3A_1 : i32
    "tpu.region"() ({
      %run_scoped3A = tpu.sem_alloc : memref<!tpu.dma_semaphore, #tpu.memory_space<semaphore_mem>>
      %dma_start3A_47 = tpu.memref_slice %arg4[%mul3A_2] : memref<160000xi32, #tpu.memory_space<hbm>> -> memref<5000xi32, #tpu.memory_space<hbm>>
      %dma_start3A_48 = tpu.memref_slice %arg4[%mul3A_2] : memref<160000xi32, #tpu.memory_space<hbm>> -> memref<5000xi32, #tpu.memory_space<hbm>>
      tpu.enqueue_dma source(%dma_start3A_48 : memref<5000xi32, #tpu.memory_space<hbm>>) target(%arg8 : memref<5000xi32, #tpu.memory_space<vmem>>) target_semaphore(%run_scoped3A : memref<!tpu.dma_semaphore, #tpu.memory_space<semaphore_mem>>)
      %dma_wait3A = tpu.memref_slice %arg4[%mul3A_2] : memref<160000xi32, #tpu.memory_space<hbm>> -> memref<5000xi32, #tpu.memory_space<hbm>>
      %dma_wait3A_49 = tpu.memref_slice %arg4[%mul3A_2] : memref<160000xi32, #tpu.memory_space<hbm>> -> memref<5000xi32, #tpu.memory_space<hbm>>
      tpu.wait_dma2 semaphore(%run_scoped3A : memref<!tpu.dma_semaphore, #tpu.memory_space<semaphore_mem>>) src(%dma_wait3A_49 : memref<5000xi32, #tpu.memory_space<hbm>>) dst(%arg8 : memref<5000xi32, #tpu.memory_space<vmem>>)
      tpu.yield
    }) : () -> ()
    "tpu.region"() ({
      %run_scoped3A = tpu.sem_alloc : memref<!tpu.dma_semaphore, #tpu.memory_space<semaphore_mem>>
      %dma_start3A_47 = tpu.memref_slice %arg5[%mul3A_2] : memref<160000xi32, #tpu.memory_space<hbm>> -> memref<5000xi32, #tpu.memory_space<hbm>>
      %dma_start3A_48 = tpu.memref_slice %arg5[%mul3A_2] : memref<160000xi32, #tpu.memory_space<hbm>> -> memref<5000xi32, #tpu.memory_space<hbm>>
      tpu.enqueue_dma source(%dma_start3A_48 : memref<5000xi32, #tpu.memory_space<hbm>>) target(%arg9 : memref<5000xi32, #tpu.memory_space<vmem>>) target_semaphore(%run_scoped3A : memref<!tpu.dma_semaphore, #tpu.memory_space<semaphore_mem>>)
      %dma_wait3A = tpu.memref_slice %arg5[%mul3A_2] : memref<160000xi32, #tpu.memory_space<hbm>> -> memref<5000xi32, #tpu.memory_space<hbm>>
      %dma_wait3A_49 = tpu.memref_slice %arg5[%mul3A_2] : memref<160000xi32, #tpu.memory_space<hbm>> -> memref<5000xi32, #tpu.memory_space<hbm>>
      tpu.wait_dma2 semaphore(%run_scoped3A : memref<!tpu.dma_semaphore, #tpu.memory_space<semaphore_mem>>) src(%dma_wait3A_49 : memref<5000xi32, #tpu.memory_space<hbm>>) dst(%arg9 : memref<5000xi32, #tpu.memory_space<vmem>>)
      tpu.yield
    }) : () -> ()
    %dma_start3A = arith.constant 0 : i32
    %dma_start3A_3 = arith.constant 0 : i32
    %dma_start3A_4 = arith.constant 0 : i32
    %dma_start3A_5 = tpu.memref_slice %arg10[%dma_start3A, %dma_start3A_3, %dma_start3A_4] : memref<2x40x128xi32, #tpu.memory_space<vmem>> -> memref<1x40x128xi32, #tpu.memory_space<vmem>>
    %dma_start3A_6 = tpu.memref_squeeze %dma_start3A_5 : memref<1x40x128xi32, #tpu.memory_space<vmem>> -> memref<40x128xi32, #tpu.memory_space<vmem>>
    %dma_start3A_7 = arith.constant 0 : i32
    %dma_start3A_8 = tpu.memref_slice %arg8[%dma_start3A_7] : memref<5000xi32, #tpu.memory_space<vmem>> -> memref<40xi32, #tpu.memory_space<vmem>>
    %dma_start3A_9 = arith.constant 0 : i32
    %dma_start3A_10 = arith.constant 0 : i32
    %dma_start3A_11 = tpu.memref_slice %arg2[%dma_start3A_9, %dma_start3A_10] : memref<20480x128xi32, #tpu.memory_space<hbm>> -> memref<20480x128xi32, #tpu.memory_space<hbm>>
    tpu.enqueue_indirect_dma source(%dma_start3A_11 : memref<20480x128xi32, #tpu.memory_space<hbm>>) target(%dma_start3A_6 : memref<40x128xi32, #tpu.memory_space<vmem>>) offsets(%dma_start3A_8 : memref<40xi32, #tpu.memory_space<vmem>>) semaphore(%arg12 : memref<!tpu.dma_semaphore, #tpu.memory_space<semaphore_mem>>)
    %dma_start3A_12 = arith.constant 0 : i32
    %dma_start3A_13 = arith.constant 0 : i32
    %dma_start3A_14 = arith.constant 0 : i32
    %dma_start3A_15 = tpu.memref_slice %arg11[%dma_start3A_12, %dma_start3A_13, %dma_start3A_14] : memref<2x40x128xi32, #tpu.memory_space<vmem>> -> memref<1x40x128xi32, #tpu.memory_space<vmem>>
    %dma_start3A_16 = tpu.memref_squeeze %dma_start3A_15 : memref<1x40x128xi32, #tpu.memory_space<vmem>> -> memref<40x128xi32, #tpu.memory_space<vmem>>
    %dma_start3A_17 = arith.constant 0 : i32
    %dma_start3A_18 = tpu.memref_slice %arg9[%dma_start3A_17] : memref<5000xi32, #tpu.memory_space<vmem>> -> memref<40xi32, #tpu.memory_space<vmem>>
    %dma_start3A_19 = arith.constant 0 : i32
    %dma_start3A_20 = arith.constant 0 : i32
    %dma_start3A_21 = tpu.memref_slice %arg3[%dma_start3A_19, %dma_start3A_20] : memref<20480x128xi32, #tpu.memory_space<hbm>> -> memref<20480x128xi32, #tpu.memory_space<hbm>>
    tpu.enqueue_indirect_dma source(%dma_start3A_21 : memref<20480x128xi32, #tpu.memory_space<hbm>>) target(%dma_start3A_16 : memref<40x128xi32, #tpu.memory_space<vmem>>) offsets(%dma_start3A_18 : memref<40xi32, #tpu.memory_space<vmem>>) semaphore(%arg14 : memref<!tpu.dma_semaphore, #tpu.memory_space<semaphore_mem>>)
    %dma_start3A_22 = arith.constant 1 : i32
    %dma_start3A_23 = arith.constant 0 : i32
    %dma_start3A_24 = arith.constant 0 : i32
    %dma_start3A_25 = tpu.memref_slice %arg10[%dma_start3A_22, %dma_start3A_23, %dma_start3A_24] : memref<2x40x128xi32, #tpu.memory_space<vmem>> -> memref<1x40x128xi32, #tpu.memory_space<vmem>>
    %dma_start3A_26 = tpu.memref_squeeze %dma_start3A_25 : memref<1x40x128xi32, #tpu.memory_space<vmem>> -> memref<40x128xi32, #tpu.memory_space<vmem>>
    %dma_start3A_27 = arith.constant 40 : i32
    %dma_start3A_28 = tpu.memref_slice %arg8[%dma_start3A_27] : memref<5000xi32, #tpu.memory_space<vmem>> -> memref<40xi32, #tpu.memory_space<vmem>>
    %dma_start3A_29 = arith.constant 0 : i32
    %dma_start3A_30 = arith.constant 0 : i32
    %dma_start3A_31 = tpu.memref_slice %arg2[%dma_start3A_29, %dma_start3A_30] : memref<20480x128xi32, #tpu.memory_space<hbm>> -> memref<20480x128xi32, #tpu.memory_space<hbm>>
    tpu.enqueue_indirect_dma source(%dma_start3A_31 : memref<20480x128xi32, #tpu.memory_space<hbm>>) target(%dma_start3A_26 : memref<40x128xi32, #tpu.memory_space<vmem>>) offsets(%dma_start3A_28 : memref<40xi32, #tpu.memory_space<vmem>>) semaphore(%arg13 : memref<!tpu.dma_semaphore, #tpu.memory_space<semaphore_mem>>)
    %dma_start3A_32 = arith.constant 1 : i32
    %dma_start3A_33 = arith.constant 0 : i32
    %dma_start3A_34 = arith.constant 0 : i32
    %dma_start3A_35 = tpu.memref_slice %arg11[%dma_start3A_32, %dma_start3A_33, %dma_start3A_34] : memref<2x40x128xi32, #tpu.memory_space<vmem>> -> memref<1x40x128xi32, #tpu.memory_space<vmem>>
    %dma_start3A_36 = tpu.memref_squeeze %dma_start3A_35 : memref<1x40x128xi32, #tpu.memory_space<vmem>> -> memref<40x128xi32, #tpu.memory_space<vmem>>
    %dma_start3A_37 = arith.constant 40 : i32
    %dma_start3A_38 = tpu.memref_slice %arg9[%dma_start3A_37] : memref<5000xi32, #tpu.memory_space<vmem>> -> memref<40xi32, #tpu.memory_space<vmem>>
    %dma_start3A_39 = arith.constant 0 : i32
    %dma_start3A_40 = arith.constant 0 : i32
    %dma_start3A_41 = tpu.memref_slice %arg3[%dma_start3A_39, %dma_start3A_40] : memref<20480x128xi32, #tpu.memory_space<hbm>> -> memref<20480x128xi32, #tpu.memory_space<hbm>>
    tpu.enqueue_indirect_dma source(%dma_start3A_41 : memref<20480x128xi32, #tpu.memory_space<hbm>>) target(%dma_start3A_36 : memref<40x128xi32, #tpu.memory_space<vmem>>) offsets(%dma_start3A_38 : memref<40xi32, #tpu.memory_space<vmem>>) semaphore(%arg15 : memref<!tpu.dma_semaphore, #tpu.memory_space<semaphore_mem>>)
    %scan3A = arith.constant 0 : i32
    %scan3A_42 = arith.constant 0 : i32
    %scan3A_43 = arith.constant 63 : i32
    %scan3A_44 = arith.addi %scan3A_42, %scan3A_43 : i32
    %scan3A_45 = arith.constant 1 : i32
    scf.for %scan3A_47 = %scan3A_42 to %scan3A_44 step %scan3A_45  : i32 {
      %mul3A_48 = arith.constant 2 : i32
      %mul3A_49 = arith.muli %scan3A_47, %mul3A_48 : i32
      %add3A_50 = arith.constant 0 : i32
      %add3A_51 = arith.addi %mul3A_49, %add3A_50 : i32
      %lt3A = arith.constant 125 : i32
      %lt3A_52 = arith.cmpi slt, %add3A_51, %lt3A : i32
      %convert_element_type3A = arith.extui %lt3A_52 : i1 to i32
      %cond3A = arith.constant 0 : i32
      %cond3A_53 = arith.cmpi ne, %convert_element_type3A, %cond3A : i32
      scf.if %cond3A_53 {
        %mul3A_63 = arith.constant 40 : i32
        %mul3A_64 = arith.muli %add3A_51, %mul3A_63 : i32
        %dma_wait3A = arith.constant 0 : i32
        %dma_wait3A_65 = arith.constant 0 : i32
        %dma_wait3A_66 = arith.constant 0 : i32
        %dma_wait3A_67 = tpu.memref_slice %arg10[%dma_wait3A, %dma_wait3A_65, %dma_wait3A_66] : memref<2x40x128xi32, #tpu.memory_space<vmem>> -> memref<1x40x128xi32, #tpu.memory_space<vmem>>
        %dma_wait3A_68 = tpu.memref_squeeze %dma_wait3A_67 : memref<1x40x128xi32, #tpu.memory_space<vmem>> -> memref<40x128xi32, #tpu.memory_space<vmem>>
        %dma_wait3A_69 = tpu.memref_slice %arg8[%mul3A_64] : memref<5000xi32, #tpu.memory_space<vmem>> -> memref<40xi32, #tpu.memory_space<vmem>>
        %dma_wait3A_70 = arith.constant 0 : i32
        %dma_wait3A_71 = arith.constant 0 : i32
        %dma_wait3A_72 = tpu.memref_slice %arg2[%dma_wait3A_70, %dma_wait3A_71] : memref<20480x128xi32, #tpu.memory_space<hbm>> -> memref<20480x128xi32, #tpu.memory_space<hbm>>
        tpu.wait_indirect_dma semaphore(%arg12 : memref<!tpu.dma_semaphore, #tpu.memory_space<semaphore_mem>>) src(%dma_wait3A_72 : memref<20480x128xi32, #tpu.memory_space<hbm>>) dst(%dma_wait3A_68 : memref<40x128xi32, #tpu.memory_space<vmem>>)
        %dma_wait3A_73 = arith.constant 0 : i32
        %dma_wait3A_74 = arith.constant 0 : i32
        %dma_wait3A_75 = arith.constant 0 : i32
        %dma_wait3A_76 = tpu.memref_slice %arg11[%dma_wait3A_73, %dma_wait3A_74, %dma_wait3A_75] : memref<2x40x128xi32, #tpu.memory_space<vmem>> -> memref<1x40x128xi32, #tpu.memory_space<vmem>>
        %dma_wait3A_77 = tpu.memref_squeeze %dma_wait3A_76 : memref<1x40x128xi32, #tpu.memory_space<vmem>> -> memref<40x128xi32, #tpu.memory_space<vmem>>
        %dma_wait3A_78 = tpu.memref_slice %arg9[%mul3A_64] : memref<5000xi32, #tpu.memory_space<vmem>> -> memref<40xi32, #tpu.memory_space<vmem>>
        %dma_wait3A_79 = arith.constant 0 : i32
        %dma_wait3A_80 = arith.constant 0 : i32
        %dma_wait3A_81 = tpu.memref_slice %arg3[%dma_wait3A_79, %dma_wait3A_80] : memref<20480x128xi32, #tpu.memory_space<hbm>> -> memref<20480x128xi32, #tpu.memory_space<hbm>>
        tpu.wait_indirect_dma semaphore(%arg14 : memref<!tpu.dma_semaphore, #tpu.memory_space<semaphore_mem>>) src(%dma_wait3A_81 : memref<20480x128xi32, #tpu.memory_space<hbm>>) dst(%dma_wait3A_77 : memref<40x128xi32, #tpu.memory_space<vmem>>)
        %add3A_82 = arith.addi %mul3A_2, %mul3A_64 : i32
        %run_scoped3A = arith.constant 0 : i32
        "tpu.region"() ({
          %run_scoped3A_92 = tpu.sem_alloc : memref<!tpu.dma_semaphore, #tpu.memory_space<semaphore_mem>>
          %dma_start3A_93 = arith.constant 0 : i32
          %dma_start3A_94 = arith.constant 0 : i32
          %dma_start3A_95 = tpu.memref_slice %arg10[%run_scoped3A, %dma_start3A_93, %dma_start3A_94] : memref<2x40x128xi32, #tpu.memory_space<vmem>> -> memref<1x40x128xi32, #tpu.memory_space<vmem>>
          %dma_start3A_96 = tpu.memref_squeeze %dma_start3A_95 : memref<1x40x128xi32, #tpu.memory_space<vmem>> -> memref<40x128xi32, #tpu.memory_space<vmem>>
          %dma_start3A_97 = arith.constant 0 : i32
          %dma_start3A_98 = tpu.memref_slice %arg6[%add3A_82, %dma_start3A_97] : memref<160000x128xi32, #tpu.memory_space<hbm>> -> memref<40x128xi32, #tpu.memory_space<hbm>>
          %dma_start3A_99 = arith.constant 0 : i32
          %dma_start3A_100 = tpu.memref_slice %arg6[%add3A_82, %dma_start3A_99] : memref<160000x128xi32, #tpu.memory_space<hbm>> -> memref<40x128xi32, #tpu.memory_space<hbm>>
          %dma_start3A_101 = arith.constant 0 : i32
          %dma_start3A_102 = arith.constant 0 : i32
          %dma_start3A_103 = tpu.memref_slice %arg10[%run_scoped3A, %dma_start3A_101, %dma_start3A_102] : memref<2x40x128xi32, #tpu.memory_space<vmem>> -> memref<1x40x128xi32, #tpu.memory_space<vmem>>
          %dma_start3A_104 = tpu.memref_squeeze %dma_start3A_103 : memref<1x40x128xi32, #tpu.memory_space<vmem>> -> memref<40x128xi32, #tpu.memory_space<vmem>>
          tpu.enqueue_dma source(%dma_start3A_104 : memref<40x128xi32, #tpu.memory_space<vmem>>) target(%dma_start3A_100 : memref<40x128xi32, #tpu.memory_space<hbm>>) target_semaphore(%run_scoped3A_92 : memref<!tpu.dma_semaphore, #tpu.memory_space<semaphore_mem>>)
          %dma_wait3A_105 = arith.constant 0 : i32
          %dma_wait3A_106 = arith.constant 0 : i32
          %dma_wait3A_107 = tpu.memref_slice %arg10[%run_scoped3A, %dma_wait3A_105, %dma_wait3A_106] : memref<2x40x128xi32, #tpu.memory_space<vmem>> -> memref<1x40x128xi32, #tpu.memory_space<vmem>>
          %dma_wait3A_108 = tpu.memref_squeeze %dma_wait3A_107 : memref<1x40x128xi32, #tpu.memory_space<vmem>> -> memref<40x128xi32, #tpu.memory_space<vmem>>
          %dma_wait3A_109 = arith.constant 0 : i32
          %dma_wait3A_110 = tpu.memref_slice %arg6[%add3A_82, %dma_wait3A_109] : memref<160000x128xi32, #tpu.memory_space<hbm>> -> memref<40x128xi32, #tpu.memory_space<hbm>>
          %dma_wait3A_111 = arith.constant 0 : i32
          %dma_wait3A_112 = tpu.memref_slice %arg6[%add3A_82, %dma_wait3A_111] : memref<160000x128xi32, #tpu.memory_space<hbm>> -> memref<40x128xi32, #tpu.memory_space<hbm>>
          %dma_wait3A_113 = arith.constant 0 : i32
          %dma_wait3A_114 = arith.constant 0 : i32
          %dma_wait3A_115 = tpu.memref_slice %arg10[%run_scoped3A, %dma_wait3A_113, %dma_wait3A_114] : memref<2x40x128xi32, #tpu.memory_space<vmem>> -> memref<1x40x128xi32, #tpu.memory_space<vmem>>
          %dma_wait3A_116 = tpu.memref_squeeze %dma_wait3A_115 : memref<1x40x128xi32, #tpu.memory_space<vmem>> -> memref<40x128xi32, #tpu.memory_space<vmem>>
          tpu.wait_dma2 semaphore(%run_scoped3A_92 : memref<!tpu.dma_semaphore, #tpu.memory_space<semaphore_mem>>) src(%dma_wait3A_116 : memref<40x128xi32, #tpu.memory_space<vmem>>) dst(%dma_wait3A_112 : memref<40x128xi32, #tpu.memory_space<hbm>>)
          tpu.yield
        }) : () -> ()
        %add3A_83 = arith.addi %mul3A_2, %mul3A_64 : i32
        %run_scoped3A_84 = arith.constant 0 : i32
        "tpu.region"() ({
          %run_scoped3A_92 = tpu.sem_alloc : memref<!tpu.dma_semaphore, #tpu.memory_space<semaphore_mem>>
          %dma_start3A_93 = arith.constant 0 : i32
          %dma_start3A_94 = arith.constant 0 : i32
          %dma_start3A_95 = tpu.memref_slice %arg11[%run_scoped3A_84, %dma_start3A_93, %dma_start3A_94] : memref<2x40x128xi32, #tpu.memory_space<vmem>> -> memref<1x40x128xi32, #tpu.memory_space<vmem>>
          %dma_start3A_96 = tpu.memref_squeeze %dma_start3A_95 : memref<1x40x128xi32, #tpu.memory_space<vmem>> -> memref<40x128xi32, #tpu.memory_space<vmem>>
          %dma_start3A_97 = arith.constant 0 : i32
          %dma_start3A_98 = tpu.memref_slice %arg7[%add3A_83, %dma_start3A_97] : memref<160000x128xi32, #tpu.memory_space<hbm>> -> memref<40x128xi32, #tpu.memory_space<hbm>>
          %dma_start3A_99 = arith.constant 0 : i32
          %dma_start3A_100 = tpu.memref_slice %arg7[%add3A_83, %dma_start3A_99] : memref<160000x128xi32, #tpu.memory_space<hbm>> -> memref<40x128xi32, #tpu.memory_space<hbm>>
          %dma_start3A_101 = arith.constant 0 : i32
          %dma_start3A_102 = arith.constant 0 : i32
          %dma_start3A_103 = tpu.memref_slice %arg11[%run_scoped3A_84, %dma_start3A_101, %dma_start3A_102] : memref<2x40x128xi32, #tpu.memory_space<vmem>> -> memref<1x40x128xi32, #tpu.memory_space<vmem>>
          %dma_start3A_104 = tpu.memref_squeeze %dma_start3A_103 : memref<1x40x128xi32, #tpu.memory_space<vmem>> -> memref<40x128xi32, #tpu.memory_space<vmem>>
          tpu.enqueue_dma source(%dma_start3A_104 : memref<40x128xi32, #tpu.memory_space<vmem>>) target(%dma_start3A_100 : memref<40x128xi32, #tpu.memory_space<hbm>>) target_semaphore(%run_scoped3A_92 : memref<!tpu.dma_semaphore, #tpu.memory_space<semaphore_mem>>)
          %dma_wait3A_105 = arith.constant 0 : i32
          %dma_wait3A_106 = arith.constant 0 : i32
          %dma_wait3A_107 = tpu.memref_slice %arg11[%run_scoped3A_84, %dma_wait3A_105, %dma_wait3A_106] : memref<2x40x128xi32, #tpu.memory_space<vmem>> -> memref<1x40x128xi32, #tpu.memory_space<vmem>>
          %dma_wait3A_108 = tpu.memref_squeeze %dma_wait3A_107 : memref<1x40x128xi32, #tpu.memory_space<vmem>> -> memref<40x128xi32, #tpu.memory_space<vmem>>
          %dma_wait3A_109 = arith.constant 0 : i32
          %dma_wait3A_110 = tpu.memref_slice %arg7[%add3A_83, %dma_wait3A_109] : memref<160000x128xi32, #tpu.memory_space<hbm>> -> memref<40x128xi32, #tpu.memory_space<hbm>>
          %dma_wait3A_111 = arith.constant 0 : i32
          %dma_wait3A_112 = tpu.memref_slice %arg7[%add3A_83, %dma_wait3A_111] : memref<160000x128xi32, #tpu.memory_space<hbm>> -> memref<40x128xi32, #tpu.memory_space<hbm>>
          %dma_wait3A_113 = arith.constant 0 : i32
          %dma_wait3A_114 = arith.constant 0 : i32
          %dma_wait3A_115 = tpu.memref_slice %arg11[%run_scoped3A_84, %dma_wait3A_113, %dma_wait3A_114] : memref<2x40x128xi32, #tpu.memory_space<vmem>> -> memref<1x40x128xi32, #tpu.memory_space<vmem>>
          %dma_wait3A_116 = tpu.memref_squeeze %dma_wait3A_115 : memref<1x40x128xi32, #tpu.memory_space<vmem>> -> memref<40x128xi32, #tpu.memory_space<vmem>>
          tpu.wait_dma2 semaphore(%run_scoped3A_92 : memref<!tpu.dma_semaphore, #tpu.memory_space<semaphore_mem>>) src(%dma_wait3A_116 : memref<40x128xi32, #tpu.memory_space<vmem>>) dst(%dma_wait3A_112 : memref<40x128xi32, #tpu.memory_space<hbm>>)
          tpu.yield
        }) : () -> ()
        %add3A_85 = arith.constant 2 : i32
        %add3A_86 = arith.addi %add3A_51, %add3A_85 : i32
        %lt3A_87 = arith.constant 125 : i32
        %lt3A_88 = arith.cmpi slt, %add3A_86, %lt3A_87 : i32
        %convert_element_type3A_89 = arith.extui %lt3A_88 : i1 to i32
        %cond3A_90 = arith.constant 0 : i32
        %cond3A_91 = arith.cmpi ne, %convert_element_type3A_89, %cond3A_90 : i32
        scf.if %cond3A_91 {
          %add3A_92 = arith.constant 2 : i32
          %add3A_93 = arith.addi %add3A_51, %add3A_92 : i32
          %mul3A_94 = arith.constant 40 : i32
          %mul3A_95 = arith.muli %add3A_93, %mul3A_94 : i32
          %dma_start3A_96 = arith.constant 0 : i32
          %dma_start3A_97 = arith.constant 0 : i32
          %dma_start3A_98 = arith.constant 0 : i32
          %dma_start3A_99 = tpu.memref_slice %arg10[%dma_start3A_96, %dma_start3A_97, %dma_start3A_98] : memref<2x40x128xi32, #tpu.memory_space<vmem>> -> memref<1x40x128xi32, #tpu.memory_space<vmem>>
          %dma_start3A_100 = tpu.memref_squeeze %dma_start3A_99 : memref<1x40x128xi32, #tpu.memory_space<vmem>> -> memref<40x128xi32, #tpu.memory_space<vmem>>
          %dma_start3A_101 = tpu.memref_slice %arg8[%mul3A_95] : memref<5000xi32, #tpu.memory_space<vmem>> -> memref<40xi32, #tpu.memory_space<vmem>>
          %dma_start3A_102 = arith.constant 0 : i32
          %dma_start3A_103 = arith.constant 0 : i32
          %dma_start3A_104 = tpu.memref_slice %arg2[%dma_start3A_102, %dma_start3A_103] : memref<20480x128xi32, #tpu.memory_space<hbm>> -> memref<20480x128xi32, #tpu.memory_space<hbm>>
          tpu.enqueue_indirect_dma source(%dma_start3A_104 : memref<20480x128xi32, #tpu.memory_space<hbm>>) target(%dma_start3A_100 : memref<40x128xi32, #tpu.memory_space<vmem>>) offsets(%dma_start3A_101 : memref<40xi32, #tpu.memory_space<vmem>>) semaphore(%arg12 : memref<!tpu.dma_semaphore, #tpu.memory_space<semaphore_mem>>)
          %dma_start3A_105 = arith.constant 0 : i32
          %dma_start3A_106 = arith.constant 0 : i32
          %dma_start3A_107 = arith.constant 0 : i32
          %dma_start3A_108 = tpu.memref_slice %arg11[%dma_start3A_105, %dma_start3A_106, %dma_start3A_107] : memref<2x40x128xi32, #tpu.memory_space<vmem>> -> memref<1x40x128xi32, #tpu.memory_space<vmem>>
          %dma_start3A_109 = tpu.memref_squeeze %dma_start3A_108 : memref<1x40x128xi32, #tpu.memory_space<vmem>> -> memref<40x128xi32, #tpu.memory_space<vmem>>
          %dma_start3A_110 = tpu.memref_slice %arg9[%mul3A_95] : memref<5000xi32, #tpu.memory_space<vmem>> -> memref<40xi32, #tpu.memory_space<vmem>>
          %dma_start3A_111 = arith.constant 0 : i32
          %dma_start3A_112 = arith.constant 0 : i32
          %dma_start3A_113 = tpu.memref_slice %arg3[%dma_start3A_111, %dma_start3A_112] : memref<20480x128xi32, #tpu.memory_space<hbm>> -> memref<20480x128xi32, #tpu.memory_space<hbm>>
          tpu.enqueue_indirect_dma source(%dma_start3A_113 : memref<20480x128xi32, #tpu.memory_space<hbm>>) target(%dma_start3A_109 : memref<40x128xi32, #tpu.memory_space<vmem>>) offsets(%dma_start3A_110 : memref<40xi32, #tpu.memory_space<vmem>>) semaphore(%arg14 : memref<!tpu.dma_semaphore, #tpu.memory_space<semaphore_mem>>)
        } else {
        }
      } else {
      }
      %mul3A_54 = arith.constant 2 : i32
      %mul3A_55 = arith.muli %scan3A_47, %mul3A_54 : i32
      %add3A_56 = arith.constant 1 : i32
      %add3A_57 = arith.addi %mul3A_55, %add3A_56 : i32
      %lt3A_58 = arith.constant 125 : i32
      %lt3A_59 = arith.cmpi slt, %add3A_57, %lt3A_58 : i32
      %convert_element_type3A_60 = arith.extui %lt3A_59 : i1 to i32
      %cond3A_61 = arith.constant 0 : i32
      %cond3A_62 = arith.cmpi ne, %convert_element_type3A_60, %cond3A_61 : i32
      scf.if %cond3A_62 {
        %mul3A_63 = arith.constant 40 : i32
        %mul3A_64 = arith.muli %add3A_57, %mul3A_63 : i32
        %dma_wait3A = arith.constant 1 : i32
        %dma_wait3A_65 = arith.constant 0 : i32
        %dma_wait3A_66 = arith.constant 0 : i32
        %dma_wait3A_67 = tpu.memref_slice %arg10[%dma_wait3A, %dma_wait3A_65, %dma_wait3A_66] : memref<2x40x128xi32, #tpu.memory_space<vmem>> -> memref<1x40x128xi32, #tpu.memory_space<vmem>>
        %dma_wait3A_68 = tpu.memref_squeeze %dma_wait3A_67 : memref<1x40x128xi32, #tpu.memory_space<vmem>> -> memref<40x128xi32, #tpu.memory_space<vmem>>
        %dma_wait3A_69 = tpu.memref_slice %arg8[%mul3A_64] : memref<5000xi32, #tpu.memory_space<vmem>> -> memref<40xi32, #tpu.memory_space<vmem>>
        %dma_wait3A_70 = arith.constant 0 : i32
        %dma_wait3A_71 = arith.constant 0 : i32
        %dma_wait3A_72 = tpu.memref_slice %arg2[%dma_wait3A_70, %dma_wait3A_71] : memref<20480x128xi32, #tpu.memory_space<hbm>> -> memref<20480x128xi32, #tpu.memory_space<hbm>>
        tpu.wait_indirect_dma semaphore(%arg13 : memref<!tpu.dma_semaphore, #tpu.memory_space<semaphore_mem>>) src(%dma_wait3A_72 : memref<20480x128xi32, #tpu.memory_space<hbm>>) dst(%dma_wait3A_68 : memref<40x128xi32, #tpu.memory_space<vmem>>)
        %dma_wait3A_73 = arith.constant 1 : i32
        %dma_wait3A_74 = arith.constant 0 : i32
        %dma_wait3A_75 = arith.constant 0 : i32
        %dma_wait3A_76 = tpu.memref_slice %arg11[%dma_wait3A_73, %dma_wait3A_74, %dma_wait3A_75] : memref<2x40x128xi32, #tpu.memory_space<vmem>> -> memref<1x40x128xi32, #tpu.memory_space<vmem>>
        %dma_wait3A_77 = tpu.memref_squeeze %dma_wait3A_76 : memref<1x40x128xi32, #tpu.memory_space<vmem>> -> memref<40x128xi32, #tpu.memory_space<vmem>>
        %dma_wait3A_78 = tpu.memref_slice %arg9[%mul3A_64] : memref<5000xi32, #tpu.memory_space<vmem>> -> memref<40xi32, #tpu.memory_space<vmem>>
        %dma_wait3A_79 = arith.constant 0 : i32
        %dma_wait3A_80 = arith.constant 0 : i32
        %dma_wait3A_81 = tpu.memref_slice %arg3[%dma_wait3A_79, %dma_wait3A_80] : memref<20480x128xi32, #tpu.memory_space<hbm>> -> memref<20480x128xi32, #tpu.memory_space<hbm>>
        tpu.wait_indirect_dma semaphore(%arg15 : memref<!tpu.dma_semaphore, #tpu.memory_space<semaphore_mem>>) src(%dma_wait3A_81 : memref<20480x128xi32, #tpu.memory_space<hbm>>) dst(%dma_wait3A_77 : memref<40x128xi32, #tpu.memory_space<vmem>>)
        %add3A_82 = arith.addi %mul3A_2, %mul3A_64 : i32
        %run_scoped3A = arith.constant 1 : i32
        "tpu.region"() ({
          %run_scoped3A_92 = tpu.sem_alloc : memref<!tpu.dma_semaphore, #tpu.memory_space<semaphore_mem>>
          %dma_start3A_93 = arith.constant 0 : i32
          %dma_start3A_94 = arith.constant 0 : i32
          %dma_start3A_95 = tpu.memref_slice %arg10[%run_scoped3A, %dma_start3A_93, %dma_start3A_94] : memref<2x40x128xi32, #tpu.memory_space<vmem>> -> memref<1x40x128xi32, #tpu.memory_space<vmem>>
          %dma_start3A_96 = tpu.memref_squeeze %dma_start3A_95 : memref<1x40x128xi32, #tpu.memory_space<vmem>> -> memref<40x128xi32, #tpu.memory_space<vmem>>
          %dma_start3A_97 = arith.constant 0 : i32
          %dma_start3A_98 = tpu.memref_slice %arg6[%add3A_82, %dma_start3A_97] : memref<160000x128xi32, #tpu.memory_space<hbm>> -> memref<40x128xi32, #tpu.memory_space<hbm>>
          %dma_start3A_99 = arith.constant 0 : i32
          %dma_start3A_100 = tpu.memref_slice %arg6[%add3A_82, %dma_start3A_99] : memref<160000x128xi32, #tpu.memory_space<hbm>> -> memref<40x128xi32, #tpu.memory_space<hbm>>
          %dma_start3A_101 = arith.constant 0 : i32
          %dma_start3A_102 = arith.constant 0 : i32
          %dma_start3A_103 = tpu.memref_slice %arg10[%run_scoped3A, %dma_start3A_101, %dma_start3A_102] : memref<2x40x128xi32, #tpu.memory_space<vmem>> -> memref<1x40x128xi32, #tpu.memory_space<vmem>>
          %dma_start3A_104 = tpu.memref_squeeze %dma_start3A_103 : memref<1x40x128xi32, #tpu.memory_space<vmem>> -> memref<40x128xi32, #tpu.memory_space<vmem>>
          tpu.enqueue_dma source(%dma_start3A_104 : memref<40x128xi32, #tpu.memory_space<vmem>>) target(%dma_start3A_100 : memref<40x128xi32, #tpu.memory_space<hbm>>) target_semaphore(%run_scoped3A_92 : memref<!tpu.dma_semaphore, #tpu.memory_space<semaphore_mem>>)
          %dma_wait3A_105 = arith.constant 0 : i32
          %dma_wait3A_106 = arith.constant 0 : i32
          %dma_wait3A_107 = tpu.memref_slice %arg10[%run_scoped3A, %dma_wait3A_105, %dma_wait3A_106] : memref<2x40x128xi32, #tpu.memory_space<vmem>> -> memref<1x40x128xi32, #tpu.memory_space<vmem>>
          %dma_wait3A_108 = tpu.memref_squeeze %dma_wait3A_107 : memref<1x40x128xi32, #tpu.memory_space<vmem>> -> memref<40x128xi32, #tpu.memory_space<vmem>>
          %dma_wait3A_109 = arith.constant 0 : i32
          %dma_wait3A_110 = tpu.memref_slice %arg6[%add3A_82, %dma_wait3A_109] : memref<160000x128xi32, #tpu.memory_space<hbm>> -> memref<40x128xi32, #tpu.memory_space<hbm>>
          %dma_wait3A_111 = arith.constant 0 : i32
          %dma_wait3A_112 = tpu.memref_slice %arg6[%add3A_82, %dma_wait3A_111] : memref<160000x128xi32, #tpu.memory_space<hbm>> -> memref<40x128xi32, #tpu.memory_space<hbm>>
          %dma_wait3A_113 = arith.constant 0 : i32
          %dma_wait3A_114 = arith.constant 0 : i32
          %dma_wait3A_115 = tpu.memref_slice %arg10[%run_scoped3A, %dma_wait3A_113, %dma_wait3A_114] : memref<2x40x128xi32, #tpu.memory_space<vmem>> -> memref<1x40x128xi32, #tpu.memory_space<vmem>>
          %dma_wait3A_116 = tpu.memref_squeeze %dma_wait3A_115 : memref<1x40x128xi32, #tpu.memory_space<vmem>> -> memref<40x128xi32, #tpu.memory_space<vmem>>
          tpu.wait_dma2 semaphore(%run_scoped3A_92 : memref<!tpu.dma_semaphore, #tpu.memory_space<semaphore_mem>>) src(%dma_wait3A_116 : memref<40x128xi32, #tpu.memory_space<vmem>>) dst(%dma_wait3A_112 : memref<40x128xi32, #tpu.memory_space<hbm>>)
          tpu.yield
        }) : () -> ()
        %add3A_83 = arith.addi %mul3A_2, %mul3A_64 : i32
        %run_scoped3A_84 = arith.constant 1 : i32
        "tpu.region"() ({
          %run_scoped3A_92 = tpu.sem_alloc : memref<!tpu.dma_semaphore, #tpu.memory_space<semaphore_mem>>
          %dma_start3A_93 = arith.constant 0 : i32
          %dma_start3A_94 = arith.constant 0 : i32
          %dma_start3A_95 = tpu.memref_slice %arg11[%run_scoped3A_84, %dma_start3A_93, %dma_start3A_94] : memref<2x40x128xi32, #tpu.memory_space<vmem>> -> memref<1x40x128xi32, #tpu.memory_space<vmem>>
          %dma_start3A_96 = tpu.memref_squeeze %dma_start3A_95 : memref<1x40x128xi32, #tpu.memory_space<vmem>> -> memref<40x128xi32, #tpu.memory_space<vmem>>
          %dma_start3A_97 = arith.constant 0 : i32
          %dma_start3A_98 = tpu.memref_slice %arg7[%add3A_83, %dma_start3A_97] : memref<160000x128xi32, #tpu.memory_space<hbm>> -> memref<40x128xi32, #tpu.memory_space<hbm>>
          %dma_start3A_99 = arith.constant 0 : i32
          %dma_start3A_100 = tpu.memref_slice %arg7[%add3A_83, %dma_start3A_99] : memref<160000x128xi32, #tpu.memory_space<hbm>> -> memref<40x128xi32, #tpu.memory_space<hbm>>
          %dma_start3A_101 = arith.constant 0 : i32
          %dma_start3A_102 = arith.constant 0 : i32
          %dma_start3A_103 = tpu.memref_slice %arg11[%run_scoped3A_84, %dma_start3A_101, %dma_start3A_102] : memref<2x40x128xi32, #tpu.memory_space<vmem>> -> memref<1x40x128xi32, #tpu.memory_space<vmem>>
          %dma_start3A_104 = tpu.memref_squeeze %dma_start3A_103 : memref<1x40x128xi32, #tpu.memory_space<vmem>> -> memref<40x128xi32, #tpu.memory_space<vmem>>
          tpu.enqueue_dma source(%dma_start3A_104 : memref<40x128xi32, #tpu.memory_space<vmem>>) target(%dma_start3A_100 : memref<40x128xi32, #tpu.memory_space<hbm>>) target_semaphore(%run_scoped3A_92 : memref<!tpu.dma_semaphore, #tpu.memory_space<semaphore_mem>>)
          %dma_wait3A_105 = arith.constant 0 : i32
          %dma_wait3A_106 = arith.constant 0 : i32
          %dma_wait3A_107 = tpu.memref_slice %arg11[%run_scoped3A_84, %dma_wait3A_105, %dma_wait3A_106] : memref<2x40x128xi32, #tpu.memory_space<vmem>> -> memref<1x40x128xi32, #tpu.memory_space<vmem>>
          %dma_wait3A_108 = tpu.memref_squeeze %dma_wait3A_107 : memref<1x40x128xi32, #tpu.memory_space<vmem>> -> memref<40x128xi32, #tpu.memory_space<vmem>>
          %dma_wait3A_109 = arith.constant 0 : i32
          %dma_wait3A_110 = tpu.memref_slice %arg7[%add3A_83, %dma_wait3A_109] : memref<160000x128xi32, #tpu.memory_space<hbm>> -> memref<40x128xi32, #tpu.memory_space<hbm>>
          %dma_wait3A_111 = arith.constant 0 : i32
          %dma_wait3A_112 = tpu.memref_slice %arg7[%add3A_83, %dma_wait3A_111] : memref<160000x128xi32, #tpu.memory_space<hbm>> -> memref<40x128xi32, #tpu.memory_space<hbm>>
          %dma_wait3A_113 = arith.constant 0 : i32
          %dma_wait3A_114 = arith.constant 0 : i32
          %dma_wait3A_115 = tpu.memref_slice %arg11[%run_scoped3A_84, %dma_wait3A_113, %dma_wait3A_114] : memref<2x40x128xi32, #tpu.memory_space<vmem>> -> memref<1x40x128xi32, #tpu.memory_space<vmem>>
          %dma_wait3A_116 = tpu.memref_squeeze %dma_wait3A_115 : memref<1x40x128xi32, #tpu.memory_space<vmem>> -> memref<40x128xi32, #tpu.memory_space<vmem>>
          tpu.wait_dma2 semaphore(%run_scoped3A_92 : memref<!tpu.dma_semaphore, #tpu.memory_space<semaphore_mem>>) src(%dma_wait3A_116 : memref<40x128xi32, #tpu.memory_space<vmem>>) dst(%dma_wait3A_112 : memref<40x128xi32, #tpu.memory_space<hbm>>)
          tpu.yield
        }) : () -> ()
        %add3A_85 = arith.constant 2 : i32
        %add3A_86 = arith.addi %add3A_57, %add3A_85 : i32
        %lt3A_87 = arith.constant 125 : i32
        %lt3A_88 = arith.cmpi slt, %add3A_86, %lt3A_87 : i32
        %convert_element_type3A_89 = arith.extui %lt3A_88 : i1 to i32
        %cond3A_90 = arith.constant 0 : i32
        %cond3A_91 = arith.cmpi ne, %convert_element_type3A_89, %cond3A_90 : i32
        scf.if %cond3A_91 {
          %add3A_92 = arith.constant 2 : i32
          %add3A_93 = arith.addi %add3A_57, %add3A_92 : i32
          %mul3A_94 = arith.constant 40 : i32
          %mul3A_95 = arith.muli %add3A_93, %mul3A_94 : i32
          %dma_start3A_96 = arith.constant 1 : i32
          %dma_start3A_97 = arith.constant 0 : i32
          %dma_start3A_98 = arith.constant 0 : i32
          %dma_start3A_99 = tpu.memref_slice %arg10[%dma_start3A_96, %dma_start3A_97, %dma_start3A_98] : memref<2x40x128xi32, #tpu.memory_space<vmem>> -> memref<1x40x128xi32, #tpu.memory_space<vmem>>
          %dma_start3A_100 = tpu.memref_squeeze %dma_start3A_99 : memref<1x40x128xi32, #tpu.memory_space<vmem>> -> memref<40x128xi32, #tpu.memory_space<vmem>>
          %dma_start3A_101 = tpu.memref_slice %arg8[%mul3A_95] : memref<5000xi32, #tpu.memory_space<vmem>> -> memref<40xi32, #tpu.memory_space<vmem>>
          %dma_start3A_102 = arith.constant 0 : i32
          %dma_start3A_103 = arith.constant 0 : i32
          %dma_start3A_104 = tpu.memref_slice %arg2[%dma_start3A_102, %dma_start3A_103] : memref<20480x128xi32, #tpu.memory_space<hbm>> -> memref<20480x128xi32, #tpu.memory_space<hbm>>
          tpu.enqueue_indirect_dma source(%dma_start3A_104 : memref<20480x128xi32, #tpu.memory_space<hbm>>) target(%dma_start3A_100 : memref<40x128xi32, #tpu.memory_space<vmem>>) offsets(%dma_start3A_101 : memref<40xi32, #tpu.memory_space<vmem>>) semaphore(%arg13 : memref<!tpu.dma_semaphore, #tpu.memory_space<semaphore_mem>>)
          %dma_start3A_105 = arith.constant 1 : i32
          %dma_start3A_106 = arith.constant 0 : i32
          %dma_start3A_107 = arith.constant 0 : i32
          %dma_start3A_108 = tpu.memref_slice %arg11[%dma_start3A_105, %dma_start3A_106, %dma_start3A_107] : memref<2x40x128xi32, #tpu.memory_space<vmem>> -> memref<1x40x128xi32, #tpu.memory_space<vmem>>
          %dma_start3A_109 = tpu.memref_squeeze %dma_start3A_108 : memref<1x40x128xi32, #tpu.memory_space<vmem>> -> memref<40x128xi32, #tpu.memory_space<vmem>>
          %dma_start3A_110 = tpu.memref_slice %arg9[%mul3A_95] : memref<5000xi32, #tpu.memory_space<vmem>> -> memref<40xi32, #tpu.memory_space<vmem>>
          %dma_start3A_111 = arith.constant 0 : i32
          %dma_start3A_112 = arith.constant 0 : i32
          %dma_start3A_113 = tpu.memref_slice %arg3[%dma_start3A_111, %dma_start3A_112] : memref<20480x128xi32, #tpu.memory_space<hbm>> -> memref<20480x128xi32, #tpu.memory_space<hbm>>
          tpu.enqueue_indirect_dma source(%dma_start3A_113 : memref<20480x128xi32, #tpu.memory_space<hbm>>) target(%dma_start3A_109 : memref<40x128xi32, #tpu.memory_space<vmem>>) offsets(%dma_start3A_110 : memref<40xi32, #tpu.memory_space<vmem>>) semaphore(%arg15 : memref<!tpu.dma_semaphore, #tpu.memory_space<semaphore_mem>>)
        } else {
        }
      } else {
      }
    }
    %scan3A_46 = arith.constant 63 : i32
    return
  }
}

#map = affine_map<(d0, d1) -> (0, 0)>
#map1 = affine_map<(d0, d1) -> (0, 0, 0, 0)>
#map2 = affine_map<(d0, d1) -> (0, 0, 0)>
module attributes {stable_mosaic.version = 14 : i64} {
  func.func @_sc_scatter_body(%arg0: i32, %arg1: i32, %arg2: memref<160000x128xf32, #tpu.memory_space<hbm>>, %arg3: memref<2x16x125x40xi32, #tpu.memory_space<hbm>>, %arg4: memref<640x128xf32, #tpu.memory_space<hbm>>, %arg5: memref<2x10240x128xf32, #tpu.memory_space<hbm>>, %arg6: memref<125x40xi32, #tpu.memory_space<vmem>>, %arg7: memref<2x40x128xf32, #tpu.memory_space<vmem>>, %arg8: memref<10240x128xf32, #tpu.memory_space<vmem_shared>>, %arg9: memref<!tpu.dma_semaphore, #tpu.memory_space<semaphore_mem>>, %arg10: memref<!tpu.dma_semaphore, #tpu.memory_space<semaphore_mem>>) attributes {dimension_semantics = [#tpu.dimension_semantics<core_parallel>, #tpu.dimension_semantics<subcore_parallel>], iteration_bounds = array<i64: 2, 16>, scalar_prefetch = 0 : i64, scratch_operands = 5 : i64, tpu.core_type = #tpu.core_type<sc_vector_subcore>, window_params = [{transform_indices = #map}, {transform_indices = #map1}, {transform_indices = #map}, {transform_indices = #map2}]} {
    %mul3A = arith.constant 80000 : i32
    %mul3A_0 = arith.muli %arg0, %mul3A : i32
    %mul3A_1 = arith.constant 5000 : i32
    %mul3A_2 = arith.muli %arg1, %mul3A_1 : i32
    %add3A = arith.addi %mul3A_0, %mul3A_2 : i32
    %mul3A_3 = arith.constant 640 : i32
    %mul3A_4 = arith.muli %arg1, %mul3A_3 : i32
    "tpu.region"() ({
      %run_scoped3A = tpu.sem_alloc : memref<!tpu.dma_semaphore, #tpu.memory_space<semaphore_mem>>
      %dma_start3A_44 = arith.constant 0 : i32
      %dma_start3A_45 = tpu.memref_slice %arg8[%mul3A_4, %dma_start3A_44] : memref<10240x128xf32, #tpu.memory_space<vmem_shared>> -> memref<640x128xf32, #tpu.memory_space<vmem_shared>>
      tpu.enqueue_dma source(%arg4 : memref<640x128xf32, #tpu.memory_space<hbm>>) target(%dma_start3A_45 : memref<640x128xf32, #tpu.memory_space<vmem_shared>>) target_semaphore(%run_scoped3A : memref<!tpu.dma_semaphore, #tpu.memory_space<semaphore_mem>>)
      %dma_wait3A = arith.constant 0 : i32
      %dma_wait3A_46 = tpu.memref_slice %arg8[%mul3A_4, %dma_wait3A] : memref<10240x128xf32, #tpu.memory_space<vmem_shared>> -> memref<640x128xf32, #tpu.memory_space<vmem_shared>>
      tpu.wait_dma2 semaphore(%run_scoped3A : memref<!tpu.dma_semaphore, #tpu.memory_space<semaphore_mem>>) src(%arg4 : memref<640x128xf32, #tpu.memory_space<hbm>>) dst(%dma_wait3A_46 : memref<640x128xf32, #tpu.memory_space<vmem_shared>>)
      tpu.yield
    }) : () -> ()
    "tpu.region"() ({
      %run_scoped3A = tpu.sem_alloc : memref<!tpu.dma_semaphore, #tpu.memory_space<semaphore_mem>>
      %dma_start3A_44 = arith.constant 0 : i32
      %dma_start3A_45 = arith.constant 0 : i32
      %dma_start3A_46 = tpu.memref_slice %arg3[%arg0, %arg1, %dma_start3A_44, %dma_start3A_45] : memref<2x16x125x40xi32, #tpu.memory_space<hbm>> -> memref<1x1x125x40xi32, #tpu.memory_space<hbm>>
      %dma_start3A_47 = tpu.memref_squeeze %dma_start3A_46 : memref<1x1x125x40xi32, #tpu.memory_space<hbm>> -> memref<125x40xi32, #tpu.memory_space<hbm>>
      %dma_start3A_48 = arith.constant 0 : i32
      %dma_start3A_49 = arith.constant 0 : i32
      %dma_start3A_50 = tpu.memref_slice %arg3[%arg0, %arg1, %dma_start3A_48, %dma_start3A_49] : memref<2x16x125x40xi32, #tpu.memory_space<hbm>> -> memref<1x1x125x40xi32, #tpu.memory_space<hbm>>
      %dma_start3A_51 = tpu.memref_squeeze %dma_start3A_50 : memref<1x1x125x40xi32, #tpu.memory_space<hbm>> -> memref<125x40xi32, #tpu.memory_space<hbm>>
      tpu.enqueue_dma source(%dma_start3A_51 : memref<125x40xi32, #tpu.memory_space<hbm>>) target(%arg6 : memref<125x40xi32, #tpu.memory_space<vmem>>) target_semaphore(%run_scoped3A : memref<!tpu.dma_semaphore, #tpu.memory_space<semaphore_mem>>)
      %dma_wait3A = arith.constant 0 : i32
      %dma_wait3A_52 = arith.constant 0 : i32
      %dma_wait3A_53 = tpu.memref_slice %arg3[%arg0, %arg1, %dma_wait3A, %dma_wait3A_52] : memref<2x16x125x40xi32, #tpu.memory_space<hbm>> -> memref<1x1x125x40xi32, #tpu.memory_space<hbm>>
      %dma_wait3A_54 = tpu.memref_squeeze %dma_wait3A_53 : memref<1x1x125x40xi32, #tpu.memory_space<hbm>> -> memref<125x40xi32, #tpu.memory_space<hbm>>
      %dma_wait3A_55 = arith.constant 0 : i32
      %dma_wait3A_56 = arith.constant 0 : i32
      %dma_wait3A_57 = tpu.memref_slice %arg3[%arg0, %arg1, %dma_wait3A_55, %dma_wait3A_56] : memref<2x16x125x40xi32, #tpu.memory_space<hbm>> -> memref<1x1x125x40xi32, #tpu.memory_space<hbm>>
      %dma_wait3A_58 = tpu.memref_squeeze %dma_wait3A_57 : memref<1x1x125x40xi32, #tpu.memory_space<hbm>> -> memref<125x40xi32, #tpu.memory_space<hbm>>
      tpu.wait_dma2 semaphore(%run_scoped3A : memref<!tpu.dma_semaphore, #tpu.memory_space<semaphore_mem>>) src(%dma_wait3A_58 : memref<125x40xi32, #tpu.memory_space<hbm>>) dst(%arg6 : memref<125x40xi32, #tpu.memory_space<vmem>>)
      tpu.yield
    }) : () -> ()
    %barrier3A = arith.constant 0 : index
    tpu.barrier barrier_id(%barrier3A)
    %add3A_5 = arith.constant 0 : i32
    %add3A_6 = arith.addi %add3A, %add3A_5 : i32
    %dma_start3A = arith.constant 0 : i32
    %dma_start3A_7 = arith.constant 0 : i32
    %dma_start3A_8 = arith.constant 0 : i32
    %dma_start3A_9 = tpu.memref_slice %arg7[%dma_start3A, %dma_start3A_7, %dma_start3A_8] : memref<2x40x128xf32, #tpu.memory_space<vmem>> -> memref<1x40x128xf32, #tpu.memory_space<vmem>>
    %dma_start3A_10 = tpu.memref_squeeze %dma_start3A_9 : memref<1x40x128xf32, #tpu.memory_space<vmem>> -> memref<40x128xf32, #tpu.memory_space<vmem>>
    %dma_start3A_11 = arith.constant 0 : i32
    %dma_start3A_12 = tpu.memref_slice %arg2[%add3A_6, %dma_start3A_11] : memref<160000x128xf32, #tpu.memory_space<hbm>> -> memref<40x128xf32, #tpu.memory_space<hbm>>
    %dma_start3A_13 = arith.constant 0 : i32
    %dma_start3A_14 = arith.constant 0 : i32
    %dma_start3A_15 = tpu.memref_slice %arg7[%dma_start3A, %dma_start3A_13, %dma_start3A_14] : memref<2x40x128xf32, #tpu.memory_space<vmem>> -> memref<1x40x128xf32, #tpu.memory_space<vmem>>
    %dma_start3A_16 = tpu.memref_squeeze %dma_start3A_15 : memref<1x40x128xf32, #tpu.memory_space<vmem>> -> memref<40x128xf32, #tpu.memory_space<vmem>>
    %dma_start3A_17 = arith.constant 0 : i32
    %dma_start3A_18 = tpu.memref_slice %arg2[%add3A_6, %dma_start3A_17] : memref<160000x128xf32, #tpu.memory_space<hbm>> -> memref<40x128xf32, #tpu.memory_space<hbm>>
    tpu.enqueue_dma source(%dma_start3A_18 : memref<40x128xf32, #tpu.memory_space<hbm>>) target(%dma_start3A_16 : memref<40x128xf32, #tpu.memory_space<vmem>>) target_semaphore(%arg9 : memref<!tpu.dma_semaphore, #tpu.memory_space<semaphore_mem>>)
    %add3A_19 = arith.constant 40 : i32
    %add3A_20 = arith.addi %add3A, %add3A_19 : i32
    %dma_start3A_21 = arith.constant 1 : i32
    %dma_start3A_22 = arith.constant 0 : i32
    %dma_start3A_23 = arith.constant 0 : i32
    %dma_start3A_24 = tpu.memref_slice %arg7[%dma_start3A_21, %dma_start3A_22, %dma_start3A_23] : memref<2x40x128xf32, #tpu.memory_space<vmem>> -> memref<1x40x128xf32, #tpu.memory_space<vmem>>
    %dma_start3A_25 = tpu.memref_squeeze %dma_start3A_24 : memref<1x40x128xf32, #tpu.memory_space<vmem>> -> memref<40x128xf32, #tpu.memory_space<vmem>>
    %dma_start3A_26 = arith.constant 0 : i32
    %dma_start3A_27 = tpu.memref_slice %arg2[%add3A_20, %dma_start3A_26] : memref<160000x128xf32, #tpu.memory_space<hbm>> -> memref<40x128xf32, #tpu.memory_space<hbm>>
    %dma_start3A_28 = arith.constant 0 : i32
    %dma_start3A_29 = arith.constant 0 : i32
    %dma_start3A_30 = tpu.memref_slice %arg7[%dma_start3A_21, %dma_start3A_28, %dma_start3A_29] : memref<2x40x128xf32, #tpu.memory_space<vmem>> -> memref<1x40x128xf32, #tpu.memory_space<vmem>>
    %dma_start3A_31 = tpu.memref_squeeze %dma_start3A_30 : memref<1x40x128xf32, #tpu.memory_space<vmem>> -> memref<40x128xf32, #tpu.memory_space<vmem>>
    %dma_start3A_32 = arith.constant 0 : i32
    %dma_start3A_33 = tpu.memref_slice %arg2[%add3A_20, %dma_start3A_32] : memref<160000x128xf32, #tpu.memory_space<hbm>> -> memref<40x128xf32, #tpu.memory_space<hbm>>
    tpu.enqueue_dma source(%dma_start3A_33 : memref<40x128xf32, #tpu.memory_space<hbm>>) target(%dma_start3A_31 : memref<40x128xf32, #tpu.memory_space<vmem>>) target_semaphore(%arg10 : memref<!tpu.dma_semaphore, #tpu.memory_space<semaphore_mem>>)
    %scan3A = arith.constant 0 : i32
    %scan3A_34 = arith.constant 0 : i32
    %scan3A_35 = arith.constant 63 : i32
    %scan3A_36 = arith.addi %scan3A_34, %scan3A_35 : i32
    %scan3A_37 = arith.constant 1 : i32
    scf.for %scan3A_44 = %scan3A_34 to %scan3A_36 step %scan3A_37  : i32 {
      %mul3A_45 = arith.constant 2 : i32
      %mul3A_46 = arith.muli %scan3A_44, %mul3A_45 : i32
      %add3A_47 = arith.constant 0 : i32
      %add3A_48 = arith.addi %mul3A_46, %add3A_47 : i32
      %lt3A = arith.constant 125 : i32
      %lt3A_49 = arith.cmpi slt, %add3A_48, %lt3A : i32
      %convert_element_type3A = arith.extui %lt3A_49 : i1 to i32
      %cond3A = arith.constant 0 : i32
      %cond3A_50 = arith.cmpi ne, %convert_element_type3A, %cond3A : i32
      scf.if %cond3A_50 {
        %mul3A_60 = arith.constant 40 : i32
        %mul3A_61 = arith.muli %add3A_48, %mul3A_60 : i32
        %add3A_62 = arith.addi %add3A, %mul3A_61 : i32
        %dma_wait3A = arith.constant 0 : i32
        %dma_wait3A_63 = arith.constant 0 : i32
        %dma_wait3A_64 = arith.constant 0 : i32
        %dma_wait3A_65 = tpu.memref_slice %arg7[%dma_wait3A, %dma_wait3A_63, %dma_wait3A_64] : memref<2x40x128xf32, #tpu.memory_space<vmem>> -> memref<1x40x128xf32, #tpu.memory_space<vmem>>
        %dma_wait3A_66 = tpu.memref_squeeze %dma_wait3A_65 : memref<1x40x128xf32, #tpu.memory_space<vmem>> -> memref<40x128xf32, #tpu.memory_space<vmem>>
        %dma_wait3A_67 = arith.constant 0 : i32
        %dma_wait3A_68 = tpu.memref_slice %arg2[%add3A_62, %dma_wait3A_67] : memref<160000x128xf32, #tpu.memory_space<hbm>> -> memref<40x128xf32, #tpu.memory_space<hbm>>
        %dma_wait3A_69 = arith.constant 0 : i32
        %dma_wait3A_70 = arith.constant 0 : i32
        %dma_wait3A_71 = tpu.memref_slice %arg7[%dma_wait3A, %dma_wait3A_69, %dma_wait3A_70] : memref<2x40x128xf32, #tpu.memory_space<vmem>> -> memref<1x40x128xf32, #tpu.memory_space<vmem>>
        %dma_wait3A_72 = tpu.memref_squeeze %dma_wait3A_71 : memref<1x40x128xf32, #tpu.memory_space<vmem>> -> memref<40x128xf32, #tpu.memory_space<vmem>>
        %dma_wait3A_73 = arith.constant 0 : i32
        %dma_wait3A_74 = tpu.memref_slice %arg2[%add3A_62, %dma_wait3A_73] : memref<160000x128xf32, #tpu.memory_space<hbm>> -> memref<40x128xf32, #tpu.memory_space<hbm>>
        tpu.wait_dma2 semaphore(%arg9 : memref<!tpu.dma_semaphore, #tpu.memory_space<semaphore_mem>>) src(%dma_wait3A_74 : memref<40x128xf32, #tpu.memory_space<hbm>>) dst(%dma_wait3A_72 : memref<40x128xf32, #tpu.memory_space<vmem>>)
        %run_scoped3A = arith.constant 0 : i32
        "tpu.region"() ({
          %run_scoped3A_82 = tpu.sem_alloc : memref<!tpu.dma_semaphore, #tpu.memory_space<semaphore_mem>>
          %dma_start3A_83 = arith.constant 0 : i32
          %dma_start3A_84 = arith.constant 0 : i32
          %dma_start3A_85 = tpu.memref_slice %arg7[%run_scoped3A, %dma_start3A_83, %dma_start3A_84] : memref<2x40x128xf32, #tpu.memory_space<vmem>> -> memref<1x40x128xf32, #tpu.memory_space<vmem>>
          %dma_start3A_86 = tpu.memref_squeeze %dma_start3A_85 : memref<1x40x128xf32, #tpu.memory_space<vmem>> -> memref<40x128xf32, #tpu.memory_space<vmem>>
          %dma_start3A_87 = arith.constant 0 : i32
          %dma_start3A_88 = tpu.memref_slice %arg6[%add3A_48, %dma_start3A_87] : memref<125x40xi32, #tpu.memory_space<vmem>> -> memref<1x40xi32, #tpu.memory_space<vmem>>
          %dma_start3A_89 = tpu.memref_squeeze %dma_start3A_88 : memref<1x40xi32, #tpu.memory_space<vmem>> -> memref<40xi32, #tpu.memory_space<vmem>>
          %dma_start3A_90 = arith.constant 0 : i32
          %dma_start3A_91 = arith.constant 0 : i32
          %dma_start3A_92 = tpu.memref_slice %arg8[%dma_start3A_90, %dma_start3A_91] : memref<10240x128xf32, #tpu.memory_space<vmem_shared>> -> memref<10240x128xf32, #tpu.memory_space<vmem_shared>>
          tpu.enqueue_indirect_dma source(%dma_start3A_86 : memref<40x128xf32, #tpu.memory_space<vmem>>) target(%dma_start3A_92 : memref<10240x128xf32, #tpu.memory_space<vmem_shared>>) offsets(%dma_start3A_89 : memref<40xi32, #tpu.memory_space<vmem>>) semaphore(%run_scoped3A_82 : memref<!tpu.dma_semaphore, #tpu.memory_space<semaphore_mem>>) {add = true}
          %dma_wait3A_93 = arith.constant 0 : i32
          %dma_wait3A_94 = arith.constant 0 : i32
          %dma_wait3A_95 = tpu.memref_slice %arg7[%run_scoped3A, %dma_wait3A_93, %dma_wait3A_94] : memref<2x40x128xf32, #tpu.memory_space<vmem>> -> memref<1x40x128xf32, #tpu.memory_space<vmem>>
          %dma_wait3A_96 = tpu.memref_squeeze %dma_wait3A_95 : memref<1x40x128xf32, #tpu.memory_space<vmem>> -> memref<40x128xf32, #tpu.memory_space<vmem>>
          %dma_wait3A_97 = arith.constant 0 : i32
          %dma_wait3A_98 = tpu.memref_slice %arg6[%add3A_48, %dma_wait3A_97] : memref<125x40xi32, #tpu.memory_space<vmem>> -> memref<1x40xi32, #tpu.memory_space<vmem>>
          %dma_wait3A_99 = tpu.memref_squeeze %dma_wait3A_98 : memref<1x40xi32, #tpu.memory_space<vmem>> -> memref<40xi32, #tpu.memory_space<vmem>>
          %dma_wait3A_100 = arith.constant 0 : i32
          %dma_wait3A_101 = arith.constant 0 : i32
          %dma_wait3A_102 = tpu.memref_slice %arg8[%dma_wait3A_100, %dma_wait3A_101] : memref<10240x128xf32, #tpu.memory_space<vmem_shared>> -> memref<10240x128xf32, #tpu.memory_space<vmem_shared>>
          tpu.wait_indirect_dma semaphore(%run_scoped3A_82 : memref<!tpu.dma_semaphore, #tpu.memory_space<semaphore_mem>>) src(%dma_wait3A_96 : memref<40x128xf32, #tpu.memory_space<vmem>>) dst(%dma_wait3A_102 : memref<10240x128xf32, #tpu.memory_space<vmem_shared>>)
          tpu.yield
        }) : () -> ()
        %add3A_75 = arith.constant 2 : i32
        %add3A_76 = arith.addi %add3A_48, %add3A_75 : i32
        %lt3A_77 = arith.constant 125 : i32
        %lt3A_78 = arith.cmpi slt, %add3A_76, %lt3A_77 : i32
        %convert_element_type3A_79 = arith.extui %lt3A_78 : i1 to i32
        %cond3A_80 = arith.constant 0 : i32
        %cond3A_81 = arith.cmpi ne, %convert_element_type3A_79, %cond3A_80 : i32
        scf.if %cond3A_81 {
          %add3A_82 = arith.constant 2 : i32
          %add3A_83 = arith.addi %add3A_48, %add3A_82 : i32
          %mul3A_84 = arith.constant 40 : i32
          %mul3A_85 = arith.muli %add3A_83, %mul3A_84 : i32
          %add3A_86 = arith.addi %add3A, %mul3A_85 : i32
          %dma_start3A_87 = arith.constant 0 : i32
          %dma_start3A_88 = arith.constant 0 : i32
          %dma_start3A_89 = arith.constant 0 : i32
          %dma_start3A_90 = tpu.memref_slice %arg7[%dma_start3A_87, %dma_start3A_88, %dma_start3A_89] : memref<2x40x128xf32, #tpu.memory_space<vmem>> -> memref<1x40x128xf32, #tpu.memory_space<vmem>>
          %dma_start3A_91 = tpu.memref_squeeze %dma_start3A_90 : memref<1x40x128xf32, #tpu.memory_space<vmem>> -> memref<40x128xf32, #tpu.memory_space<vmem>>
          %dma_start3A_92 = arith.constant 0 : i32
          %dma_start3A_93 = tpu.memref_slice %arg2[%add3A_86, %dma_start3A_92] : memref<160000x128xf32, #tpu.memory_space<hbm>> -> memref<40x128xf32, #tpu.memory_space<hbm>>
          %dma_start3A_94 = arith.constant 0 : i32
          %dma_start3A_95 = arith.constant 0 : i32
          %dma_start3A_96 = tpu.memref_slice %arg7[%dma_start3A_87, %dma_start3A_94, %dma_start3A_95] : memref<2x40x128xf32, #tpu.memory_space<vmem>> -> memref<1x40x128xf32, #tpu.memory_space<vmem>>
          %dma_start3A_97 = tpu.memref_squeeze %dma_start3A_96 : memref<1x40x128xf32, #tpu.memory_space<vmem>> -> memref<40x128xf32, #tpu.memory_space<vmem>>
          %dma_start3A_98 = arith.constant 0 : i32
          %dma_start3A_99 = tpu.memref_slice %arg2[%add3A_86, %dma_start3A_98] : memref<160000x128xf32, #tpu.memory_space<hbm>> -> memref<40x128xf32, #tpu.memory_space<hbm>>
          tpu.enqueue_dma source(%dma_start3A_99 : memref<40x128xf32, #tpu.memory_space<hbm>>) target(%dma_start3A_97 : memref<40x128xf32, #tpu.memory_space<vmem>>) target_semaphore(%arg9 : memref<!tpu.dma_semaphore, #tpu.memory_space<semaphore_mem>>)
        } else {
        }
      } else {
      }
      %mul3A_51 = arith.constant 2 : i32
      %mul3A_52 = arith.muli %scan3A_44, %mul3A_51 : i32
      %add3A_53 = arith.constant 1 : i32
      %add3A_54 = arith.addi %mul3A_52, %add3A_53 : i32
      %lt3A_55 = arith.constant 125 : i32
      %lt3A_56 = arith.cmpi slt, %add3A_54, %lt3A_55 : i32
      %convert_element_type3A_57 = arith.extui %lt3A_56 : i1 to i32
      %cond3A_58 = arith.constant 0 : i32
      %cond3A_59 = arith.cmpi ne, %convert_element_type3A_57, %cond3A_58 : i32
      scf.if %cond3A_59 {
        %mul3A_60 = arith.constant 40 : i32
        %mul3A_61 = arith.muli %add3A_54, %mul3A_60 : i32
        %add3A_62 = arith.addi %add3A, %mul3A_61 : i32
        %dma_wait3A = arith.constant 1 : i32
        %dma_wait3A_63 = arith.constant 0 : i32
        %dma_wait3A_64 = arith.constant 0 : i32
        %dma_wait3A_65 = tpu.memref_slice %arg7[%dma_wait3A, %dma_wait3A_63, %dma_wait3A_64] : memref<2x40x128xf32, #tpu.memory_space<vmem>> -> memref<1x40x128xf32, #tpu.memory_space<vmem>>
        %dma_wait3A_66 = tpu.memref_squeeze %dma_wait3A_65 : memref<1x40x128xf32, #tpu.memory_space<vmem>> -> memref<40x128xf32, #tpu.memory_space<vmem>>
        %dma_wait3A_67 = arith.constant 0 : i32
        %dma_wait3A_68 = tpu.memref_slice %arg2[%add3A_62, %dma_wait3A_67] : memref<160000x128xf32, #tpu.memory_space<hbm>> -> memref<40x128xf32, #tpu.memory_space<hbm>>
        %dma_wait3A_69 = arith.constant 0 : i32
        %dma_wait3A_70 = arith.constant 0 : i32
        %dma_wait3A_71 = tpu.memref_slice %arg7[%dma_wait3A, %dma_wait3A_69, %dma_wait3A_70] : memref<2x40x128xf32, #tpu.memory_space<vmem>> -> memref<1x40x128xf32, #tpu.memory_space<vmem>>
        %dma_wait3A_72 = tpu.memref_squeeze %dma_wait3A_71 : memref<1x40x128xf32, #tpu.memory_space<vmem>> -> memref<40x128xf32, #tpu.memory_space<vmem>>
        %dma_wait3A_73 = arith.constant 0 : i32
        %dma_wait3A_74 = tpu.memref_slice %arg2[%add3A_62, %dma_wait3A_73] : memref<160000x128xf32, #tpu.memory_space<hbm>> -> memref<40x128xf32, #tpu.memory_space<hbm>>
        tpu.wait_dma2 semaphore(%arg10 : memref<!tpu.dma_semaphore, #tpu.memory_space<semaphore_mem>>) src(%dma_wait3A_74 : memref<40x128xf32, #tpu.memory_space<hbm>>) dst(%dma_wait3A_72 : memref<40x128xf32, #tpu.memory_space<vmem>>)
        %run_scoped3A = arith.constant 1 : i32
        "tpu.region"() ({
          %run_scoped3A_82 = tpu.sem_alloc : memref<!tpu.dma_semaphore, #tpu.memory_space<semaphore_mem>>
          %dma_start3A_83 = arith.constant 0 : i32
          %dma_start3A_84 = arith.constant 0 : i32
          %dma_start3A_85 = tpu.memref_slice %arg7[%run_scoped3A, %dma_start3A_83, %dma_start3A_84] : memref<2x40x128xf32, #tpu.memory_space<vmem>> -> memref<1x40x128xf32, #tpu.memory_space<vmem>>
          %dma_start3A_86 = tpu.memref_squeeze %dma_start3A_85 : memref<1x40x128xf32, #tpu.memory_space<vmem>> -> memref<40x128xf32, #tpu.memory_space<vmem>>
          %dma_start3A_87 = arith.constant 0 : i32
          %dma_start3A_88 = tpu.memref_slice %arg6[%add3A_54, %dma_start3A_87] : memref<125x40xi32, #tpu.memory_space<vmem>> -> memref<1x40xi32, #tpu.memory_space<vmem>>
          %dma_start3A_89 = tpu.memref_squeeze %dma_start3A_88 : memref<1x40xi32, #tpu.memory_space<vmem>> -> memref<40xi32, #tpu.memory_space<vmem>>
          %dma_start3A_90 = arith.constant 0 : i32
          %dma_start3A_91 = arith.constant 0 : i32
          %dma_start3A_92 = tpu.memref_slice %arg8[%dma_start3A_90, %dma_start3A_91] : memref<10240x128xf32, #tpu.memory_space<vmem_shared>> -> memref<10240x128xf32, #tpu.memory_space<vmem_shared>>
          tpu.enqueue_indirect_dma source(%dma_start3A_86 : memref<40x128xf32, #tpu.memory_space<vmem>>) target(%dma_start3A_92 : memref<10240x128xf32, #tpu.memory_space<vmem_shared>>) offsets(%dma_start3A_89 : memref<40xi32, #tpu.memory_space<vmem>>) semaphore(%run_scoped3A_82 : memref<!tpu.dma_semaphore, #tpu.memory_space<semaphore_mem>>) {add = true}
          %dma_wait3A_93 = arith.constant 0 : i32
          %dma_wait3A_94 = arith.constant 0 : i32
          %dma_wait3A_95 = tpu.memref_slice %arg7[%run_scoped3A, %dma_wait3A_93, %dma_wait3A_94] : memref<2x40x128xf32, #tpu.memory_space<vmem>> -> memref<1x40x128xf32, #tpu.memory_space<vmem>>
          %dma_wait3A_96 = tpu.memref_squeeze %dma_wait3A_95 : memref<1x40x128xf32, #tpu.memory_space<vmem>> -> memref<40x128xf32, #tpu.memory_space<vmem>>
          %dma_wait3A_97 = arith.constant 0 : i32
          %dma_wait3A_98 = tpu.memref_slice %arg6[%add3A_54, %dma_wait3A_97] : memref<125x40xi32, #tpu.memory_space<vmem>> -> memref<1x40xi32, #tpu.memory_space<vmem>>
          %dma_wait3A_99 = tpu.memref_squeeze %dma_wait3A_98 : memref<1x40xi32, #tpu.memory_space<vmem>> -> memref<40xi32, #tpu.memory_space<vmem>>
          %dma_wait3A_100 = arith.constant 0 : i32
          %dma_wait3A_101 = arith.constant 0 : i32
          %dma_wait3A_102 = tpu.memref_slice %arg8[%dma_wait3A_100, %dma_wait3A_101] : memref<10240x128xf32, #tpu.memory_space<vmem_shared>> -> memref<10240x128xf32, #tpu.memory_space<vmem_shared>>
          tpu.wait_indirect_dma semaphore(%run_scoped3A_82 : memref<!tpu.dma_semaphore, #tpu.memory_space<semaphore_mem>>) src(%dma_wait3A_96 : memref<40x128xf32, #tpu.memory_space<vmem>>) dst(%dma_wait3A_102 : memref<10240x128xf32, #tpu.memory_space<vmem_shared>>)
          tpu.yield
        }) : () -> ()
        %add3A_75 = arith.constant 2 : i32
        %add3A_76 = arith.addi %add3A_54, %add3A_75 : i32
        %lt3A_77 = arith.constant 125 : i32
        %lt3A_78 = arith.cmpi slt, %add3A_76, %lt3A_77 : i32
        %convert_element_type3A_79 = arith.extui %lt3A_78 : i1 to i32
        %cond3A_80 = arith.constant 0 : i32
        %cond3A_81 = arith.cmpi ne, %convert_element_type3A_79, %cond3A_80 : i32
        scf.if %cond3A_81 {
          %add3A_82 = arith.constant 2 : i32
          %add3A_83 = arith.addi %add3A_54, %add3A_82 : i32
          %mul3A_84 = arith.constant 40 : i32
          %mul3A_85 = arith.muli %add3A_83, %mul3A_84 : i32
          %add3A_86 = arith.addi %add3A, %mul3A_85 : i32
          %dma_start3A_87 = arith.constant 1 : i32
          %dma_start3A_88 = arith.constant 0 : i32
          %dma_start3A_89 = arith.constant 0 : i32
          %dma_start3A_90 = tpu.memref_slice %arg7[%dma_start3A_87, %dma_start3A_88, %dma_start3A_89] : memref<2x40x128xf32, #tpu.memory_space<vmem>> -> memref<1x40x128xf32, #tpu.memory_space<vmem>>
          %dma_start3A_91 = tpu.memref_squeeze %dma_start3A_90 : memref<1x40x128xf32, #tpu.memory_space<vmem>> -> memref<40x128xf32, #tpu.memory_space<vmem>>
          %dma_start3A_92 = arith.constant 0 : i32
          %dma_start3A_93 = tpu.memref_slice %arg2[%add3A_86, %dma_start3A_92] : memref<160000x128xf32, #tpu.memory_space<hbm>> -> memref<40x128xf32, #tpu.memory_space<hbm>>
          %dma_start3A_94 = arith.constant 0 : i32
          %dma_start3A_95 = arith.constant 0 : i32
          %dma_start3A_96 = tpu.memref_slice %arg7[%dma_start3A_87, %dma_start3A_94, %dma_start3A_95] : memref<2x40x128xf32, #tpu.memory_space<vmem>> -> memref<1x40x128xf32, #tpu.memory_space<vmem>>
          %dma_start3A_97 = tpu.memref_squeeze %dma_start3A_96 : memref<1x40x128xf32, #tpu.memory_space<vmem>> -> memref<40x128xf32, #tpu.memory_space<vmem>>
          %dma_start3A_98 = arith.constant 0 : i32
          %dma_start3A_99 = tpu.memref_slice %arg2[%add3A_86, %dma_start3A_98] : memref<160000x128xf32, #tpu.memory_space<hbm>> -> memref<40x128xf32, #tpu.memory_space<hbm>>
          tpu.enqueue_dma source(%dma_start3A_99 : memref<40x128xf32, #tpu.memory_space<hbm>>) target(%dma_start3A_97 : memref<40x128xf32, #tpu.memory_space<vmem>>) target_semaphore(%arg10 : memref<!tpu.dma_semaphore, #tpu.memory_space<semaphore_mem>>)
        } else {
        }
      } else {
      }
    }
    %scan3A_38 = arith.constant 63 : i32
    %barrier3A_39 = arith.constant 0 : index
    tpu.barrier barrier_id(%barrier3A_39)
    %mul3A_40 = arith.constant 640 : i32
    %mul3A_41 = arith.muli %arg1, %mul3A_40 : i32
    %mul3A_42 = arith.constant 640 : i32
    %mul3A_43 = arith.muli %arg1, %mul3A_42 : i32
    "tpu.region"() ({
      %run_scoped3A = tpu.sem_alloc : memref<!tpu.dma_semaphore, #tpu.memory_space<semaphore_mem>>
      %dma_start3A_44 = arith.constant 0 : i32
      %dma_start3A_45 = tpu.memref_slice %arg5[%arg0, %mul3A_43, %dma_start3A_44] : memref<2x10240x128xf32, #tpu.memory_space<hbm>> -> memref<1x640x128xf32, #tpu.memory_space<hbm>>
      %dma_start3A_46 = tpu.memref_squeeze %dma_start3A_45 : memref<1x640x128xf32, #tpu.memory_space<hbm>> -> memref<640x128xf32, #tpu.memory_space<hbm>>
      %dma_start3A_47 = arith.constant 0 : i32
      %dma_start3A_48 = tpu.memref_slice %arg8[%mul3A_41, %dma_start3A_47] : memref<10240x128xf32, #tpu.memory_space<vmem_shared>> -> memref<640x128xf32, #tpu.memory_space<vmem_shared>>
      tpu.enqueue_dma source(%dma_start3A_48 : memref<640x128xf32, #tpu.memory_space<vmem_shared>>) target(%dma_start3A_46 : memref<640x128xf32, #tpu.memory_space<hbm>>) target_semaphore(%run_scoped3A : memref<!tpu.dma_semaphore, #tpu.memory_space<semaphore_mem>>)
      %dma_wait3A = arith.constant 0 : i32
      %dma_wait3A_49 = tpu.memref_slice %arg5[%arg0, %mul3A_43, %dma_wait3A] : memref<2x10240x128xf32, #tpu.memory_space<hbm>> -> memref<1x640x128xf32, #tpu.memory_space<hbm>>
      %dma_wait3A_50 = tpu.memref_squeeze %dma_wait3A_49 : memref<1x640x128xf32, #tpu.memory_space<hbm>> -> memref<640x128xf32, #tpu.memory_space<hbm>>
      %dma_wait3A_51 = arith.constant 0 : i32
      %dma_wait3A_52 = tpu.memref_slice %arg8[%mul3A_41, %dma_wait3A_51] : memref<10240x128xf32, #tpu.memory_space<vmem_shared>> -> memref<640x128xf32, #tpu.memory_space<vmem_shared>>
      tpu.wait_dma2 semaphore(%run_scoped3A : memref<!tpu.dma_semaphore, #tpu.memory_space<semaphore_mem>>) src(%dma_wait3A_52 : memref<640x128xf32, #tpu.memory_space<vmem_shared>>) dst(%dma_wait3A_50 : memref<640x128xf32, #tpu.memory_space<hbm>>)
      tpu.yield
    }) : () -> ()
    return
  }
}

module attributes {stable_mosaic.version = 14 : i64} {
  func.func @_node_init_body(%arg0: i32, %arg1: memref<640x128xf32, #tpu.memory_space<vmem>>, %arg2: memref<128x256xf32, #tpu.memory_space<vmem>>, %arg3: memref<1x256xf32, #tpu.memory_space<vmem>>, %arg4: memref<256x128xf32, #tpu.memory_space<vmem>>, %arg5: memref<1x128xf32, #tpu.memory_space<vmem>>, %arg6: memref<128x128xf32, #tpu.memory_space<vmem>>, %arg7: memref<1x128xf32, #tpu.memory_space<vmem>>, %arg8: memref<128x512xf32, #tpu.memory_space<vmem>>, %arg9: memref<128x512xf32, #tpu.memory_space<vmem>>, %arg10: memref<640x128xf32, #tpu.memory_space<vmem>>, %arg11: memref<2x640x128xi32, #tpu.memory_space<vmem>>, %arg12: memref<2x640x128xi32, #tpu.memory_space<vmem>>) attributes {dimension_semantics = [#tpu.dimension_semantics<arbitrary>], iteration_bounds = array<i64: 16>, scalar_prefetch = 0 : i64, scratch_operands = 0 : i64, tpu.core_type = #tpu.core_type<tc>, window_params = [{transform_indices = @transform_0, window_bounds = array<i64: 640, 128>}, {pipeline_mode = #tpu.pipeline_mode<synchronous>, transform_indices = @transform_1, window_bounds = array<i64: 128, 256>}, {pipeline_mode = #tpu.pipeline_mode<synchronous>, transform_indices = @transform_2, window_bounds = array<i64: 1, 256>}, {pipeline_mode = #tpu.pipeline_mode<synchronous>, transform_indices = @transform_3, window_bounds = array<i64: 256, 128>}, {pipeline_mode = #tpu.pipeline_mode<synchronous>, transform_indices = @transform_4, window_bounds = array<i64: 1, 128>}, {pipeline_mode = #tpu.pipeline_mode<synchronous>, transform_indices = @transform_5, window_bounds = array<i64: 128, 128>}, {pipeline_mode = #tpu.pipeline_mode<synchronous>, transform_indices = @transform_6, window_bounds = array<i64: 1, 128>}, {pipeline_mode = #tpu.pipeline_mode<synchronous>, transform_indices = @transform_7, window_bounds = array<i64: 128, 512>}, {pipeline_mode = #tpu.pipeline_mode<synchronous>, transform_indices = @transform_8, window_bounds = array<i64: 128, 512>}, {transform_indices = @transform_9, window_bounds = array<i64: 640, 128>}, {transform_indices = @transform_10, window_bounds = array<i64: 2, 640, 128>}, {transform_indices = @transform_11, window_bounds = array<i64: 2, 640, 128>}]} {
    %get3A = arith.constant 0 : index
    %get3A_0 = arith.constant 0 : index
    %get3A_1 = vector.load %arg1[%get3A, %get3A_0] : memref<640x128xf32, #tpu.memory_space<vmem>>, vector<640x128xf32>
    %get3A_2 = arith.constant 0 : index
    %get3A_3 = arith.constant 0 : index
    %get3A_4 = vector.load %arg2[%get3A_2, %get3A_3] : memref<128x256xf32, #tpu.memory_space<vmem>>, vector<128x256xf32>
    %dot_general3A = arith.constant dense<0.000000e+00> : vector<640x256xf32>
    %dot_general3A_5 = tpu.matmul %get3A_1, %get3A_4, %dot_general3A {dimension_numbers = #tpu.dot_dimension_numbers<[1], [0], [0], [1], [0, 0, 1, 1], [], []>, transpose_lhs_hint = false} : vector<640x128xf32>, vector<128x256xf32>, vector<640x256xf32> -> vector<640x256xf32>
    %get3A_6 = arith.constant 0 : index
    %get3A_7 = arith.constant 0 : index
    %get3A_8 = vector.load %arg3[%get3A_6, %get3A_7] : memref<1x256xf32, #tpu.memory_space<vmem>>, vector<1x256xf32>
    %add3A = vector.broadcast %get3A_8 : vector<1x256xf32> to vector<640x256xf32>
    %add3A_9 = arith.addf %dot_general3A_5, %add3A : vector<640x256xf32>
    %max3A = arith.constant 0.000000e+00 : f32
    %max3A_10 = vector.broadcast %max3A : f32 to vector<640x256xf32>
    %max3A_11 = arith.maximumf %add3A_9, %max3A_10 : vector<640x256xf32>
    %get3A_12 = arith.constant 0 : index
    %get3A_13 = arith.constant 0 : index
    %get3A_14 = vector.load %arg4[%get3A_12, %get3A_13] : memref<256x128xf32, #tpu.memory_space<vmem>>, vector<256x128xf32>
    %dot_general3A_15 = arith.constant dense<0.000000e+00> : vector<640x128xf32>
    %dot_general3A_16 = tpu.matmul %max3A_11, %get3A_14, %dot_general3A_15 {dimension_numbers = #tpu.dot_dimension_numbers<[1], [0], [0], [1], [0, 0, 1, 1], [], []>, transpose_lhs_hint = false} : vector<640x256xf32>, vector<256x128xf32>, vector<640x128xf32> -> vector<640x128xf32>
    %get3A_17 = arith.constant 0 : index
    %get3A_18 = arith.constant 0 : index
    %get3A_19 = vector.load %arg5[%get3A_17, %get3A_18] : memref<1x128xf32, #tpu.memory_space<vmem>>, vector<1x128xf32>
    %add3A_20 = vector.broadcast %get3A_19 : vector<1x128xf32> to vector<640x128xf32>
    %add3A_21 = arith.addf %dot_general3A_16, %add3A_20 : vector<640x128xf32>
    %max3A_22 = arith.constant 0.000000e+00 : f32
    %max3A_23 = vector.broadcast %max3A_22 : f32 to vector<640x128xf32>
    %max3A_24 = arith.maximumf %add3A_21, %max3A_23 : vector<640x128xf32>
    %get3A_25 = arith.constant 0 : index
    %get3A_26 = arith.constant 0 : index
    %get3A_27 = vector.load %arg6[%get3A_25, %get3A_26] : memref<128x128xf32, #tpu.memory_space<vmem>>, vector<128x128xf32>
    %dot_general3A_28 = arith.constant dense<0.000000e+00> : vector<640x128xf32>
    %dot_general3A_29 = tpu.matmul %max3A_24, %get3A_27, %dot_general3A_28 {dimension_numbers = #tpu.dot_dimension_numbers<[1], [0], [0], [1], [0, 0, 1, 1], [], []>, transpose_lhs_hint = false} : vector<640x128xf32>, vector<128x128xf32>, vector<640x128xf32> -> vector<640x128xf32>
    %get3A_30 = arith.constant 0 : index
    %get3A_31 = arith.constant 0 : index
    %get3A_32 = vector.load %arg7[%get3A_30, %get3A_31] : memref<1x128xf32, #tpu.memory_space<vmem>>, vector<1x128xf32>
    %add3A_33 = vector.broadcast %get3A_32 : vector<1x128xf32> to vector<640x128xf32>
    %add3A_34 = arith.addf %dot_general3A_29, %add3A_33 : vector<640x128xf32>
    %swap3A = arith.constant 0 : index
    %swap3A_35 = arith.constant 0 : index
    %swap3A_36 = vector.load %arg10[%swap3A, %swap3A_35] : memref<640x128xf32, #tpu.memory_space<vmem>>, vector<640x128xf32>
    tpu.vector_store %arg10[%swap3A, %swap3A_35], %add3A_34 {strides = array<i32>} : memref<640x128xf32, #tpu.memory_space<vmem>>, vector<640x128xf32>,
    %get3A_37 = arith.constant 0 : index
    %get3A_38 = arith.constant 0 : index
    %get3A_39 = vector.load %arg8[%get3A_37, %get3A_38] : memref<128x512xf32, #tpu.memory_space<vmem>>, vector<128x512xf32>
    %dot_general3A_40 = arith.constant dense<0.000000e+00> : vector<640x512xf32>
    %dot_general3A_41 = tpu.matmul %add3A_34, %get3A_39, %dot_general3A_40 {dimension_numbers = #tpu.dot_dimension_numbers<[1], [0], [0], [1], [0, 0, 1, 1], [], []>, transpose_lhs_hint = false} : vector<640x128xf32>, vector<128x512xf32>, vector<640x512xf32> -> vector<640x512xf32>
    %get3A_42 = arith.constant 0 : index
    %get3A_43 = arith.constant 0 : index
    %get3A_44 = vector.load %arg9[%get3A_42, %get3A_43] : memref<128x512xf32, #tpu.memory_space<vmem>>, vector<128x512xf32>
    %dot_general3A_45 = arith.constant dense<0.000000e+00> : vector<640x512xf32>
    %dot_general3A_46 = tpu.matmul %add3A_34, %get3A_44, %dot_general3A_45 {dimension_numbers = #tpu.dot_dimension_numbers<[1], [0], [0], [1], [0, 0, 1, 1], [], []>, transpose_lhs_hint = false} : vector<640x128xf32>, vector<128x512xf32>, vector<640x512xf32> -> vector<640x512xf32>
    %slice3A = vector.extract_strided_slice %dot_general3A_41 {offsets = [0, 0], sizes = [640, 128], strides = [1, 1]} : vector<640x512xf32> to vector<640x128xf32>
    %slice3A_47 = vector.extract_strided_slice %dot_general3A_41 {offsets = [0, 128], sizes = [640, 128], strides = [1, 1]} : vector<640x512xf32> to vector<640x128xf32>
    %convert_element_type3A = arith.truncf %slice3A : vector<640x128xf32> to vector<640x128xbf16>
    %bitcast_convert_type3A = tpu.bitcast %convert_element_type3A : vector<640x128xbf16> -> vector<640x128xi16>
    %convert_element_type3A_48 = arith.extui %bitcast_convert_type3A : vector<640x128xi16> to vector<640x128xi32>
    %convert_element_type3A_49 = arith.truncf %slice3A_47 : vector<640x128xf32> to vector<640x128xbf16>
    %bitcast_convert_type3A_50 = tpu.bitcast %convert_element_type3A_49 : vector<640x128xbf16> -> vector<640x128xi16>
    %convert_element_type3A_51 = arith.extui %bitcast_convert_type3A_50 : vector<640x128xi16> to vector<640x128xi32>
    %shift_left3A = arith.constant 16 : i32
    %shift_left3A_52 = vector.broadcast %shift_left3A : i32 to vector<640x128xi32>
    %shift_left3A_53 = arith.shli %convert_element_type3A_51, %shift_left3A_52 : vector<640x128xi32>
    %or3A = arith.ori %convert_element_type3A_48, %shift_left3A_53 : vector<640x128xi32>
    %swap3A_54 = arith.constant 0 : index
    %swap3A_55 = arith.constant 0 : index
    %swap3A_56 = arith.constant 0 : index
    %swap3A_57 = vector.load %arg11[%swap3A_54, %swap3A_55, %swap3A_56] : memref<2x640x128xi32, #tpu.memory_space<vmem>>, vector<1x640x128xi32>
    %swap3A_58 = vector.shape_cast %swap3A_57 : vector<1x640x128xi32> to vector<640x128xi32>
    %swap3A_59 = vector.shape_cast %or3A : vector<640x128xi32> to vector<1x640x128xi32>
    tpu.vector_store %arg11[%swap3A_54, %swap3A_55, %swap3A_56], %swap3A_59 {strides = array<i32>} : memref<2x640x128xi32, #tpu.memory_space<vmem>>, vector<1x640x128xi32>,
    %slice3A_60 = vector.extract_strided_slice %dot_general3A_41 {offsets = [0, 256], sizes = [640, 128], strides = [1, 1]} : vector<640x512xf32> to vector<640x128xf32>
    %slice3A_61 = vector.extract_strided_slice %dot_general3A_41 {offsets = [0, 384], sizes = [640, 128], strides = [1, 1]} : vector<640x512xf32> to vector<640x128xf32>
    %convert_element_type3A_62 = arith.truncf %slice3A_60 : vector<640x128xf32> to vector<640x128xbf16>
    %bitcast_convert_type3A_63 = tpu.bitcast %convert_element_type3A_62 : vector<640x128xbf16> -> vector<640x128xi16>
    %convert_element_type3A_64 = arith.extui %bitcast_convert_type3A_63 : vector<640x128xi16> to vector<640x128xi32>
    %convert_element_type3A_65 = arith.truncf %slice3A_61 : vector<640x128xf32> to vector<640x128xbf16>
    %bitcast_convert_type3A_66 = tpu.bitcast %convert_element_type3A_65 : vector<640x128xbf16> -> vector<640x128xi16>
    %convert_element_type3A_67 = arith.extui %bitcast_convert_type3A_66 : vector<640x128xi16> to vector<640x128xi32>
    %shift_left3A_68 = arith.constant 16 : i32
    %shift_left3A_69 = vector.broadcast %shift_left3A_68 : i32 to vector<640x128xi32>
    %shift_left3A_70 = arith.shli %convert_element_type3A_67, %shift_left3A_69 : vector<640x128xi32>
    %or3A_71 = arith.ori %convert_element_type3A_64, %shift_left3A_70 : vector<640x128xi32>
    %swap3A_72 = arith.constant 1 : index
    %swap3A_73 = arith.constant 0 : index
    %swap3A_74 = arith.constant 0 : index
    %swap3A_75 = vector.load %arg11[%swap3A_72, %swap3A_73, %swap3A_74] : memref<2x640x128xi32, #tpu.memory_space<vmem>>, vector<1x640x128xi32>
    %swap3A_76 = vector.shape_cast %swap3A_75 : vector<1x640x128xi32> to vector<640x128xi32>
    %swap3A_77 = vector.shape_cast %or3A_71 : vector<640x128xi32> to vector<1x640x128xi32>
    tpu.vector_store %arg11[%swap3A_72, %swap3A_73, %swap3A_74], %swap3A_77 {strides = array<i32>} : memref<2x640x128xi32, #tpu.memory_space<vmem>>, vector<1x640x128xi32>,
    %slice3A_78 = vector.extract_strided_slice %dot_general3A_46 {offsets = [0, 0], sizes = [640, 128], strides = [1, 1]} : vector<640x512xf32> to vector<640x128xf32>
    %slice3A_79 = vector.extract_strided_slice %dot_general3A_46 {offsets = [0, 128], sizes = [640, 128], strides = [1, 1]} : vector<640x512xf32> to vector<640x128xf32>
    %convert_element_type3A_80 = arith.truncf %slice3A_78 : vector<640x128xf32> to vector<640x128xbf16>
    %bitcast_convert_type3A_81 = tpu.bitcast %convert_element_type3A_80 : vector<640x128xbf16> -> vector<640x128xi16>
    %convert_element_type3A_82 = arith.extui %bitcast_convert_type3A_81 : vector<640x128xi16> to vector<640x128xi32>
    %convert_element_type3A_83 = arith.truncf %slice3A_79 : vector<640x128xf32> to vector<640x128xbf16>
    %bitcast_convert_type3A_84 = tpu.bitcast %convert_element_type3A_83 : vector<640x128xbf16> -> vector<640x128xi16>
    %convert_element_type3A_85 = arith.extui %bitcast_convert_type3A_84 : vector<640x128xi16> to vector<640x128xi32>
    %shift_left3A_86 = arith.constant 16 : i32
    %shift_left3A_87 = vector.broadcast %shift_left3A_86 : i32 to vector<640x128xi32>
    %shift_left3A_88 = arith.shli %convert_element_type3A_85, %shift_left3A_87 : vector<640x128xi32>
    %or3A_89 = arith.ori %convert_element_type3A_82, %shift_left3A_88 : vector<640x128xi32>
    %swap3A_90 = arith.constant 0 : index
    %swap3A_91 = arith.constant 0 : index
    %swap3A_92 = arith.constant 0 : index
    %swap3A_93 = vector.load %arg12[%swap3A_90, %swap3A_91, %swap3A_92] : memref<2x640x128xi32, #tpu.memory_space<vmem>>, vector<1x640x128xi32>
    %swap3A_94 = vector.shape_cast %swap3A_93 : vector<1x640x128xi32> to vector<640x128xi32>
    %swap3A_95 = vector.shape_cast %or3A_89 : vector<640x128xi32> to vector<1x640x128xi32>
    tpu.vector_store %arg12[%swap3A_90, %swap3A_91, %swap3A_92], %swap3A_95 {strides = array<i32>} : memref<2x640x128xi32, #tpu.memory_space<vmem>>, vector<1x640x128xi32>,
    %slice3A_96 = vector.extract_strided_slice %dot_general3A_46 {offsets = [0, 256], sizes = [640, 128], strides = [1, 1]} : vector<640x512xf32> to vector<640x128xf32>
    %slice3A_97 = vector.extract_strided_slice %dot_general3A_46 {offsets = [0, 384], sizes = [640, 128], strides = [1, 1]} : vector<640x512xf32> to vector<640x128xf32>
    %convert_element_type3A_98 = arith.truncf %slice3A_96 : vector<640x128xf32> to vector<640x128xbf16>
    %bitcast_convert_type3A_99 = tpu.bitcast %convert_element_type3A_98 : vector<640x128xbf16> -> vector<640x128xi16>
    %convert_element_type3A_100 = arith.extui %bitcast_convert_type3A_99 : vector<640x128xi16> to vector<640x128xi32>
    %convert_element_type3A_101 = arith.truncf %slice3A_97 : vector<640x128xf32> to vector<640x128xbf16>
    %bitcast_convert_type3A_102 = tpu.bitcast %convert_element_type3A_101 : vector<640x128xbf16> -> vector<640x128xi16>
    %convert_element_type3A_103 = arith.extui %bitcast_convert_type3A_102 : vector<640x128xi16> to vector<640x128xi32>
    %shift_left3A_104 = arith.constant 16 : i32
    %shift_left3A_105 = vector.broadcast %shift_left3A_104 : i32 to vector<640x128xi32>
    %shift_left3A_106 = arith.shli %convert_element_type3A_103, %shift_left3A_105 : vector<640x128xi32>
    %or3A_107 = arith.ori %convert_element_type3A_100, %shift_left3A_106 : vector<640x128xi32>
    %swap3A_108 = arith.constant 1 : index
    %swap3A_109 = arith.constant 0 : index
    %swap3A_110 = arith.constant 0 : index
    %swap3A_111 = vector.load %arg12[%swap3A_108, %swap3A_109, %swap3A_110] : memref<2x640x128xi32, #tpu.memory_space<vmem>>, vector<1x640x128xi32>
    %swap3A_112 = vector.shape_cast %swap3A_111 : vector<1x640x128xi32> to vector<640x128xi32>
    %swap3A_113 = vector.shape_cast %or3A_107 : vector<640x128xi32> to vector<1x640x128xi32>
    tpu.vector_store %arg12[%swap3A_108, %swap3A_109, %swap3A_110], %swap3A_113 {strides = array<i32>} : memref<2x640x128xi32, #tpu.memory_space<vmem>>, vector<1x640x128xi32>,
    return
  }
  func.func @transform_0(%arg0: i32) -> (i32, i32) {
    %c0_i32 = arith.constant 0 : i32
    %c0_i32_0 = arith.constant 0 : i32
    return %arg0, %c0_i32 : i32, i32
  }
  func.func @transform_1(%arg0: i32) -> (i32, i32) {
    %c0_i32 = arith.constant 0 : i32
    %c0_i32_0 = arith.constant 0 : i32
    %c0_i32_1 = arith.constant 0 : i32
    return %c0_i32, %c0_i32_0 : i32, i32
  }
  func.func @transform_2(%arg0: i32) -> (i32, i32) {
    %c0_i32 = arith.constant 0 : i32
    %c0_i32_0 = arith.constant 0 : i32
    %c0_i32_1 = arith.constant 0 : i32
    return %c0_i32, %c0_i32_0 : i32, i32
  }
  func.func @transform_3(%arg0: i32) -> (i32, i32) {
    %c0_i32 = arith.constant 0 : i32
    %c0_i32_0 = arith.constant 0 : i32
    %c0_i32_1 = arith.constant 0 : i32
    return %c0_i32, %c0_i32_0 : i32, i32
  }
  func.func @transform_4(%arg0: i32) -> (i32, i32) {
    %c0_i32 = arith.constant 0 : i32
    %c0_i32_0 = arith.constant 0 : i32
    %c0_i32_1 = arith.constant 0 : i32
    return %c0_i32, %c0_i32_0 : i32, i32
  }
  func.func @transform_5(%arg0: i32) -> (i32, i32) {
    %c0_i32 = arith.constant 0 : i32
    %c0_i32_0 = arith.constant 0 : i32
    %c0_i32_1 = arith.constant 0 : i32
    return %c0_i32, %c0_i32_0 : i32, i32
  }
  func.func @transform_6(%arg0: i32) -> (i32, i32) {
    %c0_i32 = arith.constant 0 : i32
    %c0_i32_0 = arith.constant 0 : i32
    %c0_i32_1 = arith.constant 0 : i32
    return %c0_i32, %c0_i32_0 : i32, i32
  }
  func.func @transform_7(%arg0: i32) -> (i32, i32) {
    %c0_i32 = arith.constant 0 : i32
    %c0_i32_0 = arith.constant 0 : i32
    %c0_i32_1 = arith.constant 0 : i32
    return %c0_i32, %c0_i32_0 : i32, i32
  }
  func.func @transform_8(%arg0: i32) -> (i32, i32) {
    %c0_i32 = arith.constant 0 : i32
    %c0_i32_0 = arith.constant 0 : i32
    %c0_i32_1 = arith.constant 0 : i32
    return %c0_i32, %c0_i32_0 : i32, i32
  }
  func.func @transform_9(%arg0: i32) -> (i32, i32) {
    %c0_i32 = arith.constant 0 : i32
    %c0_i32_0 = arith.constant 0 : i32
    return %arg0, %c0_i32 : i32, i32
  }
  func.func @transform_10(%arg0: i32) -> (i32, i32, i32) {
    %c0_i32 = arith.constant 0 : i32
    %c0_i32_0 = arith.constant 0 : i32
    %c0_i32_1 = arith.constant 0 : i32
    return %c0_i32, %arg0, %c0_i32_0 : i32, i32, i32
  }
  func.func @transform_11(%arg0: i32) -> (i32, i32, i32) {
    %c0_i32 = arith.constant 0 : i32
    %c0_i32_0 = arith.constant 0 : i32
    %c0_i32_1 = arith.constant 0 : i32
    return %c0_i32, %arg0, %c0_i32_0 : i32, i32, i32
  }
}

module attributes {stable_mosaic.version = 14 : i64} {
  func.func @_edge_feat_body(%arg0: i32, %arg1: memref<640x1xf32, #tpu.memory_space<vmem>>, %arg2: memref<1x256xf32, #tpu.memory_space<vmem>>, %arg3: memref<1x256xf32, #tpu.memory_space<vmem>>, %arg4: memref<256x128xf32, #tpu.memory_space<vmem>>, %arg5: memref<1x128xf32, #tpu.memory_space<vmem>>, %arg6: memref<1x128x256xf32, #tpu.memory_space<vmem>>, %arg7: memref<1x1x256xf32, #tpu.memory_space<vmem>>, %arg8: memref<640x256xbf16, #tpu.memory_space<vmem>>) attributes {dimension_semantics = [#tpu.dimension_semantics<arbitrary>], iteration_bounds = array<i64: 250>, scalar_prefetch = 0 : i64, scratch_operands = 0 : i64, tpu.core_type = #tpu.core_type<tc>, window_params = [{transform_indices = @transform_0, window_bounds = array<i64: 640, 1>}, {pipeline_mode = #tpu.pipeline_mode<synchronous>, transform_indices = @transform_1, window_bounds = array<i64: 1, 256>}, {pipeline_mode = #tpu.pipeline_mode<synchronous>, transform_indices = @transform_2, window_bounds = array<i64: 1, 256>}, {pipeline_mode = #tpu.pipeline_mode<synchronous>, transform_indices = @transform_3, window_bounds = array<i64: 256, 128>}, {pipeline_mode = #tpu.pipeline_mode<synchronous>, transform_indices = @transform_4, window_bounds = array<i64: 1, 128>}, {transform_indices = @transform_5, window_bounds = array<i64: 1, 128, 256>}, {transform_indices = @transform_6, window_bounds = array<i64: 1, 1, 256>}, {transform_indices = @transform_7, window_bounds = array<i64: 640, 256>}]} {
    %get3A = arith.constant 0 : index
    %get3A_0 = arith.constant 0 : index
    %get3A_1 = vector.load %arg1[%get3A, %get3A_0] : memref<640x1xf32, #tpu.memory_space<vmem>>, vector<640x1xf32>
    %get3A_2 = arith.constant 0 : index
    %get3A_3 = arith.constant 0 : index
    %get3A_4 = vector.load %arg2[%get3A_2, %get3A_3] : memref<1x256xf32, #tpu.memory_space<vmem>>, vector<1x256xf32>
    %mul3A = vector.broadcast %get3A_1 : vector<640x1xf32> to vector<640x256xf32>
    %mul3A_5 = vector.broadcast %get3A_4 : vector<1x256xf32> to vector<640x256xf32>
    %mul3A_6 = arith.mulf %mul3A, %mul3A_5 : vector<640x256xf32>
    %get3A_7 = arith.constant 0 : index
    %get3A_8 = arith.constant 0 : index
    %get3A_9 = vector.load %arg3[%get3A_7, %get3A_8] : memref<1x256xf32, #tpu.memory_space<vmem>>, vector<1x256xf32>
    %add3A = vector.broadcast %get3A_9 : vector<1x256xf32> to vector<640x256xf32>
    %add3A_10 = arith.addf %mul3A_6, %add3A : vector<640x256xf32>
    %max3A = arith.constant 0.000000e+00 : f32
    %max3A_11 = vector.broadcast %max3A : f32 to vector<640x256xf32>
    %max3A_12 = arith.maximumf %add3A_10, %max3A_11 : vector<640x256xf32>
    %get3A_13 = arith.constant 0 : index
    %get3A_14 = arith.constant 0 : index
    %get3A_15 = vector.load %arg4[%get3A_13, %get3A_14] : memref<256x128xf32, #tpu.memory_space<vmem>>, vector<256x128xf32>
    %dot_general3A = arith.constant dense<0.000000e+00> : vector<640x128xf32>
    %dot_general3A_16 = tpu.matmul %max3A_12, %get3A_15, %dot_general3A {dimension_numbers = #tpu.dot_dimension_numbers<[1], [0], [0], [1], [0, 0, 1, 1], [], []>, transpose_lhs_hint = false} : vector<640x256xf32>, vector<256x128xf32>, vector<640x128xf32> -> vector<640x128xf32>
    %get3A_17 = arith.constant 0 : index
    %get3A_18 = arith.constant 0 : index
    %get3A_19 = vector.load %arg5[%get3A_17, %get3A_18] : memref<1x128xf32, #tpu.memory_space<vmem>>, vector<1x128xf32>
    %add3A_20 = vector.broadcast %get3A_19 : vector<1x128xf32> to vector<640x128xf32>
    %add3A_21 = arith.addf %dot_general3A_16, %add3A_20 : vector<640x128xf32>
    %max3A_22 = arith.constant 0.000000e+00 : f32
    %max3A_23 = vector.broadcast %max3A_22 : f32 to vector<640x128xf32>
    %max3A_24 = arith.maximumf %add3A_21, %max3A_23 : vector<640x128xf32>
    %get3A_25 = arith.constant 0 : index
    %get3A_26 = arith.constant 0 : index
    %get3A_27 = arith.constant 0 : index
    %get3A_28 = vector.load %arg6[%get3A_25, %get3A_26, %get3A_27] : memref<1x128x256xf32, #tpu.memory_space<vmem>>, vector<1x128x256xf32>
    %get3A_29 = vector.shape_cast %get3A_28 : vector<1x128x256xf32> to vector<128x256xf32>
    %dot_general3A_30 = arith.constant dense<0.000000e+00> : vector<640x256xf32>
    %dot_general3A_31 = tpu.matmul %max3A_24, %get3A_29, %dot_general3A_30 {dimension_numbers = #tpu.dot_dimension_numbers<[1], [0], [0], [1], [0, 0, 1, 1], [], []>, transpose_lhs_hint = false} : vector<640x128xf32>, vector<128x256xf32>, vector<640x256xf32> -> vector<640x256xf32>
    %get3A_32 = arith.constant 0 : index
    %get3A_33 = arith.constant 0 : index
    %get3A_34 = arith.constant 0 : index
    %get3A_35 = vector.load %arg7[%get3A_32, %get3A_33, %get3A_34] : memref<1x1x256xf32, #tpu.memory_space<vmem>>, vector<1x1x256xf32>
    %get3A_36 = vector.shape_cast %get3A_35 : vector<1x1x256xf32> to vector<1x256xf32>
    %add3A_37 = vector.broadcast %get3A_36 : vector<1x256xf32> to vector<640x256xf32>
    %add3A_38 = arith.addf %dot_general3A_31, %add3A_37 : vector<640x256xf32>
    %convert_element_type3A = arith.truncf %add3A_38 : vector<640x256xf32> to vector<640x256xbf16>
    %swap3A = arith.constant 0 : index
    %swap3A_39 = arith.constant 0 : index
    %swap3A_40 = vector.load %arg8[%swap3A, %swap3A_39] : memref<640x256xbf16, #tpu.memory_space<vmem>>, vector<640x256xbf16>
    tpu.vector_store %arg8[%swap3A, %swap3A_39], %convert_element_type3A {strides = array<i32>} : memref<640x256xbf16, #tpu.memory_space<vmem>>, vector<640x256xbf16>,
    return
  }
  func.func @transform_0(%arg0: i32) -> (i32, i32) {
    %c0_i32 = arith.constant 0 : i32
    %c0_i32_0 = arith.constant 0 : i32
    return %arg0, %c0_i32 : i32, i32
  }
  func.func @transform_1(%arg0: i32) -> (i32, i32) {
    %c0_i32 = arith.constant 0 : i32
    %c0_i32_0 = arith.constant 0 : i32
    %c0_i32_1 = arith.constant 0 : i32
    return %c0_i32, %c0_i32_0 : i32, i32
  }
  func.func @transform_2(%arg0: i32) -> (i32, i32) {
    %c0_i32 = arith.constant 0 : i32
    %c0_i32_0 = arith.constant 0 : i32
    %c0_i32_1 = arith.constant 0 : i32
    return %c0_i32, %c0_i32_0 : i32, i32
  }
  func.func @transform_3(%arg0: i32) -> (i32, i32) {
    %c0_i32 = arith.constant 0 : i32
    %c0_i32_0 = arith.constant 0 : i32
    %c0_i32_1 = arith.constant 0 : i32
    return %c0_i32, %c0_i32_0 : i32, i32
  }
  func.func @transform_4(%arg0: i32) -> (i32, i32) {
    %c0_i32 = arith.constant 0 : i32
    %c0_i32_0 = arith.constant 0 : i32
    %c0_i32_1 = arith.constant 0 : i32
    return %c0_i32, %c0_i32_0 : i32, i32
  }
  func.func @transform_5(%arg0: i32) -> (i32, i32, i32) {
    %jit3A = arith.constant 125 : i32
    %div3A = arith.divsi %arg0, %jit3A : i32
    %sign3A = arith.constant 0 : i32
    %sign3A_0 = arith.cmpi sgt, %arg0, %sign3A : i32
    %sign3A_1 = arith.extui %sign3A_0 : i1 to i32
    %sign3A_2 = arith.constant 0 : i32
    %sign3A_3 = arith.cmpi slt, %arg0, %sign3A_2 : i32
    %sign3A_4 = arith.extui %sign3A_3 : i1 to i32
    %sign3A_5 = arith.subi %sign3A_1, %sign3A_4 : i32
    %sign3A_6 = arith.constant 0 : i32
    %sign3A_7 = arith.cmpi sgt, %jit3A, %sign3A_6 : i32
    %sign3A_8 = arith.extui %sign3A_7 : i1 to i32
    %sign3A_9 = arith.constant 0 : i32
    %sign3A_10 = arith.cmpi slt, %jit3A, %sign3A_9 : i32
    %sign3A_11 = arith.extui %sign3A_10 : i1 to i32
    %sign3A_12 = arith.subi %sign3A_8, %sign3A_11 : i32
    %ne3A = arith.cmpi ne, %sign3A_5, %sign3A_12 : i32
    %rem3A = arith.remsi %arg0, %jit3A : i32
    %ne3A_13 = arith.constant 0 : i32
    %ne3A_14 = arith.cmpi ne, %rem3A, %ne3A_13 : i32
    %and3A = arith.andi %ne3A, %ne3A_14 : i1
    %sub3A = arith.constant 1 : i32
    %sub3A_15 = arith.subi %div3A, %sub3A : i32
    %select_n3A = arith.select %and3A, %sub3A_15, %div3A : i32
    %c0_i32 = arith.constant 0 : i32
    %c0_i32_16 = arith.constant 0 : i32
    %c0_i32_17 = arith.constant 0 : i32
    return %select_n3A, %c0_i32, %c0_i32_16 : i32, i32, i32
  }
  func.func @transform_6(%arg0: i32) -> (i32, i32, i32) {
    %jit3A = arith.constant 125 : i32
    %div3A = arith.divsi %arg0, %jit3A : i32
    %sign3A = arith.constant 0 : i32
    %sign3A_0 = arith.cmpi sgt, %arg0, %sign3A : i32
    %sign3A_1 = arith.extui %sign3A_0 : i1 to i32
    %sign3A_2 = arith.constant 0 : i32
    %sign3A_3 = arith.cmpi slt, %arg0, %sign3A_2 : i32
    %sign3A_4 = arith.extui %sign3A_3 : i1 to i32
    %sign3A_5 = arith.subi %sign3A_1, %sign3A_4 : i32
    %sign3A_6 = arith.constant 0 : i32
    %sign3A_7 = arith.cmpi sgt, %jit3A, %sign3A_6 : i32
    %sign3A_8 = arith.extui %sign3A_7 : i1 to i32
    %sign3A_9 = arith.constant 0 : i32
    %sign3A_10 = arith.cmpi slt, %jit3A, %sign3A_9 : i32
    %sign3A_11 = arith.extui %sign3A_10 : i1 to i32
    %sign3A_12 = arith.subi %sign3A_8, %sign3A_11 : i32
    %ne3A = arith.cmpi ne, %sign3A_5, %sign3A_12 : i32
    %rem3A = arith.remsi %arg0, %jit3A : i32
    %ne3A_13 = arith.constant 0 : i32
    %ne3A_14 = arith.cmpi ne, %rem3A, %ne3A_13 : i32
    %and3A = arith.andi %ne3A, %ne3A_14 : i1
    %sub3A = arith.constant 1 : i32
    %sub3A_15 = arith.subi %div3A, %sub3A : i32
    %select_n3A = arith.select %and3A, %sub3A_15, %div3A : i32
    %c0_i32 = arith.constant 0 : i32
    %c0_i32_16 = arith.constant 0 : i32
    %c0_i32_17 = arith.constant 0 : i32
    return %select_n3A, %c0_i32, %c0_i32_16 : i32, i32, i32
  }
  func.func @transform_7(%arg0: i32) -> (i32, i32) {
    %c0_i32 = arith.constant 0 : i32
    %c0_i32_0 = arith.constant 0 : i32
    return %arg0, %c0_i32 : i32, i32
  }
}

module attributes {stable_mosaic.version = 14 : i64} {
  func.func @_edge_mlp_body(%arg0: i32, %arg1: memref<640x128xi32, #tpu.memory_space<vmem>>, %arg2: memref<640x128xi32, #tpu.memory_space<vmem>>, %arg3: memref<640x256xbf16, #tpu.memory_space<vmem>>, %arg4: memref<1x256x128xf32, #tpu.memory_space<vmem>>, %arg5: memref<1x1x128xf32, #tpu.memory_space<vmem>>, %arg6: memref<640x128xf32, #tpu.memory_space<vmem>>) attributes {dimension_semantics = [#tpu.dimension_semantics<arbitrary>], iteration_bounds = array<i64: 250>, scalar_prefetch = 0 : i64, scratch_operands = 0 : i64, tpu.core_type = #tpu.core_type<tc>, window_params = [{transform_indices = @transform_0, window_bounds = array<i64: 640, 128>}, {transform_indices = @transform_1, window_bounds = array<i64: 640, 128>}, {transform_indices = @transform_2, window_bounds = array<i64: 640, 256>}, {transform_indices = @transform_3, window_bounds = array<i64: 1, 256, 128>}, {transform_indices = @transform_4, window_bounds = array<i64: 1, 1, 128>}, {transform_indices = @transform_5, window_bounds = array<i64: 640, 128>}]} {
    %get3A = arith.constant 0 : index
    %get3A_0 = arith.constant 0 : index
    %get3A_1 = vector.load %arg1[%get3A, %get3A_0] : memref<640x128xi32, #tpu.memory_space<vmem>>, vector<640x128xi32>
    %and3A = arith.constant 65535 : i32
    %and3A_2 = vector.broadcast %and3A : i32 to vector<640x128xi32>
    %and3A_3 = arith.andi %get3A_1, %and3A_2 : vector<640x128xi32>
    %convert_element_type3A = arith.trunci %and3A_3 : vector<640x128xi32> to vector<640x128xi16>
    %bitcast_convert_type3A = tpu.bitcast %convert_element_type3A : vector<640x128xi16> -> vector<640x128xbf16>
    %convert_element_type3A_4 = arith.extf %bitcast_convert_type3A : vector<640x128xbf16> to vector<640x128xf32>
    %shift_right_logical3A = arith.constant 16 : i32
    %shift_right_logical3A_5 = vector.broadcast %shift_right_logical3A : i32 to vector<640x128xi32>
    %shift_right_logical3A_6 = arith.shrui %get3A_1, %shift_right_logical3A_5 : vector<640x128xi32>
    %convert_element_type3A_7 = arith.trunci %shift_right_logical3A_6 : vector<640x128xi32> to vector<640x128xi16>
    %bitcast_convert_type3A_8 = tpu.bitcast %convert_element_type3A_7 : vector<640x128xi16> -> vector<640x128xbf16>
    %convert_element_type3A_9 = arith.extf %bitcast_convert_type3A_8 : vector<640x128xbf16> to vector<640x128xf32>
    %get3A_10 = arith.constant 0 : index
    %get3A_11 = arith.constant 0 : index
    %get3A_12 = vector.load %arg2[%get3A_10, %get3A_11] : memref<640x128xi32, #tpu.memory_space<vmem>>, vector<640x128xi32>
    %and3A_13 = arith.constant 65535 : i32
    %and3A_14 = vector.broadcast %and3A_13 : i32 to vector<640x128xi32>
    %and3A_15 = arith.andi %get3A_12, %and3A_14 : vector<640x128xi32>
    %convert_element_type3A_16 = arith.trunci %and3A_15 : vector<640x128xi32> to vector<640x128xi16>
    %bitcast_convert_type3A_17 = tpu.bitcast %convert_element_type3A_16 : vector<640x128xi16> -> vector<640x128xbf16>
    %convert_element_type3A_18 = arith.extf %bitcast_convert_type3A_17 : vector<640x128xbf16> to vector<640x128xf32>
    %shift_right_logical3A_19 = arith.constant 16 : i32
    %shift_right_logical3A_20 = vector.broadcast %shift_right_logical3A_19 : i32 to vector<640x128xi32>
    %shift_right_logical3A_21 = arith.shrui %get3A_12, %shift_right_logical3A_20 : vector<640x128xi32>
    %convert_element_type3A_22 = arith.trunci %shift_right_logical3A_21 : vector<640x128xi32> to vector<640x128xi16>
    %bitcast_convert_type3A_23 = tpu.bitcast %convert_element_type3A_22 : vector<640x128xi16> -> vector<640x128xbf16>
    %convert_element_type3A_24 = arith.extf %bitcast_convert_type3A_23 : vector<640x128xbf16> to vector<640x128xf32>
    %get3A_25 = arith.constant 0 : index
    %get3A_26 = arith.constant 0 : index
    %get3A_27 = vector.load %arg3[%get3A_25, %get3A_26] : memref<640x256xbf16, #tpu.memory_space<vmem>>, vector<640x256xbf16>
    %convert_element_type3A_28 = arith.extf %get3A_27 : vector<640x256xbf16> to vector<640x256xf32>
    %add3A = arith.addf %convert_element_type3A_4, %convert_element_type3A_18 : vector<640x128xf32>
    %slice3A = vector.extract_strided_slice %convert_element_type3A_28 {offsets = [0, 0], sizes = [640, 128], strides = [1, 1]} : vector<640x256xf32> to vector<640x128xf32>
    %add3A_29 = arith.addf %add3A, %slice3A : vector<640x128xf32>
    %max3A = arith.constant 0.000000e+00 : f32
    %max3A_30 = vector.broadcast %max3A : f32 to vector<640x128xf32>
    %max3A_31 = arith.maximumf %add3A_29, %max3A_30 : vector<640x128xf32>
    %add3A_32 = arith.addf %convert_element_type3A_9, %convert_element_type3A_24 : vector<640x128xf32>
    %slice3A_33 = vector.extract_strided_slice %convert_element_type3A_28 {offsets = [0, 128], sizes = [640, 128], strides = [1, 1]} : vector<640x256xf32> to vector<640x128xf32>
    %add3A_34 = arith.addf %add3A_32, %slice3A_33 : vector<640x128xf32>
    %max3A_35 = arith.constant 0.000000e+00 : f32
    %max3A_36 = vector.broadcast %max3A_35 : f32 to vector<640x128xf32>
    %max3A_37 = arith.maximumf %add3A_34, %max3A_36 : vector<640x128xf32>
    %get3A_38 = arith.constant 0 : index
    %get3A_39 = arith.constant 0 : index
    %get3A_40 = arith.constant 0 : index
    %get3A_41 = vector.load %arg4[%get3A_38, %get3A_39, %get3A_40] : memref<1x256x128xf32, #tpu.memory_space<vmem>>, vector<1x128x128xf32>
    %get3A_42 = vector.shape_cast %get3A_41 : vector<1x128x128xf32> to vector<128x128xf32>
    %dot_general3A = arith.constant dense<0.000000e+00> : vector<640x128xf32>
    %dot_general3A_43 = tpu.matmul %max3A_31, %get3A_42, %dot_general3A {dimension_numbers = #tpu.dot_dimension_numbers<[1], [0], [0], [1], [0, 0, 1, 1], [], []>, transpose_lhs_hint = false} : vector<640x128xf32>, vector<128x128xf32>, vector<640x128xf32> -> vector<640x128xf32>
    %get3A_44 = arith.constant 0 : index
    %get3A_45 = arith.constant 128 : index
    %get3A_46 = arith.constant 0 : index
    %get3A_47 = vector.load %arg4[%get3A_44, %get3A_45, %get3A_46] : memref<1x256x128xf32, #tpu.memory_space<vmem>>, vector<1x128x128xf32>
    %get3A_48 = vector.shape_cast %get3A_47 : vector<1x128x128xf32> to vector<128x128xf32>
    %dot_general3A_49 = arith.constant dense<0.000000e+00> : vector<640x128xf32>
    %dot_general3A_50 = tpu.matmul %max3A_37, %get3A_48, %dot_general3A_49 {dimension_numbers = #tpu.dot_dimension_numbers<[1], [0], [0], [1], [0, 0, 1, 1], [], []>, transpose_lhs_hint = false} : vector<640x128xf32>, vector<128x128xf32>, vector<640x128xf32> -> vector<640x128xf32>
    %add3A_51 = arith.addf %dot_general3A_43, %dot_general3A_50 : vector<640x128xf32>
    %get3A_52 = arith.constant 0 : index
    %get3A_53 = arith.constant 0 : index
    %get3A_54 = arith.constant 0 : index
    %get3A_55 = vector.load %arg5[%get3A_52, %get3A_53, %get3A_54] : memref<1x1x128xf32, #tpu.memory_space<vmem>>, vector<1x1x128xf32>
    %get3A_56 = vector.shape_cast %get3A_55 : vector<1x1x128xf32> to vector<1x128xf32>
    %add3A_57 = vector.broadcast %get3A_56 : vector<1x128xf32> to vector<640x128xf32>
    %add3A_58 = arith.addf %add3A_51, %add3A_57 : vector<640x128xf32>
    %max3A_59 = arith.constant 0.000000e+00 : f32
    %max3A_60 = vector.broadcast %max3A_59 : f32 to vector<640x128xf32>
    %max3A_61 = arith.maximumf %add3A_58, %max3A_60 : vector<640x128xf32>
    %swap3A = arith.constant 0 : index
    %swap3A_62 = arith.constant 0 : index
    %swap3A_63 = vector.load %arg6[%swap3A, %swap3A_62] : memref<640x128xf32, #tpu.memory_space<vmem>>, vector<640x128xf32>
    tpu.vector_store %arg6[%swap3A, %swap3A_62], %max3A_61 {strides = array<i32>} : memref<640x128xf32, #tpu.memory_space<vmem>>, vector<640x128xf32>,
    return
  }
  func.func @transform_0(%arg0: i32) -> (i32, i32) {
    %c0_i32 = arith.constant 0 : i32
    %c0_i32_0 = arith.constant 0 : i32
    return %arg0, %c0_i32 : i32, i32
  }
  func.func @transform_1(%arg0: i32) -> (i32, i32) {
    %c0_i32 = arith.constant 0 : i32
    %c0_i32_0 = arith.constant 0 : i32
    return %arg0, %c0_i32 : i32, i32
  }
  func.func @transform_2(%arg0: i32) -> (i32, i32) {
    %c0_i32 = arith.constant 0 : i32
    %c0_i32_0 = arith.constant 0 : i32
    return %arg0, %c0_i32 : i32, i32
  }
  func.func @transform_3(%arg0: i32) -> (i32, i32, i32) {
    %jit3A = arith.constant 125 : i32
    %div3A = arith.divsi %arg0, %jit3A : i32
    %sign3A = arith.constant 0 : i32
    %sign3A_0 = arith.cmpi sgt, %arg0, %sign3A : i32
    %sign3A_1 = arith.extui %sign3A_0 : i1 to i32
    %sign3A_2 = arith.constant 0 : i32
    %sign3A_3 = arith.cmpi slt, %arg0, %sign3A_2 : i32
    %sign3A_4 = arith.extui %sign3A_3 : i1 to i32
    %sign3A_5 = arith.subi %sign3A_1, %sign3A_4 : i32
    %sign3A_6 = arith.constant 0 : i32
    %sign3A_7 = arith.cmpi sgt, %jit3A, %sign3A_6 : i32
    %sign3A_8 = arith.extui %sign3A_7 : i1 to i32
    %sign3A_9 = arith.constant 0 : i32
    %sign3A_10 = arith.cmpi slt, %jit3A, %sign3A_9 : i32
    %sign3A_11 = arith.extui %sign3A_10 : i1 to i32
    %sign3A_12 = arith.subi %sign3A_8, %sign3A_11 : i32
    %ne3A = arith.cmpi ne, %sign3A_5, %sign3A_12 : i32
    %rem3A = arith.remsi %arg0, %jit3A : i32
    %ne3A_13 = arith.constant 0 : i32
    %ne3A_14 = arith.cmpi ne, %rem3A, %ne3A_13 : i32
    %and3A = arith.andi %ne3A, %ne3A_14 : i1
    %sub3A = arith.constant 1 : i32
    %sub3A_15 = arith.subi %div3A, %sub3A : i32
    %select_n3A = arith.select %and3A, %sub3A_15, %div3A : i32
    %c0_i32 = arith.constant 0 : i32
    %c0_i32_16 = arith.constant 0 : i32
    %c0_i32_17 = arith.constant 0 : i32
    return %select_n3A, %c0_i32, %c0_i32_16 : i32, i32, i32
  }
  func.func @transform_4(%arg0: i32) -> (i32, i32, i32) {
    %jit3A = arith.constant 125 : i32
    %div3A = arith.divsi %arg0, %jit3A : i32
    %sign3A = arith.constant 0 : i32
    %sign3A_0 = arith.cmpi sgt, %arg0, %sign3A : i32
    %sign3A_1 = arith.extui %sign3A_0 : i1 to i32
    %sign3A_2 = arith.constant 0 : i32
    %sign3A_3 = arith.cmpi slt, %arg0, %sign3A_2 : i32
    %sign3A_4 = arith.extui %sign3A_3 : i1 to i32
    %sign3A_5 = arith.subi %sign3A_1, %sign3A_4 : i32
    %sign3A_6 = arith.constant 0 : i32
    %sign3A_7 = arith.cmpi sgt, %jit3A, %sign3A_6 : i32
    %sign3A_8 = arith.extui %sign3A_7 : i1 to i32
    %sign3A_9 = arith.constant 0 : i32
    %sign3A_10 = arith.cmpi slt, %jit3A, %sign3A_9 : i32
    %sign3A_11 = arith.extui %sign3A_10 : i1 to i32
    %sign3A_12 = arith.subi %sign3A_8, %sign3A_11 : i32
    %ne3A = arith.cmpi ne, %sign3A_5, %sign3A_12 : i32
    %rem3A = arith.remsi %arg0, %jit3A : i32
    %ne3A_13 = arith.constant 0 : i32
    %ne3A_14 = arith.cmpi ne, %rem3A, %ne3A_13 : i32
    %and3A = arith.andi %ne3A, %ne3A_14 : i1
    %sub3A = arith.constant 1 : i32
    %sub3A_15 = arith.subi %div3A, %sub3A : i32
    %select_n3A = arith.select %and3A, %sub3A_15, %div3A : i32
    %c0_i32 = arith.constant 0 : i32
    %c0_i32_16 = arith.constant 0 : i32
    %c0_i32_17 = arith.constant 0 : i32
    return %select_n3A, %c0_i32, %c0_i32_16 : i32, i32, i32
  }
  func.func @transform_5(%arg0: i32) -> (i32, i32) {
    %c0_i32 = arith.constant 0 : i32
    %c0_i32_0 = arith.constant 0 : i32
    return %arg0, %c0_i32 : i32, i32
  }
}

module attributes {stable_mosaic.version = 14 : i64} {
  func.func @_node_update_body(%arg0: i32, %arg1: memref<640x128xf32, #tpu.memory_space<vmem>>, %arg2: memref<2x640x128xf32, #tpu.memory_space<vmem>>, %arg3: memref<2x640x16xf32, #tpu.memory_space<vmem>>, %arg4: memref<128x256xf32, #tpu.memory_space<vmem>>, %arg5: memref<128x256xf32, #tpu.memory_space<vmem>>, %arg6: memref<128x256xf32, #tpu.memory_space<vmem>>, %arg7: memref<1x256xf32, #tpu.memory_space<vmem>>, %arg8: memref<1x256xf32, #tpu.memory_space<vmem>>, %arg9: memref<1x256xf32, #tpu.memory_space<vmem>>, %arg10: memref<256x128xf32, #tpu.memory_space<vmem>>, %arg11: memref<1x128xf32, #tpu.memory_space<vmem>>, %arg12: memref<128x128xf32, #tpu.memory_space<vmem>>, %arg13: memref<1x128xf32, #tpu.memory_space<vmem>>, %arg14: memref<128x512xf32, #tpu.memory_space<vmem>>, %arg15: memref<128x512xf32, #tpu.memory_space<vmem>>, %arg16: memref<640x128xf32, #tpu.memory_space<vmem>>, %arg17: memref<2x640x128xi32, #tpu.memory_space<vmem>>, %arg18: memref<2x640x128xi32, #tpu.memory_space<vmem>>) attributes {dimension_semantics = [#tpu.dimension_semantics<arbitrary>], iteration_bounds = array<i64: 16>, scalar_prefetch = 0 : i64, scratch_operands = 0 : i64, tpu.core_type = #tpu.core_type<tc>, window_params = [{transform_indices = @transform_0, window_bounds = array<i64: 640, 128>}, {transform_indices = @transform_1, window_bounds = array<i64: 2, 640, 128>}, {transform_indices = @transform_2, window_bounds = array<i64: 2, 640, 16>}, {pipeline_mode = #tpu.pipeline_mode<synchronous>, transform_indices = @transform_3, window_bounds = array<i64: 128, 256>}, {pipeline_mode = #tpu.pipeline_mode<synchronous>, transform_indices = @transform_4, window_bounds = array<i64: 128, 256>}, {pipeline_mode = #tpu.pipeline_mode<synchronous>, transform_indices = @transform_5, window_bounds = array<i64: 128, 256>}, {pipeline_mode = #tpu.pipeline_mode<synchronous>, transform_indices = @transform_6, window_bounds = array<i64: 1, 256>}, {pipeline_mode = #tpu.pipeline_mode<synchronous>, transform_indices = @transform_7, window_bounds = array<i64: 1, 256>}, {pipeline_mode = #tpu.pipeline_mode<synchronous>, transform_indices = @transform_8, window_bounds = array<i64: 1, 256>}, {pipeline_mode = #tpu.pipeline_mode<synchronous>, transform_indices = @transform_9, window_bounds = array<i64: 256, 128>}, {pipeline_mode = #tpu.pipeline_mode<synchronous>, transform_indices = @transform_10, window_bounds = array<i64: 1, 128>}, {pipeline_mode = #tpu.pipeline_mode<synchronous>, transform_indices = @transform_11, window_bounds = array<i64: 128, 128>}, {pipeline_mode = #tpu.pipeline_mode<synchronous>, transform_indices = @transform_12, window_bounds = array<i64: 1, 128>}, {pipeline_mode = #tpu.pipeline_mode<synchronous>, transform_indices = @transform_13, window_bounds = array<i64: 128, 512>}, {pipeline_mode = #tpu.pipeline_mode<synchronous>, transform_indices = @transform_14, window_bounds = array<i64: 128, 512>}, {transform_indices = @transform_15, window_bounds = array<i64: 640, 128>}, {transform_indices = @transform_16, window_bounds = array<i64: 2, 640, 128>}, {transform_indices = @transform_17, window_bounds = array<i64: 2, 640, 128>}]} {
    %get3A = arith.constant 0 : index
    %get3A_0 = arith.constant 0 : index
    %get3A_1 = vector.load %arg1[%get3A, %get3A_0] : memref<640x128xf32, #tpu.memory_space<vmem>>, vector<640x128xf32>
    %get3A_2 = arith.constant 0 : index
    %get3A_3 = arith.constant 0 : index
    %get3A_4 = arith.constant 0 : index
    %get3A_5 = vector.load %arg3[%get3A_2, %get3A_3, %get3A_4] : memref<2x640x16xf32, #tpu.memory_space<vmem>>, vector<1x640x16xf32>
    %get3A_6 = vector.shape_cast %get3A_5 : vector<1x640x16xf32> to vector<640x16xf32>
    %slice3A = vector.extract_strided_slice %get3A_6 {offsets = [0, 0], sizes = [640, 1], strides = [1, 1]} : vector<640x16xf32> to vector<640x1xf32>
    %get3A_7 = arith.constant 1 : index
    %get3A_8 = arith.constant 0 : index
    %get3A_9 = arith.constant 0 : index
    %get3A_10 = vector.load %arg3[%get3A_7, %get3A_8, %get3A_9] : memref<2x640x16xf32, #tpu.memory_space<vmem>>, vector<1x640x16xf32>
    %get3A_11 = vector.shape_cast %get3A_10 : vector<1x640x16xf32> to vector<640x16xf32>
    %slice3A_12 = vector.extract_strided_slice %get3A_11 {offsets = [0, 0], sizes = [640, 1], strides = [1, 1]} : vector<640x16xf32> to vector<640x1xf32>
    %max3A = arith.constant 1.000000e+00 : f32
    %max3A_13 = vector.broadcast %max3A : f32 to vector<640x1xf32>
    %max3A_14 = arith.maximumf %slice3A, %max3A_13 : vector<640x1xf32>
    %div3A = arith.constant 1.000000e+00 : f32
    %div3A_15 = vector.broadcast %div3A : f32 to vector<640x1xf32>
    %div3A_16 = arith.divf %div3A_15, %max3A_14 : vector<640x1xf32>
    %max3A_17 = arith.constant 1.000000e+00 : f32
    %max3A_18 = vector.broadcast %max3A_17 : f32 to vector<640x1xf32>
    %max3A_19 = arith.maximumf %slice3A_12, %max3A_18 : vector<640x1xf32>
    %div3A_20 = arith.constant 1.000000e+00 : f32
    %div3A_21 = vector.broadcast %div3A_20 : f32 to vector<640x1xf32>
    %div3A_22 = arith.divf %div3A_21, %max3A_19 : vector<640x1xf32>
    %gt3A = arith.constant 0.000000e+00 : f32
    %gt3A_23 = vector.broadcast %gt3A : f32 to vector<640x1xf32>
    %gt3A_24 = arith.cmpf ogt, %slice3A, %gt3A_23 : vector<640x1xf32>
    %convert_element_type3A = arith.extui %gt3A_24 : vector<640x1xi1> to vector<640x1xi32>
    %convert_element_type3A_25 = arith.sitofp %convert_element_type3A : vector<640x1xi32> to vector<640x1xf32>
    %gt3A_26 = arith.constant 0.000000e+00 : f32
    %gt3A_27 = vector.broadcast %gt3A_26 : f32 to vector<640x1xf32>
    %gt3A_28 = arith.cmpf ogt, %slice3A_12, %gt3A_27 : vector<640x1xf32>
    %convert_element_type3A_29 = arith.extui %gt3A_28 : vector<640x1xi1> to vector<640x1xi32>
    %convert_element_type3A_30 = arith.sitofp %convert_element_type3A_29 : vector<640x1xi32> to vector<640x1xf32>
    %get3A_31 = arith.constant 0 : index
    %get3A_32 = arith.constant 0 : index
    %get3A_33 = vector.load %arg4[%get3A_31, %get3A_32] : memref<128x256xf32, #tpu.memory_space<vmem>>, vector<128x256xf32>
    %dot_general3A = arith.constant dense<0.000000e+00> : vector<640x256xf32>
    %dot_general3A_34 = tpu.matmul %get3A_1, %get3A_33, %dot_general3A {dimension_numbers = #tpu.dot_dimension_numbers<[1], [0], [0], [1], [0, 0, 1, 1], [], []>, transpose_lhs_hint = false} : vector<640x128xf32>, vector<128x256xf32>, vector<640x256xf32> -> vector<640x256xf32>
    %get3A_35 = arith.constant 0 : index
    %get3A_36 = arith.constant 0 : index
    %get3A_37 = arith.constant 0 : index
    %get3A_38 = vector.load %arg2[%get3A_35, %get3A_36, %get3A_37] : memref<2x640x128xf32, #tpu.memory_space<vmem>>, vector<1x640x128xf32>
    %get3A_39 = vector.shape_cast %get3A_38 : vector<1x640x128xf32> to vector<640x128xf32>
    %mul3A = vector.broadcast %div3A_16 : vector<640x1xf32> to vector<640x128xf32>
    %mul3A_40 = arith.mulf %get3A_39, %mul3A : vector<640x128xf32>
    %get3A_41 = arith.constant 0 : index
    %get3A_42 = arith.constant 0 : index
    %get3A_43 = vector.load %arg5[%get3A_41, %get3A_42] : memref<128x256xf32, #tpu.memory_space<vmem>>, vector<128x256xf32>
    %dot_general3A_44 = arith.constant dense<0.000000e+00> : vector<640x256xf32>
    %dot_general3A_45 = tpu.matmul %mul3A_40, %get3A_43, %dot_general3A_44 {dimension_numbers = #tpu.dot_dimension_numbers<[1], [0], [0], [1], [0, 0, 1, 1], [], []>, transpose_lhs_hint = false} : vector<640x128xf32>, vector<128x256xf32>, vector<640x256xf32> -> vector<640x256xf32>
    %add3A = arith.addf %dot_general3A_34, %dot_general3A_45 : vector<640x256xf32>
    %get3A_46 = arith.constant 0 : index
    %get3A_47 = arith.constant 0 : index
    %get3A_48 = vector.load %arg7[%get3A_46, %get3A_47] : memref<1x256xf32, #tpu.memory_space<vmem>>, vector<1x256xf32>
    %mul3A_49 = vector.broadcast %convert_element_type3A_25 : vector<640x1xf32> to vector<640x256xf32>
    %mul3A_50 = vector.broadcast %get3A_48 : vector<1x256xf32> to vector<640x256xf32>
    %mul3A_51 = arith.mulf %mul3A_49, %mul3A_50 : vector<640x256xf32>
    %add3A_52 = arith.addf %add3A, %mul3A_51 : vector<640x256xf32>
    %get3A_53 = arith.constant 1 : index
    %get3A_54 = arith.constant 0 : index
    %get3A_55 = arith.constant 0 : index
    %get3A_56 = vector.load %arg2[%get3A_53, %get3A_54, %get3A_55] : memref<2x640x128xf32, #tpu.memory_space<vmem>>, vector<1x640x128xf32>
    %get3A_57 = vector.shape_cast %get3A_56 : vector<1x640x128xf32> to vector<640x128xf32>
    %mul3A_58 = vector.broadcast %div3A_22 : vector<640x1xf32> to vector<640x128xf32>
    %mul3A_59 = arith.mulf %get3A_57, %mul3A_58 : vector<640x128xf32>
    %get3A_60 = arith.constant 0 : index
    %get3A_61 = arith.constant 0 : index
    %get3A_62 = vector.load %arg6[%get3A_60, %get3A_61] : memref<128x256xf32, #tpu.memory_space<vmem>>, vector<128x256xf32>
    %dot_general3A_63 = arith.constant dense<0.000000e+00> : vector<640x256xf32>
    %dot_general3A_64 = tpu.matmul %mul3A_59, %get3A_62, %dot_general3A_63 {dimension_numbers = #tpu.dot_dimension_numbers<[1], [0], [0], [1], [0, 0, 1, 1], [], []>, transpose_lhs_hint = false} : vector<640x128xf32>, vector<128x256xf32>, vector<640x256xf32> -> vector<640x256xf32>
    %add3A_65 = arith.addf %add3A_52, %dot_general3A_64 : vector<640x256xf32>
    %get3A_66 = arith.constant 0 : index
    %get3A_67 = arith.constant 0 : index
    %get3A_68 = vector.load %arg8[%get3A_66, %get3A_67] : memref<1x256xf32, #tpu.memory_space<vmem>>, vector<1x256xf32>
    %mul3A_69 = vector.broadcast %convert_element_type3A_30 : vector<640x1xf32> to vector<640x256xf32>
    %mul3A_70 = vector.broadcast %get3A_68 : vector<1x256xf32> to vector<640x256xf32>
    %mul3A_71 = arith.mulf %mul3A_69, %mul3A_70 : vector<640x256xf32>
    %add3A_72 = arith.addf %add3A_65, %mul3A_71 : vector<640x256xf32>
    %get3A_73 = arith.constant 0 : index
    %get3A_74 = arith.constant 0 : index
    %get3A_75 = vector.load %arg9[%get3A_73, %get3A_74] : memref<1x256xf32, #tpu.memory_space<vmem>>, vector<1x256xf32>
    %add3A_76 = vector.broadcast %get3A_75 : vector<1x256xf32> to vector<640x256xf32>
    %add3A_77 = arith.addf %add3A_72, %add3A_76 : vector<640x256xf32>
    %max3A_78 = arith.constant 0.000000e+00 : f32
    %max3A_79 = vector.broadcast %max3A_78 : f32 to vector<640x256xf32>
    %max3A_80 = arith.maximumf %add3A_77, %max3A_79 : vector<640x256xf32>
    %get3A_81 = arith.constant 0 : index
    %get3A_82 = arith.constant 0 : index
    %get3A_83 = vector.load %arg10[%get3A_81, %get3A_82] : memref<256x128xf32, #tpu.memory_space<vmem>>, vector<256x128xf32>
    %dot_general3A_84 = arith.constant dense<0.000000e+00> : vector<640x128xf32>
    %dot_general3A_85 = tpu.matmul %max3A_80, %get3A_83, %dot_general3A_84 {dimension_numbers = #tpu.dot_dimension_numbers<[1], [0], [0], [1], [0, 0, 1, 1], [], []>, transpose_lhs_hint = false} : vector<640x256xf32>, vector<256x128xf32>, vector<640x128xf32> -> vector<640x128xf32>
    %get3A_86 = arith.constant 0 : index
    %get3A_87 = arith.constant 0 : index
    %get3A_88 = vector.load %arg11[%get3A_86, %get3A_87] : memref<1x128xf32, #tpu.memory_space<vmem>>, vector<1x128xf32>
    %add3A_89 = vector.broadcast %get3A_88 : vector<1x128xf32> to vector<640x128xf32>
    %add3A_90 = arith.addf %dot_general3A_85, %add3A_89 : vector<640x128xf32>
    %max3A_91 = arith.constant 0.000000e+00 : f32
    %max3A_92 = vector.broadcast %max3A_91 : f32 to vector<640x128xf32>
    %max3A_93 = arith.maximumf %add3A_90, %max3A_92 : vector<640x128xf32>
    %get3A_94 = arith.constant 0 : index
    %get3A_95 = arith.constant 0 : index
    %get3A_96 = vector.load %arg12[%get3A_94, %get3A_95] : memref<128x128xf32, #tpu.memory_space<vmem>>, vector<128x128xf32>
    %dot_general3A_97 = arith.constant dense<0.000000e+00> : vector<640x128xf32>
    %dot_general3A_98 = tpu.matmul %max3A_93, %get3A_96, %dot_general3A_97 {dimension_numbers = #tpu.dot_dimension_numbers<[1], [0], [0], [1], [0, 0, 1, 1], [], []>, transpose_lhs_hint = false} : vector<640x128xf32>, vector<128x128xf32>, vector<640x128xf32> -> vector<640x128xf32>
    %get3A_99 = arith.constant 0 : index
    %get3A_100 = arith.constant 0 : index
    %get3A_101 = vector.load %arg13[%get3A_99, %get3A_100] : memref<1x128xf32, #tpu.memory_space<vmem>>, vector<1x128xf32>
    %add3A_102 = vector.broadcast %get3A_101 : vector<1x128xf32> to vector<640x128xf32>
    %add3A_103 = arith.addf %dot_general3A_98, %add3A_102 : vector<640x128xf32>
    %add3A_104 = arith.addf %add3A_103, %get3A_1 : vector<640x128xf32>
    %swap3A = arith.constant 0 : index
    %swap3A_105 = arith.constant 0 : index
    %swap3A_106 = vector.load %arg16[%swap3A, %swap3A_105] : memref<640x128xf32, #tpu.memory_space<vmem>>, vector<640x128xf32>
    tpu.vector_store %arg16[%swap3A, %swap3A_105], %add3A_104 {strides = array<i32>} : memref<640x128xf32, #tpu.memory_space<vmem>>, vector<640x128xf32>,
    %get3A_107 = arith.constant 0 : index
    %get3A_108 = arith.constant 0 : index
    %get3A_109 = vector.load %arg14[%get3A_107, %get3A_108] : memref<128x512xf32, #tpu.memory_space<vmem>>, vector<128x512xf32>
    %dot_general3A_110 = arith.constant dense<0.000000e+00> : vector<640x512xf32>
    %dot_general3A_111 = tpu.matmul %add3A_104, %get3A_109, %dot_general3A_110 {dimension_numbers = #tpu.dot_dimension_numbers<[1], [0], [0], [1], [0, 0, 1, 1], [], []>, transpose_lhs_hint = false} : vector<640x128xf32>, vector<128x512xf32>, vector<640x512xf32> -> vector<640x512xf32>
    %get3A_112 = arith.constant 0 : index
    %get3A_113 = arith.constant 0 : index
    %get3A_114 = vector.load %arg15[%get3A_112, %get3A_113] : memref<128x512xf32, #tpu.memory_space<vmem>>, vector<128x512xf32>
    %dot_general3A_115 = arith.constant dense<0.000000e+00> : vector<640x512xf32>
    %dot_general3A_116 = tpu.matmul %add3A_104, %get3A_114, %dot_general3A_115 {dimension_numbers = #tpu.dot_dimension_numbers<[1], [0], [0], [1], [0, 0, 1, 1], [], []>, transpose_lhs_hint = false} : vector<640x128xf32>, vector<128x512xf32>, vector<640x512xf32> -> vector<640x512xf32>
    %slice3A_117 = vector.extract_strided_slice %dot_general3A_111 {offsets = [0, 0], sizes = [640, 128], strides = [1, 1]} : vector<640x512xf32> to vector<640x128xf32>
    %slice3A_118 = vector.extract_strided_slice %dot_general3A_111 {offsets = [0, 128], sizes = [640, 128], strides = [1, 1]} : vector<640x512xf32> to vector<640x128xf32>
    %convert_element_type3A_119 = arith.truncf %slice3A_117 : vector<640x128xf32> to vector<640x128xbf16>
    %bitcast_convert_type3A = tpu.bitcast %convert_element_type3A_119 : vector<640x128xbf16> -> vector<640x128xi16>
    %convert_element_type3A_120 = arith.extui %bitcast_convert_type3A : vector<640x128xi16> to vector<640x128xi32>
    %convert_element_type3A_121 = arith.truncf %slice3A_118 : vector<640x128xf32> to vector<640x128xbf16>
    %bitcast_convert_type3A_122 = tpu.bitcast %convert_element_type3A_121 : vector<640x128xbf16> -> vector<640x128xi16>
    %convert_element_type3A_123 = arith.extui %bitcast_convert_type3A_122 : vector<640x128xi16> to vector<640x128xi32>
    %shift_left3A = arith.constant 16 : i32
    %shift_left3A_124 = vector.broadcast %shift_left3A : i32 to vector<640x128xi32>
    %shift_left3A_125 = arith.shli %convert_element_type3A_123, %shift_left3A_124 : vector<640x128xi32>
    %or3A = arith.ori %convert_element_type3A_120, %shift_left3A_125 : vector<640x128xi32>
    %swap3A_126 = arith.constant 0 : index
    %swap3A_127 = arith.constant 0 : index
    %swap3A_128 = arith.constant 0 : index
    %swap3A_129 = vector.load %arg17[%swap3A_126, %swap3A_127, %swap3A_128] : memref<2x640x128xi32, #tpu.memory_space<vmem>>, vector<1x640x128xi32>
    %swap3A_130 = vector.shape_cast %swap3A_129 : vector<1x640x128xi32> to vector<640x128xi32>
    %swap3A_131 = vector.shape_cast %or3A : vector<640x128xi32> to vector<1x640x128xi32>
    tpu.vector_store %arg17[%swap3A_126, %swap3A_127, %swap3A_128], %swap3A_131 {strides = array<i32>} : memref<2x640x128xi32, #tpu.memory_space<vmem>>, vector<1x640x128xi32>,
    %slice3A_132 = vector.extract_strided_slice %dot_general3A_111 {offsets = [0, 256], sizes = [640, 128], strides = [1, 1]} : vector<640x512xf32> to vector<640x128xf32>
    %slice3A_133 = vector.extract_strided_slice %dot_general3A_111 {offsets = [0, 384], sizes = [640, 128], strides = [1, 1]} : vector<640x512xf32> to vector<640x128xf32>
    %convert_element_type3A_134 = arith.truncf %slice3A_132 : vector<640x128xf32> to vector<640x128xbf16>
    %bitcast_convert_type3A_135 = tpu.bitcast %convert_element_type3A_134 : vector<640x128xbf16> -> vector<640x128xi16>
    %convert_element_type3A_136 = arith.extui %bitcast_convert_type3A_135 : vector<640x128xi16> to vector<640x128xi32>
    %convert_element_type3A_137 = arith.truncf %slice3A_133 : vector<640x128xf32> to vector<640x128xbf16>
    %bitcast_convert_type3A_138 = tpu.bitcast %convert_element_type3A_137 : vector<640x128xbf16> -> vector<640x128xi16>
    %convert_element_type3A_139 = arith.extui %bitcast_convert_type3A_138 : vector<640x128xi16> to vector<640x128xi32>
    %shift_left3A_140 = arith.constant 16 : i32
    %shift_left3A_141 = vector.broadcast %shift_left3A_140 : i32 to vector<640x128xi32>
    %shift_left3A_142 = arith.shli %convert_element_type3A_139, %shift_left3A_141 : vector<640x128xi32>
    %or3A_143 = arith.ori %convert_element_type3A_136, %shift_left3A_142 : vector<640x128xi32>
    %swap3A_144 = arith.constant 1 : index
    %swap3A_145 = arith.constant 0 : index
    %swap3A_146 = arith.constant 0 : index
    %swap3A_147 = vector.load %arg17[%swap3A_144, %swap3A_145, %swap3A_146] : memref<2x640x128xi32, #tpu.memory_space<vmem>>, vector<1x640x128xi32>
    %swap3A_148 = vector.shape_cast %swap3A_147 : vector<1x640x128xi32> to vector<640x128xi32>
    %swap3A_149 = vector.shape_cast %or3A_143 : vector<640x128xi32> to vector<1x640x128xi32>
    tpu.vector_store %arg17[%swap3A_144, %swap3A_145, %swap3A_146], %swap3A_149 {strides = array<i32>} : memref<2x640x128xi32, #tpu.memory_space<vmem>>, vector<1x640x128xi32>,
    %slice3A_150 = vector.extract_strided_slice %dot_general3A_116 {offsets = [0, 0], sizes = [640, 128], strides = [1, 1]} : vector<640x512xf32> to vector<640x128xf32>
    %slice3A_151 = vector.extract_strided_slice %dot_general3A_116 {offsets = [0, 128], sizes = [640, 128], strides = [1, 1]} : vector<640x512xf32> to vector<640x128xf32>
    %convert_element_type3A_152 = arith.truncf %slice3A_150 : vector<640x128xf32> to vector<640x128xbf16>
    %bitcast_convert_type3A_153 = tpu.bitcast %convert_element_type3A_152 : vector<640x128xbf16> -> vector<640x128xi16>
    %convert_element_type3A_154 = arith.extui %bitcast_convert_type3A_153 : vector<640x128xi16> to vector<640x128xi32>
    %convert_element_type3A_155 = arith.truncf %slice3A_151 : vector<640x128xf32> to vector<640x128xbf16>
    %bitcast_convert_type3A_156 = tpu.bitcast %convert_element_type3A_155 : vector<640x128xbf16> -> vector<640x128xi16>
    %convert_element_type3A_157 = arith.extui %bitcast_convert_type3A_156 : vector<640x128xi16> to vector<640x128xi32>
    %shift_left3A_158 = arith.constant 16 : i32
    %shift_left3A_159 = vector.broadcast %shift_left3A_158 : i32 to vector<640x128xi32>
    %shift_left3A_160 = arith.shli %convert_element_type3A_157, %shift_left3A_159 : vector<640x128xi32>
    %or3A_161 = arith.ori %convert_element_type3A_154, %shift_left3A_160 : vector<640x128xi32>
    %swap3A_162 = arith.constant 0 : index
    %swap3A_163 = arith.constant 0 : index
    %swap3A_164 = arith.constant 0 : index
    %swap3A_165 = vector.load %arg18[%swap3A_162, %swap3A_163, %swap3A_164] : memref<2x640x128xi32, #tpu.memory_space<vmem>>, vector<1x640x128xi32>
    %swap3A_166 = vector.shape_cast %swap3A_165 : vector<1x640x128xi32> to vector<640x128xi32>
    %swap3A_167 = vector.shape_cast %or3A_161 : vector<640x128xi32> to vector<1x640x128xi32>
    tpu.vector_store %arg18[%swap3A_162, %swap3A_163, %swap3A_164], %swap3A_167 {strides = array<i32>} : memref<2x640x128xi32, #tpu.memory_space<vmem>>, vector<1x640x128xi32>,
    %slice3A_168 = vector.extract_strided_slice %dot_general3A_116 {offsets = [0, 256], sizes = [640, 128], strides = [1, 1]} : vector<640x512xf32> to vector<640x128xf32>
    %slice3A_169 = vector.extract_strided_slice %dot_general3A_116 {offsets = [0, 384], sizes = [640, 128], strides = [1, 1]} : vector<640x512xf32> to vector<640x128xf32>
    %convert_element_type3A_170 = arith.truncf %slice3A_168 : vector<640x128xf32> to vector<640x128xbf16>
    %bitcast_convert_type3A_171 = tpu.bitcast %convert_element_type3A_170 : vector<640x128xbf16> -> vector<640x128xi16>
    %convert_element_type3A_172 = arith.extui %bitcast_convert_type3A_171 : vector<640x128xi16> to vector<640x128xi32>
    %convert_element_type3A_173 = arith.truncf %slice3A_169 : vector<640x128xf32> to vector<640x128xbf16>
    %bitcast_convert_type3A_174 = tpu.bitcast %convert_element_type3A_173 : vector<640x128xbf16> -> vector<640x128xi16>
    %convert_element_type3A_175 = arith.extui %bitcast_convert_type3A_174 : vector<640x128xi16> to vector<640x128xi32>
    %shift_left3A_176 = arith.constant 16 : i32
    %shift_left3A_177 = vector.broadcast %shift_left3A_176 : i32 to vector<640x128xi32>
    %shift_left3A_178 = arith.shli %convert_element_type3A_175, %shift_left3A_177 : vector<640x128xi32>
    %or3A_179 = arith.ori %convert_element_type3A_172, %shift_left3A_178 : vector<640x128xi32>
    %swap3A_180 = arith.constant 1 : index
    %swap3A_181 = arith.constant 0 : index
    %swap3A_182 = arith.constant 0 : index
    %swap3A_183 = vector.load %arg18[%swap3A_180, %swap3A_181, %swap3A_182] : memref<2x640x128xi32, #tpu.memory_space<vmem>>, vector<1x640x128xi32>
    %swap3A_184 = vector.shape_cast %swap3A_183 : vector<1x640x128xi32> to vector<640x128xi32>
    %swap3A_185 = vector.shape_cast %or3A_179 : vector<640x128xi32> to vector<1x640x128xi32>
    tpu.vector_store %arg18[%swap3A_180, %swap3A_181, %swap3A_182], %swap3A_185 {strides = array<i32>} : memref<2x640x128xi32, #tpu.memory_space<vmem>>, vector<1x640x128xi32>,
    return
  }
  func.func @transform_0(%arg0: i32) -> (i32, i32) {
    %c0_i32 = arith.constant 0 : i32
    %c0_i32_0 = arith.constant 0 : i32
    return %arg0, %c0_i32 : i32, i32
  }
  func.func @transform_1(%arg0: i32) -> (i32, i32, i32) {
    %c0_i32 = arith.constant 0 : i32
    %c0_i32_0 = arith.constant 0 : i32
    %c0_i32_1 = arith.constant 0 : i32
    return %c0_i32, %arg0, %c0_i32_0 : i32, i32, i32
  }
  func.func @transform_2(%arg0: i32) -> (i32, i32, i32) {
    %c0_i32 = arith.constant 0 : i32
    %c0_i32_0 = arith.constant 0 : i32
    %c0_i32_1 = arith.constant 0 : i32
    return %c0_i32, %arg0, %c0_i32_0 : i32, i32, i32
  }
  func.func @transform_3(%arg0: i32) -> (i32, i32) {
    %c0_i32 = arith.constant 0 : i32
    %c0_i32_0 = arith.constant 0 : i32
    %c0_i32_1 = arith.constant 0 : i32
    return %c0_i32, %c0_i32_0 : i32, i32
  }
  func.func @transform_4(%arg0: i32) -> (i32, i32) {
    %c0_i32 = arith.constant 0 : i32
    %c0_i32_0 = arith.constant 0 : i32
    %c0_i32_1 = arith.constant 0 : i32
    return %c0_i32, %c0_i32_0 : i32, i32
  }
  func.func @transform_5(%arg0: i32) -> (i32, i32) {
    %c0_i32 = arith.constant 0 : i32
    %c0_i32_0 = arith.constant 0 : i32
    %c0_i32_1 = arith.constant 0 : i32
    return %c0_i32, %c0_i32_0 : i32, i32
  }
  func.func @transform_6(%arg0: i32) -> (i32, i32) {
    %c0_i32 = arith.constant 0 : i32
    %c0_i32_0 = arith.constant 0 : i32
    %c0_i32_1 = arith.constant 0 : i32
    return %c0_i32, %c0_i32_0 : i32, i32
  }
  func.func @transform_7(%arg0: i32) -> (i32, i32) {
    %c0_i32 = arith.constant 0 : i32
    %c0_i32_0 = arith.constant 0 : i32
    %c0_i32_1 = arith.constant 0 : i32
    return %c0_i32, %c0_i32_0 : i32, i32
  }
  func.func @transform_8(%arg0: i32) -> (i32, i32) {
    %c0_i32 = arith.constant 0 : i32
    %c0_i32_0 = arith.constant 0 : i32
    %c0_i32_1 = arith.constant 0 : i32
    return %c0_i32, %c0_i32_0 : i32, i32
  }
  func.func @transform_9(%arg0: i32) -> (i32, i32) {
    %c0_i32 = arith.constant 0 : i32
    %c0_i32_0 = arith.constant 0 : i32
    %c0_i32_1 = arith.constant 0 : i32
    return %c0_i32, %c0_i32_0 : i32, i32
  }
  func.func @transform_10(%arg0: i32) -> (i32, i32) {
    %c0_i32 = arith.constant 0 : i32
    %c0_i32_0 = arith.constant 0 : i32
    %c0_i32_1 = arith.constant 0 : i32
    return %c0_i32, %c0_i32_0 : i32, i32
  }
  func.func @transform_11(%arg0: i32) -> (i32, i32) {
    %c0_i32 = arith.constant 0 : i32
    %c0_i32_0 = arith.constant 0 : i32
    %c0_i32_1 = arith.constant 0 : i32
    return %c0_i32, %c0_i32_0 : i32, i32
  }
  func.func @transform_12(%arg0: i32) -> (i32, i32) {
    %c0_i32 = arith.constant 0 : i32
    %c0_i32_0 = arith.constant 0 : i32
    %c0_i32_1 = arith.constant 0 : i32
    return %c0_i32, %c0_i32_0 : i32, i32
  }
  func.func @transform_13(%arg0: i32) -> (i32, i32) {
    %c0_i32 = arith.constant 0 : i32
    %c0_i32_0 = arith.constant 0 : i32
    %c0_i32_1 = arith.constant 0 : i32
    return %c0_i32, %c0_i32_0 : i32, i32
  }
  func.func @transform_14(%arg0: i32) -> (i32, i32) {
    %c0_i32 = arith.constant 0 : i32
    %c0_i32_0 = arith.constant 0 : i32
    %c0_i32_1 = arith.constant 0 : i32
    return %c0_i32, %c0_i32_0 : i32, i32
  }
  func.func @transform_15(%arg0: i32) -> (i32, i32) {
    %c0_i32 = arith.constant 0 : i32
    %c0_i32_0 = arith.constant 0 : i32
    return %arg0, %c0_i32 : i32, i32
  }
  func.func @transform_16(%arg0: i32) -> (i32, i32, i32) {
    %c0_i32 = arith.constant 0 : i32
    %c0_i32_0 = arith.constant 0 : i32
    %c0_i32_1 = arith.constant 0 : i32
    return %c0_i32, %arg0, %c0_i32_0 : i32, i32, i32
  }
  func.func @transform_17(%arg0: i32) -> (i32, i32, i32) {
    %c0_i32 = arith.constant 0 : i32
    %c0_i32_0 = arith.constant 0 : i32
    %c0_i32_1 = arith.constant 0 : i32
    return %c0_i32, %arg0, %c0_i32_0 : i32, i32, i32
  }
}

module attributes {stable_mosaic.version = 14 : i64} {
  func.func @_node_update_body(%arg0: i32, %arg1: memref<640x128xf32, #tpu.memory_space<vmem>>, %arg2: memref<2x640x128xf32, #tpu.memory_space<vmem>>, %arg3: memref<2x640x16xf32, #tpu.memory_space<vmem>>, %arg4: memref<128x256xf32, #tpu.memory_space<vmem>>, %arg5: memref<128x256xf32, #tpu.memory_space<vmem>>, %arg6: memref<128x256xf32, #tpu.memory_space<vmem>>, %arg7: memref<1x256xf32, #tpu.memory_space<vmem>>, %arg8: memref<1x256xf32, #tpu.memory_space<vmem>>, %arg9: memref<1x256xf32, #tpu.memory_space<vmem>>, %arg10: memref<256x128xf32, #tpu.memory_space<vmem>>, %arg11: memref<1x128xf32, #tpu.memory_space<vmem>>, %arg12: memref<128x128xf32, #tpu.memory_space<vmem>>, %arg13: memref<1x128xf32, #tpu.memory_space<vmem>>, %arg14: memref<128x512xf32, #tpu.memory_space<vmem>>, %arg15: memref<128x512xf32, #tpu.memory_space<vmem>>, %arg16: memref<640x128xf32, #tpu.memory_space<vmem>>, %arg17: memref<2x640x128xi32, #tpu.memory_space<vmem>>, %arg18: memref<2x640x128xi32, #tpu.memory_space<vmem>>) attributes {dimension_semantics = [#tpu.dimension_semantics<arbitrary>], iteration_bounds = array<i64: 16>, scalar_prefetch = 0 : i64, scratch_operands = 0 : i64, tpu.core_type = #tpu.core_type<tc>, window_params = [{transform_indices = @transform_0, window_bounds = array<i64: 640, 128>}, {transform_indices = @transform_1, window_bounds = array<i64: 2, 640, 128>}, {transform_indices = @transform_2, window_bounds = array<i64: 2, 640, 16>}, {pipeline_mode = #tpu.pipeline_mode<synchronous>, transform_indices = @transform_3, window_bounds = array<i64: 128, 256>}, {pipeline_mode = #tpu.pipeline_mode<synchronous>, transform_indices = @transform_4, window_bounds = array<i64: 128, 256>}, {pipeline_mode = #tpu.pipeline_mode<synchronous>, transform_indices = @transform_5, window_bounds = array<i64: 128, 256>}, {pipeline_mode = #tpu.pipeline_mode<synchronous>, transform_indices = @transform_6, window_bounds = array<i64: 1, 256>}, {pipeline_mode = #tpu.pipeline_mode<synchronous>, transform_indices = @transform_7, window_bounds = array<i64: 1, 256>}, {pipeline_mode = #tpu.pipeline_mode<synchronous>, transform_indices = @transform_8, window_bounds = array<i64: 1, 256>}, {pipeline_mode = #tpu.pipeline_mode<synchronous>, transform_indices = @transform_9, window_bounds = array<i64: 256, 128>}, {pipeline_mode = #tpu.pipeline_mode<synchronous>, transform_indices = @transform_10, window_bounds = array<i64: 1, 128>}, {pipeline_mode = #tpu.pipeline_mode<synchronous>, transform_indices = @transform_11, window_bounds = array<i64: 128, 128>}, {pipeline_mode = #tpu.pipeline_mode<synchronous>, transform_indices = @transform_12, window_bounds = array<i64: 1, 128>}, {pipeline_mode = #tpu.pipeline_mode<synchronous>, transform_indices = @transform_13, window_bounds = array<i64: 128, 512>}, {pipeline_mode = #tpu.pipeline_mode<synchronous>, transform_indices = @transform_14, window_bounds = array<i64: 128, 512>}, {transform_indices = @transform_15, window_bounds = array<i64: 640, 128>}, {transform_indices = @transform_16, window_bounds = array<i64: 2, 640, 128>}, {transform_indices = @transform_17, window_bounds = array<i64: 2, 640, 128>}]} {
    %get3A = arith.constant 0 : index
    %get3A_0 = arith.constant 0 : index
    %get3A_1 = vector.load %arg1[%get3A, %get3A_0] : memref<640x128xf32, #tpu.memory_space<vmem>>, vector<640x128xf32>
    %get3A_2 = arith.constant 0 : index
    %get3A_3 = arith.constant 0 : index
    %get3A_4 = arith.constant 0 : index
    %get3A_5 = vector.load %arg3[%get3A_2, %get3A_3, %get3A_4] : memref<2x640x16xf32, #tpu.memory_space<vmem>>, vector<1x640x16xf32>
    %get3A_6 = vector.shape_cast %get3A_5 : vector<1x640x16xf32> to vector<640x16xf32>
    %slice3A = vector.extract_strided_slice %get3A_6 {offsets = [0, 0], sizes = [640, 1], strides = [1, 1]} : vector<640x16xf32> to vector<640x1xf32>
    %get3A_7 = arith.constant 1 : index
    %get3A_8 = arith.constant 0 : index
    %get3A_9 = arith.constant 0 : index
    %get3A_10 = vector.load %arg3[%get3A_7, %get3A_8, %get3A_9] : memref<2x640x16xf32, #tpu.memory_space<vmem>>, vector<1x640x16xf32>
    %get3A_11 = vector.shape_cast %get3A_10 : vector<1x640x16xf32> to vector<640x16xf32>
    %slice3A_12 = vector.extract_strided_slice %get3A_11 {offsets = [0, 0], sizes = [640, 1], strides = [1, 1]} : vector<640x16xf32> to vector<640x1xf32>
    %max3A = arith.constant 1.000000e+00 : f32
    %max3A_13 = vector.broadcast %max3A : f32 to vector<640x1xf32>
    %max3A_14 = arith.maximumf %slice3A, %max3A_13 : vector<640x1xf32>
    %div3A = arith.constant 1.000000e+00 : f32
    %div3A_15 = vector.broadcast %div3A : f32 to vector<640x1xf32>
    %div3A_16 = arith.divf %div3A_15, %max3A_14 : vector<640x1xf32>
    %max3A_17 = arith.constant 1.000000e+00 : f32
    %max3A_18 = vector.broadcast %max3A_17 : f32 to vector<640x1xf32>
    %max3A_19 = arith.maximumf %slice3A_12, %max3A_18 : vector<640x1xf32>
    %div3A_20 = arith.constant 1.000000e+00 : f32
    %div3A_21 = vector.broadcast %div3A_20 : f32 to vector<640x1xf32>
    %div3A_22 = arith.divf %div3A_21, %max3A_19 : vector<640x1xf32>
    %gt3A = arith.constant 0.000000e+00 : f32
    %gt3A_23 = vector.broadcast %gt3A : f32 to vector<640x1xf32>
    %gt3A_24 = arith.cmpf ogt, %slice3A, %gt3A_23 : vector<640x1xf32>
    %convert_element_type3A = arith.extui %gt3A_24 : vector<640x1xi1> to vector<640x1xi32>
    %convert_element_type3A_25 = arith.sitofp %convert_element_type3A : vector<640x1xi32> to vector<640x1xf32>
    %gt3A_26 = arith.constant 0.000000e+00 : f32
    %gt3A_27 = vector.broadcast %gt3A_26 : f32 to vector<640x1xf32>
    %gt3A_28 = arith.cmpf ogt, %slice3A_12, %gt3A_27 : vector<640x1xf32>
    %convert_element_type3A_29 = arith.extui %gt3A_28 : vector<640x1xi1> to vector<640x1xi32>
    %convert_element_type3A_30 = arith.sitofp %convert_element_type3A_29 : vector<640x1xi32> to vector<640x1xf32>
    %get3A_31 = arith.constant 0 : index
    %get3A_32 = arith.constant 0 : index
    %get3A_33 = vector.load %arg4[%get3A_31, %get3A_32] : memref<128x256xf32, #tpu.memory_space<vmem>>, vector<128x256xf32>
    %dot_general3A = arith.constant dense<0.000000e+00> : vector<640x256xf32>
    %dot_general3A_34 = tpu.matmul %get3A_1, %get3A_33, %dot_general3A {dimension_numbers = #tpu.dot_dimension_numbers<[1], [0], [0], [1], [0, 0, 1, 1], [], []>, transpose_lhs_hint = false} : vector<640x128xf32>, vector<128x256xf32>, vector<640x256xf32> -> vector<640x256xf32>
    %get3A_35 = arith.constant 0 : index
    %get3A_36 = arith.constant 0 : index
    %get3A_37 = arith.constant 0 : index
    %get3A_38 = vector.load %arg2[%get3A_35, %get3A_36, %get3A_37] : memref<2x640x128xf32, #tpu.memory_space<vmem>>, vector<1x640x128xf32>
    %get3A_39 = vector.shape_cast %get3A_38 : vector<1x640x128xf32> to vector<640x128xf32>
    %mul3A = vector.broadcast %div3A_16 : vector<640x1xf32> to vector<640x128xf32>
    %mul3A_40 = arith.mulf %get3A_39, %mul3A : vector<640x128xf32>
    %get3A_41 = arith.constant 0 : index
    %get3A_42 = arith.constant 0 : index
    %get3A_43 = vector.load %arg5[%get3A_41, %get3A_42] : memref<128x256xf32, #tpu.memory_space<vmem>>, vector<128x256xf32>
    %dot_general3A_44 = arith.constant dense<0.000000e+00> : vector<640x256xf32>
    %dot_general3A_45 = tpu.matmul %mul3A_40, %get3A_43, %dot_general3A_44 {dimension_numbers = #tpu.dot_dimension_numbers<[1], [0], [0], [1], [0, 0, 1, 1], [], []>, transpose_lhs_hint = false} : vector<640x128xf32>, vector<128x256xf32>, vector<640x256xf32> -> vector<640x256xf32>
    %add3A = arith.addf %dot_general3A_34, %dot_general3A_45 : vector<640x256xf32>
    %get3A_46 = arith.constant 0 : index
    %get3A_47 = arith.constant 0 : index
    %get3A_48 = vector.load %arg7[%get3A_46, %get3A_47] : memref<1x256xf32, #tpu.memory_space<vmem>>, vector<1x256xf32>
    %mul3A_49 = vector.broadcast %convert_element_type3A_25 : vector<640x1xf32> to vector<640x256xf32>
    %mul3A_50 = vector.broadcast %get3A_48 : vector<1x256xf32> to vector<640x256xf32>
    %mul3A_51 = arith.mulf %mul3A_49, %mul3A_50 : vector<640x256xf32>
    %add3A_52 = arith.addf %add3A, %mul3A_51 : vector<640x256xf32>
    %get3A_53 = arith.constant 1 : index
    %get3A_54 = arith.constant 0 : index
    %get3A_55 = arith.constant 0 : index
    %get3A_56 = vector.load %arg2[%get3A_53, %get3A_54, %get3A_55] : memref<2x640x128xf32, #tpu.memory_space<vmem>>, vector<1x640x128xf32>
    %get3A_57 = vector.shape_cast %get3A_56 : vector<1x640x128xf32> to vector<640x128xf32>
    %mul3A_58 = vector.broadcast %div3A_22 : vector<640x1xf32> to vector<640x128xf32>
    %mul3A_59 = arith.mulf %get3A_57, %mul3A_58 : vector<640x128xf32>
    %get3A_60 = arith.constant 0 : index
    %get3A_61 = arith.constant 0 : index
    %get3A_62 = vector.load %arg6[%get3A_60, %get3A_61] : memref<128x256xf32, #tpu.memory_space<vmem>>, vector<128x256xf32>
    %dot_general3A_63 = arith.constant dense<0.000000e+00> : vector<640x256xf32>
    %dot_general3A_64 = tpu.matmul %mul3A_59, %get3A_62, %dot_general3A_63 {dimension_numbers = #tpu.dot_dimension_numbers<[1], [0], [0], [1], [0, 0, 1, 1], [], []>, transpose_lhs_hint = false} : vector<640x128xf32>, vector<128x256xf32>, vector<640x256xf32> -> vector<640x256xf32>
    %add3A_65 = arith.addf %add3A_52, %dot_general3A_64 : vector<640x256xf32>
    %get3A_66 = arith.constant 0 : index
    %get3A_67 = arith.constant 0 : index
    %get3A_68 = vector.load %arg8[%get3A_66, %get3A_67] : memref<1x256xf32, #tpu.memory_space<vmem>>, vector<1x256xf32>
    %mul3A_69 = vector.broadcast %convert_element_type3A_30 : vector<640x1xf32> to vector<640x256xf32>
    %mul3A_70 = vector.broadcast %get3A_68 : vector<1x256xf32> to vector<640x256xf32>
    %mul3A_71 = arith.mulf %mul3A_69, %mul3A_70 : vector<640x256xf32>
    %add3A_72 = arith.addf %add3A_65, %mul3A_71 : vector<640x256xf32>
    %get3A_73 = arith.constant 0 : index
    %get3A_74 = arith.constant 0 : index
    %get3A_75 = vector.load %arg9[%get3A_73, %get3A_74] : memref<1x256xf32, #tpu.memory_space<vmem>>, vector<1x256xf32>
    %add3A_76 = vector.broadcast %get3A_75 : vector<1x256xf32> to vector<640x256xf32>
    %add3A_77 = arith.addf %add3A_72, %add3A_76 : vector<640x256xf32>
    %max3A_78 = arith.constant 0.000000e+00 : f32
    %max3A_79 = vector.broadcast %max3A_78 : f32 to vector<640x256xf32>
    %max3A_80 = arith.maximumf %add3A_77, %max3A_79 : vector<640x256xf32>
    %get3A_81 = arith.constant 0 : index
    %get3A_82 = arith.constant 0 : index
    %get3A_83 = vector.load %arg10[%get3A_81, %get3A_82] : memref<256x128xf32, #tpu.memory_space<vmem>>, vector<256x128xf32>
    %dot_general3A_84 = arith.constant dense<0.000000e+00> : vector<640x128xf32>
    %dot_general3A_85 = tpu.matmul %max3A_80, %get3A_83, %dot_general3A_84 {dimension_numbers = #tpu.dot_dimension_numbers<[1], [0], [0], [1], [0, 0, 1, 1], [], []>, transpose_lhs_hint = false} : vector<640x256xf32>, vector<256x128xf32>, vector<640x128xf32> -> vector<640x128xf32>
    %get3A_86 = arith.constant 0 : index
    %get3A_87 = arith.constant 0 : index
    %get3A_88 = vector.load %arg11[%get3A_86, %get3A_87] : memref<1x128xf32, #tpu.memory_space<vmem>>, vector<1x128xf32>
    %add3A_89 = vector.broadcast %get3A_88 : vector<1x128xf32> to vector<640x128xf32>
    %add3A_90 = arith.addf %dot_general3A_85, %add3A_89 : vector<640x128xf32>
    %max3A_91 = arith.constant 0.000000e+00 : f32
    %max3A_92 = vector.broadcast %max3A_91 : f32 to vector<640x128xf32>
    %max3A_93 = arith.maximumf %add3A_90, %max3A_92 : vector<640x128xf32>
    %get3A_94 = arith.constant 0 : index
    %get3A_95 = arith.constant 0 : index
    %get3A_96 = vector.load %arg12[%get3A_94, %get3A_95] : memref<128x128xf32, #tpu.memory_space<vmem>>, vector<128x128xf32>
    %dot_general3A_97 = arith.constant dense<0.000000e+00> : vector<640x128xf32>
    %dot_general3A_98 = tpu.matmul %max3A_93, %get3A_96, %dot_general3A_97 {dimension_numbers = #tpu.dot_dimension_numbers<[1], [0], [0], [1], [0, 0, 1, 1], [], []>, transpose_lhs_hint = false} : vector<640x128xf32>, vector<128x128xf32>, vector<640x128xf32> -> vector<640x128xf32>
    %get3A_99 = arith.constant 0 : index
    %get3A_100 = arith.constant 0 : index
    %get3A_101 = vector.load %arg13[%get3A_99, %get3A_100] : memref<1x128xf32, #tpu.memory_space<vmem>>, vector<1x128xf32>
    %add3A_102 = vector.broadcast %get3A_101 : vector<1x128xf32> to vector<640x128xf32>
    %add3A_103 = arith.addf %dot_general3A_98, %add3A_102 : vector<640x128xf32>
    %add3A_104 = arith.addf %add3A_103, %get3A_1 : vector<640x128xf32>
    %swap3A = arith.constant 0 : index
    %swap3A_105 = arith.constant 0 : index
    %swap3A_106 = vector.load %arg16[%swap3A, %swap3A_105] : memref<640x128xf32, #tpu.memory_space<vmem>>, vector<640x128xf32>
    tpu.vector_store %arg16[%swap3A, %swap3A_105], %add3A_104 {strides = array<i32>} : memref<640x128xf32, #tpu.memory_space<vmem>>, vector<640x128xf32>,
    %get3A_107 = arith.constant 0 : index
    %get3A_108 = arith.constant 0 : index
    %get3A_109 = vector.load %arg14[%get3A_107, %get3A_108] : memref<128x512xf32, #tpu.memory_space<vmem>>, vector<128x512xf32>
    %dot_general3A_110 = arith.constant dense<0.000000e+00> : vector<640x512xf32>
    %dot_general3A_111 = tpu.matmul %add3A_104, %get3A_109, %dot_general3A_110 {dimension_numbers = #tpu.dot_dimension_numbers<[1], [0], [0], [1], [0, 0, 1, 1], [], []>, transpose_lhs_hint = false} : vector<640x128xf32>, vector<128x512xf32>, vector<640x512xf32> -> vector<640x512xf32>
    %get3A_112 = arith.constant 0 : index
    %get3A_113 = arith.constant 0 : index
    %get3A_114 = vector.load %arg15[%get3A_112, %get3A_113] : memref<128x512xf32, #tpu.memory_space<vmem>>, vector<128x512xf32>
    %dot_general3A_115 = arith.constant dense<0.000000e+00> : vector<640x512xf32>
    %dot_general3A_116 = tpu.matmul %add3A_104, %get3A_114, %dot_general3A_115 {dimension_numbers = #tpu.dot_dimension_numbers<[1], [0], [0], [1], [0, 0, 1, 1], [], []>, transpose_lhs_hint = false} : vector<640x128xf32>, vector<128x512xf32>, vector<640x512xf32> -> vector<640x512xf32>
    %slice3A_117 = vector.extract_strided_slice %dot_general3A_111 {offsets = [0, 0], sizes = [640, 128], strides = [1, 1]} : vector<640x512xf32> to vector<640x128xf32>
    %slice3A_118 = vector.extract_strided_slice %dot_general3A_111 {offsets = [0, 128], sizes = [640, 128], strides = [1, 1]} : vector<640x512xf32> to vector<640x128xf32>
    %convert_element_type3A_119 = arith.truncf %slice3A_117 : vector<640x128xf32> to vector<640x128xbf16>
    %bitcast_convert_type3A = tpu.bitcast %convert_element_type3A_119 : vector<640x128xbf16> -> vector<640x128xi16>
    %convert_element_type3A_120 = arith.extui %bitcast_convert_type3A : vector<640x128xi16> to vector<640x128xi32>
    %convert_element_type3A_121 = arith.truncf %slice3A_118 : vector<640x128xf32> to vector<640x128xbf16>
    %bitcast_convert_type3A_122 = tpu.bitcast %convert_element_type3A_121 : vector<640x128xbf16> -> vector<640x128xi16>
    %convert_element_type3A_123 = arith.extui %bitcast_convert_type3A_122 : vector<640x128xi16> to vector<640x128xi32>
    %shift_left3A = arith.constant 16 : i32
    %shift_left3A_124 = vector.broadcast %shift_left3A : i32 to vector<640x128xi32>
    %shift_left3A_125 = arith.shli %convert_element_type3A_123, %shift_left3A_124 : vector<640x128xi32>
    %or3A = arith.ori %convert_element_type3A_120, %shift_left3A_125 : vector<640x128xi32>
    %swap3A_126 = arith.constant 0 : index
    %swap3A_127 = arith.constant 0 : index
    %swap3A_128 = arith.constant 0 : index
    %swap3A_129 = vector.load %arg17[%swap3A_126, %swap3A_127, %swap3A_128] : memref<2x640x128xi32, #tpu.memory_space<vmem>>, vector<1x640x128xi32>
    %swap3A_130 = vector.shape_cast %swap3A_129 : vector<1x640x128xi32> to vector<640x128xi32>
    %swap3A_131 = vector.shape_cast %or3A : vector<640x128xi32> to vector<1x640x128xi32>
    tpu.vector_store %arg17[%swap3A_126, %swap3A_127, %swap3A_128], %swap3A_131 {strides = array<i32>} : memref<2x640x128xi32, #tpu.memory_space<vmem>>, vector<1x640x128xi32>,
    %slice3A_132 = vector.extract_strided_slice %dot_general3A_111 {offsets = [0, 256], sizes = [640, 128], strides = [1, 1]} : vector<640x512xf32> to vector<640x128xf32>
    %slice3A_133 = vector.extract_strided_slice %dot_general3A_111 {offsets = [0, 384], sizes = [640, 128], strides = [1, 1]} : vector<640x512xf32> to vector<640x128xf32>
    %convert_element_type3A_134 = arith.truncf %slice3A_132 : vector<640x128xf32> to vector<640x128xbf16>
    %bitcast_convert_type3A_135 = tpu.bitcast %convert_element_type3A_134 : vector<640x128xbf16> -> vector<640x128xi16>
    %convert_element_type3A_136 = arith.extui %bitcast_convert_type3A_135 : vector<640x128xi16> to vector<640x128xi32>
    %convert_element_type3A_137 = arith.truncf %slice3A_133 : vector<640x128xf32> to vector<640x128xbf16>
    %bitcast_convert_type3A_138 = tpu.bitcast %convert_element_type3A_137 : vector<640x128xbf16> -> vector<640x128xi16>
    %convert_element_type3A_139 = arith.extui %bitcast_convert_type3A_138 : vector<640x128xi16> to vector<640x128xi32>
    %shift_left3A_140 = arith.constant 16 : i32
    %shift_left3A_141 = vector.broadcast %shift_left3A_140 : i32 to vector<640x128xi32>
    %shift_left3A_142 = arith.shli %convert_element_type3A_139, %shift_left3A_141 : vector<640x128xi32>
    %or3A_143 = arith.ori %convert_element_type3A_136, %shift_left3A_142 : vector<640x128xi32>
    %swap3A_144 = arith.constant 1 : index
    %swap3A_145 = arith.constant 0 : index
    %swap3A_146 = arith.constant 0 : index
    %swap3A_147 = vector.load %arg17[%swap3A_144, %swap3A_145, %swap3A_146] : memref<2x640x128xi32, #tpu.memory_space<vmem>>, vector<1x640x128xi32>
    %swap3A_148 = vector.shape_cast %swap3A_147 : vector<1x640x128xi32> to vector<640x128xi32>
    %swap3A_149 = vector.shape_cast %or3A_143 : vector<640x128xi32> to vector<1x640x128xi32>
    tpu.vector_store %arg17[%swap3A_144, %swap3A_145, %swap3A_146], %swap3A_149 {strides = array<i32>} : memref<2x640x128xi32, #tpu.memory_space<vmem>>, vector<1x640x128xi32>,
    %slice3A_150 = vector.extract_strided_slice %dot_general3A_116 {offsets = [0, 0], sizes = [640, 128], strides = [1, 1]} : vector<640x512xf32> to vector<640x128xf32>
    %slice3A_151 = vector.extract_strided_slice %dot_general3A_116 {offsets = [0, 128], sizes = [640, 128], strides = [1, 1]} : vector<640x512xf32> to vector<640x128xf32>
    %convert_element_type3A_152 = arith.truncf %slice3A_150 : vector<640x128xf32> to vector<640x128xbf16>
    %bitcast_convert_type3A_153 = tpu.bitcast %convert_element_type3A_152 : vector<640x128xbf16> -> vector<640x128xi16>
    %convert_element_type3A_154 = arith.extui %bitcast_convert_type3A_153 : vector<640x128xi16> to vector<640x128xi32>
    %convert_element_type3A_155 = arith.truncf %slice3A_151 : vector<640x128xf32> to vector<640x128xbf16>
    %bitcast_convert_type3A_156 = tpu.bitcast %convert_element_type3A_155 : vector<640x128xbf16> -> vector<640x128xi16>
    %convert_element_type3A_157 = arith.extui %bitcast_convert_type3A_156 : vector<640x128xi16> to vector<640x128xi32>
    %shift_left3A_158 = arith.constant 16 : i32
    %shift_left3A_159 = vector.broadcast %shift_left3A_158 : i32 to vector<640x128xi32>
    %shift_left3A_160 = arith.shli %convert_element_type3A_157, %shift_left3A_159 : vector<640x128xi32>
    %or3A_161 = arith.ori %convert_element_type3A_154, %shift_left3A_160 : vector<640x128xi32>
    %swap3A_162 = arith.constant 0 : index
    %swap3A_163 = arith.constant 0 : index
    %swap3A_164 = arith.constant 0 : index
    %swap3A_165 = vector.load %arg18[%swap3A_162, %swap3A_163, %swap3A_164] : memref<2x640x128xi32, #tpu.memory_space<vmem>>, vector<1x640x128xi32>
    %swap3A_166 = vector.shape_cast %swap3A_165 : vector<1x640x128xi32> to vector<640x128xi32>
    %swap3A_167 = vector.shape_cast %or3A_161 : vector<640x128xi32> to vector<1x640x128xi32>
    tpu.vector_store %arg18[%swap3A_162, %swap3A_163, %swap3A_164], %swap3A_167 {strides = array<i32>} : memref<2x640x128xi32, #tpu.memory_space<vmem>>, vector<1x640x128xi32>,
    %slice3A_168 = vector.extract_strided_slice %dot_general3A_116 {offsets = [0, 256], sizes = [640, 128], strides = [1, 1]} : vector<640x512xf32> to vector<640x128xf32>
    %slice3A_169 = vector.extract_strided_slice %dot_general3A_116 {offsets = [0, 384], sizes = [640, 128], strides = [1, 1]} : vector<640x512xf32> to vector<640x128xf32>
    %convert_element_type3A_170 = arith.truncf %slice3A_168 : vector<640x128xf32> to vector<640x128xbf16>
    %bitcast_convert_type3A_171 = tpu.bitcast %convert_element_type3A_170 : vector<640x128xbf16> -> vector<640x128xi16>
    %convert_element_type3A_172 = arith.extui %bitcast_convert_type3A_171 : vector<640x128xi16> to vector<640x128xi32>
    %convert_element_type3A_173 = arith.truncf %slice3A_169 : vector<640x128xf32> to vector<640x128xbf16>
    %bitcast_convert_type3A_174 = tpu.bitcast %convert_element_type3A_173 : vector<640x128xbf16> -> vector<640x128xi16>
    %convert_element_type3A_175 = arith.extui %bitcast_convert_type3A_174 : vector<640x128xi16> to vector<640x128xi32>
    %shift_left3A_176 = arith.constant 16 : i32
    %shift_left3A_177 = vector.broadcast %shift_left3A_176 : i32 to vector<640x128xi32>
    %shift_left3A_178 = arith.shli %convert_element_type3A_175, %shift_left3A_177 : vector<640x128xi32>
    %or3A_179 = arith.ori %convert_element_type3A_172, %shift_left3A_178 : vector<640x128xi32>
    %swap3A_180 = arith.constant 1 : index
    %swap3A_181 = arith.constant 0 : index
    %swap3A_182 = arith.constant 0 : index
    %swap3A_183 = vector.load %arg18[%swap3A_180, %swap3A_181, %swap3A_182] : memref<2x640x128xi32, #tpu.memory_space<vmem>>, vector<1x640x128xi32>
    %swap3A_184 = vector.shape_cast %swap3A_183 : vector<1x640x128xi32> to vector<640x128xi32>
    %swap3A_185 = vector.shape_cast %or3A_179 : vector<640x128xi32> to vector<1x640x128xi32>
    tpu.vector_store %arg18[%swap3A_180, %swap3A_181, %swap3A_182], %swap3A_185 {strides = array<i32>} : memref<2x640x128xi32, #tpu.memory_space<vmem>>, vector<1x640x128xi32>,
    return
  }
  func.func @transform_0(%arg0: i32) -> (i32, i32) {
    %c0_i32 = arith.constant 0 : i32
    %c0_i32_0 = arith.constant 0 : i32
    return %arg0, %c0_i32 : i32, i32
  }
  func.func @transform_1(%arg0: i32) -> (i32, i32, i32) {
    %c0_i32 = arith.constant 0 : i32
    %c0_i32_0 = arith.constant 0 : i32
    %c0_i32_1 = arith.constant 0 : i32
    return %c0_i32, %arg0, %c0_i32_0 : i32, i32, i32
  }
  func.func @transform_2(%arg0: i32) -> (i32, i32, i32) {
    %c0_i32 = arith.constant 0 : i32
    %c0_i32_0 = arith.constant 0 : i32
    %c0_i32_1 = arith.constant 0 : i32
    return %c0_i32, %arg0, %c0_i32_0 : i32, i32, i32
  }
  func.func @transform_3(%arg0: i32) -> (i32, i32) {
    %c0_i32 = arith.constant 0 : i32
    %c0_i32_0 = arith.constant 0 : i32
    %c0_i32_1 = arith.constant 0 : i32
    return %c0_i32, %c0_i32_0 : i32, i32
  }
  func.func @transform_4(%arg0: i32) -> (i32, i32) {
    %c0_i32 = arith.constant 0 : i32
    %c0_i32_0 = arith.constant 0 : i32
    %c0_i32_1 = arith.constant 0 : i32
    return %c0_i32, %c0_i32_0 : i32, i32
  }
  func.func @transform_5(%arg0: i32) -> (i32, i32) {
    %c0_i32 = arith.constant 0 : i32
    %c0_i32_0 = arith.constant 0 : i32
    %c0_i32_1 = arith.constant 0 : i32
    return %c0_i32, %c0_i32_0 : i32, i32
  }
  func.func @transform_6(%arg0: i32) -> (i32, i32) {
    %c0_i32 = arith.constant 0 : i32
    %c0_i32_0 = arith.constant 0 : i32
    %c0_i32_1 = arith.constant 0 : i32
    return %c0_i32, %c0_i32_0 : i32, i32
  }
  func.func @transform_7(%arg0: i32) -> (i32, i32) {
    %c0_i32 = arith.constant 0 : i32
    %c0_i32_0 = arith.constant 0 : i32
    %c0_i32_1 = arith.constant 0 : i32
    return %c0_i32, %c0_i32_0 : i32, i32
  }
  func.func @transform_8(%arg0: i32) -> (i32, i32) {
    %c0_i32 = arith.constant 0 : i32
    %c0_i32_0 = arith.constant 0 : i32
    %c0_i32_1 = arith.constant 0 : i32
    return %c0_i32, %c0_i32_0 : i32, i32
  }
  func.func @transform_9(%arg0: i32) -> (i32, i32) {
    %c0_i32 = arith.constant 0 : i32
    %c0_i32_0 = arith.constant 0 : i32
    %c0_i32_1 = arith.constant 0 : i32
    return %c0_i32, %c0_i32_0 : i32, i32
  }
  func.func @transform_10(%arg0: i32) -> (i32, i32) {
    %c0_i32 = arith.constant 0 : i32
    %c0_i32_0 = arith.constant 0 : i32
    %c0_i32_1 = arith.constant 0 : i32
    return %c0_i32, %c0_i32_0 : i32, i32
  }
  func.func @transform_11(%arg0: i32) -> (i32, i32) {
    %c0_i32 = arith.constant 0 : i32
    %c0_i32_0 = arith.constant 0 : i32
    %c0_i32_1 = arith.constant 0 : i32
    return %c0_i32, %c0_i32_0 : i32, i32
  }
  func.func @transform_12(%arg0: i32) -> (i32, i32) {
    %c0_i32 = arith.constant 0 : i32
    %c0_i32_0 = arith.constant 0 : i32
    %c0_i32_1 = arith.constant 0 : i32
    return %c0_i32, %c0_i32_0 : i32, i32
  }
  func.func @transform_13(%arg0: i32) -> (i32, i32) {
    %c0_i32 = arith.constant 0 : i32
    %c0_i32_0 = arith.constant 0 : i32
    %c0_i32_1 = arith.constant 0 : i32
    return %c0_i32, %c0_i32_0 : i32, i32
  }
  func.func @transform_14(%arg0: i32) -> (i32, i32) {
    %c0_i32 = arith.constant 0 : i32
    %c0_i32_0 = arith.constant 0 : i32
    %c0_i32_1 = arith.constant 0 : i32
    return %c0_i32, %c0_i32_0 : i32, i32
  }
  func.func @transform_15(%arg0: i32) -> (i32, i32) {
    %c0_i32 = arith.constant 0 : i32
    %c0_i32_0 = arith.constant 0 : i32
    return %arg0, %c0_i32 : i32, i32
  }
  func.func @transform_16(%arg0: i32) -> (i32, i32, i32) {
    %c0_i32 = arith.constant 0 : i32
    %c0_i32_0 = arith.constant 0 : i32
    %c0_i32_1 = arith.constant 0 : i32
    return %c0_i32, %arg0, %c0_i32_0 : i32, i32, i32
  }
  func.func @transform_17(%arg0: i32) -> (i32, i32, i32) {
    %c0_i32 = arith.constant 0 : i32
    %c0_i32_0 = arith.constant 0 : i32
    %c0_i32_1 = arith.constant 0 : i32
    return %c0_i32, %arg0, %c0_i32_0 : i32, i32, i32
  }
}

</mosaic_0001>

<sc_bundles>
// kernel: kernel.17.cloned.1.call-start
scs
__scs_entry_jumppad:
0x0: {  	(pc) =	sbr.rel $0x88, $3  }
0x1: {  	(tag) =	ssettag $0x0;
	lr =	simm.s32 $0x1  }
0x2: {  	[smem:$0x3F7E] =	sst lr;
	_ =	strace $0xD0000000  }
0x3: {  	_ = 	snop  }
0x4: {  	_ = 	snop  }
0x5: {  	_ = 	snop  }
0x6: {  	_ = 	snop  }
0x7: {  	_ = 	snop  }
__scs_overlays_trampoline_lowered:
0x8: {  	[smem:$0x3F8D] =	sst s0  }
0x9: {  	[smem:$0x3F8E] =	sst s1  }
0xa: {  	[smem:$0x3F8F] =	sst s2  }
0xb: {  	[smem:$0x3F90] =	sst s3  }
0xc: {  	[smem:$0x3F91] =	sst s4  }
0xd: {  	[smem:$0x3F92] =	sst s5  }
0xe: {  	[smem:$0x3F93] =	sst s6  }
0xf: {  	[smem:$0x3F94] =	sst s7  }
0x10: {  	[smem:$0x3F95] =	sst s8  }
0x11: {  	[smem:$0x3F96] =	sst s9;
	s0 =	simm.s32 @!p0 $0x0  }
0x12: {  	s1 =	sld [smem:$0x3F7C];
	s0 =	simm.s32 @p0 $0x1  }
0x13: {  	[smem:$0x3F97] =	sst s0;
	s0 =	simm.s32 @!p1 $0x0  }
0x14: {  	s2 =	sld [smem:$0x3F7B];
	s0 =	simm.s32 @p1 $0x1  }
0x15: {  	[smem:$0x3F98] =	sst s0;
	s0 =	simm.s32 @!p2 $0x0  }
0x16: {  	s3 =	sld [smem:$0x3FDB];
	s0 =	simm.s32 @p2 $0x1  }
0x17: {  	s4 =	simm.s32 $0x1BF5;
	[smem:$0x3F9A] =	sst s0  }
0x18: {  	s0 =	sld [smem:$0x3F7D];
	_ =	swait.ge [sflag:s4], $0x0  }
0x19: {  	s7 =	sld [smem:$0x3F7E]  }
0x1a: {  	s8 =	sadd.s32 $0xFFFFE003, lr  }
0x1b: {  	s9 =	sadd.s32 $0xFFFFFEF7, lr;
	s5 =	simm.s32 $0xFFFFFFFF;
	p2 =	slt.u32 s8, $0xFFFFF086  }
0x1c: {  	p1 =	slt.u32 s9, $0xF7A;
	s5 =	simm.s32 @!p2 $0x0  }
0x1d: {  	s5 =	simm.s32 @p1 $0x1;
	p0 =	seq.s32 s7, s2  }
0x1e: {  	s7 =	smul.u32 @!p0 $0xF7A, s2;
	p2 =	seq.s32 @!p0 s5, $0x0  }
0x1f: {  	s9 =	smul.u32 $0xF7A, s1;
	s8 =	simm.s32 @!p0 $0x1BF5;
	p2 =	por !p2, p0  }
0x20: {  	[sflag:s8] =	ssyncset.s32 @!p0 $0xFFFFF086;
	s6 =	sadd.s32 @!p0 s3, s7;
	s7 =	simm.s32 @!p0 $0x108  }
0x21: {  	s3 =	sadd.s32 s3, s9;
	s6 =	sadd.s32 @!p0 $0x88, s6;
	s7 =	simm.s32 @p2 $0x1082  }
0x22: {  	[simem:s7], [sflag:s8] =	dma.local @!p0 [hbm:s6], $0xF7A  }
0x23: {  	s9 =	sor.u32 $0xD0000000, s2;
	s6 =	simm.s32 $0x108;
	_ =	swait.ge @!p0 [sflag:s8], $0x0  }
0x24: {  	s3 =	sadd.s32 $0x88, s3;
	s6 =	simm.s32 @!p1 $0x1082;
	[sflag:s4] =	ssyncset.s32 $0xFFFFF086  }
0x25: {  	[simem:s6], [sflag:s4] =	dma.local [hbm:s3], $0xF7A  }
0x26: {  	[smem:$0x3F7E] =	sst s1;
	(tag) =	ssettag s2;
	_ =	strace s9  }
0x27: {  	s1 =	sld [smem:$0x3F8E]  }
0x28: {  	s2 =	sld [smem:$0x3F8F]  }
0x29: {  	s4 =	sld [smem:$0x3F91]  }
0x2a: {  	p0 =	seq.s32 s5, $0x0;
	s5 =	sld [smem:$0x3F92]  }
0x2b: {  	s6 =	sld [smem:$0x3F93]  }
0x2c: {  	s7 =	sld [smem:$0x3F94]  }
0x2d: {  	s3 =	simm.s32 $0x108;
	s8 =	sld [smem:$0x3F95]  }
0x2e: {  	s3 =	simm.s32 @!p0 $0x1082;
	s9 =	sld [smem:$0x3F96]  }
0x2f: {  	lr =	sadd.s32 s0, s3;
	s0 =	sld [smem:$0x3F8D]  }
0x30: {  	s3 =	sld [smem:$0x3F90]  }
0x31: {  	[smem:$0x3F99] =	sst s10  }
0x32: {  	s10 =	sld [smem:$0x3F97];
	_ =	sdelay $0x3  }
0x33: {  	p0 =	seq.s32 s10, $0x1;
	s10 =	sld [smem:$0x3F99];
	_ =	sdelay $0x3  }
0x34: {  	[smem:$0x3F99] =	sst s10  }
0x35: {  	s10 =	sld [smem:$0x3F98];
	_ =	sdelay $0x3  }
0x36: {  	p1 =	seq.s32 s10, $0x1;
	s10 =	sld [smem:$0x3F99];
	_ =	sdelay $0x3  }
0x37: {  	[smem:$0x3F99] =	sst s10  }
0x38: {  	s10 =	sld [smem:$0x3F9A]  }
0x39: {  	_ = 	snop;
	(pc) =	sbr.ind lr, $3  }
0x3a: {  	_ = 	snop  }
0x3b: {  	_ = 	snop  }
0x3c: {  	p2 =	seq.s32 s10, $0x1;
	s10 =	sld [smem:$0x3F99]  }
0x3d: {  	_ =	shalt  }
0x3e: {  	_ =	shalt  }
0x3f: {  	_ =	shalt  }
0x40: {  	_ =	shalt  }
0x41: {  	_ =	shalt  }
0x42: {  	_ =	shalt  }
0x43: {  	_ =	shalt  }
0x44: {  	_ =	shalt  }
0x45: {  	_ =	shalt  }
0x46: {  	_ =	shalt  }
0x47: {  	_ =	shalt  }
0x48: {  	_ =	shalt  }
0x49: {  	_ =	shalt  }
0x4a: {  	_ =	shalt  }
0x4b: {  	_ =	shalt  }
0x4c: {  	_ =	shalt  }
0x4d: {  	_ =	shalt  }
0x4e: {  	_ =	shalt  }
0x4f: {  	_ =	shalt  }
0x50: {  	_ =	shalt  }
0x51: {  	_ =	shalt  }
0x52: {  	_ =	shalt  }
0x53: {  	_ =	shalt  }
0x54: {  	_ =	shalt  }
0x55: {  	_ =	shalt  }
0x56: {  	_ =	shalt  }
0x57: {  	_ =	shalt  }
0x58: {  	_ =	shalt  }
0x59: {  	_ =	shalt  }
0x5a: {  	_ =	shalt  }
0x5b: {  	_ =	shalt  }
0x5c: {  	_ =	shalt  }
0x5d: {  	_ =	shalt  }
0x5e: {  	_ =	shalt  }
0x5f: {  	_ =	shalt  }
0x60: {  	_ =	shalt  }
0x61: {  	_ =	shalt  }
0x62: {  	_ =	shalt  }
0x63: {  	_ =	shalt  }
0x64: {  	_ =	shalt  }
0x65: {  	_ =	shalt  }
0x66: {  	_ =	shalt  }
0x67: {  	_ =	shalt  }
0x68: {  	_ =	shalt  }
0x69: {  	_ =	shalt  }
0x6a: {  	_ =	shalt  }
0x6b: {  	_ =	shalt  }
0x6c: {  	_ =	shalt  }
0x6d: {  	_ =	shalt  }
0x6e: {  	_ =	shalt  }
0x6f: {  	_ =	shalt  }
0x70: {  	_ =	shalt  }
0x71: {  	_ =	shalt  }
0x72: {  	_ =	shalt  }
0x73: {  	_ =	shalt  }
0x74: {  	_ =	shalt  }
0x75: {  	_ =	shalt  }
0x76: {  	_ =	shalt  }
0x77: {  	_ =	shalt  }
0x78: {  	_ =	shalt  }
0x79: {  	_ =	shalt  }
0x7a: {  	_ =	shalt  }
0x7b: {  	_ =	shalt  }
0x7c: {  	_ =	shalt  }
0x7d: {  	_ =	shalt  }
0x7e: {  	_ =	shalt  }
0x7f: {  	_ =	shalt  }
0x80: {  	_ =	shalt  }
0x81: {  	_ =	shalt  }
0x82: {  	_ =	shalt  }
0x83: {  	_ =	shalt  }
0x84: {  	_ =	shalt  }
0x85: {  	_ =	shalt  }
0x86: {  	_ =	shalt  }
0x87: {  	_ =	shalt  }
.Lfunc_end0:
.L_simem_size_0:
called_computation_lowered:
.L_overlay_start_0:
0x88: {  	s2 =	sld [smem:$0x3FD9]  }
0x89: {  	s3 =	sld [smem:$0x3FFE];
	_ =	sdelay $0x1  }
0x8a: {  	s1 =	srdreg.scid  }
0x8b: {  	s0 =	sand.u32 $0x1, s1  }
0x8c: {  	s17 =	sshll.u32 s0, $0xA;
	s2 =	sadd.s32 s3, s2  }
0x8d: {  	s2 =	sadd.s32 s2, s17  }
0x8e: {  	[smem:$0x3FA5] =	sst s2  }
0x8f: {  	_ = 	snop  }
0x90: {  	s18 =	sld [smem:$0x3FD0];
	(tm) =	ssettm $0x1  }
0x91: {  	s19 =	sld [smem:$0x3FFB];
	_ =	sdelay $0x3  }
0x92: {  	_ =	strace s19  }
0x93: {  	s2 =	sld [smem:$0x3FFC];
	_ =	sdelay $0x3  }
0x94: {  	_ =	strace s2  }
0x95: {  	s2 =	sld [smem:$0x3FFD];
	_ =	sdelay $0x3  }
0x96: {  	_ =	strace s2  }
0x97: {  	_ =	strace $0x8FFFFFFF  }
0x98: {  	s20 =	sld [smem:$0x3FDB];
	_ =	sdelay $0x1  }
0x99: {  	s4 =	simm.s32 $_scs_section_size  }
0x9a: {  	s5 =	simm.s32 $_size__tile_overlayer_lowered;
	s6 =	simm.s32 $_tile_overlayer_lowered  }
0x9b: {  	s7 =	simm.s32 $0x1BFF;
	s21 =	sshll.u32 s6, $0x1;
	s4 =	sadd.s32 s4, s20  }
0x9c: {  	s22 =	simm.s32 $0x0;
	s5 =	sshll.u32 s5, $0x1;
	s6 =	sadd.s32 s21, s4  }
0x9d: {  	[timem:s22], [sflag:s7] =	dma.local [hbm:s6], s5  }
0x9e: {  	_ =	swait.ge [sflag:s7], s5  }
0x9f: {  	s5 =	ssub.s32 $0x0, s5;
	[sflag:s7] =	ssyncset.done $0x0  }
0xa0: {  	[sflag:s7] =	ssyncadd.s32 s5;
	_ =	sdelay $0x1  }
0xa1: {  	s23 =	simm.s32 $0x1B8B  }
0xa2: {  	_ =	swait.ge [sflag:s23], $0x1  }
0xa3: {  	[sflag:s23] =	ssyncset.done $0x0  }
0xa4: {  	[sflag:s23] =	ssyncadd.s32 $0xFFFFFFFF  }
0xa5: {  	s5 =	sld [smem:$0x0]  }
0xa6: {  	s6 =	sand.u32 $0xFFFFFFFE, s1  }
0xa7: {  	p0 =	sne.s32 s1, s6  }
0xa8: {  	s6 =	sshll.u32 @p0 s6, $0xE  }
0xa9: {  	s6 =	sadd.s32 @p0 $0x11B8D, s6;
	s7 =	sshll.u32 @p0 s5, $0x11  }
0xaa: {  	s6 =	sor.u32 @p0 s7, s6  }
0xab: {  	[sflag:s6] =	ssyncadd.remote.s32 @p0 $0x1;
	_ =	sdelay $0x1  }
0xac: {  	s6 =	simm.s32 @p0 $0x1B8D  }
0xad: {  	_ =	swait.eq @p0 [sflag:s6], $0x1  }
0xae: {  	[sflag:s6] =	ssyncadd.s32 @p0 $0xFFFFFFFF  }
0xaf: {  	s7 =	sshll.u32 @!p0 s1, $0xE  }
0xb0: {  	s7 =	sor.u32 @!p0 $0x4000, s7;
	s6 =	simm.s32 @!p0 $0x1B8D  }
0xb1: {  	s5 =	sshll.u32 @!p0 s5, $0x11;
	s7 =	sadd.s32 @!p0 $0x11B8D, s7;
	_ =	swait.eq @!p0 [sflag:s6], $0x1  }
0xb2: {  	s5 =	sor.u32 @!p0 s5, s7;
	[sflag:s6] =	ssyncadd.s32 @!p0 $0xFFFFFFFF  }
0xb3: {  	s25 =	simm.s32 $0x1B8E;
	s24 =	sld [smem:$0x3FFE];
	[sflag:s5] =	ssyncadd.remote.s32 @!p0 $0x1  }
0xb4: {  	s26 =	simm.s32 $execute0_lowered;
	[smem:$0x3FD2] =	sst s25  }
0xb5: {  	s6 =	sshll.u32 s26, $0x1;
	_ =	strace $0x80000049;
	[dreg:$0x1] =	wrdreg $0xFFFFFFFF  }
0xb6: {  	s28 =	simm.s32 $_size_execute0_lowered;
	s4 =	sadd.s32 s4, s6;
	[dreg:$0x0] =	wrdreg $0x0  }
0xb7: {  	s6 =	sshll.u32 s28, $0x1;
	[dreg:$0x2] =	wrdreg s4  }
0xb8: {  	[dreg:$0x3] =	wrdreg s6  }
0xb9: {  	[dreg:$0x4] =	wrdreg $0xC0  }
0xba: {  	_ =	task [dreg:s22], $0x5FFFF  }
0xbb: {  	[dreg:$0x1] =	wrdreg $0xFFFFFFFF  }
0xbc: {  	[dreg:$0x0] =	wrdreg $0x60  }
0xbd: {  	[dreg:$0x2] =	wrdreg s18  }
0xbe: {  	[dreg:$0x3] =	wrdreg s24  }
0xbf: {  	[dreg:$0x4] =	wrdreg $0x54000  }
0xc0: {  	[dreg:$0x5] =	wrdreg $0x9  }
0xc1: {  	_ =	task.clear_ibuf [dreg:s22], $0x6FFFF;
	_ =	strace $0x90000049  }
0xc2: {  	s29 =	simm.s32 $0x9;
	_ =	strace $0x8000004B  }
0xc3: {  	_ =	swait.ge [sflag:s29], $0x1  }
0xc4: {  	[sflag:s29] =	ssyncadd.s32 $0xFFFFFFFF  }
0xc5: {  	_ =	strace $0x9000004B  }
0xc6: {  	_ =	sfence  }
0xc7: {  	s30 =	sld [smem:$0x0];
	_ =	sdelay $0x2  }
0xc8: {  	s31 =	sshll.u32 s1, $0xD;
	s1 =	sshrl.u32 s1, $0x2  }
0xc9: {  	s4 =	sand.u32 $0x4000, s31;
	s1 =	sadd.s32 s1, s30  }
0xca: {  	s0 =	sor.u32 s4, s0;
	s1 =	sshll.u32 s1, $0x11  }
0xcb: {  	s0 =	sor.u32 s1, s0  }
0xcc: {  	s0 =	sadd.s32 $0x8F2B, s0  }
0xcd: {  	[sflag:s0] =	ssyncadd.remote.s32 $0x1  }
0xce: {  	_ =	sfence.sel $0xFFFF  }
0xcf: {  	[dreg:$0x0] =	wrdreg $0xFFFFFFFF;
	(pc) =	sbr.abs _section_cstart, $3  }
0xd0: {  	[dreg:$0x1] =	wrdreg $0xFFFFFFFF  }
0xd1: {  	_ =	task.clear_ibuf [dreg:s22], $0x2FFFF;
	_ =	strace $0x9FFFFFFF  }
0xd2: {  	(tm) =	ssettm $0x7FFFFFFF  }
0xd3: {  	_ =	shalt  }
tec
execute0_lowered:
.L_overlay_start_1:
0x0: {  	(tag) =	ssettag $0x1  }
0x1: {  	s6 =	rddreg [dreg:$0x0]  }
0x2: {  	s7 =	rddreg [dreg:$0x1]  }
0x3: {  	s1 =	rddreg [dreg:$0x2]  }
0x4: {  	s2 =	srdreg.scid;
	s0 =	rddreg [dreg:$0x3];
	s3 =	simm.s32 $0x0  }
0x5: {  	s13 =	simm.s32 $0x28;
	s8 =	sand.u32 $0x1, s2;
	s2 =	stileid.u32  }
0x6: {  	s14 =	simm.s32 $0x0;
	[smem:$0x7FF] =	sst s3;
	s5 =	smul.u32 $0x140000, s8  }
0x7: {  	s4 =	sadd.s32 $0x5C4000, s7;
	s9 =	smul.u32 $0x14000, s2;
	_ =	strace $0x8000004A  }
0x8: {  	s10 =	smul.u32 $0x50000, s2;
	s11 =	ssub.s32 $0x2, s8;
	s31 =	sshll.u32 s2, $0xB  }
0x9: {  	s12 =	sshll.u32 s2, $0x6;
	s8 =	sshll.u32 s8, $0xF;
	s30 =	sshrl.u32 s11, $0x1  }
0xa: {  	s9 =	sadd.s32 s9, s5;
	s5 =	sadd.s32 $0x5C3C00, s7;
	s10 =	sshrl.u32 s10, $0x2  }
0xb: {  	s11 =	ssub.s32 s11, s30;
	s9 =	sshrl.u32 s9, $0x3;
	s10 =	sadd.s32 s10, s1  }
0xc: {  	s9 =	sadd.s32 s9, s7;
	s7 =	sadd.s32 s6, s31;
	s6 =	sor.u32 $0x1C01, s12  }
0xd: {  	s10 =	sshrl.u32 s10, $0x3;
	s12 =	simm.s32 $0x4000;
	s7 =	sadd.s32 s8, s7  }
0xe: {  	s8 =	sadd.s32 $0x5C6800, s9;
	s9 =	smax.u32 s11, $0x1;
	s11 =	simm.s32 $0x1  }
.LBB2_1:
0xf: {  	[spmem:s10], [sflag:s6] =	dma.local [hbm:s4], $0x2800  }
0x10: {  	_ =	swait.ge [sflag:s11], $0x2800  }
0x11: {  	[sflag:s11] =	ssyncset.done $0x0  }
0x12: {  	[sflag:s11] =	ssyncadd.s32 $0xFFFFD800  }
0x13: {  	[tilespmem:s3], [sflag:$0x1] =	stream.linear.gather [hbm4b:s7+s3], $0x3E80, $0x38;
	[tilespmem:$0x7C00] =	vst v63  }
0x14: {  	_ =	swait.ge [sflag:s11], $0x3E80  }
0x15: {  	[sflag:s11] =	ssyncset.done $0x0  }
0x16: {  	[sflag:s11] =	ssyncadd.s32 $0xFFFFC180  }
0x17: {  	[tilespmem:s12], [sflag:$0x1] =	stream.linear.gather [hbm4b:s5+s3], $0x1400, $0x38;
	[tilespmem:$0x7C00] =	vst v63  }
0x18: {  	_ =	swait.ge [sflag:s11], $0x1400  }
0x19: {  	[sflag:s11] =	ssyncset.done $0x0  }
0x1a: {  	[sflag:s11] =	ssyncadd.s32 $0xFFFFEC00  }
0x1b: {  	s15 =	simm.s32 $0x0;
	[bflag:$0x0] =	sbarrier.arrive $0xFFFF  }
0x1c: {  	[spmem:s1] =	stream.indirect.scatter.add.f32 [tilespmem:s12], [sflag:$0x1], $0x10, s15, s13, $0xb8;
	[tilespmem:$0x7C00] =	vst v63  }
0x1d: {  	_ =	swait.ge [sflag:s11], $0x280  }
0x1e: {  	s15 =	simm.s32 $0x200;
	[sflag:s11] =	ssyncset.done $0x0  }
.LBB2_2:
0x1f: {  	s16 =	sshra.s32 s15, $0x2;
	[sflag:s11] =	ssyncadd.s32 $0xFFFFFD80;
	p0 =	sne.s32 s15, $0xF800  }
0x20: {  	[spmem:s1] =	stream.indirect.scatter.add.f32 [tilespmem:s12], [sflag:$0x1], $0x10, s16, s13, $0xb8;
	[tilespmem:$0x7C00] =	vst v63  }
.Ltmp0:
0x21: {  	_ = 	snop;
	(pc) =	sbr.rel @p0 .LBB2_2-.Ltmp0, $4  }
0x22: {  	_ = 	snop  }
0x23: {  	s15 =	sadd.s32 $0x200, s15  }
0x24: {  	_ =	swait.ge [sflag:s11], $0x280  }
0x25: {  	[sflag:s11] =	ssyncset.done $0x0  }
0x26: {  	s14 =	sadd.s32 $0x1, s14  }
0x27: {  	[sflag:s11] =	ssyncadd.s32 $0xFFFFFD80;
	p0 =	sne.s32 s14, s9  }
.Ltmp1:
0x28: {  	[bflag:$0x0] =	sbarrier.arrive $0xFFFF;
	(pc) =	sbr.rel @p0 .LBB2_1-.Ltmp1, $4  }
0x29: {  	[hbm:s8], [sflag:s6] =	dma.local [spmem:s10], $0x2800  }
0x2a: {  	_ =	swait.ge [sflag:s11], $0x2800  }
0x2b: {  	[sflag:s11] =	ssyncset.done $0x0  }
0x2c: {  	[sflag:s11] =	ssyncadd.s32 $0xFFFFD800  }
0x2d: {  	_ =	sfence.sel $0x180000  }
0x2e: {  	[bflag:$0x0] =	sbarrier.arrive $0xFFFF  }
0x2f: {  	p0 =	sne.s32 s2, $0x0;
	_ =	strace $0x9000004A  }
0x30: {  	s0 =	sadd.s32 @!p0 $0x100000, s0;
	[bflag:$0x2] =	sbarrier.arrive $0xFFFF  }
0x31: {  	[sflag:s0] =	ssyncadd.tile.s32 @!p0 $0x1;
	_ =	shalt  }
.Lfunc_end2:
_tile_overlayer_lowered:
.L_overlay_start_2:
0x32: {  	(tag) =	ssettag $0x2  }
0x33: {  	s0 =	rddreg [dreg:$0x0];
	s2 =	stileid.u32  }
0x34: {  	s1 =	rddreg [dreg:$0x1];
	p0 =	sne.s32 s2, $0x0  }
0x35: {  	s3 =	rddreg [dreg:$0x2];
	[bflag:$0x3] =	sbarrier.arrive $0xFFFF;
	s2 =	simm.s32 @!p0 $0x1C01  }
0x36: {  	[timem:s3], [sflag:s2] =	dma.local @!p0 [hbm:s0], s1  }
0x37: {  	s0 =	simm.s32 @!p0 $0x1  }
0x38: {  	_ =	swait.ge @!p0 [sflag:s0], s1  }
0x39: {  	s1 =	ssub.s32 @!p0 $0x0, s1;
	[sflag:s0] =	ssyncset.done @!p0 $0x0  }
0x3a: {  	[sflag:s0] =	ssyncadd.s32 @!p0 s1  }
0x3b: {  	[bflag:$0x3] =	sbarrier.arrive $0xFFFF  }
0x3c: {  	_ =	shalt  }

// kernel: kernel.20.cloned.1.call-start
scs
__scs_entry_jumppad:
0x0: {  	(pc) =	sbr.rel $0x88, $3  }
0x1: {  	(tag) =	ssettag $0x0;
	lr =	simm.s32 $0x1  }
0x2: {  	[smem:$0x3F7E] =	sst lr;
	_ =	strace $0xD0000000  }
0x3: {  	_ = 	snop  }
0x4: {  	_ = 	snop  }
0x5: {  	_ = 	snop  }
0x6: {  	_ = 	snop  }
0x7: {  	_ = 	snop  }
__scs_overlays_trampoline_lowered:
0x8: {  	[smem:$0x3F8D] =	sst s0  }
0x9: {  	[smem:$0x3F8E] =	sst s1  }
0xa: {  	[smem:$0x3F8F] =	sst s2  }
0xb: {  	[smem:$0x3F90] =	sst s3  }
0xc: {  	[smem:$0x3F91] =	sst s4  }
0xd: {  	[smem:$0x3F92] =	sst s5  }
0xe: {  	[smem:$0x3F93] =	sst s6  }
0xf: {  	[smem:$0x3F94] =	sst s7  }
0x10: {  	[smem:$0x3F95] =	sst s8  }
0x11: {  	[smem:$0x3F96] =	sst s9;
	s0 =	simm.s32 @!p0 $0x0  }
0x12: {  	s1 =	sld [smem:$0x3F7C];
	s0 =	simm.s32 @p0 $0x1  }
0x13: {  	[smem:$0x3F97] =	sst s0;
	s0 =	simm.s32 @!p1 $0x0  }
0x14: {  	s2 =	sld [smem:$0x3F7B];
	s0 =	simm.s32 @p1 $0x1  }
0x15: {  	[smem:$0x3F98] =	sst s0;
	s0 =	simm.s32 @!p2 $0x0  }
0x16: {  	s3 =	sld [smem:$0x3FDB];
	s0 =	simm.s32 @p2 $0x1  }
0x17: {  	s4 =	simm.s32 $0x1BF5;
	[smem:$0x3F9A] =	sst s0  }
0x18: {  	s0 =	sld [smem:$0x3F7D];
	_ =	swait.ge [sflag:s4], $0x0  }
0x19: {  	s7 =	sld [smem:$0x3F7E]  }
0x1a: {  	s8 =	sadd.s32 $0xFFFFE003, lr  }
0x1b: {  	s9 =	sadd.s32 $0xFFFFFEF7, lr;
	s5 =	simm.s32 $0xFFFFFFFF;
	p2 =	slt.u32 s8, $0xFFFFF086  }
0x1c: {  	p1 =	slt.u32 s9, $0xF7A;
	s5 =	simm.s32 @!p2 $0x0  }
0x1d: {  	s5 =	simm.s32 @p1 $0x1;
	p0 =	seq.s32 s7, s2  }
0x1e: {  	s7 =	smul.u32 @!p0 $0xF7A, s2;
	p2 =	seq.s32 @!p0 s5, $0x0  }
0x1f: {  	s9 =	smul.u32 $0xF7A, s1;
	s8 =	simm.s32 @!p0 $0x1BF5;
	p2 =	por !p2, p0  }
0x20: {  	[sflag:s8] =	ssyncset.s32 @!p0 $0xFFFFF086;
	s6 =	sadd.s32 @!p0 s3, s7;
	s7 =	simm.s32 @!p0 $0x108  }
0x21: {  	s3 =	sadd.s32 s3, s9;
	s6 =	sadd.s32 @!p0 $0x88, s6;
	s7 =	simm.s32 @p2 $0x1082  }
0x22: {  	[simem:s7], [sflag:s8] =	dma.local @!p0 [hbm:s6], $0xF7A  }
0x23: {  	s9 =	sor.u32 $0xD0000000, s2;
	s6 =	simm.s32 $0x108;
	_ =	swait.ge @!p0 [sflag:s8], $0x0  }
0x24: {  	s3 =	sadd.s32 $0x88, s3;
	s6 =	simm.s32 @!p1 $0x1082;
	[sflag:s4] =	ssyncset.s32 $0xFFFFF086  }
0x25: {  	[simem:s6], [sflag:s4] =	dma.local [hbm:s3], $0xF7A  }
0x26: {  	[smem:$0x3F7E] =	sst s1;
	(tag) =	ssettag s2;
	_ =	strace s9  }
0x27: {  	s1 =	sld [smem:$0x3F8E]  }
0x28: {  	s2 =	sld [smem:$0x3F8F]  }
0x29: {  	s4 =	sld [smem:$0x3F91]  }
0x2a: {  	p0 =	seq.s32 s5, $0x0;
	s5 =	sld [smem:$0x3F92]  }
0x2b: {  	s6 =	sld [smem:$0x3F93]  }
0x2c: {  	s7 =	sld [smem:$0x3F94]  }
0x2d: {  	s3 =	simm.s32 $0x108;
	s8 =	sld [smem:$0x3F95]  }
0x2e: {  	s3 =	simm.s32 @!p0 $0x1082;
	s9 =	sld [smem:$0x3F96]  }
0x2f: {  	lr =	sadd.s32 s0, s3;
	s0 =	sld [smem:$0x3F8D]  }
0x30: {  	s3 =	sld [smem:$0x3F90]  }
0x31: {  	[smem:$0x3F99] =	sst s10  }
0x32: {  	s10 =	sld [smem:$0x3F97];
	_ =	sdelay $0x3  }
0x33: {  	p0 =	seq.s32 s10, $0x1;
	s10 =	sld [smem:$0x3F99];
	_ =	sdelay $0x3  }
0x34: {  	[smem:$0x3F99] =	sst s10  }
0x35: {  	s10 =	sld [smem:$0x3F98];
	_ =	sdelay $0x3  }
0x36: {  	p1 =	seq.s32 s10, $0x1;
	s10 =	sld [smem:$0x3F99];
	_ =	sdelay $0x3  }
0x37: {  	[smem:$0x3F99] =	sst s10  }
0x38: {  	s10 =	sld [smem:$0x3F9A]  }
0x39: {  	_ = 	snop;
	(pc) =	sbr.ind lr, $3  }
0x3a: {  	_ = 	snop  }
0x3b: {  	_ = 	snop  }
0x3c: {  	p2 =	seq.s32 s10, $0x1;
	s10 =	sld [smem:$0x3F99]  }
0x3d: {  	_ =	shalt  }
0x3e: {  	_ =	shalt  }
0x3f: {  	_ =	shalt  }
0x40: {  	_ =	shalt  }
0x41: {  	_ =	shalt  }
0x42: {  	_ =	shalt  }
0x43: {  	_ =	shalt  }
0x44: {  	_ =	shalt  }
0x45: {  	_ =	shalt  }
0x46: {  	_ =	shalt  }
0x47: {  	_ =	shalt  }
0x48: {  	_ =	shalt  }
0x49: {  	_ =	shalt  }
0x4a: {  	_ =	shalt  }
0x4b: {  	_ =	shalt  }
0x4c: {  	_ =	shalt  }
0x4d: {  	_ =	shalt  }
0x4e: {  	_ =	shalt  }
0x4f: {  	_ =	shalt  }
0x50: {  	_ =	shalt  }
0x51: {  	_ =	shalt  }
0x52: {  	_ =	shalt  }
0x53: {  	_ =	shalt  }
0x54: {  	_ =	shalt  }
0x55: {  	_ =	shalt  }
0x56: {  	_ =	shalt  }
0x57: {  	_ =	shalt  }
0x58: {  	_ =	shalt  }
0x59: {  	_ =	shalt  }
0x5a: {  	_ =	shalt  }
0x5b: {  	_ =	shalt  }
0x5c: {  	_ =	shalt  }
0x5d: {  	_ =	shalt  }
0x5e: {  	_ =	shalt  }
0x5f: {  	_ =	shalt  }
0x60: {  	_ =	shalt  }
0x61: {  	_ =	shalt  }
0x62: {  	_ =	shalt  }
0x63: {  	_ =	shalt  }
0x64: {  	_ =	shalt  }
0x65: {  	_ =	shalt  }
0x66: {  	_ =	shalt  }
0x67: {  	_ =	shalt  }
0x68: {  	_ =	shalt  }
0x69: {  	_ =	shalt  }
0x6a: {  	_ =	shalt  }
0x6b: {  	_ =	shalt  }
0x6c: {  	_ =	shalt  }
0x6d: {  	_ =	shalt  }
0x6e: {  	_ =	shalt  }
0x6f: {  	_ =	shalt  }
0x70: {  	_ =	shalt  }
0x71: {  	_ =	shalt  }
0x72: {  	_ =	shalt  }
0x73: {  	_ =	shalt  }
0x74: {  	_ =	shalt  }
0x75: {  	_ =	shalt  }
0x76: {  	_ =	shalt  }
0x77: {  	_ =	shalt  }
0x78: {  	_ =	shalt  }
0x79: {  	_ =	shalt  }
0x7a: {  	_ =	shalt  }
0x7b: {  	_ =	shalt  }
0x7c: {  	_ =	shalt  }
0x7d: {  	_ =	shalt  }
0x7e: {  	_ =	shalt  }
0x7f: {  	_ =	shalt  }
0x80: {  	_ =	shalt  }
0x81: {  	_ =	shalt  }
0x82: {  	_ =	shalt  }
0x83: {  	_ =	shalt  }
0x84: {  	_ =	shalt  }
0x85: {  	_ =	shalt  }
0x86: {  	_ =	shalt  }
0x87: {  	_ =	shalt  }
.Lfunc_end0:
.L_simem_size_0:
called_computation.1_lowered:
.L_overlay_start_0:
0x88: {  	s2 =	sld [smem:$0x3FD9]  }
0x89: {  	s3 =	sld [smem:$0x3FFE];
	_ =	sdelay $0x1  }
0x8a: {  	s1 =	srdreg.scid  }
0x8b: {  	s0 =	sand.u32 $0x1, s1  }
0x8c: {  	s16 =	sshll.u32 s0, $0xA;
	s2 =	sadd.s32 s3, s2  }
0x8d: {  	s2 =	sadd.s32 s2, s16  }
0x8e: {  	[smem:$0x3FA5] =	sst s2  }
0x8f: {  	_ = 	snop  }
0x90: {  	(tm) =	ssettm $0x1  }
0x91: {  	s17 =	sld [smem:$0x3FFB];
	_ =	sdelay $0x3  }
0x92: {  	_ =	strace s17  }
0x93: {  	s2 =	sld [smem:$0x3FFC];
	_ =	sdelay $0x3  }
0x94: {  	_ =	strace s2  }
0x95: {  	s2 =	sld [smem:$0x3FFD];
	_ =	sdelay $0x3  }
0x96: {  	_ =	strace s2  }
0x97: {  	_ =	strace $0x8FFFFFFF  }
0x98: {  	s18 =	sld [smem:$0x3FDB];
	_ =	sdelay $0x1  }
0x99: {  	s19 =	simm.s32 $_scs_section_size  }
0x9a: {  	s4 =	simm.s32 $_size__tile_overlayer_lowered;
	s5 =	simm.s32 $_tile_overlayer_lowered  }
0x9b: {  	s22 =	simm.s32 $0x1BFF;
	s21 =	sshll.u32 s5, $0x1;
	s2 =	sadd.s32 s19, s18  }
0x9c: {  	s6 =	simm.s32 $0x0;
	s20 =	sshll.u32 s4, $0x1;
	s4 =	sadd.s32 s21, s2  }
0x9d: {  	[timem:s6], [sflag:s22] =	dma.local [hbm:s4], s20  }
0x9e: {  	_ =	swait.ge [sflag:s22], s20  }
0x9f: {  	s3 =	ssub.s32 $0x0, s20;
	[sflag:s22] =	ssyncset.done $0x0  }
0xa0: {  	[sflag:s22] =	ssyncadd.s32 s3;
	_ =	sdelay $0x1  }
0xa1: {  	s23 =	simm.s32 $0x1B8B  }
0xa2: {  	_ =	swait.ge [sflag:s23], $0x1  }
0xa3: {  	[sflag:s23] =	ssyncset.done $0x0  }
0xa4: {  	s25 =	simm.s32 $0x1B8E;
	s24 =	sld [smem:$0x3FFE];
	[sflag:s23] =	ssyncadd.s32 $0xFFFFFFFF  }
0xa5: {  	s26 =	simm.s32 $execute0_lowered;
	[smem:$0x3FD2] =	sst s25  }
0xa6: {  	s4 =	sshll.u32 s26, $0x1;
	_ =	strace $0x80000046;
	[dreg:$0x1] =	wrdreg $0xFFFFFFFF  }
0xa7: {  	s28 =	simm.s32 $_size_execute0_lowered;
	s2 =	sadd.s32 s2, s4;
	[dreg:$0x0] =	wrdreg $0x0  }
0xa8: {  	s4 =	sshll.u32 s28, $0x1;
	[dreg:$0x2] =	wrdreg s2  }
0xa9: {  	[dreg:$0x3] =	wrdreg s4  }
0xaa: {  	[dreg:$0x4] =	wrdreg $0xC0  }
0xab: {  	_ =	task [dreg:s6], $0x5FFFF  }
0xac: {  	[dreg:$0x1] =	wrdreg $0xFFFFFFFF  }
0xad: {  	[dreg:$0x0] =	wrdreg $0x60  }
0xae: {  	[dreg:$0x2] =	wrdreg s24  }
0xaf: {  	[dreg:$0x3] =	wrdreg $0xA  }
0xb0: {  	_ =	task.clear_ibuf [dreg:s6], $0x4FFFF;
	_ =	strace $0x90000046  }
0xb1: {  	s29 =	simm.s32 $0xA;
	_ =	strace $0x80000048  }
0xb2: {  	_ =	swait.ge [sflag:s29], $0x1  }
0xb3: {  	[sflag:s29] =	ssyncadd.s32 $0xFFFFFFFF  }
0xb4: {  	_ =	strace $0x90000048  }
0xb5: {  	_ =	sfence  }
0xb6: {  	s30 =	sld [smem:$0x0];
	_ =	sdelay $0x2  }
0xb7: {  	s31 =	sshll.u32 s1, $0xD;
	s1 =	sshrl.u32 s1, $0x2  }
0xb8: {  	s3 =	sand.u32 $0x4000, s31;
	s1 =	sadd.s32 s1, s30  }
0xb9: {  	s0 =	sor.u32 s3, s0;
	s1 =	sshll.u32 s1, $0x11  }
0xba: {  	s0 =	sor.u32 s1, s0  }
0xbb: {  	s0 =	sadd.s32 $0x8F2B, s0  }
0xbc: {  	[sflag:s0] =	ssyncadd.remote.s32 $0x1  }
0xbd: {  	_ =	sfence.sel $0xFFFF  }
0xbe: {  	[dreg:$0x0] =	wrdreg $0xFFFFFFFF;
	(pc) =	sbr.abs _section_cstart, $3  }
0xbf: {  	[dreg:$0x1] =	wrdreg $0xFFFFFFFF  }
0xc0: {  	_ =	task.clear_ibuf [dreg:s6], $0x2FFFF;
	_ =	strace $0x9FFFFFFF  }
0xc1: {  	(tm) =	ssettm $0x7FFFFFFF  }
tec
execute0_lowered:
.L_overlay_start_1:
0x0: {  	(tag) =	ssettag $0x1  }
0x1: {  	s0 =	srdreg.scid  }
0x2: {  	s14 =	stileid.u32;
	s1 =	rddreg [dreg:$0x0];
	s2 =	simm.s32 $0x0  }
0x3: {  	s17 =	simm.s32 $0x1400;
	s18 =	simm.s32 $0x28;
	s19 =	simm.s32 $0x2800  }
0x4: {  	s20 =	simm.s32 $0x5000;
	s21 =	simm.s32 $0x3C00;
	s23 =	simm.s32 $0x6400  }
0x5: {  	s24 =	simm.s32 $0x1;
	s25 =	simm.s32 $0x3;
	s26 =	simm.s32 $0x2  }
0x6: {  	s28 =	simm.s32 $0x4;
	s29 =	simm.s32 $0x0;
	s0 =	sand.u32 $0x1, s0  }
0x7: {  	s3 =	sshll.u32 s14, $0x1;
	[smem:$0x7FF] =	sst s2;
	s4 =	sadd.s32 $0x19C00, s1  }
0x8: {  	s13 =	sadd.s32 $0xE1C00, s1;
	s14 =	smul.u32 $0x27100, s14;
	s5 =	sor.u32 s0, s3  }
0x9: {  	_ =	strace $0x80000047;
	s7 =	ssub.s32 $0x2, s0;
	s0 =	smul.u32 $0x13880, s0  }
0xa: {  	s3 =	sadd.s32 $0x69C00, s1;
	s6 =	smul.u32 $0x1388, s5;
	s8 =	sshrl.u32 s7, $0x1  }
0xb: {  	s12 =	smul.u32 $0x13880, s5;
	s16 =	sadd.s32 s14, s13;
	s7 =	ssub.s32 s7, s8  }
0xc: {  	s31 =	sadd.s32 s0, s16;
	s16 =	simm.s32 $0x5;
	s6 =	sshrl.u32 s6, $0x3  }
0xd: {  	s9 =	sadd.s32 $0x13600, s12;
	s7 =	smax.u32 s7, $0x1;
	s11 =	sadd.s32 $0x13100, s12  }
0xe: {  	s15 =	sadd.s32 $0x13380, s12;
	s6 =	sadd.s32 s6, s1;
	s1 =	sadd.s32 $0x352C00, s1  }
0xf: {  	s8 =	sadd.s32 s13, s9;
	s10 =	sadd.s32 s13, s11;
	s12 =	sadd.s32 s13, s15  }
0x10: {  	s5 =	sadd.s32 $0xFC00, s6;
	s6 =	sadd.s32 $0x14C00, s6;
	s14 =	sadd.s32 s14, s1  }
0x11: {  	s9 =	sadd.s32 s1, s9;
	s11 =	sadd.s32 s1, s11;
	s0 =	sadd.s32 s0, s14  }
0x12: {  	s13 =	sadd.s32 s1, s15;
	s14 =	sadd.s32 $0x280, s31;
	s15 =	sadd.s32 $0x280, s0  }
.LBB2_1:
0x13: {  	[tilespmem:s2], [sflag:$0x5] =	stream.linear.gather [hbm4b:s5+s2], $0x1388, $0x38;
	[tilespmem:$0x7800] =	vst v63  }
0x14: {  	_ =	swait.ge [sflag:s16], $0x1388  }
0x15: {  	[sflag:s16] =	ssyncset.done $0x0  }
0x16: {  	[sflag:s16] =	ssyncadd.s32 $0xFFFFEC78  }
0x17: {  	[tilespmem:s17], [sflag:$0x5] =	stream.linear.gather [hbm4b:s6+s2], $0x1388, $0x38;
	[tilespmem:$0x7800] =	vst v63  }
0x18: {  	_ =	swait.ge [sflag:s16], $0x1388  }
0x19: {  	[sflag:s16] =	ssyncset.done $0x0  }
0x1a: {  	[sflag:s16] =	ssyncadd.s32 $0xFFFFEC78  }
0x1b: {  	[tilespmem:s19], [sflag:$0x1] =	stream.indirect.gather [hbm4b:s3+s18], $0x80, s2, s18, $0xb8;
	[tilespmem:$0x7800] =	vst v63  }
0x1c: {  	_ = 	snop  }
0x1d: {  	[tilespmem:s20], [sflag:$0x3] =	stream.indirect.gather [hbm4b:s4+s18], $0x80, s17, s18, $0xb8;
	[tilespmem:$0x7800] =	vst v63  }
0x1e: {  	_ = 	snop  }
0x1f: {  	[tilespmem:s21], [sflag:$0x2] =	stream.indirect.gather [hbm4b:s3+s18], $0x80, s18, s18, $0xb8;
	[tilespmem:$0x7800] =	vst v63  }
0x20: {  	s0 =	simm.s32 $0x1428  }
0x21: {  	[tilespmem:s23], [sflag:$0x4] =	stream.indirect.gather [hbm4b:s4+s18], $0x80, s0, s18, $0xb8;
	[tilespmem:$0x7800] =	vst v63  }
0x22: {  	_ =	swait.ge [sflag:s24], $0x1400  }
0x23: {  	[sflag:s24] =	ssyncset.done $0x0  }
0x24: {  	[sflag:s24] =	ssyncadd.s32 $0xFFFFEC00  }
0x25: {  	_ =	swait.ge [sflag:s25], $0x1400  }
0x26: {  	[sflag:s25] =	ssyncset.done $0x0  }
0x27: {  	s22 =	sadd.s32 $0xFFFFFD80, s14;
	[sflag:s25] =	ssyncadd.s32 $0xFFFFEC00  }
0x28: {  	[hbm4b:s22+s2] =	stream.linear.scatter [tilespmem:s19], [sflag:$0x5], $0x1400, $0x38;
	[tilespmem:$0x7800] =	vst v63  }
0x29: {  	_ =	swait.ge [sflag:s16], $0x1400  }
0x2a: {  	[sflag:s16] =	ssyncset.done $0x0  }
0x2b: {  	s1 =	sadd.s32 $0xFFFFFD80, s15;
	[sflag:s16] =	ssyncadd.s32 $0xFFFFEC00  }
0x2c: {  	[hbm4b:s1+s2] =	stream.linear.scatter [tilespmem:s20], [sflag:$0x5], $0x1400, $0x38;
	[tilespmem:$0x7800] =	vst v63  }
0x2d: {  	_ =	swait.ge [sflag:s16], $0x1400  }
0x2e: {  	[sflag:s16] =	ssyncset.done $0x0  }
0x2f: {  	s22 =	simm.s32 $0x50;
	[sflag:s16] =	ssyncadd.s32 $0xFFFFEC00  }
0x30: {  	[tilespmem:s19], [sflag:$0x1] =	stream.indirect.gather [hbm4b:s3+s18], $0x80, s22, s18, $0xb8;
	[tilespmem:$0x7800] =	vst v63  }
0x31: {  	s1 =	simm.s32 $0x1450  }
0x32: {  	[tilespmem:s20], [sflag:$0x3] =	stream.indirect.gather [hbm4b:s4+s18], $0x80, s1, s18, $0xb8;
	[tilespmem:$0x7800] =	vst v63  }
0x33: {  	_ =	swait.ge [sflag:s26], $0x1400  }
0x34: {  	[sflag:s26] =	ssyncset.done $0x0  }
0x35: {  	[sflag:s26] =	ssyncadd.s32 $0xFFFFEC00  }
0x36: {  	_ =	swait.ge [sflag:s28], $0x1400  }
0x37: {  	[sflag:s28] =	ssyncset.done $0x0  }
0x38: {  	[sflag:s28] =	ssyncadd.s32 $0xFFFFEC00  }
0x39: {  	[hbm4b:s14+s2] =	stream.linear.scatter [tilespmem:s21], [sflag:$0x5], $0x1400, $0x38;
	[tilespmem:$0x7800] =	vst v63  }
0x3a: {  	_ =	swait.ge [sflag:s16], $0x1400  }
0x3b: {  	[sflag:s16] =	ssyncset.done $0x0  }
0x3c: {  	[sflag:s16] =	ssyncadd.s32 $0xFFFFEC00  }
0x3d: {  	[hbm4b:s15+s2] =	stream.linear.scatter [tilespmem:s23], [sflag:$0x5], $0x1400, $0x38;
	[tilespmem:$0x7800] =	vst v63  }
0x3e: {  	s30 =	simm.s32 $0x140;
	_ =	swait.ge [sflag:s16], $0x1400  }
0x3f: {  	s31 =	sadd.s32 $0x500, s14;
	s0 =	simm.s32 $0x1478;
	[sflag:s16] =	ssyncset.done $0x0  }
0x40: {  	s22 =	simm.s32 $0x78;
	s1 =	sadd.s32 $0x500, s15;
	[sflag:s16] =	ssyncadd.s32 $0xFFFFEC00  }
0x41: {  	[tilespmem:s21], [sflag:$0x2] =	stream.indirect.gather [hbm4b:s3+s18], $0x80, s22, s18, $0xb8;
	[tilespmem:$0x7800] =	vst v63  }
.LBB2_2:
0x42: {  	[tilespmem:s23], [sflag:$0x4] =	stream.indirect.gather [hbm4b:s4+s18], $0x80, s0, s18, $0xb8;
	[tilespmem:$0x7800] =	vst v63  }
0x43: {  	s0 =	smov.u32 s30;
	s30 =	sadd.s32 $0x140, s30;
	_ =	swait.ge [sflag:s24], $0x1400  }
0x44: {  	p0 =	sne.s32 s30, $0x4C40;
	[sflag:s24] =	ssyncset.done $0x0  }
0x45: {  	[sflag:s24] =	ssyncadd.s32 $0xFFFFEC00  }
0x46: {  	_ =	swait.ge [sflag:s25], $0x1400  }
0x47: {  	[sflag:s25] =	ssyncset.done $0x0  }
0x48: {  	s22 =	sadd.s32 $0xFFFFFD80, s31;
	[sflag:s25] =	ssyncadd.s32 $0xFFFFEC00  }
0x49: {  	[hbm4b:s22+s2] =	stream.linear.scatter [tilespmem:s19], [sflag:$0x5], $0x1400, $0x38;
	[tilespmem:$0x7800] =	vst v63  }
0x4a: {  	_ =	swait.ge [sflag:s16], $0x1400  }
0x4b: {  	[sflag:s16] =	ssyncset.done $0x0  }
0x4c: {  	s22 =	sadd.s32 $0xFFFFFD80, s1;
	[sflag:s16] =	ssyncadd.s32 $0xFFFFEC00  }
0x4d: {  	[hbm4b:s22+s2] =	stream.linear.scatter [tilespmem:s20], [sflag:$0x5], $0x1400, $0x38;
	[tilespmem:$0x7800] =	vst v63  }
0x4e: {  	_ =	swait.ge [sflag:s16], $0x1400  }
0x4f: {  	s0 =	sshra.s32 s0, $0x2;
	[sflag:s16] =	ssyncset.done $0x0  }
0x50: {  	s22 =	sadd.s32 $0x50, s0;
	[sflag:s16] =	ssyncadd.s32 $0xFFFFEC00  }
0x51: {  	[tilespmem:s19], [sflag:$0x1] =	stream.indirect.gather [hbm4b:s3+s18], $0x80, s22, s18, $0xb8;
	[tilespmem:$0x7800] =	vst v63  }
0x52: {  	s22 =	sadd.s32 $0x1450, s0  }
0x53: {  	[tilespmem:s20], [sflag:$0x3] =	stream.indirect.gather [hbm4b:s4+s18], $0x80, s22, s18, $0xb8;
	[tilespmem:$0x7800] =	vst v63  }
0x54: {  	_ =	swait.ge [sflag:s26], $0x1400  }
0x55: {  	[sflag:s26] =	ssyncset.done $0x0  }
0x56: {  	[sflag:s26] =	ssyncadd.s32 $0xFFFFEC00  }
0x57: {  	_ =	swait.ge [sflag:s28], $0x1400  }
0x58: {  	[sflag:s28] =	ssyncset.done $0x0  }
0x59: {  	[sflag:s28] =	ssyncadd.s32 $0xFFFFEC00  }
0x5a: {  	[hbm4b:s31+s2] =	stream.linear.scatter [tilespmem:s21], [sflag:$0x5], $0x1400, $0x38;
	[tilespmem:$0x7800] =	vst v63  }
0x5b: {  	_ =	swait.ge [sflag:s16], $0x1400  }
0x5c: {  	[sflag:s16] =	ssyncset.done $0x0  }
0x5d: {  	[sflag:s16] =	ssyncadd.s32 $0xFFFFEC00  }
0x5e: {  	[hbm4b:s1+s2] =	stream.linear.scatter [tilespmem:s23], [sflag:$0x5], $0x1400, $0x38;
	[tilespmem:$0x7800] =	vst v63  }
.Ltmp0:
0x5f: {  	_ =	swait.ge [sflag:s16], $0x1400;
	(pc) =	sbr.rel @p0 .LBB2_2-.Ltmp0, $4  }
0x60: {  	[sflag:s16] =	ssyncset.done $0x0  }
0x61: {  	s22 =	sadd.s32 $0x78, s0;
	[sflag:s16] =	ssyncadd.s32 $0xFFFFEC00  }
0x62: {  	[tilespmem:s21], [sflag:$0x2] =	stream.indirect.gather [hbm4b:s3+s18], $0x80, s22, s18, $0xb8;
	[tilespmem:$0x7800] =	vst v63  }
0x63: {  	s0 =	sadd.s32 $0x1478, s0;
	s31 =	sadd.s32 $0x500, s31;
	s1 =	sadd.s32 $0x500, s1  }
0x64: {  	[tilespmem:s23], [sflag:$0x4] =	stream.indirect.gather [hbm4b:s4+s18], $0x80, s0, s18, $0xb8;
	[tilespmem:$0x7800] =	vst v63  }
0x65: {  	_ =	swait.ge [sflag:s24], $0x1400  }
0x66: {  	[sflag:s24] =	ssyncset.done $0x0  }
0x67: {  	[sflag:s24] =	ssyncadd.s32 $0xFFFFEC00  }
0x68: {  	_ =	swait.ge [sflag:s25], $0x1400  }
0x69: {  	[sflag:s25] =	ssyncset.done $0x0  }
0x6a: {  	[sflag:s25] =	ssyncadd.s32 $0xFFFFEC00  }
0x6b: {  	[hbm4b:s10+s2] =	stream.linear.scatter [tilespmem:s19], [sflag:$0x5], $0x1400, $0x38;
	[tilespmem:$0x7800] =	vst v63  }
0x6c: {  	_ =	swait.ge [sflag:s16], $0x1400  }
0x6d: {  	[sflag:s16] =	ssyncset.done $0x0  }
0x6e: {  	[sflag:s16] =	ssyncadd.s32 $0xFFFFEC00  }
0x6f: {  	[hbm4b:s11+s2] =	stream.linear.scatter [tilespmem:s20], [sflag:$0x5], $0x1400, $0x38;
	[tilespmem:$0x7800] =	vst v63  }
0x70: {  	_ =	swait.ge [sflag:s16], $0x1400  }
0x71: {  	s31 =	sshra.s32 s30, $0x2;
	[sflag:s16] =	ssyncset.done $0x0  }
0x72: {  	s1 =	sadd.s32 $0x50, s31;
	[sflag:s16] =	ssyncadd.s32 $0xFFFFEC00  }
0x73: {  	[tilespmem:s19], [sflag:$0x1] =	stream.indirect.gather [hbm4b:s3+s18], $0x80, s1, s18, $0xb8;
	[tilespmem:$0x7800] =	vst v63  }
0x74: {  	s0 =	sadd.s32 $0x1450, s31  }
0x75: {  	[tilespmem:s20], [sflag:$0x3] =	stream.indirect.gather [hbm4b:s4+s18], $0x80, s0, s18, $0xb8;
	[tilespmem:$0x7800] =	vst v63  }
0x76: {  	_ =	swait.ge [sflag:s26], $0x1400  }
0x77: {  	[sflag:s26] =	ssyncset.done $0x0  }
0x78: {  	[sflag:s26] =	ssyncadd.s32 $0xFFFFEC00  }
0x79: {  	_ =	swait.ge [sflag:s28], $0x1400  }
0x7a: {  	[sflag:s28] =	ssyncset.done $0x0  }
0x7b: {  	[sflag:s28] =	ssyncadd.s32 $0xFFFFEC00  }
0x7c: {  	[hbm4b:s12+s2] =	stream.linear.scatter [tilespmem:s21], [sflag:$0x5], $0x1400, $0x38;
	[tilespmem:$0x7800] =	vst v63  }
0x7d: {  	_ =	swait.ge [sflag:s16], $0x1400  }
0x7e: {  	[sflag:s16] =	ssyncset.done $0x0  }
0x7f: {  	[sflag:s16] =	ssyncadd.s32 $0xFFFFEC00  }
0x80: {  	[hbm4b:s13+s2] =	stream.linear.scatter [tilespmem:s23], [sflag:$0x5], $0x1400, $0x38;
	[tilespmem:$0x7800] =	vst v63  }
0x81: {  	_ =	swait.ge [sflag:s16], $0x1400  }
0x82: {  	[sflag:s16] =	ssyncset.done $0x0  }
0x83: {  	[sflag:s16] =	ssyncadd.s32 $0xFFFFEC00  }
0x84: {  	_ =	swait.ge [sflag:s24], $0x1400  }
0x85: {  	[sflag:s24] =	ssyncset.done $0x0  }
0x86: {  	[sflag:s24] =	ssyncadd.s32 $0xFFFFEC00  }
0x87: {  	_ =	swait.ge [sflag:s25], $0x1400  }
0x88: {  	[sflag:s25] =	ssyncset.done $0x0  }
0x89: {  	[sflag:s25] =	ssyncadd.s32 $0xFFFFEC00  }
0x8a: {  	[hbm4b:s8+s2] =	stream.linear.scatter [tilespmem:s19], [sflag:$0x5], $0x1400, $0x38;
	[tilespmem:$0x7800] =	vst v63  }
0x8b: {  	s29 =	sadd.s32 $0x1, s29;
	_ =	swait.ge [sflag:s16], $0x1400  }
0x8c: {  	p0 =	sne.s32 s29, s7;
	[sflag:s16] =	ssyncset.done $0x0  }
.Ltmp1:
0x8d: {  	[sflag:s16] =	ssyncadd.s32 $0xFFFFEC00;
	(pc) =	sbr.rel @p0 .LBB2_1-.Ltmp1, $4  }
0x8e: {  	[hbm4b:s9+s2] =	stream.linear.scatter [tilespmem:s20], [sflag:$0x5], $0x1400, $0x38;
	[tilespmem:$0x7800] =	vst v63  }
0x8f: {  	_ =	swait.ge [sflag:s16], $0x1400  }
0x90: {  	[sflag:s16] =	ssyncset.done $0x0  }
0x91: {  	[sflag:s16] =	ssyncadd.s32 $0xFFFFEC00  }
0x92: {  	_ =	sfence.sel $0x180000  }
0x93: {  	[bflag:$0x0] =	sbarrier.arrive $0xFFFF  }
0x94: {  	_ =	strace $0x90000047  }
0x95: {  	s0 =	stileid.u32;
	[bflag:$0x2] =	sbarrier.arrive $0xFFFF  }
0x96: {  	p0 =	sne.s32 s0, $0x0;
	s0 =	rddreg [dreg:$0x1]  }
0x97: {  	s0 =	sadd.s32 @!p0 $0x100000, s0  }
0x98: {  	[sflag:s0] =	ssyncadd.tile.s32 @!p0 $0x1;
	_ =	shalt  }
.Lfunc_end2:
_tile_overlayer_lowered:
.L_overlay_start_2:
0x99: {  	(tag) =	ssettag $0x2  }
0x9a: {  	s0 =	rddreg [dreg:$0x0];
	s2 =	stileid.u32  }
0x9b: {  	s1 =	rddreg [dreg:$0x1];
	p0 =	sne.s32 s2, $0x0  }
0x9c: {  	s3 =	rddreg [dreg:$0x2];
	[bflag:$0x3] =	sbarrier.arrive $0xFFFF;
	s2 =	simm.s32 @!p0 $0x1C05  }
0x9d: {  	[timem:s3], [sflag:s2] =	dma.local @!p0 [hbm:s0], s1  }
0x9e: {  	s0 =	simm.s32 @!p0 $0x5  }
0x9f: {  	_ =	swait.ge @!p0 [sflag:s0], s1  }
0xa0: {  	s1 =	ssub.s32 @!p0 $0x0, s1;
	[sflag:s0] =	ssyncset.done @!p0 $0x0  }
0xa1: {  	[sflag:s0] =	ssyncadd.s32 @!p0 s1  }
0xa2: {  	[bflag:$0x3] =	sbarrier.arrive $0xFFFF  }
0xa3: {  	_ =	shalt  }

// kernel: kernel.23.cloned.1.call-start
scs
__scs_entry_jumppad:
0x0: {  	(pc) =	sbr.rel $0x88, $3  }
0x1: {  	(tag) =	ssettag $0x0;
	lr =	simm.s32 $0x1  }
0x2: {  	[smem:$0x3F7E] =	sst lr;
	_ =	strace $0xD0000000  }
0x3: {  	_ = 	snop  }
0x4: {  	_ = 	snop  }
0x5: {  	_ = 	snop  }
0x6: {  	_ = 	snop  }
0x7: {  	_ = 	snop  }
__scs_overlays_trampoline_lowered:
0x8: {  	[smem:$0x3F8D] =	sst s0  }
0x9: {  	[smem:$0x3F8E] =	sst s1  }
0xa: {  	[smem:$0x3F8F] =	sst s2  }
0xb: {  	[smem:$0x3F90] =	sst s3  }
0xc: {  	[smem:$0x3F91] =	sst s4  }
0xd: {  	[smem:$0x3F92] =	sst s5  }
0xe: {  	[smem:$0x3F93] =	sst s6  }
0xf: {  	[smem:$0x3F94] =	sst s7  }
0x10: {  	[smem:$0x3F95] =	sst s8  }
0x11: {  	[smem:$0x3F96] =	sst s9;
	s0 =	simm.s32 @!p0 $0x0  }
0x12: {  	s1 =	sld [smem:$0x3F7C];
	s0 =	simm.s32 @p0 $0x1  }
0x13: {  	[smem:$0x3F97] =	sst s0;
	s0 =	simm.s32 @!p1 $0x0  }
0x14: {  	s2 =	sld [smem:$0x3F7B];
	s0 =	simm.s32 @p1 $0x1  }
0x15: {  	[smem:$0x3F98] =	sst s0;
	s0 =	simm.s32 @!p2 $0x0  }
0x16: {  	s3 =	sld [smem:$0x3FDB];
	s0 =	simm.s32 @p2 $0x1  }
0x17: {  	s4 =	simm.s32 $0x1BF5;
	[smem:$0x3F9A] =	sst s0  }
0x18: {  	s0 =	sld [smem:$0x3F7D];
	_ =	swait.ge [sflag:s4], $0x0  }
0x19: {  	s7 =	sld [smem:$0x3F7E]  }
0x1a: {  	s8 =	sadd.s32 $0xFFFFE003, lr  }
0x1b: {  	s9 =	sadd.s32 $0xFFFFFEF7, lr;
	s5 =	simm.s32 $0xFFFFFFFF;
	p2 =	slt.u32 s8, $0xFFFFF086  }
0x1c: {  	p1 =	slt.u32 s9, $0xF7A;
	s5 =	simm.s32 @!p2 $0x0  }
0x1d: {  	s5 =	simm.s32 @p1 $0x1;
	p0 =	seq.s32 s7, s2  }
0x1e: {  	s7 =	smul.u32 @!p0 $0xF7A, s2;
	p2 =	seq.s32 @!p0 s5, $0x0  }
0x1f: {  	s9 =	smul.u32 $0xF7A, s1;
	s8 =	simm.s32 @!p0 $0x1BF5;
	p2 =	por !p2, p0  }
0x20: {  	[sflag:s8] =	ssyncset.s32 @!p0 $0xFFFFF086;
	s6 =	sadd.s32 @!p0 s3, s7;
	s7 =	simm.s32 @!p0 $0x108  }
0x21: {  	s3 =	sadd.s32 s3, s9;
	s6 =	sadd.s32 @!p0 $0x88, s6;
	s7 =	simm.s32 @p2 $0x1082  }
0x22: {  	[simem:s7], [sflag:s8] =	dma.local @!p0 [hbm:s6], $0xF7A  }
0x23: {  	s9 =	sor.u32 $0xD0000000, s2;
	s6 =	simm.s32 $0x108;
	_ =	swait.ge @!p0 [sflag:s8], $0x0  }
0x24: {  	s3 =	sadd.s32 $0x88, s3;
	s6 =	simm.s32 @!p1 $0x1082;
	[sflag:s4] =	ssyncset.s32 $0xFFFFF086  }
0x25: {  	[simem:s6], [sflag:s4] =	dma.local [hbm:s3], $0xF7A  }
0x26: {  	[smem:$0x3F7E] =	sst s1;
	(tag) =	ssettag s2;
	_ =	strace s9  }
0x27: {  	s1 =	sld [smem:$0x3F8E]  }
0x28: {  	s2 =	sld [smem:$0x3F8F]  }
0x29: {  	s4 =	sld [smem:$0x3F91]  }
0x2a: {  	p0 =	seq.s32 s5, $0x0;
	s5 =	sld [smem:$0x3F92]  }
0x2b: {  	s6 =	sld [smem:$0x3F93]  }
0x2c: {  	s7 =	sld [smem:$0x3F94]  }
0x2d: {  	s3 =	simm.s32 $0x108;
	s8 =	sld [smem:$0x3F95]  }
0x2e: {  	s3 =	simm.s32 @!p0 $0x1082;
	s9 =	sld [smem:$0x3F96]  }
0x2f: {  	lr =	sadd.s32 s0, s3;
	s0 =	sld [smem:$0x3F8D]  }
0x30: {  	s3 =	sld [smem:$0x3F90]  }
0x31: {  	[smem:$0x3F99] =	sst s10  }
0x32: {  	s10 =	sld [smem:$0x3F97];
	_ =	sdelay $0x3  }
0x33: {  	p0 =	seq.s32 s10, $0x1;
	s10 =	sld [smem:$0x3F99];
	_ =	sdelay $0x3  }
0x34: {  	[smem:$0x3F99] =	sst s10  }
0x35: {  	s10 =	sld [smem:$0x3F98];
	_ =	sdelay $0x3  }
0x36: {  	p1 =	seq.s32 s10, $0x1;
	s10 =	sld [smem:$0x3F99];
	_ =	sdelay $0x3  }
0x37: {  	[smem:$0x3F99] =	sst s10  }
0x38: {  	s10 =	sld [smem:$0x3F9A]  }
0x39: {  	_ = 	snop;
	(pc) =	sbr.ind lr, $3  }
0x3a: {  	_ = 	snop  }
0x3b: {  	_ = 	snop  }
0x3c: {  	p2 =	seq.s32 s10, $0x1;
	s10 =	sld [smem:$0x3F99]  }
0x3d: {  	_ =	shalt  }
0x3e: {  	_ =	shalt  }
0x3f: {  	_ =	shalt  }
0x40: {  	_ =	shalt  }
0x41: {  	_ =	shalt  }
0x42: {  	_ =	shalt  }
0x43: {  	_ =	shalt  }
0x44: {  	_ =	shalt  }
0x45: {  	_ =	shalt  }
0x46: {  	_ =	shalt  }
0x47: {  	_ =	shalt  }
0x48: {  	_ =	shalt  }
0x49: {  	_ =	shalt  }
0x4a: {  	_ =	shalt  }
0x4b: {  	_ =	shalt  }
0x4c: {  	_ =	shalt  }
0x4d: {  	_ =	shalt  }
0x4e: {  	_ =	shalt  }
0x4f: {  	_ =	shalt  }
0x50: {  	_ =	shalt  }
0x51: {  	_ =	shalt  }
0x52: {  	_ =	shalt  }
0x53: {  	_ =	shalt  }
0x54: {  	_ =	shalt  }
0x55: {  	_ =	shalt  }
0x56: {  	_ =	shalt  }
0x57: {  	_ =	shalt  }
0x58: {  	_ =	shalt  }
0x59: {  	_ =	shalt  }
0x5a: {  	_ =	shalt  }
0x5b: {  	_ =	shalt  }
0x5c: {  	_ =	shalt  }
0x5d: {  	_ =	shalt  }
0x5e: {  	_ =	shalt  }
0x5f: {  	_ =	shalt  }
0x60: {  	_ =	shalt  }
0x61: {  	_ =	shalt  }
0x62: {  	_ =	shalt  }
0x63: {  	_ =	shalt  }
0x64: {  	_ =	shalt  }
0x65: {  	_ =	shalt  }
0x66: {  	_ =	shalt  }
0x67: {  	_ =	shalt  }
0x68: {  	_ =	shalt  }
0x69: {  	_ =	shalt  }
0x6a: {  	_ =	shalt  }
0x6b: {  	_ =	shalt  }
0x6c: {  	_ =	shalt  }
0x6d: {  	_ =	shalt  }
0x6e: {  	_ =	shalt  }
0x6f: {  	_ =	shalt  }
0x70: {  	_ =	shalt  }
0x71: {  	_ =	shalt  }
0x72: {  	_ =	shalt  }
0x73: {  	_ =	shalt  }
0x74: {  	_ =	shalt  }
0x75: {  	_ =	shalt  }
0x76: {  	_ =	shalt  }
0x77: {  	_ =	shalt  }
0x78: {  	_ =	shalt  }
0x79: {  	_ =	shalt  }
0x7a: {  	_ =	shalt  }
0x7b: {  	_ =	shalt  }
0x7c: {  	_ =	shalt  }
0x7d: {  	_ =	shalt  }
0x7e: {  	_ =	shalt  }
0x7f: {  	_ =	shalt  }
0x80: {  	_ =	shalt  }
0x81: {  	_ =	shalt  }
0x82: {  	_ =	shalt  }
0x83: {  	_ =	shalt  }
0x84: {  	_ =	shalt  }
0x85: {  	_ =	shalt  }
0x86: {  	_ =	shalt  }
0x87: {  	_ =	shalt  }
.Lfunc_end0:
.L_simem_size_0:
called_computation.2_lowered:
.L_overlay_start_0:
0x88: {  	s2 =	sld [smem:$0x3FD9]  }
0x89: {  	s3 =	sld [smem:$0x3FFE];
	_ =	sdelay $0x1  }
0x8a: {  	s1 =	srdreg.scid  }
0x8b: {  	s0 =	sand.u32 $0x1, s1  }
0x8c: {  	s17 =	sshll.u32 s0, $0xA;
	s2 =	sadd.s32 s3, s2  }
0x8d: {  	s2 =	sadd.s32 s2, s17  }
0x8e: {  	[smem:$0x3FA5] =	sst s2  }
0x8f: {  	_ = 	snop  }
0x90: {  	s18 =	sld [smem:$0x3FD0];
	(tm) =	ssettm $0x1  }
0x91: {  	s19 =	sld [smem:$0x3FFB];
	_ =	sdelay $0x3  }
0x92: {  	_ =	strace s19  }
0x93: {  	s2 =	sld [smem:$0x3FFC];
	_ =	sdelay $0x3  }
0x94: {  	_ =	strace s2  }
0x95: {  	s2 =	sld [smem:$0x3FFD];
	_ =	sdelay $0x3  }
0x96: {  	_ =	strace s2  }
0x97: {  	_ =	strace $0x8FFFFFFF  }
0x98: {  	s20 =	sld [smem:$0x3FDB];
	_ =	sdelay $0x1  }
0x99: {  	s4 =	simm.s32 $_scs_section_size  }
0x9a: {  	s5 =	simm.s32 $_size__tile_overlayer_lowered;
	s6 =	simm.s32 $_tile_overlayer_lowered  }
0x9b: {  	s7 =	simm.s32 $0x1BFF;
	s21 =	sshll.u32 s6, $0x1;
	s4 =	sadd.s32 s4, s20  }
0x9c: {  	s22 =	simm.s32 $0x0;
	s5 =	sshll.u32 s5, $0x1;
	s6 =	sadd.s32 s21, s4  }
0x9d: {  	[timem:s22], [sflag:s7] =	dma.local [hbm:s6], s5  }
0x9e: {  	_ =	swait.ge [sflag:s7], s5  }
0x9f: {  	s5 =	ssub.s32 $0x0, s5;
	[sflag:s7] =	ssyncset.done $0x0  }
0xa0: {  	[sflag:s7] =	ssyncadd.s32 s5;
	_ =	sdelay $0x1  }
0xa1: {  	s23 =	simm.s32 $0x1B8B  }
0xa2: {  	_ =	swait.ge [sflag:s23], $0x1  }
0xa3: {  	[sflag:s23] =	ssyncset.done $0x0  }
0xa4: {  	[sflag:s23] =	ssyncadd.s32 $0xFFFFFFFF  }
0xa5: {  	s5 =	sld [smem:$0x0]  }
0xa6: {  	s6 =	sand.u32 $0xFFFFFFFE, s1  }
0xa7: {  	p0 =	sne.s32 s1, s6  }
0xa8: {  	s6 =	sshll.u32 @p0 s6, $0xE  }
0xa9: {  	s6 =	sadd.s32 @p0 $0x11B8D, s6;
	s7 =	sshll.u32 @p0 s5, $0x11  }
0xaa: {  	s6 =	sor.u32 @p0 s7, s6  }
0xab: {  	[sflag:s6] =	ssyncadd.remote.s32 @p0 $0x1;
	_ =	sdelay $0x1  }
0xac: {  	s6 =	simm.s32 @p0 $0x1B8D  }
0xad: {  	_ =	swait.eq @p0 [sflag:s6], $0x1  }
0xae: {  	[sflag:s6] =	ssyncadd.s32 @p0 $0xFFFFFFFF  }
0xaf: {  	s7 =	sshll.u32 @!p0 s1, $0xE  }
0xb0: {  	s7 =	sor.u32 @!p0 $0x4000, s7;
	s6 =	simm.s32 @!p0 $0x1B8D  }
0xb1: {  	s5 =	sshll.u32 @!p0 s5, $0x11;
	s7 =	sadd.s32 @!p0 $0x11B8D, s7;
	_ =	swait.eq @!p0 [sflag:s6], $0x1  }
0xb2: {  	s5 =	sor.u32 @!p0 s5, s7;
	[sflag:s6] =	ssyncadd.s32 @!p0 $0xFFFFFFFF  }
0xb3: {  	s25 =	simm.s32 $0x1B8E;
	s24 =	sld [smem:$0x3FFE];
	[sflag:s5] =	ssyncadd.remote.s32 @!p0 $0x1  }
0xb4: {  	s26 =	simm.s32 $execute0_lowered;
	[smem:$0x3FD2] =	sst s25  }
0xb5: {  	s6 =	sshll.u32 s26, $0x1;
	_ =	strace $0x8000004C;
	[dreg:$0x1] =	wrdreg $0xFFFFFFFF  }
0xb6: {  	s28 =	simm.s32 $_size_execute0_lowered;
	s4 =	sadd.s32 s4, s6;
	[dreg:$0x0] =	wrdreg $0x0  }
0xb7: {  	s6 =	sshll.u32 s28, $0x1;
	[dreg:$0x2] =	wrdreg s4  }
0xb8: {  	[dreg:$0x3] =	wrdreg s6  }
0xb9: {  	[dreg:$0x4] =	wrdreg $0xC0  }
0xba: {  	_ =	task [dreg:s22], $0x5FFFF  }
0xbb: {  	[dreg:$0x1] =	wrdreg $0xFFFFFFFF  }
0xbc: {  	[dreg:$0x0] =	wrdreg $0x60  }
0xbd: {  	[dreg:$0x2] =	wrdreg s24  }
0xbe: {  	[dreg:$0x3] =	wrdreg s18  }
0xbf: {  	[dreg:$0x4] =	wrdreg $0x68000  }
0xc0: {  	[dreg:$0x5] =	wrdreg $0xA  }
0xc1: {  	_ =	task.clear_ibuf [dreg:s22], $0x6FFFF;
	_ =	strace $0x9000004C  }
0xc2: {  	s29 =	simm.s32 $0xA;
	_ =	strace $0x8000004E  }
0xc3: {  	_ =	swait.ge [sflag:s29], $0x1  }
0xc4: {  	[sflag:s29] =	ssyncadd.s32 $0xFFFFFFFF  }
0xc5: {  	_ =	strace $0x9000004E  }
0xc6: {  	_ =	sfence  }
0xc7: {  	s30 =	sld [smem:$0x0];
	_ =	sdelay $0x2  }
0xc8: {  	s31 =	sshll.u32 s1, $0xD;
	s1 =	sshrl.u32 s1, $0x2  }
0xc9: {  	s4 =	sand.u32 $0x4000, s31;
	s1 =	sadd.s32 s1, s30  }
0xca: {  	s0 =	sor.u32 s4, s0;
	s1 =	sshll.u32 s1, $0x11  }
0xcb: {  	s0 =	sor.u32 s1, s0  }
0xcc: {  	s0 =	sadd.s32 $0x8F2B, s0  }
0xcd: {  	[sflag:s0] =	ssyncadd.remote.s32 $0x1  }
0xce: {  	_ =	sfence.sel $0xFFFF  }
0xcf: {  	[dreg:$0x0] =	wrdreg $0xFFFFFFFF;
	(pc) =	sbr.abs _section_cstart, $3  }
0xd0: {  	[dreg:$0x1] =	wrdreg $0xFFFFFFFF  }
0xd1: {  	_ =	task.clear_ibuf [dreg:s22], $0x2FFFF;
	_ =	strace $0x9FFFFFFF  }
0xd2: {  	(tm) =	ssettm $0x7FFFFFFF  }
0xd3: {  	_ =	shalt  }
tec
execute0_lowered:
.L_overlay_start_1:
0x0: {  	(tag) =	ssettag $0x1  }
0x1: {  	s5 =	rddreg [dreg:$0x0]  }
0x2: {  	s6 =	rddreg [dreg:$0x1]  }
0x3: {  	s1 =	rddreg [dreg:$0x2]  }
0x4: {  	s0 =	rddreg [dreg:$0x3];
	s3 =	simm.s32 $0x0;
	s2 =	srdreg.scid  }
0x5: {  	s16 =	simm.s32 $0x5400;
	s17 =	simm.s32 $0x1;
	s7 =	sand.u32 $0x1, s2  }
0x6: {  	s18 =	simm.s32 $0x28;
	s2 =	stileid.u32;
	s8 =	smul.u32 $0x140000, s7  }
0x7: {  	s19 =	simm.s32 $0x2;
	s20 =	simm.s32 $0x3D00;
	s9 =	smul.u32 $0x14000, s2  }
0x8: {  	[smem:$0x7FF] =	sst s3;
	s10 =	sadd.s32 $0x616800, s5;
	s11 =	smul.u32 $0x13880, s7  }
0x9: {  	s4 =	sadd.s32 $0x19C00, s5;
	_ =	strace $0x8000004D;
	s12 =	smul.u32 $0x50000, s2  }
0xa: {  	s21 =	ssub.s32 $0x2, s7;
	s14 =	smul.u32 $0x1388, s2;
	s25 =	sshll.u32 s2, $0x6  }
0xb: {  	s26 =	sshll.u32 s7, $0xF;
	s28 =	sshll.u32 s2, $0xB;
	s29 =	smul.u32 $0x138800, s7  }
0xc: {  	s30 =	smul.u32 $0x13880, s2;
	s13 =	sshrl.u32 s21, $0x1;
	s6 =	sadd.s32 s6, s28  }
0xd: {  	s8 =	sadd.s32 s9, s8;
	s13 =	ssub.s32 s21, s13;
	s22 =	sshrl.u32 s12, $0x2  }
0xe: {  	s23 =	sadd.s32 s14, s11;
	s6 =	sadd.s32 s26, s6;
	s31 =	sadd.s32 s29, s10  }
0xf: {  	s14 =	simm.s32 $0x3;
	s21 =	simm.s32 $0x3D80;
	s8 =	sshrl.u32 s8, $0x3  }
0x10: {  	s24 =	sadd.s32 s22, s1;
	s12 =	sadd.s32 s30, s31;
	s22 =	simm.s32 $0x3E00  }
0x11: {  	s15 =	sadd.s32 s8, s5;
	s5 =	sor.u32 $0x1C03, s25;
	s8 =	sshll.u32 s23, $0x4  }
0x12: {  	s12 =	sadd.s32 $0x780, s12;
	s23 =	simm.s32 $0x0;
	s7 =	sadd.s32 s10, s8  }
0x13: {  	s9 =	sadd.s32 $0x1C400, s15;
	s10 =	smax.u32 s13, $0x1;
	s13 =	sshrl.u32 s24, $0x3  }
0x14: {  	s15 =	simm.s32 $0x4000;
	s8 =	sadd.s32 $0x280, s7;
	s11 =	sadd.s32 $0x13600, s7  }
.LBB2_1:
0x15: {  	[spmem:s13], [sflag:s5] =	dma.local [hbm:s4], $0x2800  }
0x16: {  	_ =	swait.ge [sflag:s14], $0x2800  }
0x17: {  	[sflag:s14] =	ssyncset.done $0x0  }
0x18: {  	[sflag:s14] =	ssyncadd.s32 $0xFFFFD800  }
0x19: {  	[tilespmem:s3], [sflag:$0x3] =	stream.linear.gather [hbm4b:s6+s3], $0x3E80, $0x38;
	[tilespmem:$0x1A800] =	vst v63  }
0x1a: {  	_ =	swait.ge [sflag:s14], $0x3E80  }
0x1b: {  	[sflag:s14] =	ssyncset.done $0x0  }
0x1c: {  	[sflag:s14] =	ssyncadd.s32 $0xFFFFC180  }
0x1d: {  	[bflag:$0x0] =	sbarrier.arrive $0xFFFF  }
0x1e: {  	[tilespmem:s15], [sflag:$0x1] =	stream.linear.gather [hbm4b:s7+s3], $0x1400, $0x38;
	[tilespmem:$0x1A800] =	vst v63  }
0x1f: {  	_ = 	snop  }
0x20: {  	[tilespmem:s16], [sflag:$0x2] =	stream.linear.gather [hbm4b:s8+s3], $0x1400, $0x38;
	[tilespmem:$0x1A800] =	vst v63  }
0x21: {  	_ =	swait.ge [sflag:s17], $0x1400  }
0x22: {  	[sflag:s17] =	ssyncset.done $0x0  }
0x23: {  	s24 =	simm.s32 $0x0;
	[sflag:s17] =	ssyncadd.s32 $0xFFFFEC00  }
0x24: {  	[spmem:s1] =	stream.indirect.scatter.add.f32 [tilespmem:s15], [sflag:$0x3], $0x80, s24, s18, $0xb8;
	[tilespmem:$0x1A800] =	vst v63  }
0x25: {  	_ =	swait.ge [sflag:s14], $0x1400  }
0x26: {  	[sflag:s14] =	ssyncset.done $0x0  }
0x27: {  	s30 =	sadd.s32 $0xFFFFFD80, s12;
	[sflag:s14] =	ssyncadd.s32 $0xFFFFEC00  }
0x28: {  	[tilespmem:s15], [sflag:$0x1] =	stream.linear.gather [hbm4b:s30+s3], $0x1400, $0x38;
	[tilespmem:$0x1A800] =	vst v63  }
0x29: {  	_ =	swait.ge [sflag:s19], $0x1400  }
0x2a: {  	[sflag:s19] =	ssyncset.done $0x0  }
0x2b: {  	s31 =	simm.s32 $0x80;
	[sflag:s19] =	ssyncadd.s32 $0xFFFFEC00  }
0x2c: {  	[spmem:s1] =	stream.indirect.scatter.add.f32 [tilespmem:s16], [sflag:$0x3], $0x80, s31, s18, $0xb8;
	[tilespmem:$0x1A800] =	vst v63  }
0x2d: {  	_ =	swait.ge [sflag:s14], $0x1400  }
0x2e: {  	s25 =	sadd.s32 $0x500, s12;
	[sflag:s14] =	ssyncset.done $0x0  }
0x2f: {  	s26 =	smov.u32 s12;
	s24 =	simm.s32 $0x400;
	[sflag:s14] =	ssyncadd.s32 $0xFFFFEC00  }
.LBB2_2:
0x30: {  	[tilespmem:s16], [sflag:$0x2] =	stream.linear.gather [hbm4b:s26+s3], $0x1400, $0x38;
	[tilespmem:$0x1A800] =	vst v63  }
0x31: {  	s28 =	smov.u32 s24;
	s26 =	smov.u32 s25  }
0x32: {  	p0 =	sne.s32 s24, $0xF000;
	s24 =	sadd.s32 $0x400, s24;
	_ =	swait.ge [sflag:s17], $0x1400  }
0x33: {  	[sflag:s17] =	ssyncset.done $0x0  }
0x34: {  	s28 =	sshra.s32 s28, $0x2;
	[sflag:s17] =	ssyncadd.s32 $0xFFFFEC00  }
0x35: {  	[spmem:s1] =	stream.indirect.scatter.add.f32 [tilespmem:s15], [sflag:$0x3], $0x80, s28, s18, $0xb8;
	[tilespmem:$0x1A800] =	vst v63  }
0x36: {  	_ =	swait.ge [sflag:s14], $0x1400  }
0x37: {  	[sflag:s14] =	ssyncset.done $0x0  }
0x38: {  	s29 =	sadd.s32 $0xFFFFFD80, s25;
	[sflag:s14] =	ssyncadd.s32 $0xFFFFEC00  }
0x39: {  	[tilespmem:s15], [sflag:$0x1] =	stream.linear.gather [hbm4b:s29+s3], $0x1400, $0x38;
	[tilespmem:$0x1A800] =	vst v63  }
0x3a: {  	_ =	swait.ge [sflag:s19], $0x1400  }
0x3b: {  	[sflag:s19] =	ssyncset.done $0x0  }
.Ltmp0:
0x3c: {  	s28 =	sadd.s32 $0x80, s28;
	[sflag:s19] =	ssyncadd.s32 $0xFFFFEC00;
	(pc) =	sbr.rel @p0 .LBB2_2-.Ltmp0, $4  }
0x3d: {  	[spmem:s1] =	stream.indirect.scatter.add.f32 [tilespmem:s16], [sflag:$0x3], $0x80, s28, s18, $0xb8;
	[tilespmem:$0x1A800] =	vst v63  }
0x3e: {  	_ =	swait.ge [sflag:s14], $0x1400  }
0x3f: {  	[sflag:s14] =	ssyncset.done $0x0  }
0x40: {  	s25 =	sadd.s32 $0x500, s25;
	[sflag:s14] =	ssyncadd.s32 $0xFFFFEC00  }
0x41: {  	[tilespmem:s16], [sflag:$0x2] =	stream.linear.gather [hbm4b:s26+s3], $0x1400, $0x38;
	[tilespmem:$0x1A800] =	vst v63  }
0x42: {  	_ =	swait.ge [sflag:s17], $0x1400  }
0x43: {  	[sflag:s17] =	ssyncset.done $0x0  }
0x44: {  	[sflag:s17] =	ssyncadd.s32 $0xFFFFEC00  }
0x45: {  	[spmem:s1] =	stream.indirect.scatter.add.f32 [tilespmem:s15], [sflag:$0x3], $0x80, s20, s18, $0xb8;
	[tilespmem:$0x1A800] =	vst v63  }
0x46: {  	_ =	swait.ge [sflag:s14], $0x1400  }
0x47: {  	[sflag:s14] =	ssyncset.done $0x0  }
0x48: {  	[sflag:s14] =	ssyncadd.s32 $0xFFFFEC00  }
0x49: {  	[tilespmem:s15], [sflag:$0x1] =	stream.linear.gather [hbm4b:s11+s3], $0x1400, $0x38;
	[tilespmem:$0x1A800] =	vst v63  }
0x4a: {  	_ =	swait.ge [sflag:s19], $0x1400  }
0x4b: {  	[sflag:s19] =	ssyncset.done $0x0  }
0x4c: {  	[sflag:s19] =	ssyncadd.s32 $0xFFFFEC00  }
0x4d: {  	[spmem:s1] =	stream.indirect.scatter.add.f32 [tilespmem:s16], [sflag:$0x3], $0x80, s21, s18, $0xb8;
	[tilespmem:$0x1A800] =	vst v63  }
0x4e: {  	_ =	swait.ge [sflag:s14], $0x1400  }
0x4f: {  	[sflag:s14] =	ssyncset.done $0x0  }
0x50: {  	[sflag:s14] =	ssyncadd.s32 $0xFFFFEC00  }
0x51: {  	_ =	swait.ge [sflag:s17], $0x1400  }
0x52: {  	[sflag:s17] =	ssyncset.done $0x0  }
0x53: {  	[sflag:s17] =	ssyncadd.s32 $0xFFFFEC00  }
0x54: {  	[spmem:s1] =	stream.indirect.scatter.add.f32 [tilespmem:s15], [sflag:$0x3], $0x80, s22, s18, $0xb8;
	[tilespmem:$0x1A800] =	vst v63  }
0x55: {  	_ =	swait.ge [sflag:s14], $0x1400  }
0x56: {  	s23 =	sadd.s32 $0x1, s23;
	[sflag:s14] =	ssyncset.done $0x0  }
0x57: {  	p0 =	sne.s32 s23, s10;
	[sflag:s14] =	ssyncadd.s32 $0xFFFFEC00  }
.Ltmp1:
0x58: {  	[bflag:$0x0] =	sbarrier.arrive $0xFFFF;
	(pc) =	sbr.rel @p0 .LBB2_1-.Ltmp1, $4  }
0x59: {  	[hbm:s9], [sflag:s5] =	dma.local [spmem:s13], $0x2800  }
0x5a: {  	_ =	swait.ge [sflag:s14], $0x2800  }
0x5b: {  	[sflag:s14] =	ssyncset.done $0x0  }
0x5c: {  	[sflag:s14] =	ssyncadd.s32 $0xFFFFD800  }
0x5d: {  	_ =	sfence.sel $0x180000  }
0x5e: {  	[bflag:$0x0] =	sbarrier.arrive $0xFFFF  }
0x5f: {  	p0 =	sne.s32 s2, $0x0;
	_ =	strace $0x9000004D  }
0x60: {  	s0 =	sadd.s32 @!p0 $0x100000, s0;
	[bflag:$0x2] =	sbarrier.arrive $0xFFFF  }
0x61: {  	[sflag:s0] =	ssyncadd.tile.s32 @!p0 $0x1;
	_ =	shalt  }
.Lfunc_end2:
_tile_overlayer_lowered:
.L_overlay_start_2:
0x62: {  	(tag) =	ssettag $0x2  }
0x63: {  	s0 =	rddreg [dreg:$0x0];
	s2 =	stileid.u32  }
0x64: {  	s1 =	rddreg [dreg:$0x1];
	p0 =	sne.s32 s2, $0x0  }
0x65: {  	s3 =	rddreg [dreg:$0x2];
	[bflag:$0x3] =	sbarrier.arrive $0xFFFF;
	s2 =	simm.s32 @!p0 $0x1C03  }
0x66: {  	[timem:s3], [sflag:s2] =	dma.local @!p0 [hbm:s0], s1  }
0x67: {  	s0 =	simm.s32 @!p0 $0x3  }
0x68: {  	_ =	swait.ge @!p0 [sflag:s0], s1  }
0x69: {  	s1 =	ssub.s32 @!p0 $0x0, s1;
	[sflag:s0] =	ssyncset.done @!p0 $0x0  }
0x6a: {  	[sflag:s0] =	ssyncadd.s32 @!p0 s1  }
0x6b: {  	[bflag:$0x3] =	sbarrier.arrive $0xFFFF  }
0x6c: {  	_ =	shalt  }

// kernel: kernel.26.cloned.1.call-start
scs
__scs_entry_jumppad:
0x0: {  	(pc) =	sbr.rel $0x88, $3  }
0x1: {  	(tag) =	ssettag $0x0;
	lr =	simm.s32 $0x1  }
0x2: {  	[smem:$0x3F7E] =	sst lr;
	_ =	strace $0xD0000000  }
0x3: {  	_ = 	snop  }
0x4: {  	_ = 	snop  }
0x5: {  	_ = 	snop  }
0x6: {  	_ = 	snop  }
0x7: {  	_ = 	snop  }
__scs_overlays_trampoline_lowered:
0x8: {  	[smem:$0x3F8D] =	sst s0  }
0x9: {  	[smem:$0x3F8E] =	sst s1  }
0xa: {  	[smem:$0x3F8F] =	sst s2  }
0xb: {  	[smem:$0x3F90] =	sst s3  }
0xc: {  	[smem:$0x3F91] =	sst s4  }
0xd: {  	[smem:$0x3F92] =	sst s5  }
0xe: {  	[smem:$0x3F93] =	sst s6  }
0xf: {  	[smem:$0x3F94] =	sst s7  }
0x10: {  	[smem:$0x3F95] =	sst s8  }
0x11: {  	[smem:$0x3F96] =	sst s9;
	s0 =	simm.s32 @!p0 $0x0  }
0x12: {  	s1 =	sld [smem:$0x3F7C];
	s0 =	simm.s32 @p0 $0x1  }
0x13: {  	[smem:$0x3F97] =	sst s0;
	s0 =	simm.s32 @!p1 $0x0  }
0x14: {  	s2 =	sld [smem:$0x3F7B];
	s0 =	simm.s32 @p1 $0x1  }
0x15: {  	[smem:$0x3F98] =	sst s0;
	s0 =	simm.s32 @!p2 $0x0  }
0x16: {  	s3 =	sld [smem:$0x3FDB];
	s0 =	simm.s32 @p2 $0x1  }
0x17: {  	s4 =	simm.s32 $0x1BF5;
	[smem:$0x3F9A] =	sst s0  }
0x18: {  	s0 =	sld [smem:$0x3F7D];
	_ =	swait.ge [sflag:s4], $0x0  }
0x19: {  	s7 =	sld [smem:$0x3F7E]  }
0x1a: {  	s8 =	sadd.s32 $0xFFFFE003, lr  }
0x1b: {  	s9 =	sadd.s32 $0xFFFFFEF7, lr;
	s5 =	simm.s32 $0xFFFFFFFF;
	p2 =	slt.u32 s8, $0xFFFFF086  }
0x1c: {  	p1 =	slt.u32 s9, $0xF7A;
	s5 =	simm.s32 @!p2 $0x0  }
0x1d: {  	s5 =	simm.s32 @p1 $0x1;
	p0 =	seq.s32 s7, s2  }
0x1e: {  	s7 =	smul.u32 @!p0 $0xF7A, s2;
	p2 =	seq.s32 @!p0 s5, $0x0  }
0x1f: {  	s9 =	smul.u32 $0xF7A, s1;
	s8 =	simm.s32 @!p0 $0x1BF5;
	p2 =	por !p2, p0  }
0x20: {  	[sflag:s8] =	ssyncset.s32 @!p0 $0xFFFFF086;
	s6 =	sadd.s32 @!p0 s3, s7;
	s7 =	simm.s32 @!p0 $0x108  }
0x21: {  	s3 =	sadd.s32 s3, s9;
	s6 =	sadd.s32 @!p0 $0x88, s6;
	s7 =	simm.s32 @p2 $0x1082  }
0x22: {  	[simem:s7], [sflag:s8] =	dma.local @!p0 [hbm:s6], $0xF7A  }
0x23: {  	s9 =	sor.u32 $0xD0000000, s2;
	s6 =	simm.s32 $0x108;
	_ =	swait.ge @!p0 [sflag:s8], $0x0  }
0x24: {  	s3 =	sadd.s32 $0x88, s3;
	s6 =	simm.s32 @!p1 $0x1082;
	[sflag:s4] =	ssyncset.s32 $0xFFFFF086  }
0x25: {  	[simem:s6], [sflag:s4] =	dma.local [hbm:s3], $0xF7A  }
0x26: {  	[smem:$0x3F7E] =	sst s1;
	(tag) =	ssettag s2;
	_ =	strace s9  }
0x27: {  	s1 =	sld [smem:$0x3F8E]  }
0x28: {  	s2 =	sld [smem:$0x3F8F]  }
0x29: {  	s4 =	sld [smem:$0x3F91]  }
0x2a: {  	p0 =	seq.s32 s5, $0x0;
	s5 =	sld [smem:$0x3F92]  }
0x2b: {  	s6 =	sld [smem:$0x3F93]  }
0x2c: {  	s7 =	sld [smem:$0x3F94]  }
0x2d: {  	s3 =	simm.s32 $0x108;
	s8 =	sld [smem:$0x3F95]  }
0x2e: {  	s3 =	simm.s32 @!p0 $0x1082;
	s9 =	sld [smem:$0x3F96]  }
0x2f: {  	lr =	sadd.s32 s0, s3;
	s0 =	sld [smem:$0x3F8D]  }
0x30: {  	s3 =	sld [smem:$0x3F90]  }
0x31: {  	[smem:$0x3F99] =	sst s10  }
0x32: {  	s10 =	sld [smem:$0x3F97];
	_ =	sdelay $0x3  }
0x33: {  	p0 =	seq.s32 s10, $0x1;
	s10 =	sld [smem:$0x3F99];
	_ =	sdelay $0x3  }
0x34: {  	[smem:$0x3F99] =	sst s10  }
0x35: {  	s10 =	sld [smem:$0x3F98];
	_ =	sdelay $0x3  }
0x36: {  	p1 =	seq.s32 s10, $0x1;
	s10 =	sld [smem:$0x3F99];
	_ =	sdelay $0x3  }
0x37: {  	[smem:$0x3F99] =	sst s10  }
0x38: {  	s10 =	sld [smem:$0x3F9A]  }
0x39: {  	_ = 	snop;
	(pc) =	sbr.ind lr, $3  }
0x3a: {  	_ = 	snop  }
0x3b: {  	_ = 	snop  }
0x3c: {  	p2 =	seq.s32 s10, $0x1;
	s10 =	sld [smem:$0x3F99]  }
0x3d: {  	_ =	shalt  }
0x3e: {  	_ =	shalt  }
0x3f: {  	_ =	shalt  }
0x40: {  	_ =	shalt  }
0x41: {  	_ =	shalt  }
0x42: {  	_ =	shalt  }
0x43: {  	_ =	shalt  }
0x44: {  	_ =	shalt  }
0x45: {  	_ =	shalt  }
0x46: {  	_ =	shalt  }
0x47: {  	_ =	shalt  }
0x48: {  	_ =	shalt  }
0x49: {  	_ =	shalt  }
0x4a: {  	_ =	shalt  }
0x4b: {  	_ =	shalt  }
0x4c: {  	_ =	shalt  }
0x4d: {  	_ =	shalt  }
0x4e: {  	_ =	shalt  }
0x4f: {  	_ =	shalt  }
0x50: {  	_ =	shalt  }
0x51: {  	_ =	shalt  }
0x52: {  	_ =	shalt  }
0x53: {  	_ =	shalt  }
0x54: {  	_ =	shalt  }
0x55: {  	_ =	shalt  }
0x56: {  	_ =	shalt  }
0x57: {  	_ =	shalt  }
0x58: {  	_ =	shalt  }
0x59: {  	_ =	shalt  }
0x5a: {  	_ =	shalt  }
0x5b: {  	_ =	shalt  }
0x5c: {  	_ =	shalt  }
0x5d: {  	_ =	shalt  }
0x5e: {  	_ =	shalt  }
0x5f: {  	_ =	shalt  }
0x60: {  	_ =	shalt  }
0x61: {  	_ =	shalt  }
0x62: {  	_ =	shalt  }
0x63: {  	_ =	shalt  }
0x64: {  	_ =	shalt  }
0x65: {  	_ =	shalt  }
0x66: {  	_ =	shalt  }
0x67: {  	_ =	shalt  }
0x68: {  	_ =	shalt  }
0x69: {  	_ =	shalt  }
0x6a: {  	_ =	shalt  }
0x6b: {  	_ =	shalt  }
0x6c: {  	_ =	shalt  }
0x6d: {  	_ =	shalt  }
0x6e: {  	_ =	shalt  }
0x6f: {  	_ =	shalt  }
0x70: {  	_ =	shalt  }
0x71: {  	_ =	shalt  }
0x72: {  	_ =	shalt  }
0x73: {  	_ =	shalt  }
0x74: {  	_ =	shalt  }
0x75: {  	_ =	shalt  }
0x76: {  	_ =	shalt  }
0x77: {  	_ =	shalt  }
0x78: {  	_ =	shalt  }
0x79: {  	_ =	shalt  }
0x7a: {  	_ =	shalt  }
0x7b: {  	_ =	shalt  }
0x7c: {  	_ =	shalt  }
0x7d: {  	_ =	shalt  }
0x7e: {  	_ =	shalt  }
0x7f: {  	_ =	shalt  }
0x80: {  	_ =	shalt  }
0x81: {  	_ =	shalt  }
0x82: {  	_ =	shalt  }
0x83: {  	_ =	shalt  }
0x84: {  	_ =	shalt  }
0x85: {  	_ =	shalt  }
0x86: {  	_ =	shalt  }
0x87: {  	_ =	shalt  }
.Lfunc_end0:
.L_simem_size_0:
called_computation.3_lowered:
.L_overlay_start_0:
0x88: {  	s2 =	sld [smem:$0x3FD9]  }
0x89: {  	s3 =	sld [smem:$0x3FFE];
	_ =	sdelay $0x1  }
0x8a: {  	s1 =	srdreg.scid  }
0x8b: {  	s0 =	sand.u32 $0x1, s1  }
0x8c: {  	s16 =	sshll.u32 s0, $0xA;
	s2 =	sadd.s32 s3, s2  }
0x8d: {  	s2 =	sadd.s32 s2, s16  }
0x8e: {  	[smem:$0x3FA5] =	sst s2  }
0x8f: {  	_ = 	snop  }
0x90: {  	(tm) =	ssettm $0x1  }
0x91: {  	s17 =	sld [smem:$0x3FFB];
	_ =	sdelay $0x3  }
0x92: {  	_ =	strace s17  }
0x93: {  	s2 =	sld [smem:$0x3FFC];
	_ =	sdelay $0x3  }
0x94: {  	_ =	strace s2  }
0x95: {  	s2 =	sld [smem:$0x3FFD];
	_ =	sdelay $0x3  }
0x96: {  	_ =	strace s2  }
0x97: {  	_ =	strace $0x8FFFFFFF  }
0x98: {  	s18 =	sld [smem:$0x3FDB];
	_ =	sdelay $0x1  }
0x99: {  	s19 =	simm.s32 $_scs_section_size  }
0x9a: {  	s4 =	simm.s32 $_size__tile_overlayer_lowered;
	s5 =	simm.s32 $_tile_overlayer_lowered  }
0x9b: {  	s22 =	simm.s32 $0x1BFF;
	s21 =	sshll.u32 s5, $0x1;
	s2 =	sadd.s32 s19, s18  }
0x9c: {  	s6 =	simm.s32 $0x0;
	s20 =	sshll.u32 s4, $0x1;
	s4 =	sadd.s32 s21, s2  }
0x9d: {  	[timem:s6], [sflag:s22] =	dma.local [hbm:s4], s20  }
0x9e: {  	_ =	swait.ge [sflag:s22], s20  }
0x9f: {  	s3 =	ssub.s32 $0x0, s20;
	[sflag:s22] =	ssyncset.done $0x0  }
0xa0: {  	[sflag:s22] =	ssyncadd.s32 s3;
	_ =	sdelay $0x1  }
0xa1: {  	s23 =	simm.s32 $0x1B8B  }
0xa2: {  	_ =	swait.ge [sflag:s23], $0x1  }
0xa3: {  	[sflag:s23] =	ssyncset.done $0x0  }
0xa4: {  	s25 =	simm.s32 $0x1B8E;
	s24 =	sld [smem:$0x3FFE];
	[sflag:s23] =	ssyncadd.s32 $0xFFFFFFFF  }
0xa5: {  	s26 =	simm.s32 $execute0_lowered;
	[smem:$0x3FD2] =	sst s25  }
0xa6: {  	s4 =	sshll.u32 s26, $0x1;
	_ =	strace $0x8000004F;
	[dreg:$0x1] =	wrdreg $0xFFFFFFFF  }
0xa7: {  	s28 =	simm.s32 $_size_execute0_lowered;
	s2 =	sadd.s32 s2, s4;
	[dreg:$0x0] =	wrdreg $0x0  }
0xa8: {  	s4 =	sshll.u32 s28, $0x1;
	[dreg:$0x2] =	wrdreg s2  }
0xa9: {  	[dreg:$0x3] =	wrdreg s4  }
0xaa: {  	[dreg:$0x4] =	wrdreg $0xC0  }
0xab: {  	_ =	task [dreg:s6], $0x5FFFF  }
0xac: {  	[dreg:$0x1] =	wrdreg $0xFFFFFFFF  }
0xad: {  	[dreg:$0x0] =	wrdreg $0x60  }
0xae: {  	[dreg:$0x2] =	wrdreg s24  }
0xaf: {  	[dreg:$0x3] =	wrdreg $0x9  }
0xb0: {  	_ =	task.clear_ibuf [dreg:s6], $0x4FFFF;
	_ =	strace $0x9000004F  }
0xb1: {  	s29 =	simm.s32 $0x9;
	_ =	strace $0x80000051  }
0xb2: {  	_ =	swait.ge [sflag:s29], $0x1  }
0xb3: {  	[sflag:s29] =	ssyncadd.s32 $0xFFFFFFFF  }
0xb4: {  	_ =	strace $0x90000051  }
0xb5: {  	_ =	sfence  }
0xb6: {  	s30 =	sld [smem:$0x0];
	_ =	sdelay $0x2  }
0xb7: {  	s31 =	sshll.u32 s1, $0xD;
	s1 =	sshrl.u32 s1, $0x2  }
0xb8: {  	s3 =	sand.u32 $0x4000, s31;
	s1 =	sadd.s32 s1, s30  }
0xb9: {  	s0 =	sor.u32 s3, s0;
	s1 =	sshll.u32 s1, $0x11  }
0xba: {  	s0 =	sor.u32 s1, s0  }
0xbb: {  	s0 =	sadd.s32 $0x8F2B, s0  }
0xbc: {  	[sflag:s0] =	ssyncadd.remote.s32 $0x1  }
0xbd: {  	_ =	sfence.sel $0xFFFF  }
0xbe: {  	[dreg:$0x0] =	wrdreg $0xFFFFFFFF;
	(pc) =	sbr.abs _section_cstart, $3  }
0xbf: {  	[dreg:$0x1] =	wrdreg $0xFFFFFFFF  }
0xc0: {  	_ =	task.clear_ibuf [dreg:s6], $0x2FFFF;
	_ =	strace $0x9FFFFFFF  }
0xc1: {  	(tm) =	ssettm $0x7FFFFFFF  }
tec
execute0_lowered:
.L_overlay_start_1:
0x0: {  	(tag) =	ssettag $0x1  }
0x1: {  	s0 =	srdreg.scid  }
0x2: {  	s14 =	stileid.u32;
	s1 =	rddreg [dreg:$0x0];
	s2 =	simm.s32 $0x0  }
0x3: {  	s17 =	simm.s32 $0x1400;
	s18 =	simm.s32 $0x28;
	s19 =	simm.s32 $0x2800  }
0x4: {  	s20 =	simm.s32 $0x5000;
	s21 =	simm.s32 $0x3C00;
	s23 =	simm.s32 $0x6400  }
0x5: {  	s24 =	simm.s32 $0x1;
	s25 =	simm.s32 $0x3;
	s26 =	simm.s32 $0x2  }
0x6: {  	s28 =	simm.s32 $0x4;
	s29 =	simm.s32 $0x0;
	s0 =	sand.u32 $0x1, s0  }
0x7: {  	s3 =	sshll.u32 s14, $0x1;
	[smem:$0x7FF] =	sst s2;
	s4 =	sadd.s32 $0x616800, s1  }
0x8: {  	s13 =	sadd.s32 $0x6F800, s1;
	s14 =	smul.u32 $0x27100, s14;
	s5 =	sor.u32 s0, s3  }
0x9: {  	_ =	strace $0x80000050;
	s7 =	ssub.s32 $0x2, s0;
	s0 =	smul.u32 $0x13880, s0  }
0xa: {  	s3 =	sadd.s32 $0x1C400, s1;
	s6 =	smul.u32 $0x1388, s5;
	s8 =	sshrl.u32 s7, $0x1  }
0xb: {  	s12 =	smul.u32 $0x13880, s5;
	s16 =	sadd.s32 s14, s13;
	s7 =	ssub.s32 s7, s8  }
0xc: {  	s31 =	sadd.s32 s0, s16;
	s16 =	simm.s32 $0x5;
	s6 =	sshrl.u32 s6, $0x3  }
0xd: {  	s9 =	sadd.s32 $0x13600, s12;
	s7 =	smax.u32 s7, $0x1;
	s11 =	sadd.s32 $0x13100, s12  }
0xe: {  	s15 =	sadd.s32 $0x13380, s12;
	s6 =	sadd.s32 s6, s1;
	s1 =	sadd.s32 $0x2E0800, s1  }
0xf: {  	s8 =	sadd.s32 s13, s9;
	s10 =	sadd.s32 s13, s11;
	s12 =	sadd.s32 s13, s15  }
0x10: {  	s5 =	sadd.s32 $0xFC00, s6;
	s6 =	sadd.s32 $0x14C00, s6;
	s14 =	sadd.s32 s14, s1  }
0x11: {  	s9 =	sadd.s32 s1, s9;
	s11 =	sadd.s32 s1, s11;
	s0 =	sadd.s32 s0, s14  }
0x12: {  	s13 =	sadd.s32 s1, s15;
	s14 =	sadd.s32 $0x280, s31;
	s15 =	sadd.s32 $0x280, s0  }
.LBB2_1:
0x13: {  	[tilespmem:s2], [sflag:$0x5] =	stream.linear.gather [hbm4b:s5+s2], $0x1388, $0x38;
	[tilespmem:$0x7800] =	vst v63  }
0x14: {  	_ =	swait.ge [sflag:s16], $0x1388  }
0x15: {  	[sflag:s16] =	ssyncset.done $0x0  }
0x16: {  	[sflag:s16] =	ssyncadd.s32 $0xFFFFEC78  }
0x17: {  	[tilespmem:s17], [sflag:$0x5] =	stream.linear.gather [hbm4b:s6+s2], $0x1388, $0x38;
	[tilespmem:$0x7800] =	vst v63  }
0x18: {  	_ =	swait.ge [sflag:s16], $0x1388  }
0x19: {  	[sflag:s16] =	ssyncset.done $0x0  }
0x1a: {  	[sflag:s16] =	ssyncadd.s32 $0xFFFFEC78  }
0x1b: {  	[tilespmem:s19], [sflag:$0x1] =	stream.indirect.gather [hbm4b:s3+s18], $0x80, s2, s18, $0xb8;
	[tilespmem:$0x7800] =	vst v63  }
0x1c: {  	_ = 	snop  }
0x1d: {  	[tilespmem:s20], [sflag:$0x3] =	stream.indirect.gather [hbm4b:s4+s18], $0x80, s17, s18, $0xb8;
	[tilespmem:$0x7800] =	vst v63  }
0x1e: {  	_ = 	snop  }
0x1f: {  	[tilespmem:s21], [sflag:$0x2] =	stream.indirect.gather [hbm4b:s3+s18], $0x80, s18, s18, $0xb8;
	[tilespmem:$0x7800] =	vst v63  }
0x20: {  	s0 =	simm.s32 $0x1428  }
0x21: {  	[tilespmem:s23], [sflag:$0x4] =	stream.indirect.gather [hbm4b:s4+s18], $0x80, s0, s18, $0xb8;
	[tilespmem:$0x7800] =	vst v63  }
0x22: {  	_ =	swait.ge [sflag:s24], $0x1400  }
0x23: {  	[sflag:s24] =	ssyncset.done $0x0  }
0x24: {  	[sflag:s24] =	ssyncadd.s32 $0xFFFFEC00  }
0x25: {  	_ =	swait.ge [sflag:s25], $0x1400  }
0x26: {  	[sflag:s25] =	ssyncset.done $0x0  }
0x27: {  	s22 =	sadd.s32 $0xFFFFFD80, s14;
	[sflag:s25] =	ssyncadd.s32 $0xFFFFEC00  }
0x28: {  	[hbm4b:s22+s2] =	stream.linear.scatter [tilespmem:s19], [sflag:$0x5], $0x1400, $0x38;
	[tilespmem:$0x7800] =	vst v63  }
0x29: {  	_ =	swait.ge [sflag:s16], $0x1400  }
0x2a: {  	[sflag:s16] =	ssyncset.done $0x0  }
0x2b: {  	s1 =	sadd.s32 $0xFFFFFD80, s15;
	[sflag:s16] =	ssyncadd.s32 $0xFFFFEC00  }
0x2c: {  	[hbm4b:s1+s2] =	stream.linear.scatter [tilespmem:s20], [sflag:$0x5], $0x1400, $0x38;
	[tilespmem:$0x7800] =	vst v63  }
0x2d: {  	_ =	swait.ge [sflag:s16], $0x1400  }
0x2e: {  	[sflag:s16] =	ssyncset.done $0x0  }
0x2f: {  	s22 =	simm.s32 $0x50;
	[sflag:s16] =	ssyncadd.s32 $0xFFFFEC00  }
0x30: {  	[tilespmem:s19], [sflag:$0x1] =	stream.indirect.gather [hbm4b:s3+s18], $0x80, s22, s18, $0xb8;
	[tilespmem:$0x7800] =	vst v63  }
0x31: {  	s1 =	simm.s32 $0x1450  }
0x32: {  	[tilespmem:s20], [sflag:$0x3] =	stream.indirect.gather [hbm4b:s4+s18], $0x80, s1, s18, $0xb8;
	[tilespmem:$0x7800] =	vst v63  }
0x33: {  	_ =	swait.ge [sflag:s26], $0x1400  }
0x34: {  	[sflag:s26] =	ssyncset.done $0x0  }
0x35: {  	[sflag:s26] =	ssyncadd.s32 $0xFFFFEC00  }
0x36: {  	_ =	swait.ge [sflag:s28], $0x1400  }
0x37: {  	[sflag:s28] =	ssyncset.done $0x0  }
0x38: {  	[sflag:s28] =	ssyncadd.s32 $0xFFFFEC00  }
0x39: {  	[hbm4b:s14+s2] =	stream.linear.scatter [tilespmem:s21], [sflag:$0x5], $0x1400, $0x38;
	[tilespmem:$0x7800] =	vst v63  }
0x3a: {  	_ =	swait.ge [sflag:s16], $0x1400  }
0x3b: {  	[sflag:s16] =	ssyncset.done $0x0  }
0x3c: {  	[sflag:s16] =	ssyncadd.s32 $0xFFFFEC00  }
0x3d: {  	[hbm4b:s15+s2] =	stream.linear.scatter [tilespmem:s23], [sflag:$0x5], $0x1400, $0x38;
	[tilespmem:$0x7800] =	vst v63  }
0x3e: {  	s30 =	simm.s32 $0x140;
	_ =	swait.ge [sflag:s16], $0x1400  }
0x3f: {  	s31 =	sadd.s32 $0x500, s14;
	s0 =	simm.s32 $0x1478;
	[sflag:s16] =	ssyncset.done $0x0  }
0x40: {  	s22 =	simm.s32 $0x78;
	s1 =	sadd.s32 $0x500, s15;
	[sflag:s16] =	ssyncadd.s32 $0xFFFFEC00  }
0x41: {  	[tilespmem:s21], [sflag:$0x2] =	stream.indirect.gather [hbm4b:s3+s18], $0x80, s22, s18, $0xb8;
	[tilespmem:$0x7800] =	vst v63  }
.LBB2_2:
0x42: {  	[tilespmem:s23], [sflag:$0x4] =	stream.indirect.gather [hbm4b:s4+s18], $0x80, s0, s18, $0xb8;
	[tilespmem:$0x7800] =	vst v63  }
0x43: {  	s0 =	smov.u32 s30;
	s30 =	sadd.s32 $0x140, s30;
	_ =	swait.ge [sflag:s24], $0x1400  }
0x44: {  	p0 =	sne.s32 s30, $0x4C40;
	[sflag:s24] =	ssyncset.done $0x0  }
0x45: {  	[sflag:s24] =	ssyncadd.s32 $0xFFFFEC00  }
0x46: {  	_ =	swait.ge [sflag:s25], $0x1400  }
0x47: {  	[sflag:s25] =	ssyncset.done $0x0  }
0x48: {  	s22 =	sadd.s32 $0xFFFFFD80, s31;
	[sflag:s25] =	ssyncadd.s32 $0xFFFFEC00  }
0x49: {  	[hbm4b:s22+s2] =	stream.linear.scatter [tilespmem:s19], [sflag:$0x5], $0x1400, $0x38;
	[tilespmem:$0x7800] =	vst v63  }
0x4a: {  	_ =	swait.ge [sflag:s16], $0x1400  }
0x4b: {  	[sflag:s16] =	ssyncset.done $0x0  }
0x4c: {  	s22 =	sadd.s32 $0xFFFFFD80, s1;
	[sflag:s16] =	ssyncadd.s32 $0xFFFFEC00  }
0x4d: {  	[hbm4b:s22+s2] =	stream.linear.scatter [tilespmem:s20], [sflag:$0x5], $0x1400, $0x38;
	[tilespmem:$0x7800] =	vst v63  }
0x4e: {  	_ =	swait.ge [sflag:s16], $0x1400  }
0x4f: {  	s0 =	sshra.s32 s0, $0x2;
	[sflag:s16] =	ssyncset.done $0x0  }
0x50: {  	s22 =	sadd.s32 $0x50, s0;
	[sflag:s16] =	ssyncadd.s32 $0xFFFFEC00  }
0x51: {  	[tilespmem:s19], [sflag:$0x1] =	stream.indirect.gather [hbm4b:s3+s18], $0x80, s22, s18, $0xb8;
	[tilespmem:$0x7800] =	vst v63  }
0x52: {  	s22 =	sadd.s32 $0x1450, s0  }
0x53: {  	[tilespmem:s20], [sflag:$0x3] =	stream.indirect.gather [hbm4b:s4+s18], $0x80, s22, s18, $0xb8;
	[tilespmem:$0x7800] =	vst v63  }
0x54: {  	_ =	swait.ge [sflag:s26], $0x1400  }
0x55: {  	[sflag:s26] =	ssyncset.done $0x0  }
0x56: {  	[sflag:s26] =	ssyncadd.s32 $0xFFFFEC00  }
0x57: {  	_ =	swait.ge [sflag:s28], $0x1400  }
0x58: {  	[sflag:s28] =	ssyncset.done $0x0  }
0x59: {  	[sflag:s28] =	ssyncadd.s32 $0xFFFFEC00  }
0x5a: {  	[hbm4b:s31+s2] =	stream.linear.scatter [tilespmem:s21], [sflag:$0x5], $0x1400, $0x38;
	[tilespmem:$0x7800] =	vst v63  }
0x5b: {  	_ =	swait.ge [sflag:s16], $0x1400  }
0x5c: {  	[sflag:s16] =	ssyncset.done $0x0  }
0x5d: {  	[sflag:s16] =	ssyncadd.s32 $0xFFFFEC00  }
0x5e: {  	[hbm4b:s1+s2] =	stream.linear.scatter [tilespmem:s23], [sflag:$0x5], $0x1400, $0x38;
	[tilespmem:$0x7800] =	vst v63  }
.Ltmp0:
0x5f: {  	_ =	swait.ge [sflag:s16], $0x1400;
	(pc) =	sbr.rel @p0 .LBB2_2-.Ltmp0, $4  }
0x60: {  	[sflag:s16] =	ssyncset.done $0x0  }
0x61: {  	s22 =	sadd.s32 $0x78, s0;
	[sflag:s16] =	ssyncadd.s32 $0xFFFFEC00  }
0x62: {  	[tilespmem:s21], [sflag:$0x2] =	stream.indirect.gather [hbm4b:s3+s18], $0x80, s22, s18, $0xb8;
	[tilespmem:$0x7800] =	vst v63  }
0x63: {  	s0 =	sadd.s32 $0x1478, s0;
	s31 =	sadd.s32 $0x500, s31;
	s1 =	sadd.s32 $0x500, s1  }
0x64: {  	[tilespmem:s23], [sflag:$0x4] =	stream.indirect.gather [hbm4b:s4+s18], $0x80, s0, s18, $0xb8;
	[tilespmem:$0x7800] =	vst v63  }
0x65: {  	_ =	swait.ge [sflag:s24], $0x1400  }
0x66: {  	[sflag:s24] =	ssyncset.done $0x0  }
0x67: {  	[sflag:s24] =	ssyncadd.s32 $0xFFFFEC00  }
0x68: {  	_ =	swait.ge [sflag:s25], $0x1400  }
0x69: {  	[sflag:s25] =	ssyncset.done $0x0  }
0x6a: {  	[sflag:s25] =	ssyncadd.s32 $0xFFFFEC00  }
0x6b: {  	[hbm4b:s10+s2] =	stream.linear.scatter [tilespmem:s19], [sflag:$0x5], $0x1400, $0x38;
	[tilespmem:$0x7800] =	vst v63  }
0x6c: {  	_ =	swait.ge [sflag:s16], $0x1400  }
0x6d: {  	[sflag:s16] =	ssyncset.done $0x0  }
0x6e: {  	[sflag:s16] =	ssyncadd.s32 $0xFFFFEC00  }
0x6f: {  	[hbm4b:s11+s2] =	stream.linear.scatter [tilespmem:s20], [sflag:$0x5], $0x1400, $0x38;
	[tilespmem:$0x7800] =	vst v63  }
0x70: {  	_ =	swait.ge [sflag:s16], $0x1400  }
0x71: {  	s31 =	sshra.s32 s30, $0x2;
	[sflag:s16] =	ssyncset.done $0x0  }
0x72: {  	s1 =	sadd.s32 $0x50, s31;
	[sflag:s16] =	ssyncadd.s32 $0xFFFFEC00  }
0x73: {  	[tilespmem:s19], [sflag:$0x1] =	stream.indirect.gather [hbm4b:s3+s18], $0x80, s1, s18, $0xb8;
	[tilespmem:$0x7800] =	vst v63  }
0x74: {  	s0 =	sadd.s32 $0x1450, s31  }
0x75: {  	[tilespmem:s20], [sflag:$0x3] =	stream.indirect.gather [hbm4b:s4+s18], $0x80, s0, s18, $0xb8;
	[tilespmem:$0x7800] =	vst v63  }
0x76: {  	_ =	swait.ge [sflag:s26], $0x1400  }
0x77: {  	[sflag:s26] =	ssyncset.done $0x0  }
0x78: {  	[sflag:s26] =	ssyncadd.s32 $0xFFFFEC00  }
0x79: {  	_ =	swait.ge [sflag:s28], $0x1400  }
0x7a: {  	[sflag:s28] =	ssyncset.done $0x0  }
0x7b: {  	[sflag:s28] =	ssyncadd.s32 $0xFFFFEC00  }
0x7c: {  	[hbm4b:s12+s2] =	stream.linear.scatter [tilespmem:s21], [sflag:$0x5], $0x1400, $0x38;
	[tilespmem:$0x7800] =	vst v63  }
0x7d: {  	_ =	swait.ge [sflag:s16], $0x1400  }
0x7e: {  	[sflag:s16] =	ssyncset.done $0x0  }
0x7f: {  	[sflag:s16] =	ssyncadd.s32 $0xFFFFEC00  }
0x80: {  	[hbm4b:s13+s2] =	stream.linear.scatter [tilespmem:s23], [sflag:$0x5], $0x1400, $0x38;
	[tilespmem:$0x7800] =	vst v63  }
0x81: {  	_ =	swait.ge [sflag:s16], $0x1400  }
0x82: {  	[sflag:s16] =	ssyncset.done $0x0  }
0x83: {  	[sflag:s16] =	ssyncadd.s32 $0xFFFFEC00  }
0x84: {  	_ =	swait.ge [sflag:s24], $0x1400  }
0x85: {  	[sflag:s24] =	ssyncset.done $0x0  }
0x86: {  	[sflag:s24] =	ssyncadd.s32 $0xFFFFEC00  }
0x87: {  	_ =	swait.ge [sflag:s25], $0x1400  }
0x88: {  	[sflag:s25] =	ssyncset.done $0x0  }
0x89: {  	[sflag:s25] =	ssyncadd.s32 $0xFFFFEC00  }
0x8a: {  	[hbm4b:s8+s2] =	stream.linear.scatter [tilespmem:s19], [sflag:$0x5], $0x1400, $0x38;
	[tilespmem:$0x7800] =	vst v63  }
0x8b: {  	s29 =	sadd.s32 $0x1, s29;
	_ =	swait.ge [sflag:s16], $0x1400  }
0x8c: {  	p0 =	sne.s32 s29, s7;
	[sflag:s16] =	ssyncset.done $0x0  }
.Ltmp1:
0x8d: {  	[sflag:s16] =	ssyncadd.s32 $0xFFFFEC00;
	(pc) =	sbr.rel @p0 .LBB2_1-.Ltmp1, $4  }
0x8e: {  	[hbm4b:s9+s2] =	stream.linear.scatter [tilespmem:s20], [sflag:$0x5], $0x1400, $0x38;
	[tilespmem:$0x7800] =	vst v63  }
0x8f: {  	_ =	swait.ge [sflag:s16], $0x1400  }
0x90: {  	[sflag:s16] =	ssyncset.done $0x0  }
0x91: {  	[sflag:s16] =	ssyncadd.s32 $0xFFFFEC00  }
0x92: {  	_ =	sfence.sel $0x180000  }
0x93: {  	[bflag:$0x0] =	sbarrier.arrive $0xFFFF  }
0x94: {  	_ =	strace $0x90000050  }
0x95: {  	s0 =	stileid.u32;
	[bflag:$0x2] =	sbarrier.arrive $0xFFFF  }
0x96: {  	p0 =	sne.s32 s0, $0x0;
	s0 =	rddreg [dreg:$0x1]  }
0x97: {  	s0 =	sadd.s32 @!p0 $0x100000, s0  }
0x98: {  	[sflag:s0] =	ssyncadd.tile.s32 @!p0 $0x1;
	_ =	shalt  }
.Lfunc_end2:
_tile_overlayer_lowered:
.L_overlay_start_2:
0x99: {  	(tag) =	ssettag $0x2  }
0x9a: {  	s0 =	rddreg [dreg:$0x0];
	s2 =	stileid.u32  }
0x9b: {  	s1 =	rddreg [dreg:$0x1];
	p0 =	sne.s32 s2, $0x0  }
0x9c: {  	s3 =	rddreg [dreg:$0x2];
	[bflag:$0x3] =	sbarrier.arrive $0xFFFF;
	s2 =	simm.s32 @!p0 $0x1C05  }
0x9d: {  	[timem:s3], [sflag:s2] =	dma.local @!p0 [hbm:s0], s1  }
0x9e: {  	s0 =	simm.s32 @!p0 $0x5  }
0x9f: {  	_ =	swait.ge @!p0 [sflag:s0], s1  }
0xa0: {  	s1 =	ssub.s32 @!p0 $0x0, s1;
	[sflag:s0] =	ssyncset.done @!p0 $0x0  }
0xa1: {  	[sflag:s0] =	ssyncadd.s32 @!p0 s1  }
0xa2: {  	[bflag:$0x3] =	sbarrier.arrive $0xFFFF  }
0xa3: {  	_ =	shalt  }

// kernel: kernel.29.cloned.1.call-start
scs
__scs_entry_jumppad:
0x0: {  	(pc) =	sbr.rel $0x88, $3  }
0x1: {  	(tag) =	ssettag $0x0;
	lr =	simm.s32 $0x1  }
0x2: {  	[smem:$0x3F7E] =	sst lr;
	_ =	strace $0xD0000000  }
0x3: {  	_ = 	snop  }
0x4: {  	_ = 	snop  }
0x5: {  	_ = 	snop  }
0x6: {  	_ = 	snop  }
0x7: {  	_ = 	snop  }
__scs_overlays_trampoline_lowered:
0x8: {  	[smem:$0x3F8D] =	sst s0  }
0x9: {  	[smem:$0x3F8E] =	sst s1  }
0xa: {  	[smem:$0x3F8F] =	sst s2  }
0xb: {  	[smem:$0x3F90] =	sst s3  }
0xc: {  	[smem:$0x3F91] =	sst s4  }
0xd: {  	[smem:$0x3F92] =	sst s5  }
0xe: {  	[smem:$0x3F93] =	sst s6  }
0xf: {  	[smem:$0x3F94] =	sst s7  }
0x10: {  	[smem:$0x3F95] =	sst s8  }
0x11: {  	[smem:$0x3F96] =	sst s9;
	s0 =	simm.s32 @!p0 $0x0  }
0x12: {  	s1 =	sld [smem:$0x3F7C];
	s0 =	simm.s32 @p0 $0x1  }
0x13: {  	[smem:$0x3F97] =	sst s0;
	s0 =	simm.s32 @!p1 $0x0  }
0x14: {  	s2 =	sld [smem:$0x3F7B];
	s0 =	simm.s32 @p1 $0x1  }
0x15: {  	[smem:$0x3F98] =	sst s0;
	s0 =	simm.s32 @!p2 $0x0  }
0x16: {  	s3 =	sld [smem:$0x3FDB];
	s0 =	simm.s32 @p2 $0x1  }
0x17: {  	s4 =	simm.s32 $0x1BF5;
	[smem:$0x3F9A] =	sst s0  }
0x18: {  	s0 =	sld [smem:$0x3F7D];
	_ =	swait.ge [sflag:s4], $0x0  }
0x19: {  	s7 =	sld [smem:$0x3F7E]  }
0x1a: {  	s8 =	sadd.s32 $0xFFFFE003, lr  }
0x1b: {  	s9 =	sadd.s32 $0xFFFFFEF7, lr;
	s5 =	simm.s32 $0xFFFFFFFF;
	p2 =	slt.u32 s8, $0xFFFFF086  }
0x1c: {  	p1 =	slt.u32 s9, $0xF7A;
	s5 =	simm.s32 @!p2 $0x0  }
0x1d: {  	s5 =	simm.s32 @p1 $0x1;
	p0 =	seq.s32 s7, s2  }
0x1e: {  	s7 =	smul.u32 @!p0 $0xF7A, s2;
	p2 =	seq.s32 @!p0 s5, $0x0  }
0x1f: {  	s9 =	smul.u32 $0xF7A, s1;
	s8 =	simm.s32 @!p0 $0x1BF5;
	p2 =	por !p2, p0  }
0x20: {  	[sflag:s8] =	ssyncset.s32 @!p0 $0xFFFFF086;
	s6 =	sadd.s32 @!p0 s3, s7;
	s7 =	simm.s32 @!p0 $0x108  }
0x21: {  	s3 =	sadd.s32 s3, s9;
	s6 =	sadd.s32 @!p0 $0x88, s6;
	s7 =	simm.s32 @p2 $0x1082  }
0x22: {  	[simem:s7], [sflag:s8] =	dma.local @!p0 [hbm:s6], $0xF7A  }
0x23: {  	s9 =	sor.u32 $0xD0000000, s2;
	s6 =	simm.s32 $0x108;
	_ =	swait.ge @!p0 [sflag:s8], $0x0  }
0x24: {  	s3 =	sadd.s32 $0x88, s3;
	s6 =	simm.s32 @!p1 $0x1082;
	[sflag:s4] =	ssyncset.s32 $0xFFFFF086  }
0x25: {  	[simem:s6], [sflag:s4] =	dma.local [hbm:s3], $0xF7A  }
0x26: {  	[smem:$0x3F7E] =	sst s1;
	(tag) =	ssettag s2;
	_ =	strace s9  }
0x27: {  	s1 =	sld [smem:$0x3F8E]  }
0x28: {  	s2 =	sld [smem:$0x3F8F]  }
0x29: {  	s4 =	sld [smem:$0x3F91]  }
0x2a: {  	p0 =	seq.s32 s5, $0x0;
	s5 =	sld [smem:$0x3F92]  }
0x2b: {  	s6 =	sld [smem:$0x3F93]  }
0x2c: {  	s7 =	sld [smem:$0x3F94]  }
0x2d: {  	s3 =	simm.s32 $0x108;
	s8 =	sld [smem:$0x3F95]  }
0x2e: {  	s3 =	simm.s32 @!p0 $0x1082;
	s9 =	sld [smem:$0x3F96]  }
0x2f: {  	lr =	sadd.s32 s0, s3;
	s0 =	sld [smem:$0x3F8D]  }
0x30: {  	s3 =	sld [smem:$0x3F90]  }
0x31: {  	[smem:$0x3F99] =	sst s10  }
0x32: {  	s10 =	sld [smem:$0x3F97];
	_ =	sdelay $0x3  }
0x33: {  	p0 =	seq.s32 s10, $0x1;
	s10 =	sld [smem:$0x3F99];
	_ =	sdelay $0x3  }
0x34: {  	[smem:$0x3F99] =	sst s10  }
0x35: {  	s10 =	sld [smem:$0x3F98];
	_ =	sdelay $0x3  }
0x36: {  	p1 =	seq.s32 s10, $0x1;
	s10 =	sld [smem:$0x3F99];
	_ =	sdelay $0x3  }
0x37: {  	[smem:$0x3F99] =	sst s10  }
0x38: {  	s10 =	sld [smem:$0x3F9A]  }
0x39: {  	_ = 	snop;
	(pc) =	sbr.ind lr, $3  }
0x3a: {  	_ = 	snop  }
0x3b: {  	_ = 	snop  }
0x3c: {  	p2 =	seq.s32 s10, $0x1;
	s10 =	sld [smem:$0x3F99]  }
0x3d: {  	_ =	shalt  }
0x3e: {  	_ =	shalt  }
0x3f: {  	_ =	shalt  }
0x40: {  	_ =	shalt  }
0x41: {  	_ =	shalt  }
0x42: {  	_ =	shalt  }
0x43: {  	_ =	shalt  }
0x44: {  	_ =	shalt  }
0x45: {  	_ =	shalt  }
0x46: {  	_ =	shalt  }
0x47: {  	_ =	shalt  }
0x48: {  	_ =	shalt  }
0x49: {  	_ =	shalt  }
0x4a: {  	_ =	shalt  }
0x4b: {  	_ =	shalt  }
0x4c: {  	_ =	shalt  }
0x4d: {  	_ =	shalt  }
0x4e: {  	_ =	shalt  }
0x4f: {  	_ =	shalt  }
0x50: {  	_ =	shalt  }
0x51: {  	_ =	shalt  }
0x52: {  	_ =	shalt  }
0x53: {  	_ =	shalt  }
0x54: {  	_ =	shalt  }
0x55: {  	_ =	shalt  }
0x56: {  	_ =	shalt  }
0x57: {  	_ =	shalt  }
0x58: {  	_ =	shalt  }
0x59: {  	_ =	shalt  }
0x5a: {  	_ =	shalt  }
0x5b: {  	_ =	shalt  }
0x5c: {  	_ =	shalt  }
0x5d: {  	_ =	shalt  }
0x5e: {  	_ =	shalt  }
0x5f: {  	_ =	shalt  }
0x60: {  	_ =	shalt  }
0x61: {  	_ =	shalt  }
0x62: {  	_ =	shalt  }
0x63: {  	_ =	shalt  }
0x64: {  	_ =	shalt  }
0x65: {  	_ =	shalt  }
0x66: {  	_ =	shalt  }
0x67: {  	_ =	shalt  }
0x68: {  	_ =	shalt  }
0x69: {  	_ =	shalt  }
0x6a: {  	_ =	shalt  }
0x6b: {  	_ =	shalt  }
0x6c: {  	_ =	shalt  }
0x6d: {  	_ =	shalt  }
0x6e: {  	_ =	shalt  }
0x6f: {  	_ =	shalt  }
0x70: {  	_ =	shalt  }
0x71: {  	_ =	shalt  }
0x72: {  	_ =	shalt  }
0x73: {  	_ =	shalt  }
0x74: {  	_ =	shalt  }
0x75: {  	_ =	shalt  }
0x76: {  	_ =	shalt  }
0x77: {  	_ =	shalt  }
0x78: {  	_ =	shalt  }
0x79: {  	_ =	shalt  }
0x7a: {  	_ =	shalt  }
0x7b: {  	_ =	shalt  }
0x7c: {  	_ =	shalt  }
0x7d: {  	_ =	shalt  }
0x7e: {  	_ =	shalt  }
0x7f: {  	_ =	shalt  }
0x80: {  	_ =	shalt  }
0x81: {  	_ =	shalt  }
0x82: {  	_ =	shalt  }
0x83: {  	_ =	shalt  }
0x84: {  	_ =	shalt  }
0x85: {  	_ =	shalt  }
0x86: {  	_ =	shalt  }
0x87: {  	_ =	shalt  }
.Lfunc_end0:
.L_simem_size_0:
called_computation.4_lowered:
.L_overlay_start_0:
0x88: {  	s2 =	sld [smem:$0x3FD9]  }
0x89: {  	s3 =	sld [smem:$0x3FFE];
	_ =	sdelay $0x1  }
0x8a: {  	s1 =	srdreg.scid  }
0x8b: {  	s0 =	sand.u32 $0x1, s1  }
0x8c: {  	s17 =	sshll.u32 s0, $0xA;
	s2 =	sadd.s32 s3, s2  }
0x8d: {  	s2 =	sadd.s32 s2, s17  }
0x8e: {  	[smem:$0x3FA5] =	sst s2  }
0x8f: {  	_ = 	snop  }
0x90: {  	s2 =	sld [smem:$0x3FD0];
	(tm) =	ssettm $0x1  }
0x91: {  	s18 =	sld [smem:$0x3FFB];
	_ =	sdelay $0x3  }
0x92: {  	_ =	strace s18  }
0x93: {  	s3 =	sld [smem:$0x3FFC];
	_ =	sdelay $0x3  }
0x94: {  	_ =	strace s3  }
0x95: {  	s3 =	sld [smem:$0x3FFD];
	_ =	sdelay $0x3  }
0x96: {  	_ =	strace s3  }
0x97: {  	_ =	strace $0x8FFFFFFF  }
0x98: {  	s19 =	sld [smem:$0x3FDB];
	_ =	sdelay $0x1  }
0x99: {  	s4 =	simm.s32 $_scs_section_size  }
0x9a: {  	s5 =	simm.s32 $_size__tile_overlayer_lowered;
	s6 =	simm.s32 $_tile_overlayer_lowered  }
0x9b: {  	s22 =	simm.s32 $0x1BFF;
	s21 =	sshll.u32 s6, $0x1;
	s3 =	sadd.s32 s4, s19  }
0x9c: {  	s7 =	simm.s32 $0x0;
	s20 =	sshll.u32 s5, $0x1;
	s5 =	sadd.s32 s21, s3  }
0x9d: {  	[timem:s7], [sflag:s22] =	dma.local [hbm:s5], s20  }
0x9e: {  	_ =	swait.ge [sflag:s22], s20  }
0x9f: {  	s4 =	ssub.s32 $0x0, s20;
	[sflag:s22] =	ssyncset.done $0x0  }
0xa0: {  	[sflag:s22] =	ssyncadd.s32 s4;
	_ =	sdelay $0x1  }
0xa1: {  	s23 =	simm.s32 $0x1B8B  }
0xa2: {  	_ =	swait.ge [sflag:s23], $0x1  }
0xa3: {  	[sflag:s23] =	ssyncset.done $0x0  }
0xa4: {  	s25 =	simm.s32 $0x1B8E;
	s24 =	sld [smem:$0x3FFE];
	[sflag:s23] =	ssyncadd.s32 $0xFFFFFFFF  }
0xa5: {  	s26 =	simm.s32 $execute0_lowered;
	[smem:$0x3FD2] =	sst s25  }
0xa6: {  	s5 =	sshll.u32 s26, $0x1;
	_ =	strace $0x80000052;
	[dreg:$0x1] =	wrdreg $0xFFFFFFFF  }
0xa7: {  	s28 =	simm.s32 $_size_execute0_lowered;
	s3 =	sadd.s32 s3, s5;
	[dreg:$0x0] =	wrdreg $0x0  }
0xa8: {  	s5 =	sshll.u32 s28, $0x1;
	[dreg:$0x2] =	wrdreg s3  }
0xa9: {  	[dreg:$0x3] =	wrdreg s5  }
0xaa: {  	[dreg:$0x4] =	wrdreg $0xC0  }
0xab: {  	_ =	task [dreg:s7], $0x5FFFF  }
0xac: {  	[dreg:$0x1] =	wrdreg $0xFFFFFFFF  }
0xad: {  	[dreg:$0x0] =	wrdreg $0x60  }
0xae: {  	[dreg:$0x2] =	wrdreg s24  }
0xaf: {  	[dreg:$0x3] =	wrdreg s2  }
0xb0: {  	[dreg:$0x4] =	wrdreg $0x68000  }
0xb1: {  	[dreg:$0x5] =	wrdreg $0x9  }
0xb2: {  	_ =	task.clear_ibuf [dreg:s7], $0x6FFFF;
	_ =	strace $0x90000052  }
0xb3: {  	s29 =	simm.s32 $0x9;
	_ =	strace $0x80000054  }
0xb4: {  	_ =	swait.ge [sflag:s29], $0x1  }
0xb5: {  	[sflag:s29] =	ssyncadd.s32 $0xFFFFFFFF  }
0xb6: {  	_ =	strace $0x90000054  }
0xb7: {  	_ =	sfence  }
0xb8: {  	s30 =	sld [smem:$0x0];
	_ =	sdelay $0x2  }
0xb9: {  	s31 =	sshll.u32 s1, $0xD;
	s1 =	sshrl.u32 s1, $0x2  }
0xba: {  	s3 =	sand.u32 $0x4000, s31;
	s1 =	sadd.s32 s1, s30  }
0xbb: {  	s0 =	sor.u32 s3, s0;
	s1 =	sshll.u32 s1, $0x11  }
0xbc: {  	s0 =	sor.u32 s1, s0  }
0xbd: {  	s0 =	sadd.s32 $0x8F2B, s0  }
0xbe: {  	[sflag:s0] =	ssyncadd.remote.s32 $0x1  }
0xbf: {  	_ =	sfence.sel $0xFFFF  }
0xc0: {  	[dreg:$0x0] =	wrdreg $0xFFFFFFFF;
	(pc) =	sbr.abs _section_cstart, $3  }
0xc1: {  	[dreg:$0x1] =	wrdreg $0xFFFFFFFF  }
0xc2: {  	_ =	task.clear_ibuf [dreg:s7], $0x2FFFF;
	_ =	strace $0x9FFFFFFF  }
0xc3: {  	(tm) =	ssettm $0x7FFFFFFF  }
tec
execute0_lowered:
.L_overlay_start_1:
0x0: {  	(tag) =	ssettag $0x1  }
0x1: {  	s5 =	rddreg [dreg:$0x0]  }
0x2: {  	s6 =	rddreg [dreg:$0x1]  }
0x3: {  	s1 =	rddreg [dreg:$0x2]  }
0x4: {  	s0 =	rddreg [dreg:$0x3];
	s3 =	simm.s32 $0x0;
	s2 =	srdreg.scid  }
0x5: {  	s16 =	simm.s32 $0x5400;
	s17 =	simm.s32 $0x1;
	s7 =	sand.u32 $0x1, s2  }
0x6: {  	s18 =	simm.s32 $0x28;
	s2 =	stileid.u32;
	s8 =	smul.u32 $0x140000, s7  }
0x7: {  	s19 =	simm.s32 $0x2;
	s20 =	simm.s32 $0x3D00;
	s9 =	smul.u32 $0x14000, s2  }
0x8: {  	[smem:$0x7FF] =	sst s3;
	s10 =	sadd.s32 $0xAF8800, s5;
	s11 =	smul.u32 $0x13880, s7  }
0x9: {  	s4 =	sadd.s32 $0x19C00, s5;
	_ =	strace $0x80000053;
	s12 =	smul.u32 $0x50000, s2  }
0xa: {  	s21 =	ssub.s32 $0x2, s7;
	s14 =	smul.u32 $0x1388, s2;
	s25 =	sshll.u32 s2, $0x6  }
0xb: {  	s26 =	sshll.u32 s7, $0xF;
	s28 =	sshll.u32 s2, $0xB;
	s29 =	smul.u32 $0x138800, s7  }
0xc: {  	s30 =	smul.u32 $0x13880, s2;
	s13 =	sshrl.u32 s21, $0x1;
	s6 =	sadd.s32 s6, s28  }
0xd: {  	s8 =	sadd.s32 s9, s8;
	s13 =	ssub.s32 s21, s13;
	s22 =	sshrl.u32 s12, $0x2  }
0xe: {  	s23 =	sadd.s32 s14, s11;
	s6 =	sadd.s32 s26, s6;
	s31 =	sadd.s32 s29, s10  }
0xf: {  	s14 =	simm.s32 $0x3;
	s21 =	simm.s32 $0x3D80;
	s8 =	sshrl.u32 s8, $0x3  }
0x10: {  	s24 =	sadd.s32 s22, s1;
	s12 =	sadd.s32 s30, s31;
	s22 =	simm.s32 $0x3E00  }
0x11: {  	s15 =	sadd.s32 s8, s5;
	s5 =	sor.u32 $0x1C03, s25;
	s8 =	sshll.u32 s23, $0x4  }
0x12: {  	s12 =	sadd.s32 $0x780, s12;
	s23 =	simm.s32 $0x0;
	s7 =	sadd.s32 s10, s8  }
0x13: {  	s9 =	sadd.s32 $0x1C400, s15;
	s10 =	smax.u32 s13, $0x1;
	s13 =	sshrl.u32 s24, $0x3  }
0x14: {  	s15 =	simm.s32 $0x4000;
	s8 =	sadd.s32 $0x280, s7;
	s11 =	sadd.s32 $0x13600, s7  }
.LBB2_1:
0x15: {  	[spmem:s13], [sflag:s5] =	dma.local [hbm:s4], $0x2800  }
0x16: {  	_ =	swait.ge [sflag:s14], $0x2800  }
0x17: {  	[sflag:s14] =	ssyncset.done $0x0  }
0x18: {  	[sflag:s14] =	ssyncadd.s32 $0xFFFFD800  }
0x19: {  	[tilespmem:s3], [sflag:$0x3] =	stream.linear.gather [hbm4b:s6+s3], $0x3E80, $0x38;
	[tilespmem:$0x1A800] =	vst v63  }
0x1a: {  	_ =	swait.ge [sflag:s14], $0x3E80  }
0x1b: {  	[sflag:s14] =	ssyncset.done $0x0  }
0x1c: {  	[sflag:s14] =	ssyncadd.s32 $0xFFFFC180  }
0x1d: {  	[bflag:$0x0] =	sbarrier.arrive $0xFFFF  }
0x1e: {  	[tilespmem:s15], [sflag:$0x1] =	stream.linear.gather [hbm4b:s7+s3], $0x1400, $0x38;
	[tilespmem:$0x1A800] =	vst v63  }
0x1f: {  	_ = 	snop  }
0x20: {  	[tilespmem:s16], [sflag:$0x2] =	stream.linear.gather [hbm4b:s8+s3], $0x1400, $0x38;
	[tilespmem:$0x1A800] =	vst v63  }
0x21: {  	_ =	swait.ge [sflag:s17], $0x1400  }
0x22: {  	[sflag:s17] =	ssyncset.done $0x0  }
0x23: {  	s24 =	simm.s32 $0x0;
	[sflag:s17] =	ssyncadd.s32 $0xFFFFEC00  }
0x24: {  	[spmem:s1] =	stream.indirect.scatter.add.f32 [tilespmem:s15], [sflag:$0x3], $0x80, s24, s18, $0xb8;
	[tilespmem:$0x1A800] =	vst v63  }
0x25: {  	_ =	swait.ge [sflag:s14], $0x1400  }
0x26: {  	[sflag:s14] =	ssyncset.done $0x0  }
0x27: {  	s30 =	sadd.s32 $0xFFFFFD80, s12;
	[sflag:s14] =	ssyncadd.s32 $0xFFFFEC00  }
0x28: {  	[tilespmem:s15], [sflag:$0x1] =	stream.linear.gather [hbm4b:s30+s3], $0x1400, $0x38;
	[tilespmem:$0x1A800] =	vst v63  }
0x29: {  	_ =	swait.ge [sflag:s19], $0x1400  }
0x2a: {  	[sflag:s19] =	ssyncset.done $0x0  }
0x2b: {  	s31 =	simm.s32 $0x80;
	[sflag:s19] =	ssyncadd.s32 $0xFFFFEC00  }
0x2c: {  	[spmem:s1] =	stream.indirect.scatter.add.f32 [tilespmem:s16], [sflag:$0x3], $0x80, s31, s18, $0xb8;
	[tilespmem:$0x1A800] =	vst v63  }
0x2d: {  	_ =	swait.ge [sflag:s14], $0x1400  }
0x2e: {  	s25 =	sadd.s32 $0x500, s12;
	[sflag:s14] =	ssyncset.done $0x0  }
0x2f: {  	s26 =	smov.u32 s12;
	s24 =	simm.s32 $0x400;
	[sflag:s14] =	ssyncadd.s32 $0xFFFFEC00  }
.LBB2_2:
0x30: {  	[tilespmem:s16], [sflag:$0x2] =	stream.linear.gather [hbm4b:s26+s3], $0x1400, $0x38;
	[tilespmem:$0x1A800] =	vst v63  }
0x31: {  	s28 =	smov.u32 s24;
	s26 =	smov.u32 s25  }
0x32: {  	p0 =	sne.s32 s24, $0xF000;
	s24 =	sadd.s32 $0x400, s24;
	_ =	swait.ge [sflag:s17], $0x1400  }
0x33: {  	[sflag:s17] =	ssyncset.done $0x0  }
0x34: {  	s28 =	sshra.s32 s28, $0x2;
	[sflag:s17] =	ssyncadd.s32 $0xFFFFEC00  }
0x35: {  	[spmem:s1] =	stream.indirect.scatter.add.f32 [tilespmem:s15], [sflag:$0x3], $0x80, s28, s18, $0xb8;
	[tilespmem:$0x1A800] =	vst v63  }
0x36: {  	_ =	swait.ge [sflag:s14], $0x1400  }
0x37: {  	[sflag:s14] =	ssyncset.done $0x0  }
0x38: {  	s29 =	sadd.s32 $0xFFFFFD80, s25;
	[sflag:s14] =	ssyncadd.s32 $0xFFFFEC00  }
0x39: {  	[tilespmem:s15], [sflag:$0x1] =	stream.linear.gather [hbm4b:s29+s3], $0x1400, $0x38;
	[tilespmem:$0x1A800] =	vst v63  }
0x3a: {  	_ =	swait.ge [sflag:s19], $0x1400  }
0x3b: {  	[sflag:s19] =	ssyncset.done $0x0  }
.Ltmp0:
0x3c: {  	s28 =	sadd.s32 $0x80, s28;
	[sflag:s19] =	ssyncadd.s32 $0xFFFFEC00;
	(pc) =	sbr.rel @p0 .LBB2_2-.Ltmp0, $4  }
0x3d: {  	[spmem:s1] =	stream.indirect.scatter.add.f32 [tilespmem:s16], [sflag:$0x3], $0x80, s28, s18, $0xb8;
	[tilespmem:$0x1A800] =	vst v63  }
0x3e: {  	_ =	swait.ge [sflag:s14], $0x1400  }
0x3f: {  	[sflag:s14] =	ssyncset.done $0x0  }
0x40: {  	s25 =	sadd.s32 $0x500, s25;
	[sflag:s14] =	ssyncadd.s32 $0xFFFFEC00  }
0x41: {  	[tilespmem:s16], [sflag:$0x2] =	stream.linear.gather [hbm4b:s26+s3], $0x1400, $0x38;
	[tilespmem:$0x1A800] =	vst v63  }
0x42: {  	_ =	swait.ge [sflag:s17], $0x1400  }
0x43: {  	[sflag:s17] =	ssyncset.done $0x0  }
0x44: {  	[sflag:s17] =	ssyncadd.s32 $0xFFFFEC00  }
0x45: {  	[spmem:s1] =	stream.indirect.scatter.add.f32 [tilespmem:s15], [sflag:$0x3], $0x80, s20, s18, $0xb8;
	[tilespmem:$0x1A800] =	vst v63  }
0x46: {  	_ =	swait.ge [sflag:s14], $0x1400  }
0x47: {  	[sflag:s14] =	ssyncset.done $0x0  }
0x48: {  	[sflag:s14] =	ssyncadd.s32 $0xFFFFEC00  }
0x49: {  	[tilespmem:s15], [sflag:$0x1] =	stream.linear.gather [hbm4b:s11+s3], $0x1400, $0x38;
	[tilespmem:$0x1A800] =	vst v63  }
0x4a: {  	_ =	swait.ge [sflag:s19], $0x1400  }
0x4b: {  	[sflag:s19] =	ssyncset.done $0x0  }
0x4c: {  	[sflag:s19] =	ssyncadd.s32 $0xFFFFEC00  }
0x4d: {  	[spmem:s1] =	stream.indirect.scatter.add.f32 [tilespmem:s16], [sflag:$0x3], $0x80, s21, s18, $0xb8;
	[tilespmem:$0x1A800] =	vst v63  }
0x4e: {  	_ =	swait.ge [sflag:s14], $0x1400  }
0x4f: {  	[sflag:s14] =	ssyncset.done $0x0  }
0x50: {  	[sflag:s14] =	ssyncadd.s32 $0xFFFFEC00  }
0x51: {  	_ =	swait.ge [sflag:s17], $0x1400  }
0x52: {  	[sflag:s17] =	ssyncset.done $0x0  }
0x53: {  	[sflag:s17] =	ssyncadd.s32 $0xFFFFEC00  }
0x54: {  	[spmem:s1] =	stream.indirect.scatter.add.f32 [tilespmem:s15], [sflag:$0x3], $0x80, s22, s18, $0xb8;
	[tilespmem:$0x1A800] =	vst v63  }
0x55: {  	_ =	swait.ge [sflag:s14], $0x1400  }
0x56: {  	s23 =	sadd.s32 $0x1, s23;
	[sflag:s14] =	ssyncset.done $0x0  }
0x57: {  	p0 =	sne.s32 s23, s10;
	[sflag:s14] =	ssyncadd.s32 $0xFFFFEC00  }
.Ltmp1:
0x58: {  	[bflag:$0x0] =	sbarrier.arrive $0xFFFF;
	(pc) =	sbr.rel @p0 .LBB2_1-.Ltmp1, $4  }
0x59: {  	[hbm:s9], [sflag:s5] =	dma.local [spmem:s13], $0x2800  }
0x5a: {  	_ =	swait.ge [sflag:s14], $0x2800  }
0x5b: {  	[sflag:s14] =	ssyncset.done $0x0  }
0x5c: {  	[sflag:s14] =	ssyncadd.s32 $0xFFFFD800  }
0x5d: {  	_ =	sfence.sel $0x180000  }
0x5e: {  	[bflag:$0x0] =	sbarrier.arrive $0xFFFF  }
0x5f: {  	p0 =	sne.s32 s2, $0x0;
	_ =	strace $0x90000053  }
0x60: {  	s0 =	sadd.s32 @!p0 $0x100000, s0;
	[bflag:$0x2] =	sbarrier.arrive $0xFFFF  }
0x61: {  	[sflag:s0] =	ssyncadd.tile.s32 @!p0 $0x1;
	_ =	shalt  }
.Lfunc_end2:
_tile_overlayer_lowered:
.L_overlay_start_2:
0x62: {  	(tag) =	ssettag $0x2  }
0x63: {  	s0 =	rddreg [dreg:$0x0];
	s2 =	stileid.u32  }
0x64: {  	s1 =	rddreg [dreg:$0x1];
	p0 =	sne.s32 s2, $0x0  }
0x65: {  	s3 =	rddreg [dreg:$0x2];
	[bflag:$0x3] =	sbarrier.arrive $0xFFFF;
	s2 =	simm.s32 @!p0 $0x1C03  }
0x66: {  	[timem:s3], [sflag:s2] =	dma.local @!p0 [hbm:s0], s1  }
0x67: {  	s0 =	simm.s32 @!p0 $0x3  }
0x68: {  	_ =	swait.ge @!p0 [sflag:s0], s1  }
0x69: {  	s1 =	ssub.s32 @!p0 $0x0, s1;
	[sflag:s0] =	ssyncset.done @!p0 $0x0  }
0x6a: {  	[sflag:s0] =	ssyncadd.s32 @!p0 s1  }
0x6b: {  	[bflag:$0x3] =	sbarrier.arrive $0xFFFF  }
0x6c: {  	_ =	shalt  }

// kernel: kernel.32.cloned.1.call-start
scs
__scs_entry_jumppad:
0x0: {  	(pc) =	sbr.rel $0x88, $3  }
0x1: {  	(tag) =	ssettag $0x0;
	lr =	simm.s32 $0x1  }
0x2: {  	[smem:$0x3F7E] =	sst lr;
	_ =	strace $0xD0000000  }
0x3: {  	_ = 	snop  }
0x4: {  	_ = 	snop  }
0x5: {  	_ = 	snop  }
0x6: {  	_ = 	snop  }
0x7: {  	_ = 	snop  }
__scs_overlays_trampoline_lowered:
0x8: {  	[smem:$0x3F8D] =	sst s0  }
0x9: {  	[smem:$0x3F8E] =	sst s1  }
0xa: {  	[smem:$0x3F8F] =	sst s2  }
0xb: {  	[smem:$0x3F90] =	sst s3  }
0xc: {  	[smem:$0x3F91] =	sst s4  }
0xd: {  	[smem:$0x3F92] =	sst s5  }
0xe: {  	[smem:$0x3F93] =	sst s6  }
0xf: {  	[smem:$0x3F94] =	sst s7  }
0x10: {  	[smem:$0x3F95] =	sst s8  }
0x11: {  	[smem:$0x3F96] =	sst s9;
	s0 =	simm.s32 @!p0 $0x0  }
0x12: {  	s1 =	sld [smem:$0x3F7C];
	s0 =	simm.s32 @p0 $0x1  }
0x13: {  	[smem:$0x3F97] =	sst s0;
	s0 =	simm.s32 @!p1 $0x0  }
0x14: {  	s2 =	sld [smem:$0x3F7B];
	s0 =	simm.s32 @p1 $0x1  }
0x15: {  	[smem:$0x3F98] =	sst s0;
	s0 =	simm.s32 @!p2 $0x0  }
0x16: {  	s3 =	sld [smem:$0x3FDB];
	s0 =	simm.s32 @p2 $0x1  }
0x17: {  	s4 =	simm.s32 $0x1BF5;
	[smem:$0x3F9A] =	sst s0  }
0x18: {  	s0 =	sld [smem:$0x3F7D];
	_ =	swait.ge [sflag:s4], $0x0  }
0x19: {  	s7 =	sld [smem:$0x3F7E]  }
0x1a: {  	s8 =	sadd.s32 $0xFFFFE003, lr  }
0x1b: {  	s9 =	sadd.s32 $0xFFFFFEF7, lr;
	s5 =	simm.s32 $0xFFFFFFFF;
	p2 =	slt.u32 s8, $0xFFFFF086  }
0x1c: {  	p1 =	slt.u32 s9, $0xF7A;
	s5 =	simm.s32 @!p2 $0x0  }
0x1d: {  	s5 =	simm.s32 @p1 $0x1;
	p0 =	seq.s32 s7, s2  }
0x1e: {  	s7 =	smul.u32 @!p0 $0xF7A, s2;
	p2 =	seq.s32 @!p0 s5, $0x0  }
0x1f: {  	s9 =	smul.u32 $0xF7A, s1;
	s8 =	simm.s32 @!p0 $0x1BF5;
	p2 =	por !p2, p0  }
0x20: {  	[sflag:s8] =	ssyncset.s32 @!p0 $0xFFFFF086;
	s6 =	sadd.s32 @!p0 s3, s7;
	s7 =	simm.s32 @!p0 $0x108  }
0x21: {  	s3 =	sadd.s32 s3, s9;
	s6 =	sadd.s32 @!p0 $0x88, s6;
	s7 =	simm.s32 @p2 $0x1082  }
0x22: {  	[simem:s7], [sflag:s8] =	dma.local @!p0 [hbm:s6], $0xF7A  }
0x23: {  	s9 =	sor.u32 $0xD0000000, s2;
	s6 =	simm.s32 $0x108;
	_ =	swait.ge @!p0 [sflag:s8], $0x0  }
0x24: {  	s3 =	sadd.s32 $0x88, s3;
	s6 =	simm.s32 @!p1 $0x1082;
	[sflag:s4] =	ssyncset.s32 $0xFFFFF086  }
0x25: {  	[simem:s6], [sflag:s4] =	dma.local [hbm:s3], $0xF7A  }
0x26: {  	[smem:$0x3F7E] =	sst s1;
	(tag) =	ssettag s2;
	_ =	strace s9  }
0x27: {  	s1 =	sld [smem:$0x3F8E]  }
0x28: {  	s2 =	sld [smem:$0x3F8F]  }
0x29: {  	s4 =	sld [smem:$0x3F91]  }
0x2a: {  	p0 =	seq.s32 s5, $0x0;
	s5 =	sld [smem:$0x3F92]  }
0x2b: {  	s6 =	sld [smem:$0x3F93]  }
0x2c: {  	s7 =	sld [smem:$0x3F94]  }
0x2d: {  	s3 =	simm.s32 $0x108;
	s8 =	sld [smem:$0x3F95]  }
0x2e: {  	s3 =	simm.s32 @!p0 $0x1082;
	s9 =	sld [smem:$0x3F96]  }
0x2f: {  	lr =	sadd.s32 s0, s3;
	s0 =	sld [smem:$0x3F8D]  }
0x30: {  	s3 =	sld [smem:$0x3F90]  }
0x31: {  	[smem:$0x3F99] =	sst s10  }
0x32: {  	s10 =	sld [smem:$0x3F97];
	_ =	sdelay $0x3  }
0x33: {  	p0 =	seq.s32 s10, $0x1;
	s10 =	sld [smem:$0x3F99];
	_ =	sdelay $0x3  }
0x34: {  	[smem:$0x3F99] =	sst s10  }
0x35: {  	s10 =	sld [smem:$0x3F98];
	_ =	sdelay $0x3  }
0x36: {  	p1 =	seq.s32 s10, $0x1;
	s10 =	sld [smem:$0x3F99];
	_ =	sdelay $0x3  }
0x37: {  	[smem:$0x3F99] =	sst s10  }
0x38: {  	s10 =	sld [smem:$0x3F9A]  }
0x39: {  	_ = 	snop;
	(pc) =	sbr.ind lr, $3  }
0x3a: {  	_ = 	snop  }
0x3b: {  	_ = 	snop  }
0x3c: {  	p2 =	seq.s32 s10, $0x1;
	s10 =	sld [smem:$0x3F99]  }
0x3d: {  	_ =	shalt  }
0x3e: {  	_ =	shalt  }
0x3f: {  	_ =	shalt  }
0x40: {  	_ =	shalt  }
0x41: {  	_ =	shalt  }
0x42: {  	_ =	shalt  }
0x43: {  	_ =	shalt  }
0x44: {  	_ =	shalt  }
0x45: {  	_ =	shalt  }
0x46: {  	_ =	shalt  }
0x47: {  	_ =	shalt  }
0x48: {  	_ =	shalt  }
0x49: {  	_ =	shalt  }
0x4a: {  	_ =	shalt  }
0x4b: {  	_ =	shalt  }
0x4c: {  	_ =	shalt  }
0x4d: {  	_ =	shalt  }
0x4e: {  	_ =	shalt  }
0x4f: {  	_ =	shalt  }
0x50: {  	_ =	shalt  }
0x51: {  	_ =	shalt  }
0x52: {  	_ =	shalt  }
0x53: {  	_ =	shalt  }
0x54: {  	_ =	shalt  }
0x55: {  	_ =	shalt  }
0x56: {  	_ =	shalt  }
0x57: {  	_ =	shalt  }
0x58: {  	_ =	shalt  }
0x59: {  	_ =	shalt  }
0x5a: {  	_ =	shalt  }
0x5b: {  	_ =	shalt  }
0x5c: {  	_ =	shalt  }
0x5d: {  	_ =	shalt  }
0x5e: {  	_ =	shalt  }
0x5f: {  	_ =	shalt  }
0x60: {  	_ =	shalt  }
0x61: {  	_ =	shalt  }
0x62: {  	_ =	shalt  }
0x63: {  	_ =	shalt  }
0x64: {  	_ =	shalt  }
0x65: {  	_ =	shalt  }
0x66: {  	_ =	shalt  }
0x67: {  	_ =	shalt  }
0x68: {  	_ =	shalt  }
0x69: {  	_ =	shalt  }
0x6a: {  	_ =	shalt  }
0x6b: {  	_ =	shalt  }
0x6c: {  	_ =	shalt  }
0x6d: {  	_ =	shalt  }
0x6e: {  	_ =	shalt  }
0x6f: {  	_ =	shalt  }
0x70: {  	_ =	shalt  }
0x71: {  	_ =	shalt  }
0x72: {  	_ =	shalt  }
0x73: {  	_ =	shalt  }
0x74: {  	_ =	shalt  }
0x75: {  	_ =	shalt  }
0x76: {  	_ =	shalt  }
0x77: {  	_ =	shalt  }
0x78: {  	_ =	shalt  }
0x79: {  	_ =	shalt  }
0x7a: {  	_ =	shalt  }
0x7b: {  	_ =	shalt  }
0x7c: {  	_ =	shalt  }
0x7d: {  	_ =	shalt  }
0x7e: {  	_ =	shalt  }
0x7f: {  	_ =	shalt  }
0x80: {  	_ =	shalt  }
0x81: {  	_ =	shalt  }
0x82: {  	_ =	shalt  }
0x83: {  	_ =	shalt  }
0x84: {  	_ =	shalt  }
0x85: {  	_ =	shalt  }
0x86: {  	_ =	shalt  }
0x87: {  	_ =	shalt  }
.Lfunc_end0:
.L_simem_size_0:
called_computation.5_lowered:
.L_overlay_start_0:
0x88: {  	s2 =	sld [smem:$0x3FD9]  }
0x89: {  	s3 =	sld [smem:$0x3FFE];
	_ =	sdelay $0x1  }
0x8a: {  	s1 =	srdreg.scid  }
0x8b: {  	s0 =	sand.u32 $0x1, s1  }
0x8c: {  	s16 =	sshll.u32 s0, $0xA;
	s2 =	sadd.s32 s3, s2  }
0x8d: {  	s2 =	sadd.s32 s2, s16  }
0x8e: {  	[smem:$0x3FA5] =	sst s2  }
0x8f: {  	_ = 	snop  }
0x90: {  	(tm) =	ssettm $0x1  }
0x91: {  	s17 =	sld [smem:$0x3FFB];
	_ =	sdelay $0x3  }
0x92: {  	_ =	strace s17  }
0x93: {  	s2 =	sld [smem:$0x3FFC];
	_ =	sdelay $0x3  }
0x94: {  	_ =	strace s2  }
0x95: {  	s2 =	sld [smem:$0x3FFD];
	_ =	sdelay $0x3  }
0x96: {  	_ =	strace s2  }
0x97: {  	_ =	strace $0x8FFFFFFF  }
0x98: {  	s18 =	sld [smem:$0x3FDB];
	_ =	sdelay $0x1  }
0x99: {  	s19 =	simm.s32 $_scs_section_size  }
0x9a: {  	s4 =	simm.s32 $_size__tile_overlayer_lowered;
	s5 =	simm.s32 $_tile_overlayer_lowered  }
0x9b: {  	s22 =	simm.s32 $0x1BFF;
	s21 =	sshll.u32 s5, $0x1;
	s2 =	sadd.s32 s19, s18  }
0x9c: {  	s6 =	simm.s32 $0x0;
	s20 =	sshll.u32 s4, $0x1;
	s4 =	sadd.s32 s21, s2  }
0x9d: {  	[timem:s6], [sflag:s22] =	dma.local [hbm:s4], s20  }
0x9e: {  	_ =	swait.ge [sflag:s22], s20  }
0x9f: {  	s3 =	ssub.s32 $0x0, s20;
	[sflag:s22] =	ssyncset.done $0x0  }
0xa0: {  	[sflag:s22] =	ssyncadd.s32 s3;
	_ =	sdelay $0x1  }
0xa1: {  	s23 =	simm.s32 $0x1B8B  }
0xa2: {  	_ =	swait.ge [sflag:s23], $0x1  }
0xa3: {  	[sflag:s23] =	ssyncset.done $0x0  }
0xa4: {  	s25 =	simm.s32 $0x1B8E;
	s24 =	sld [smem:$0x3FFE];
	[sflag:s23] =	ssyncadd.s32 $0xFFFFFFFF  }
0xa5: {  	s26 =	simm.s32 $execute0_lowered;
	[smem:$0x3FD2] =	sst s25  }
0xa6: {  	s4 =	sshll.u32 s26, $0x1;
	_ =	strace $0x80000055;
	[dreg:$0x1] =	wrdreg $0xFFFFFFFF  }
0xa7: {  	s28 =	simm.s32 $_size_execute0_lowered;
	s2 =	sadd.s32 s2, s4;
	[dreg:$0x0] =	wrdreg $0x0  }
0xa8: {  	s4 =	sshll.u32 s28, $0x1;
	[dreg:$0x2] =	wrdreg s2  }
0xa9: {  	[dreg:$0x3] =	wrdreg s4  }
0xaa: {  	[dreg:$0x4] =	wrdreg $0xC0  }
0xab: {  	_ =	task [dreg:s6], $0x5FFFF  }
0xac: {  	[dreg:$0x1] =	wrdreg $0xFFFFFFFF  }
0xad: {  	[dreg:$0x0] =	wrdreg $0x60  }
0xae: {  	[dreg:$0x2] =	wrdreg s24  }
0xaf: {  	[dreg:$0x3] =	wrdreg $0x9  }
0xb0: {  	_ =	task.clear_ibuf [dreg:s6], $0x4FFFF;
	_ =	strace $0x90000055  }
0xb1: {  	s29 =	simm.s32 $0x9;
	_ =	strace $0x80000057  }
0xb2: {  	_ =	swait.ge [sflag:s29], $0x1  }
0xb3: {  	[sflag:s29] =	ssyncadd.s32 $0xFFFFFFFF  }
0xb4: {  	_ =	strace $0x90000057  }
0xb5: {  	_ =	sfence  }
0xb6: {  	s30 =	sld [smem:$0x0];
	_ =	sdelay $0x2  }
0xb7: {  	s31 =	sshll.u32 s1, $0xD;
	s1 =	sshrl.u32 s1, $0x2  }
0xb8: {  	s3 =	sand.u32 $0x4000, s31;
	s1 =	sadd.s32 s1, s30  }
0xb9: {  	s0 =	sor.u32 s3, s0;
	s1 =	sshll.u32 s1, $0x11  }
0xba: {  	s0 =	sor.u32 s1, s0  }
0xbb: {  	s0 =	sadd.s32 $0x8F2B, s0  }
0xbc: {  	[sflag:s0] =	ssyncadd.remote.s32 $0x1  }
0xbd: {  	_ =	sfence.sel $0xFFFF  }
0xbe: {  	[dreg:$0x0] =	wrdreg $0xFFFFFFFF;
	(pc) =	sbr.abs _section_cstart, $3  }
0xbf: {  	[dreg:$0x1] =	wrdreg $0xFFFFFFFF  }
0xc0: {  	_ =	task.clear_ibuf [dreg:s6], $0x2FFFF;
	_ =	strace $0x9FFFFFFF  }
0xc1: {  	(tm) =	ssettm $0x7FFFFFFF  }
tec
execute0_lowered:
.L_overlay_start_1:
0x0: {  	(tag) =	ssettag $0x1  }
0x1: {  	s0 =	srdreg.scid  }
0x2: {  	s14 =	stileid.u32;
	s1 =	rddreg [dreg:$0x0];
	s2 =	simm.s32 $0x0  }
0x3: {  	s17 =	simm.s32 $0x1400;
	s18 =	simm.s32 $0x28;
	s19 =	simm.s32 $0x2800  }
0x4: {  	s20 =	simm.s32 $0x5000;
	s21 =	simm.s32 $0x3C00;
	s23 =	simm.s32 $0x6400  }
0x5: {  	s24 =	simm.s32 $0x1;
	s25 =	simm.s32 $0x3;
	s26 =	simm.s32 $0x2  }
0x6: {  	s28 =	simm.s32 $0x4;
	s29 =	simm.s32 $0x0;
	s0 =	sand.u32 $0x1, s0  }
0x7: {  	s3 =	sshll.u32 s14, $0x1;
	[smem:$0x7FF] =	sst s2;
	s4 =	sadd.s32 $0x616800, s1  }
0x8: {  	s13 =	sadd.s32 $0x6F800, s1;
	s14 =	smul.u32 $0x27100, s14;
	s5 =	sor.u32 s0, s3  }
0x9: {  	_ =	strace $0x80000056;
	s7 =	ssub.s32 $0x2, s0;
	s0 =	smul.u32 $0x13880, s0  }
0xa: {  	s3 =	sadd.s32 $0x1C400, s1;
	s6 =	smul.u32 $0x1388, s5;
	s8 =	sshrl.u32 s7, $0x1  }
0xb: {  	s12 =	smul.u32 $0x13880, s5;
	s16 =	sadd.s32 s14, s13;
	s7 =	ssub.s32 s7, s8  }
0xc: {  	s31 =	sadd.s32 s0, s16;
	s16 =	simm.s32 $0x5;
	s6 =	sshrl.u32 s6, $0x3  }
0xd: {  	s9 =	sadd.s32 $0x13600, s12;
	s7 =	smax.u32 s7, $0x1;
	s11 =	sadd.s32 $0x13100, s12  }
0xe: {  	s15 =	sadd.s32 $0x13380, s12;
	s6 =	sadd.s32 s6, s1;
	s1 =	sadd.s32 $0x2E0800, s1  }
0xf: {  	s8 =	sadd.s32 s13, s9;
	s10 =	sadd.s32 s13, s11;
	s12 =	sadd.s32 s13, s15  }
0x10: {  	s5 =	sadd.s32 $0xFC00, s6;
	s6 =	sadd.s32 $0x14C00, s6;
	s14 =	sadd.s32 s14, s1  }
0x11: {  	s9 =	sadd.s32 s1, s9;
	s11 =	sadd.s32 s1, s11;
	s0 =	sadd.s32 s0, s14  }
0x12: {  	s13 =	sadd.s32 s1, s15;
	s14 =	sadd.s32 $0x280, s31;
	s15 =	sadd.s32 $0x280, s0  }
.LBB2_1:
0x13: {  	[tilespmem:s2], [sflag:$0x5] =	stream.linear.gather [hbm4b:s5+s2], $0x1388, $0x38;
	[tilespmem:$0x7800] =	vst v63  }
0x14: {  	_ =	swait.ge [sflag:s16], $0x1388  }
0x15: {  	[sflag:s16] =	ssyncset.done $0x0  }
0x16: {  	[sflag:s16] =	ssyncadd.s32 $0xFFFFEC78  }
0x17: {  	[tilespmem:s17], [sflag:$0x5] =	stream.linear.gather [hbm4b:s6+s2], $0x1388, $0x38;
	[tilespmem:$0x7800] =	vst v63  }
0x18: {  	_ =	swait.ge [sflag:s16], $0x1388  }
0x19: {  	[sflag:s16] =	ssyncset.done $0x0  }
0x1a: {  	[sflag:s16] =	ssyncadd.s32 $0xFFFFEC78  }
0x1b: {  	[tilespmem:s19], [sflag:$0x1] =	stream.indirect.gather [hbm4b:s3+s18], $0x80, s2, s18, $0xb8;
	[tilespmem:$0x7800] =	vst v63  }
0x1c: {  	_ = 	snop  }
0x1d: {  	[tilespmem:s20], [sflag:$0x3] =	stream.indirect.gather [hbm4b:s4+s18], $0x80, s17, s18, $0xb8;
	[tilespmem:$0x7800] =	vst v63  }
0x1e: {  	_ = 	snop  }
0x1f: {  	[tilespmem:s21], [sflag:$0x2] =	stream.indirect.gather [hbm4b:s3+s18], $0x80, s18, s18, $0xb8;
	[tilespmem:$0x7800] =	vst v63  }
0x20: {  	s0 =	simm.s32 $0x1428  }
0x21: {  	[tilespmem:s23], [sflag:$0x4] =	stream.indirect.gather [hbm4b:s4+s18], $0x80, s0, s18, $0xb8;
	[tilespmem:$0x7800] =	vst v63  }
0x22: {  	_ =	swait.ge [sflag:s24], $0x1400  }
0x23: {  	[sflag:s24] =	ssyncset.done $0x0  }
0x24: {  	[sflag:s24] =	ssyncadd.s32 $0xFFFFEC00  }
0x25: {  	_ =	swait.ge [sflag:s25], $0x1400  }
0x26: {  	[sflag:s25] =	ssyncset.done $0x0  }
0x27: {  	s22 =	sadd.s32 $0xFFFFFD80, s14;
	[sflag:s25] =	ssyncadd.s32 $0xFFFFEC00  }
0x28: {  	[hbm4b:s22+s2] =	stream.linear.scatter [tilespmem:s19], [sflag:$0x5], $0x1400, $0x38;
	[tilespmem:$0x7800] =	vst v63  }
0x29: {  	_ =	swait.ge [sflag:s16], $0x1400  }
0x2a: {  	[sflag:s16] =	ssyncset.done $0x0  }
0x2b: {  	s1 =	sadd.s32 $0xFFFFFD80, s15;
	[sflag:s16] =	ssyncadd.s32 $0xFFFFEC00  }
0x2c: {  	[hbm4b:s1+s2] =	stream.linear.scatter [tilespmem:s20], [sflag:$0x5], $0x1400, $0x38;
	[tilespmem:$0x7800] =	vst v63  }
0x2d: {  	_ =	swait.ge [sflag:s16], $0x1400  }
0x2e: {  	[sflag:s16] =	ssyncset.done $0x0  }
0x2f: {  	s22 =	simm.s32 $0x50;
	[sflag:s16] =	ssyncadd.s32 $0xFFFFEC00  }
0x30: {  	[tilespmem:s19], [sflag:$0x1] =	stream.indirect.gather [hbm4b:s3+s18], $0x80, s22, s18, $0xb8;
	[tilespmem:$0x7800] =	vst v63  }
0x31: {  	s1 =	simm.s32 $0x1450  }
0x32: {  	[tilespmem:s20], [sflag:$0x3] =	stream.indirect.gather [hbm4b:s4+s18], $0x80, s1, s18, $0xb8;
	[tilespmem:$0x7800] =	vst v63  }
0x33: {  	_ =	swait.ge [sflag:s26], $0x1400  }
0x34: {  	[sflag:s26] =	ssyncset.done $0x0  }
0x35: {  	[sflag:s26] =	ssyncadd.s32 $0xFFFFEC00  }
0x36: {  	_ =	swait.ge [sflag:s28], $0x1400  }
0x37: {  	[sflag:s28] =	ssyncset.done $0x0  }
0x38: {  	[sflag:s28] =	ssyncadd.s32 $0xFFFFEC00  }
0x39: {  	[hbm4b:s14+s2] =	stream.linear.scatter [tilespmem:s21], [sflag:$0x5], $0x1400, $0x38;
	[tilespmem:$0x7800] =	vst v63  }
0x3a: {  	_ =	swait.ge [sflag:s16], $0x1400  }
0x3b: {  	[sflag:s16] =	ssyncset.done $0x0  }
0x3c: {  	[sflag:s16] =	ssyncadd.s32 $0xFFFFEC00  }
0x3d: {  	[hbm4b:s15+s2] =	stream.linear.scatter [tilespmem:s23], [sflag:$0x5], $0x1400, $0x38;
	[tilespmem:$0x7800] =	vst v63  }
0x3e: {  	s30 =	simm.s32 $0x140;
	_ =	swait.ge [sflag:s16], $0x1400  }
0x3f: {  	s31 =	sadd.s32 $0x500, s14;
	s0 =	simm.s32 $0x1478;
	[sflag:s16] =	ssyncset.done $0x0  }
0x40: {  	s22 =	simm.s32 $0x78;
	s1 =	sadd.s32 $0x500, s15;
	[sflag:s16] =	ssyncadd.s32 $0xFFFFEC00  }
0x41: {  	[tilespmem:s21], [sflag:$0x2] =	stream.indirect.gather [hbm4b:s3+s18], $0x80, s22, s18, $0xb8;
	[tilespmem:$0x7800] =	vst v63  }
.LBB2_2:
0x42: {  	[tilespmem:s23], [sflag:$0x4] =	stream.indirect.gather [hbm4b:s4+s18], $0x80, s0, s18, $0xb8;
	[tilespmem:$0x7800] =	vst v63  }
0x43: {  	s0 =	smov.u32 s30;
	s30 =	sadd.s32 $0x140, s30;
	_ =	swait.ge [sflag:s24], $0x1400  }
0x44: {  	p0 =	sne.s32 s30, $0x4C40;
	[sflag:s24] =	ssyncset.done $0x0  }
0x45: {  	[sflag:s24] =	ssyncadd.s32 $0xFFFFEC00  }
0x46: {  	_ =	swait.ge [sflag:s25], $0x1400  }
0x47: {  	[sflag:s25] =	ssyncset.done $0x0  }
0x48: {  	s22 =	sadd.s32 $0xFFFFFD80, s31;
	[sflag:s25] =	ssyncadd.s32 $0xFFFFEC00  }
0x49: {  	[hbm4b:s22+s2] =	stream.linear.scatter [tilespmem:s19], [sflag:$0x5], $0x1400, $0x38;
	[tilespmem:$0x7800] =	vst v63  }
0x4a: {  	_ =	swait.ge [sflag:s16], $0x1400  }
0x4b: {  	[sflag:s16] =	ssyncset.done $0x0  }
0x4c: {  	s22 =	sadd.s32 $0xFFFFFD80, s1;
	[sflag:s16] =	ssyncadd.s32 $0xFFFFEC00  }
0x4d: {  	[hbm4b:s22+s2] =	stream.linear.scatter [tilespmem:s20], [sflag:$0x5], $0x1400, $0x38;
	[tilespmem:$0x7800] =	vst v63  }
0x4e: {  	_ =	swait.ge [sflag:s16], $0x1400  }
0x4f: {  	s0 =	sshra.s32 s0, $0x2;
	[sflag:s16] =	ssyncset.done $0x0  }
0x50: {  	s22 =	sadd.s32 $0x50, s0;
	[sflag:s16] =	ssyncadd.s32 $0xFFFFEC00  }
0x51: {  	[tilespmem:s19], [sflag:$0x1] =	stream.indirect.gather [hbm4b:s3+s18], $0x80, s22, s18, $0xb8;
	[tilespmem:$0x7800] =	vst v63  }
0x52: {  	s22 =	sadd.s32 $0x1450, s0  }
0x53: {  	[tilespmem:s20], [sflag:$0x3] =	stream.indirect.gather [hbm4b:s4+s18], $0x80, s22, s18, $0xb8;
	[tilespmem:$0x7800] =	vst v63  }
0x54: {  	_ =	swait.ge [sflag:s26], $0x1400  }
0x55: {  	[sflag:s26] =	ssyncset.done $0x0  }
0x56: {  	[sflag:s26] =	ssyncadd.s32 $0xFFFFEC00  }
0x57: {  	_ =	swait.ge [sflag:s28], $0x1400  }
0x58: {  	[sflag:s28] =	ssyncset.done $0x0  }
0x59: {  	[sflag:s28] =	ssyncadd.s32 $0xFFFFEC00  }
0x5a: {  	[hbm4b:s31+s2] =	stream.linear.scatter [tilespmem:s21], [sflag:$0x5], $0x1400, $0x38;
	[tilespmem:$0x7800] =	vst v63  }
0x5b: {  	_ =	swait.ge [sflag:s16], $0x1400  }
0x5c: {  	[sflag:s16] =	ssyncset.done $0x0  }
0x5d: {  	[sflag:s16] =	ssyncadd.s32 $0xFFFFEC00  }
0x5e: {  	[hbm4b:s1+s2] =	stream.linear.scatter [tilespmem:s23], [sflag:$0x5], $0x1400, $0x38;
	[tilespmem:$0x7800] =	vst v63  }
.Ltmp0:
0x5f: {  	_ =	swait.ge [sflag:s16], $0x1400;
	(pc) =	sbr.rel @p0 .LBB2_2-.Ltmp0, $4  }
0x60: {  	[sflag:s16] =	ssyncset.done $0x0  }
0x61: {  	s22 =	sadd.s32 $0x78, s0;
	[sflag:s16] =	ssyncadd.s32 $0xFFFFEC00  }
0x62: {  	[tilespmem:s21], [sflag:$0x2] =	stream.indirect.gather [hbm4b:s3+s18], $0x80, s22, s18, $0xb8;
	[tilespmem:$0x7800] =	vst v63  }
0x63: {  	s0 =	sadd.s32 $0x1478, s0;
	s31 =	sadd.s32 $0x500, s31;
	s1 =	sadd.s32 $0x500, s1  }
0x64: {  	[tilespmem:s23], [sflag:$0x4] =	stream.indirect.gather [hbm4b:s4+s18], $0x80, s0, s18, $0xb8;
	[tilespmem:$0x7800] =	vst v63  }
0x65: {  	_ =	swait.ge [sflag:s24], $0x1400  }
0x66: {  	[sflag:s24] =	ssyncset.done $0x0  }
0x67: {  	[sflag:s24] =	ssyncadd.s32 $0xFFFFEC00  }
0x68: {  	_ =	swait.ge [sflag:s25], $0x1400  }
0x69: {  	[sflag:s25] =	ssyncset.done $0x0  }
0x6a: {  	[sflag:s25] =	ssyncadd.s32 $0xFFFFEC00  }
0x6b: {  	[hbm4b:s10+s2] =	stream.linear.scatter [tilespmem:s19], [sflag:$0x5], $0x1400, $0x38;
	[tilespmem:$0x7800] =	vst v63  }
0x6c: {  	_ =	swait.ge [sflag:s16], $0x1400  }
0x6d: {  	[sflag:s16] =	ssyncset.done $0x0  }
0x6e: {  	[sflag:s16] =	ssyncadd.s32 $0xFFFFEC00  }
0x6f: {  	[hbm4b:s11+s2] =	stream.linear.scatter [tilespmem:s20], [sflag:$0x5], $0x1400, $0x38;
	[tilespmem:$0x7800] =	vst v63  }
0x70: {  	_ =	swait.ge [sflag:s16], $0x1400  }
0x71: {  	s31 =	sshra.s32 s30, $0x2;
	[sflag:s16] =	ssyncset.done $0x0  }
0x72: {  	s1 =	sadd.s32 $0x50, s31;
	[sflag:s16] =	ssyncadd.s32 $0xFFFFEC00  }
0x73: {  	[tilespmem:s19], [sflag:$0x1] =	stream.indirect.gather [hbm4b:s3+s18], $0x80, s1, s18, $0xb8;
	[tilespmem:$0x7800] =	vst v63  }
0x74: {  	s0 =	sadd.s32 $0x1450, s31  }
0x75: {  	[tilespmem:s20], [sflag:$0x3] =	stream.indirect.gather [hbm4b:s4+s18], $0x80, s0, s18, $0xb8;
	[tilespmem:$0x7800] =	vst v63  }
0x76: {  	_ =	swait.ge [sflag:s26], $0x1400  }
0x77: {  	[sflag:s26] =	ssyncset.done $0x0  }
0x78: {  	[sflag:s26] =	ssyncadd.s32 $0xFFFFEC00  }
0x79: {  	_ =	swait.ge [sflag:s28], $0x1400  }
0x7a: {  	[sflag:s28] =	ssyncset.done $0x0  }
0x7b: {  	[sflag:s28] =	ssyncadd.s32 $0xFFFFEC00  }
0x7c: {  	[hbm4b:s12+s2] =	stream.linear.scatter [tilespmem:s21], [sflag:$0x5], $0x1400, $0x38;
	[tilespmem:$0x7800] =	vst v63  }
0x7d: {  	_ =	swait.ge [sflag:s16], $0x1400  }
0x7e: {  	[sflag:s16] =	ssyncset.done $0x0  }
0x7f: {  	[sflag:s16] =	ssyncadd.s32 $0xFFFFEC00  }
0x80: {  	[hbm4b:s13+s2] =	stream.linear.scatter [tilespmem:s23], [sflag:$0x5], $0x1400, $0x38;
	[tilespmem:$0x7800] =	vst v63  }
0x81: {  	_ =	swait.ge [sflag:s16], $0x1400  }
0x82: {  	[sflag:s16] =	ssyncset.done $0x0  }
0x83: {  	[sflag:s16] =	ssyncadd.s32 $0xFFFFEC00  }
0x84: {  	_ =	swait.ge [sflag:s24], $0x1400  }
0x85: {  	[sflag:s24] =	ssyncset.done $0x0  }
0x86: {  	[sflag:s24] =	ssyncadd.s32 $0xFFFFEC00  }
0x87: {  	_ =	swait.ge [sflag:s25], $0x1400  }
0x88: {  	[sflag:s25] =	ssyncset.done $0x0  }
0x89: {  	[sflag:s25] =	ssyncadd.s32 $0xFFFFEC00  }
0x8a: {  	[hbm4b:s8+s2] =	stream.linear.scatter [tilespmem:s19], [sflag:$0x5], $0x1400, $0x38;
	[tilespmem:$0x7800] =	vst v63  }
0x8b: {  	s29 =	sadd.s32 $0x1, s29;
	_ =	swait.ge [sflag:s16], $0x1400  }
0x8c: {  	p0 =	sne.s32 s29, s7;
	[sflag:s16] =	ssyncset.done $0x0  }
.Ltmp1:
0x8d: {  	[sflag:s16] =	ssyncadd.s32 $0xFFFFEC00;
	(pc) =	sbr.rel @p0 .LBB2_1-.Ltmp1, $4  }
0x8e: {  	[hbm4b:s9+s2] =	stream.linear.scatter [tilespmem:s20], [sflag:$0x5], $0x1400, $0x38;
	[tilespmem:$0x7800] =	vst v63  }
0x8f: {  	_ =	swait.ge [sflag:s16], $0x1400  }
0x90: {  	[sflag:s16] =	ssyncset.done $0x0  }
0x91: {  	[sflag:s16] =	ssyncadd.s32 $0xFFFFEC00  }
0x92: {  	_ =	sfence.sel $0x180000  }
0x93: {  	[bflag:$0x0] =	sbarrier.arrive $0xFFFF  }
0x94: {  	_ =	strace $0x90000056  }
0x95: {  	s0 =	stileid.u32;
	[bflag:$0x2] =	sbarrier.arrive $0xFFFF  }
0x96: {  	p0 =	sne.s32 s0, $0x0;
	s0 =	rddreg [dreg:$0x1]  }
0x97: {  	s0 =	sadd.s32 @!p0 $0x100000, s0  }
0x98: {  	[sflag:s0] =	ssyncadd.tile.s32 @!p0 $0x1;
	_ =	shalt  }
.Lfunc_end2:
_tile_overlayer_lowered:
.L_overlay_start_2:
0x99: {  	(tag) =	ssettag $0x2  }
0x9a: {  	s0 =	rddreg [dreg:$0x0];
	s2 =	stileid.u32  }
0x9b: {  	s1 =	rddreg [dreg:$0x1];
	p0 =	sne.s32 s2, $0x0  }
0x9c: {  	s3 =	rddreg [dreg:$0x2];
	[bflag:$0x3] =	sbarrier.arrive $0xFFFF;
	s2 =	simm.s32 @!p0 $0x1C05  }
0x9d: {  	[timem:s3], [sflag:s2] =	dma.local @!p0 [hbm:s0], s1  }
0x9e: {  	s0 =	simm.s32 @!p0 $0x5  }
0x9f: {  	_ =	swait.ge @!p0 [sflag:s0], s1  }
0xa0: {  	s1 =	ssub.s32 @!p0 $0x0, s1;
	[sflag:s0] =	ssyncset.done @!p0 $0x0  }
0xa1: {  	[sflag:s0] =	ssyncadd.s32 @!p0 s1  }
0xa2: {  	[bflag:$0x3] =	sbarrier.arrive $0xFFFF  }
0xa3: {  	_ =	shalt  }

// kernel: kernel.35.cloned.1.call-start
scs
__scs_entry_jumppad:
0x0: {  	(pc) =	sbr.rel $0x88, $3  }
0x1: {  	(tag) =	ssettag $0x0;
	lr =	simm.s32 $0x1  }
0x2: {  	[smem:$0x3F7E] =	sst lr;
	_ =	strace $0xD0000000  }
0x3: {  	_ = 	snop  }
0x4: {  	_ = 	snop  }
0x5: {  	_ = 	snop  }
0x6: {  	_ = 	snop  }
0x7: {  	_ = 	snop  }
__scs_overlays_trampoline_lowered:
0x8: {  	[smem:$0x3F8D] =	sst s0  }
0x9: {  	[smem:$0x3F8E] =	sst s1  }
0xa: {  	[smem:$0x3F8F] =	sst s2  }
0xb: {  	[smem:$0x3F90] =	sst s3  }
0xc: {  	[smem:$0x3F91] =	sst s4  }
0xd: {  	[smem:$0x3F92] =	sst s5  }
0xe: {  	[smem:$0x3F93] =	sst s6  }
0xf: {  	[smem:$0x3F94] =	sst s7  }
0x10: {  	[smem:$0x3F95] =	sst s8  }
0x11: {  	[smem:$0x3F96] =	sst s9;
	s0 =	simm.s32 @!p0 $0x0  }
0x12: {  	s1 =	sld [smem:$0x3F7C];
	s0 =	simm.s32 @p0 $0x1  }
0x13: {  	[smem:$0x3F97] =	sst s0;
	s0 =	simm.s32 @!p1 $0x0  }
0x14: {  	s2 =	sld [smem:$0x3F7B];
	s0 =	simm.s32 @p1 $0x1  }
0x15: {  	[smem:$0x3F98] =	sst s0;
	s0 =	simm.s32 @!p2 $0x0  }
0x16: {  	s3 =	sld [smem:$0x3FDB];
	s0 =	simm.s32 @p2 $0x1  }
0x17: {  	s4 =	simm.s32 $0x1BF5;
	[smem:$0x3F9A] =	sst s0  }
0x18: {  	s0 =	sld [smem:$0x3F7D];
	_ =	swait.ge [sflag:s4], $0x0  }
0x19: {  	s7 =	sld [smem:$0x3F7E]  }
0x1a: {  	s8 =	sadd.s32 $0xFFFFE003, lr  }
0x1b: {  	s9 =	sadd.s32 $0xFFFFFEF7, lr;
	s5 =	simm.s32 $0xFFFFFFFF;
	p2 =	slt.u32 s8, $0xFFFFF086  }
0x1c: {  	p1 =	slt.u32 s9, $0xF7A;
	s5 =	simm.s32 @!p2 $0x0  }
0x1d: {  	s5 =	simm.s32 @p1 $0x1;
	p0 =	seq.s32 s7, s2  }
0x1e: {  	s7 =	smul.u32 @!p0 $0xF7A, s2;
	p2 =	seq.s32 @!p0 s5, $0x0  }
0x1f: {  	s9 =	smul.u32 $0xF7A, s1;
	s8 =	simm.s32 @!p0 $0x1BF5;
	p2 =	por !p2, p0  }
0x20: {  	[sflag:s8] =	ssyncset.s32 @!p0 $0xFFFFF086;
	s6 =	sadd.s32 @!p0 s3, s7;
	s7 =	simm.s32 @!p0 $0x108  }
0x21: {  	s3 =	sadd.s32 s3, s9;
	s6 =	sadd.s32 @!p0 $0x88, s6;
	s7 =	simm.s32 @p2 $0x1082  }
0x22: {  	[simem:s7], [sflag:s8] =	dma.local @!p0 [hbm:s6], $0xF7A  }
0x23: {  	s9 =	sor.u32 $0xD0000000, s2;
	s6 =	simm.s32 $0x108;
	_ =	swait.ge @!p0 [sflag:s8], $0x0  }
0x24: {  	s3 =	sadd.s32 $0x88, s3;
	s6 =	simm.s32 @!p1 $0x1082;
	[sflag:s4] =	ssyncset.s32 $0xFFFFF086  }
0x25: {  	[simem:s6], [sflag:s4] =	dma.local [hbm:s3], $0xF7A  }
0x26: {  	[smem:$0x3F7E] =	sst s1;
	(tag) =	ssettag s2;
	_ =	strace s9  }
0x27: {  	s1 =	sld [smem:$0x3F8E]  }
0x28: {  	s2 =	sld [smem:$0x3F8F]  }
0x29: {  	s4 =	sld [smem:$0x3F91]  }
0x2a: {  	p0 =	seq.s32 s5, $0x0;
	s5 =	sld [smem:$0x3F92]  }
0x2b: {  	s6 =	sld [smem:$0x3F93]  }
0x2c: {  	s7 =	sld [smem:$0x3F94]  }
0x2d: {  	s3 =	simm.s32 $0x108;
	s8 =	sld [smem:$0x3F95]  }
0x2e: {  	s3 =	simm.s32 @!p0 $0x1082;
	s9 =	sld [smem:$0x3F96]  }
0x2f: {  	lr =	sadd.s32 s0, s3;
	s0 =	sld [smem:$0x3F8D]  }
0x30: {  	s3 =	sld [smem:$0x3F90]  }
0x31: {  	[smem:$0x3F99] =	sst s10  }
0x32: {  	s10 =	sld [smem:$0x3F97];
	_ =	sdelay $0x3  }
0x33: {  	p0 =	seq.s32 s10, $0x1;
	s10 =	sld [smem:$0x3F99];
	_ =	sdelay $0x3  }
0x34: {  	[smem:$0x3F99] =	sst s10  }
0x35: {  	s10 =	sld [smem:$0x3F98];
	_ =	sdelay $0x3  }
0x36: {  	p1 =	seq.s32 s10, $0x1;
	s10 =	sld [smem:$0x3F99];
	_ =	sdelay $0x3  }
0x37: {  	[smem:$0x3F99] =	sst s10  }
0x38: {  	s10 =	sld [smem:$0x3F9A]  }
0x39: {  	_ = 	snop;
	(pc) =	sbr.ind lr, $3  }
0x3a: {  	_ = 	snop  }
0x3b: {  	_ = 	snop  }
0x3c: {  	p2 =	seq.s32 s10, $0x1;
	s10 =	sld [smem:$0x3F99]  }
0x3d: {  	_ =	shalt  }
0x3e: {  	_ =	shalt  }
0x3f: {  	_ =	shalt  }
0x40: {  	_ =	shalt  }
0x41: {  	_ =	shalt  }
0x42: {  	_ =	shalt  }
0x43: {  	_ =	shalt  }
0x44: {  	_ =	shalt  }
0x45: {  	_ =	shalt  }
0x46: {  	_ =	shalt  }
0x47: {  	_ =	shalt  }
0x48: {  	_ =	shalt  }
0x49: {  	_ =	shalt  }
0x4a: {  	_ =	shalt  }
0x4b: {  	_ =	shalt  }
0x4c: {  	_ =	shalt  }
0x4d: {  	_ =	shalt  }
0x4e: {  	_ =	shalt  }
0x4f: {  	_ =	shalt  }
0x50: {  	_ =	shalt  }
0x51: {  	_ =	shalt  }
0x52: {  	_ =	shalt  }
0x53: {  	_ =	shalt  }
0x54: {  	_ =	shalt  }
0x55: {  	_ =	shalt  }
0x56: {  	_ =	shalt  }
0x57: {  	_ =	shalt  }
0x58: {  	_ =	shalt  }
0x59: {  	_ =	shalt  }
0x5a: {  	_ =	shalt  }
0x5b: {  	_ =	shalt  }
0x5c: {  	_ =	shalt  }
0x5d: {  	_ =	shalt  }
0x5e: {  	_ =	shalt  }
0x5f: {  	_ =	shalt  }
0x60: {  	_ =	shalt  }
0x61: {  	_ =	shalt  }
0x62: {  	_ =	shalt  }
0x63: {  	_ =	shalt  }
0x64: {  	_ =	shalt  }
0x65: {  	_ =	shalt  }
0x66: {  	_ =	shalt  }
0x67: {  	_ =	shalt  }
0x68: {  	_ =	shalt  }
0x69: {  	_ =	shalt  }
0x6a: {  	_ =	shalt  }
0x6b: {  	_ =	shalt  }
0x6c: {  	_ =	shalt  }
0x6d: {  	_ =	shalt  }
0x6e: {  	_ =	shalt  }
0x6f: {  	_ =	shalt  }
0x70: {  	_ =	shalt  }
0x71: {  	_ =	shalt  }
0x72: {  	_ =	shalt  }
0x73: {  	_ =	shalt  }
0x74: {  	_ =	shalt  }
0x75: {  	_ =	shalt  }
0x76: {  	_ =	shalt  }
0x77: {  	_ =	shalt  }
0x78: {  	_ =	shalt  }
0x79: {  	_ =	shalt  }
0x7a: {  	_ =	shalt  }
0x7b: {  	_ =	shalt  }
0x7c: {  	_ =	shalt  }
0x7d: {  	_ =	shalt  }
0x7e: {  	_ =	shalt  }
0x7f: {  	_ =	shalt  }
0x80: {  	_ =	shalt  }
0x81: {  	_ =	shalt  }
0x82: {  	_ =	shalt  }
0x83: {  	_ =	shalt  }
0x84: {  	_ =	shalt  }
0x85: {  	_ =	shalt  }
0x86: {  	_ =	shalt  }
0x87: {  	_ =	shalt  }
.Lfunc_end0:
.L_simem_size_0:
called_computation.6_lowered:
.L_overlay_start_0:
0x88: {  	s2 =	sld [smem:$0x3FD9]  }
0x89: {  	s3 =	sld [smem:$0x3FFE];
	_ =	sdelay $0x1  }
0x8a: {  	s1 =	srdreg.scid  }
0x8b: {  	s0 =	sand.u32 $0x1, s1  }
0x8c: {  	s17 =	sshll.u32 s0, $0xA;
	s2 =	sadd.s32 s3, s2  }
0x8d: {  	s2 =	sadd.s32 s2, s17  }
0x8e: {  	[smem:$0x3FA5] =	sst s2  }
0x8f: {  	_ = 	snop  }
0x90: {  	s2 =	sld [smem:$0x3FD0];
	(tm) =	ssettm $0x1  }
0x91: {  	s18 =	sld [smem:$0x3FFB];
	_ =	sdelay $0x3  }
0x92: {  	_ =	strace s18  }
0x93: {  	s3 =	sld [smem:$0x3FFC];
	_ =	sdelay $0x3  }
0x94: {  	_ =	strace s3  }
0x95: {  	s3 =	sld [smem:$0x3FFD];
	_ =	sdelay $0x3  }
0x96: {  	_ =	strace s3  }
0x97: {  	_ =	strace $0x8FFFFFFF  }
0x98: {  	s19 =	sld [smem:$0x3FDB];
	_ =	sdelay $0x1  }
0x99: {  	s4 =	simm.s32 $_scs_section_size  }
0x9a: {  	s5 =	simm.s32 $_size__tile_overlayer_lowered;
	s6 =	simm.s32 $_tile_overlayer_lowered  }
0x9b: {  	s22 =	simm.s32 $0x1BFF;
	s21 =	sshll.u32 s6, $0x1;
	s3 =	sadd.s32 s4, s19  }
0x9c: {  	s7 =	simm.s32 $0x0;
	s20 =	sshll.u32 s5, $0x1;
	s5 =	sadd.s32 s21, s3  }
0x9d: {  	[timem:s7], [sflag:s22] =	dma.local [hbm:s5], s20  }
0x9e: {  	_ =	swait.ge [sflag:s22], s20  }
0x9f: {  	s4 =	ssub.s32 $0x0, s20;
	[sflag:s22] =	ssyncset.done $0x0  }
0xa0: {  	[sflag:s22] =	ssyncadd.s32 s4;
	_ =	sdelay $0x1  }
0xa1: {  	s23 =	simm.s32 $0x1B8B  }
0xa2: {  	_ =	swait.ge [sflag:s23], $0x1  }
0xa3: {  	[sflag:s23] =	ssyncset.done $0x0  }
0xa4: {  	s25 =	simm.s32 $0x1B8E;
	s24 =	sld [smem:$0x3FFE];
	[sflag:s23] =	ssyncadd.s32 $0xFFFFFFFF  }
0xa5: {  	s26 =	simm.s32 $execute0_lowered;
	[smem:$0x3FD2] =	sst s25  }
0xa6: {  	s5 =	sshll.u32 s26, $0x1;
	_ =	strace $0x80000058;
	[dreg:$0x1] =	wrdreg $0xFFFFFFFF  }
0xa7: {  	s28 =	simm.s32 $_size_execute0_lowered;
	s3 =	sadd.s32 s3, s5;
	[dreg:$0x0] =	wrdreg $0x0  }
0xa8: {  	s5 =	sshll.u32 s28, $0x1;
	[dreg:$0x2] =	wrdreg s3  }
0xa9: {  	[dreg:$0x3] =	wrdreg s5  }
0xaa: {  	[dreg:$0x4] =	wrdreg $0xC0  }
0xab: {  	_ =	task [dreg:s7], $0x5FFFF  }
0xac: {  	[dreg:$0x1] =	wrdreg $0xFFFFFFFF  }
0xad: {  	[dreg:$0x0] =	wrdreg $0x60  }
0xae: {  	[dreg:$0x2] =	wrdreg s24  }
0xaf: {  	[dreg:$0x3] =	wrdreg s2  }
0xb0: {  	[dreg:$0x4] =	wrdreg $0x68000  }
0xb1: {  	[dreg:$0x5] =	wrdreg $0x9  }
0xb2: {  	_ =	task.clear_ibuf [dreg:s7], $0x6FFFF;
	_ =	strace $0x90000058  }
0xb3: {  	s29 =	simm.s32 $0x9;
	_ =	strace $0x8000005A  }
0xb4: {  	_ =	swait.ge [sflag:s29], $0x1  }
0xb5: {  	[sflag:s29] =	ssyncadd.s32 $0xFFFFFFFF  }
0xb6: {  	_ =	strace $0x9000005A  }
0xb7: {  	_ =	sfence  }
0xb8: {  	s30 =	sld [smem:$0x0];
	_ =	sdelay $0x2  }
0xb9: {  	s31 =	sshll.u32 s1, $0xD;
	s1 =	sshrl.u32 s1, $0x2  }
0xba: {  	s3 =	sand.u32 $0x4000, s31;
	s1 =	sadd.s32 s1, s30  }
0xbb: {  	s0 =	sor.u32 s3, s0;
	s1 =	sshll.u32 s1, $0x11  }
0xbc: {  	s0 =	sor.u32 s1, s0  }
0xbd: {  	s0 =	sadd.s32 $0x8F2B, s0  }
0xbe: {  	[sflag:s0] =	ssyncadd.remote.s32 $0x1  }
0xbf: {  	_ =	sfence.sel $0xFFFF  }
0xc0: {  	[dreg:$0x0] =	wrdreg $0xFFFFFFFF;
	(pc) =	sbr.abs _section_cstart, $3  }
0xc1: {  	[dreg:$0x1] =	wrdreg $0xFFFFFFFF  }
0xc2: {  	_ =	task.clear_ibuf [dreg:s7], $0x2FFFF;
	_ =	strace $0x9FFFFFFF  }
0xc3: {  	(tm) =	ssettm $0x7FFFFFFF  }
tec
execute0_lowered:
.L_overlay_start_1:
0x0: {  	(tag) =	ssettag $0x1  }
0x1: {  	s5 =	rddreg [dreg:$0x0]  }
0x2: {  	s6 =	rddreg [dreg:$0x1]  }
0x3: {  	s1 =	rddreg [dreg:$0x2]  }
0x4: {  	s0 =	rddreg [dreg:$0x3];
	s3 =	simm.s32 $0x0;
	s2 =	srdreg.scid  }
0x5: {  	s16 =	simm.s32 $0x5400;
	s17 =	simm.s32 $0x1;
	s7 =	sand.u32 $0x1, s2  }
0x6: {  	s18 =	simm.s32 $0x28;
	s2 =	stileid.u32;
	s8 =	smul.u32 $0x140000, s7  }
0x7: {  	s19 =	simm.s32 $0x2;
	s20 =	simm.s32 $0x3D00;
	s9 =	smul.u32 $0x14000, s2  }
0x8: {  	[smem:$0x7FF] =	sst s3;
	s10 =	sadd.s32 $0xAF8800, s5;
	s11 =	smul.u32 $0x13880, s7  }
0x9: {  	s4 =	sadd.s32 $0x19C00, s5;
	_ =	strace $0x80000059;
	s12 =	smul.u32 $0x50000, s2  }
0xa: {  	s21 =	ssub.s32 $0x2, s7;
	s14 =	smul.u32 $0x1388, s2;
	s25 =	sshll.u32 s2, $0x6  }
0xb: {  	s26 =	sshll.u32 s7, $0xF;
	s28 =	sshll.u32 s2, $0xB;
	s29 =	smul.u32 $0x138800, s7  }
0xc: {  	s30 =	smul.u32 $0x13880, s2;
	s13 =	sshrl.u32 s21, $0x1;
	s6 =	sadd.s32 s6, s28  }
0xd: {  	s8 =	sadd.s32 s9, s8;
	s13 =	ssub.s32 s21, s13;
	s22 =	sshrl.u32 s12, $0x2  }
0xe: {  	s23 =	sadd.s32 s14, s11;
	s6 =	sadd.s32 s26, s6;
	s31 =	sadd.s32 s29, s10  }
0xf: {  	s14 =	simm.s32 $0x3;
	s21 =	simm.s32 $0x3D80;
	s8 =	sshrl.u32 s8, $0x3  }
0x10: {  	s24 =	sadd.s32 s22, s1;
	s12 =	sadd.s32 s30, s31;
	s22 =	simm.s32 $0x3E00  }
0x11: {  	s15 =	sadd.s32 s8, s5;
	s5 =	sor.u32 $0x1C03, s25;
	s8 =	sshll.u32 s23, $0x4  }
0x12: {  	s12 =	sadd.s32 $0x780, s12;
	s23 =	simm.s32 $0x0;
	s7 =	sadd.s32 s10, s8  }
0x13: {  	s9 =	sadd.s32 $0x1C400, s15;
	s10 =	smax.u32 s13, $0x1;
	s13 =	sshrl.u32 s24, $0x3  }
0x14: {  	s15 =	simm.s32 $0x4000;
	s8 =	sadd.s32 $0x280, s7;
	s11 =	sadd.s32 $0x13600, s7  }
.LBB2_1:
0x15: {  	[spmem:s13], [sflag:s5] =	dma.local [hbm:s4], $0x2800  }
0x16: {  	_ =	swait.ge [sflag:s14], $0x2800  }
0x17: {  	[sflag:s14] =	ssyncset.done $0x0  }
0x18: {  	[sflag:s14] =	ssyncadd.s32 $0xFFFFD800  }
0x19: {  	[tilespmem:s3], [sflag:$0x3] =	stream.linear.gather [hbm4b:s6+s3], $0x3E80, $0x38;
	[tilespmem:$0x1A800] =	vst v63  }
0x1a: {  	_ =	swait.ge [sflag:s14], $0x3E80  }
0x1b: {  	[sflag:s14] =	ssyncset.done $0x0  }
0x1c: {  	[sflag:s14] =	ssyncadd.s32 $0xFFFFC180  }
0x1d: {  	[bflag:$0x0] =	sbarrier.arrive $0xFFFF  }
0x1e: {  	[tilespmem:s15], [sflag:$0x1] =	stream.linear.gather [hbm4b:s7+s3], $0x1400, $0x38;
	[tilespmem:$0x1A800] =	vst v63  }
0x1f: {  	_ = 	snop  }
0x20: {  	[tilespmem:s16], [sflag:$0x2] =	stream.linear.gather [hbm4b:s8+s3], $0x1400, $0x38;
	[tilespmem:$0x1A800] =	vst v63  }
0x21: {  	_ =	swait.ge [sflag:s17], $0x1400  }
0x22: {  	[sflag:s17] =	ssyncset.done $0x0  }
0x23: {  	s24 =	simm.s32 $0x0;
	[sflag:s17] =	ssyncadd.s32 $0xFFFFEC00  }
0x24: {  	[spmem:s1] =	stream.indirect.scatter.add.f32 [tilespmem:s15], [sflag:$0x3], $0x80, s24, s18, $0xb8;
	[tilespmem:$0x1A800] =	vst v63  }
0x25: {  	_ =	swait.ge [sflag:s14], $0x1400  }
0x26: {  	[sflag:s14] =	ssyncset.done $0x0  }
0x27: {  	s30 =	sadd.s32 $0xFFFFFD80, s12;
	[sflag:s14] =	ssyncadd.s32 $0xFFFFEC00  }
0x28: {  	[tilespmem:s15], [sflag:$0x1] =	stream.linear.gather [hbm4b:s30+s3], $0x1400, $0x38;
	[tilespmem:$0x1A800] =	vst v63  }
0x29: {  	_ =	swait.ge [sflag:s19], $0x1400  }
0x2a: {  	[sflag:s19] =	ssyncset.done $0x0  }
0x2b: {  	s31 =	simm.s32 $0x80;
	[sflag:s19] =	ssyncadd.s32 $0xFFFFEC00  }
0x2c: {  	[spmem:s1] =	stream.indirect.scatter.add.f32 [tilespmem:s16], [sflag:$0x3], $0x80, s31, s18, $0xb8;
	[tilespmem:$0x1A800] =	vst v63  }
0x2d: {  	_ =	swait.ge [sflag:s14], $0x1400  }
0x2e: {  	s25 =	sadd.s32 $0x500, s12;
	[sflag:s14] =	ssyncset.done $0x0  }
0x2f: {  	s26 =	smov.u32 s12;
	s24 =	simm.s32 $0x400;
	[sflag:s14] =	ssyncadd.s32 $0xFFFFEC00  }
.LBB2_2:
0x30: {  	[tilespmem:s16], [sflag:$0x2] =	stream.linear.gather [hbm4b:s26+s3], $0x1400, $0x38;
	[tilespmem:$0x1A800] =	vst v63  }
0x31: {  	s28 =	smov.u32 s24;
	s26 =	smov.u32 s25  }
0x32: {  	p0 =	sne.s32 s24, $0xF000;
	s24 =	sadd.s32 $0x400, s24;
	_ =	swait.ge [sflag:s17], $0x1400  }
0x33: {  	[sflag:s17] =	ssyncset.done $0x0  }
0x34: {  	s28 =	sshra.s32 s28, $0x2;
	[sflag:s17] =	ssyncadd.s32 $0xFFFFEC00  }
0x35: {  	[spmem:s1] =	stream.indirect.scatter.add.f32 [tilespmem:s15], [sflag:$0x3], $0x80, s28, s18, $0xb8;
	[tilespmem:$0x1A800] =	vst v63  }
0x36: {  	_ =	swait.ge [sflag:s14], $0x1400  }
0x37: {  	[sflag:s14] =	ssyncset.done $0x0  }
0x38: {  	s29 =	sadd.s32 $0xFFFFFD80, s25;
	[sflag:s14] =	ssyncadd.s32 $0xFFFFEC00  }
0x39: {  	[tilespmem:s15], [sflag:$0x1] =	stream.linear.gather [hbm4b:s29+s3], $0x1400, $0x38;
	[tilespmem:$0x1A800] =	vst v63  }
0x3a: {  	_ =	swait.ge [sflag:s19], $0x1400  }
0x3b: {  	[sflag:s19] =	ssyncset.done $0x0  }
.Ltmp0:
0x3c: {  	s28 =	sadd.s32 $0x80, s28;
	[sflag:s19] =	ssyncadd.s32 $0xFFFFEC00;
	(pc) =	sbr.rel @p0 .LBB2_2-.Ltmp0, $4  }
0x3d: {  	[spmem:s1] =	stream.indirect.scatter.add.f32 [tilespmem:s16], [sflag:$0x3], $0x80, s28, s18, $0xb8;
	[tilespmem:$0x1A800] =	vst v63  }
0x3e: {  	_ =	swait.ge [sflag:s14], $0x1400  }
0x3f: {  	[sflag:s14] =	ssyncset.done $0x0  }
0x40: {  	s25 =	sadd.s32 $0x500, s25;
	[sflag:s14] =	ssyncadd.s32 $0xFFFFEC00  }
0x41: {  	[tilespmem:s16], [sflag:$0x2] =	stream.linear.gather [hbm4b:s26+s3], $0x1400, $0x38;
	[tilespmem:$0x1A800] =	vst v63  }
0x42: {  	_ =	swait.ge [sflag:s17], $0x1400  }
0x43: {  	[sflag:s17] =	ssyncset.done $0x0  }
0x44: {  	[sflag:s17] =	ssyncadd.s32 $0xFFFFEC00  }
0x45: {  	[spmem:s1] =	stream.indirect.scatter.add.f32 [tilespmem:s15], [sflag:$0x3], $0x80, s20, s18, $0xb8;
	[tilespmem:$0x1A800] =	vst v63  }
0x46: {  	_ =	swait.ge [sflag:s14], $0x1400  }
0x47: {  	[sflag:s14] =	ssyncset.done $0x0  }
0x48: {  	[sflag:s14] =	ssyncadd.s32 $0xFFFFEC00  }
0x49: {  	[tilespmem:s15], [sflag:$0x1] =	stream.linear.gather [hbm4b:s11+s3], $0x1400, $0x38;
	[tilespmem:$0x1A800] =	vst v63  }
0x4a: {  	_ =	swait.ge [sflag:s19], $0x1400  }
0x4b: {  	[sflag:s19] =	ssyncset.done $0x0  }
0x4c: {  	[sflag:s19] =	ssyncadd.s32 $0xFFFFEC00  }
0x4d: {  	[spmem:s1] =	stream.indirect.scatter.add.f32 [tilespmem:s16], [sflag:$0x3], $0x80, s21, s18, $0xb8;
	[tilespmem:$0x1A800] =	vst v63  }
0x4e: {  	_ =	swait.ge [sflag:s14], $0x1400  }
0x4f: {  	[sflag:s14] =	ssyncset.done $0x0  }
0x50: {  	[sflag:s14] =	ssyncadd.s32 $0xFFFFEC00  }
0x51: {  	_ =	swait.ge [sflag:s17], $0x1400  }
0x52: {  	[sflag:s17] =	ssyncset.done $0x0  }
0x53: {  	[sflag:s17] =	ssyncadd.s32 $0xFFFFEC00  }
0x54: {  	[spmem:s1] =	stream.indirect.scatter.add.f32 [tilespmem:s15], [sflag:$0x3], $0x80, s22, s18, $0xb8;
	[tilespmem:$0x1A800] =	vst v63  }
0x55: {  	_ =	swait.ge [sflag:s14], $0x1400  }
0x56: {  	s23 =	sadd.s32 $0x1, s23;
	[sflag:s14] =	ssyncset.done $0x0  }
0x57: {  	p0 =	sne.s32 s23, s10;
	[sflag:s14] =	ssyncadd.s32 $0xFFFFEC00  }
.Ltmp1:
0x58: {  	[bflag:$0x0] =	sbarrier.arrive $0xFFFF;
	(pc) =	sbr.rel @p0 .LBB2_1-.Ltmp1, $4  }
0x59: {  	[hbm:s9], [sflag:s5] =	dma.local [spmem:s13], $0x2800  }
0x5a: {  	_ =	swait.ge [sflag:s14], $0x2800  }
0x5b: {  	[sflag:s14] =	ssyncset.done $0x0  }
0x5c: {  	[sflag:s14] =	ssyncadd.s32 $0xFFFFD800  }
0x5d: {  	_ =	sfence.sel $0x180000  }
0x5e: {  	[bflag:$0x0] =	sbarrier.arrive $0xFFFF  }
0x5f: {  	p0 =	sne.s32 s2, $0x0;
	_ =	strace $0x90000059  }
0x60: {  	s0 =	sadd.s32 @!p0 $0x100000, s0;
	[bflag:$0x2] =	sbarrier.arrive $0xFFFF  }
0x61: {  	[sflag:s0] =	ssyncadd.tile.s32 @!p0 $0x1;
	_ =	shalt  }
.Lfunc_end2:
_tile_overlayer_lowered:
.L_overlay_start_2:
0x62: {  	(tag) =	ssettag $0x2  }
0x63: {  	s0 =	rddreg [dreg:$0x0];
	s2 =	stileid.u32  }
0x64: {  	s1 =	rddreg [dreg:$0x1];
	p0 =	sne.s32 s2, $0x0  }
0x65: {  	s3 =	rddreg [dreg:$0x2];
	[bflag:$0x3] =	sbarrier.arrive $0xFFFF;
	s2 =	simm.s32 @!p0 $0x1C03  }
0x66: {  	[timem:s3], [sflag:s2] =	dma.local @!p0 [hbm:s0], s1  }
0x67: {  	s0 =	simm.s32 @!p0 $0x3  }
0x68: {  	_ =	swait.ge @!p0 [sflag:s0], s1  }
0x69: {  	s1 =	ssub.s32 @!p0 $0x0, s1;
	[sflag:s0] =	ssyncset.done @!p0 $0x0  }
0x6a: {  	[sflag:s0] =	ssyncadd.s32 @!p0 s1  }
0x6b: {  	[bflag:$0x3] =	sbarrier.arrive $0xFFFF  }
0x6c: {  	_ =	shalt  }

</sc_bundles>
